<compile_context>
chip_gen: v7x
topology: tpu7x:2x2x1
jax: 0.10.2.dev20260603
libtpu: 0.0.44.dev20260713+nightly
codegen_flags: <defaults>
</compile_context>

<pallas_src>
import functools

import jax
import jax.numpy as jnp
from jax import lax
from jax.experimental import pallas as pl
from jax.experimental.pallas import tpu as pltpu
from jax.experimental.pallas import tpu_sc as plsc

N = 10000
E = 160000
G = 128
NP = 10240
EB = 64
EP = 163840
ROWS = EP // EB
TROWS = ROWS // 16
QB = TROWS // 4
NA = 10112
ZRA = NA // 16
BN = 512
NB = NP // BN


def _sc_agg(num_chunks, with_cnt):
    mesh = plsc.VectorSubcoreMesh(core_axis_name="c", subcore_axis_name="s")
    out_type = [jax.ShapeDtypeStruct((num_chunks * NP, 128), jnp.float32)]
    if with_cnt:
        out_type.append(jax.ShapeDtypeStruct((2 * NP, 128), jnp.float32))
    passes = num_chunks // 2

    def body(table, gidx, didx, zeros_hbm, *rest):
        if with_cnt:
            ones_hbm, out_agg, out_cnt, src_v, dst_v, gbuf, acc, *sems = rest
        else:
            out_agg, src_v, dst_v, gbuf, acc, *sems = rest
        gsems = sems
        core = lax.axis_index("c")
        sub = lax.axis_index("s")

        def gather(slot, row):
            pltpu.async_copy(table.at[src_v.at[row]], gbuf.at[slot],
                             gsems[slot])

        def wait_gather(slot, row):
            pltpu.make_async_copy(table.at[src_v.at[row]], gbuf.at[slot],
                                  gsems[slot]).wait()

        pltpu.sync_copy(zeros_hbm, acc.at[pl.ds(sub * ZRA, ZRA)])
        plsc.subcore_barrier()

        for p in range(passes):
            chunk = core * passes + p

            for h in range(4):
                base = chunk * ROWS + sub * TROWS + h * QB
                pltpu.sync_copy(gidx.at[pl.ds(base, QB)], src_v)
                pltpu.sync_copy(
                    didx.at[pl.ds(sub * TROWS + h * QB, QB)], dst_v)
                for b in range(2):
                    gather(b, b)

                @pl.loop(0, QB, step=2)
                def _(j):
                    for b in range(2):
                        jj = j + b
                        wait_gather(b, jj)
                        pltpu.sync_copy(gbuf.at[b], acc.at[dst_v.at[jj]],
                                        add=True)

                        @pl.when(jj + 2 < QB)
                        def _():
                            gather(b, jj + 2)

            plsc.subcore_barrier()
            pltpu.sync_copy(acc.at[pl.ds(sub * ZRA, ZRA)],
                            out_agg.at[pl.ds(chunk * NP + sub * ZRA, ZRA)])
            if p < passes - 1 or with_cnt:
                pltpu.sync_copy(zeros_hbm, acc.at[pl.ds(sub * ZRA, ZRA)])
            plsc.subcore_barrier()

        if with_cnt:
            obuf = gbuf.at[0]
            pltpu.sync_copy(ones_hbm, obuf)

            for h in range(2):
                pltpu.sync_copy(
                    didx.at[pl.ds(core * (ROWS // 2) + sub * 2 * QB
                                  + h * QB, QB)], src_v)

                @pl.loop(0, QB, step=8)
                def _(j):
                    for b in range(8):
                        pltpu.async_copy(obuf, acc.at[src_v.at[j + b]],
                                         gsems[0], add=True)
                    for b in range(8):
                        pltpu.make_async_copy(obuf, acc.at[src_v.at[j + b]],
                                              gsems[0]).wait()

            plsc.subcore_barrier()
            pltpu.sync_copy(acc.at[pl.ds(sub * ZRA, ZRA)],
                            out_cnt.at[pl.ds(core * NP + sub * ZRA, ZRA)])

    scratch = [
        pltpu.VMEM((QB, EB), jnp.int32),
        pltpu.VMEM((QB, EB), jnp.int32),
        pltpu.VMEM((2, EB, 128), jnp.float32),
        pltpu.VMEM_SHARED((NA, 128), jnp.float32),
    ] + [pltpu.SemaphoreType.DMA] * 2

    return functools.partial(
        pl.kernel,
        out_type=out_type,
        mesh=mesh,
        scratch_types=scratch,
    )(body)


_sc_l1 = _sc_agg(2, with_cnt=True)
_sc_l2 = _sc_agg(4, with_cnt=False)


def _t1_body(x_ref, agg_ref, cnt_ref, wl_ref, wr_ref, b_ref, h_ref, cm_ref):
    cnt = jnp.maximum(cnt_ref[0] + cnt_ref[1], 1.0)
    mean = jnp.concatenate([agg_ref[0] / cnt, agg_ref[1] / cnt], axis=1)
    h = jnp.dot(mean, wl_ref[...], preferred_element_type=jnp.float32)
    h = h + jnp.dot(x_ref[...], wr_ref[...],
                    preferred_element_type=jnp.float32)
    h = jnp.maximum(h + b_ref[...], 0.0)
    rowid = (lax.broadcasted_iota(jnp.int32, (BN, 1), 0)
             + pl.program_id(0) * BN)
    h = jnp.where(rowid < N, h, 0.0)
    for c in range(4):
        h_ref[c] = h[:, c * 128:(c + 1) * 128]
    cm_ref[...] = cnt


def _t2_body(h1_ref, agg_ref, cnt_ref, bid_ref, wl_ref, wr_ref, b_ref,
             wd_ref, bd_ref, sc_ref, pool_ref, pacc, gacc):
    i = pl.program_id(0)

    @pl.when(i == 0)
    def _():
        pacc[...] = jnp.zeros_like(pacc)
        gacc[...] = jnp.zeros_like(gacc)

    cnt = cnt_ref[...]
    mean = jnp.concatenate([agg_ref[c] / cnt for c in range(4)], axis=1)
    h1 = jnp.concatenate([h1_ref[c] for c in range(4)], axis=1)
    h2 = jnp.dot(mean, wl_ref[...], preferred_element_type=jnp.float32)
    h2 = h2 + jnp.dot(h1, wr_ref[...], preferred_element_type=jnp.float32)
    h2 = jnp.maximum(h2 + b_ref[...], 0.0)
    rowid = lax.broadcasted_iota(jnp.int32, (BN, 1), 0) + i * BN
    h2 = jnp.where(rowid < N, h2, 0.0)

    bid = bid_ref[0]
    oh = (lax.broadcasted_iota(jnp.int32, (G, BN), 0) == bid
          ).astype(jnp.float32)
    pacc[...] += jnp.dot(oh, h2, preferred_element_type=jnp.float32)
    gacc[...] += jnp.dot(oh, jnp.ones((BN, 128), jnp.float32),
                         preferred_element_type=jnp.float32)

    @pl.when(i == NB - 1)
    def _():
        gc = jnp.maximum(gacc[...], 1.0)
        pooled = pacc[...] / jnp.concatenate([gc] * 4, axis=1)
        pool_ref[...] = pooled
        sc_ref[...] = (jnp.dot(pooled, wd_ref[...],
                               preferred_element_type=jnp.float32)
                       + bd_ref[...])


_t1_call = pl.pallas_call(
    _t1_body,
    grid=(NB,),
    in_specs=[
        pl.BlockSpec((BN, 256), lambda i: (i, 0)),
        pl.BlockSpec((2, BN, 128), lambda i: (0, i, 0)),
        pl.BlockSpec((2, BN, 128), lambda i: (0, i, 0)),
        pl.BlockSpec((256, 512), lambda i: (0, 0)),
        pl.BlockSpec((256, 512), lambda i: (0, 0)),
        pl.BlockSpec((1, 512), lambda i: (0, 0)),
    ],
    out_specs=[
        pl.BlockSpec((4, BN, 128), lambda i: (0, i, 0)),
        pl.BlockSpec((BN, 128), lambda i: (i, 0)),
    ],
    out_shape=[
        jax.ShapeDtypeStruct((4, NP, 128), jnp.float32),
        jax.ShapeDtypeStruct((NP, 128), jnp.float32),
    ],
)

_t2_call = pl.pallas_call(
    _t2_body,
    grid=(NB,),
    in_specs=[
        pl.BlockSpec((4, BN, 128), lambda i: (0, i, 0)),
        pl.BlockSpec((4, BN, 128), lambda i: (0, i, 0)),
        pl.BlockSpec((BN, 128), lambda i: (i, 0)),
        pl.BlockSpec((1, 1, BN), lambda i: (i, 0, 0)),
        pl.BlockSpec((512, 512), lambda i: (0, 0)),
        pl.BlockSpec((512, 512), lambda i: (0, 0)),
        pl.BlockSpec((1, 512), lambda i: (0, 0)),
        pl.BlockSpec((512, 256), lambda i: (0, 0)),
        pl.BlockSpec((1, 256), lambda i: (0, 0)),
    ],
    out_specs=[
        pl.BlockSpec((G, 256), lambda i: (0, 0)),
        pl.BlockSpec((G, 512), lambda i: (0, 0)),
    ],
    out_shape=[
        jax.ShapeDtypeStruct((G, 256), jnp.float32),
        jax.ShapeDtypeStruct((G, 512), jnp.float32),
    ],
    scratch_shapes=[
        pltpu.VMEM((G, 512), jnp.float32),
        pltpu.VMEM((G, 128), jnp.float32),
    ],
)


def kernel(x, edge_index, batch, Wl1, Wr1, b1, Wl2, Wr2, b2, Wd, bd):
    src = edge_index[0]
    dst = edge_index[1]

    x_pad = jnp.pad(x, ((0, NP - N), (0, 0)))
    xc = x_pad.reshape(NP, 2, 128).transpose(1, 0, 2).reshape(2 * NP, 128)

    src_p = jnp.pad(src, (0, EP - E))
    dst_p = jnp.pad(dst, (0, EP - E), constant_values=N)
    didx = dst_p.reshape(ROWS, EB)
    offs2 = (jnp.arange(2, dtype=jnp.int32) * NP)[:, None]
    offs4 = (jnp.arange(4, dtype=jnp.int32) * NP)[:, None]
    gidx1 = (src_p[None, :] + offs2).reshape(2 * ROWS, EB)
    gidx2 = (src_p[None, :] + offs4).reshape(4 * ROWS, EB)

    zeros_hbm = jnp.zeros((ZRA, 128), jnp.float32)
    ones_hbm = jnp.ones((EB, 128), jnp.float32)

    agg1f, cntf = _sc_l1(xc, gidx1, didx, zeros_hbm, ones_hbm)
    h1c, cntm = _t1_call(x_pad, agg1f.reshape(2, NP, 128),
                         cntf.reshape(2, NP, 128), Wl1.T, Wr1.T, b1[None, :])

    (agg2f,) = _sc_l2(h1c.reshape(4 * NP, 128), gidx2, didx, zeros_hbm)

    batch2d = jnp.pad(batch, (0, NP - N), constant_values=G).reshape(NB, 1, BN)
    scores, pooled = _t2_call(h1c, agg2f.reshape(4, NP, 128), cntm, batch2d,
                              Wl2.T, Wr2.T, b2[None, :], Wd.T, bd[None, :])
    return (scores, pooled)

# --- scband reference (transcript-rebuilt; emitter-appended) ---
"""Pipeline reference for scband-pretrained-model-72421738545545 (READ-ONLY COPY).

The authoritative reference and input builder live on the scoring server;
editing this copy changes nothing except your own understanding.
"""

import jax, jax.numpy as jnp
import numpy as np

N = 10000
E = 160000
D_IN = 256
D_H = 512
D_OUT = 256
G = 128


def setup_inputs(seed: int = 0):
    key = jax.random.key(seed)
    ks = jax.random.split(key, 12)
    x = jax.random.normal(ks[0], (N, D_IN), dtype=jnp.float32)
    edge_index = jax.random.randint(ks[1], (2, E), 0, N, dtype=jnp.int32)
    batch = jnp.sort(jax.random.randint(ks[2], (N,), 0, G, dtype=jnp.int32))

    def lin(k, fo, fi):
        return (jax.random.normal(k, (fo, fi), dtype=jnp.float32) / np.sqrt(fi)).astype(jnp.float32)

    Wl1 = lin(ks[3], D_H, D_IN)
    Wr1 = lin(ks[4], D_H, D_IN)
    b1 = jnp.zeros((D_H,), jnp.float32)
    Wl2 = lin(ks[5], D_H, D_H)
    Wr2 = lin(ks[6], D_H, D_H)
    b2 = jnp.zeros((D_H,), jnp.float32)
    Wd = lin(ks[7], D_OUT, D_H)
    bd = jnp.zeros((D_OUT,), jnp.float32)
    return {"x": x, "edge_index": edge_index, "batch": batch,
            "Wl1": Wl1, "Wr1": Wr1, "b1": b1,
            "Wl2": Wl2, "Wr2": Wr2, "b2": b2,
            "Wd": Wd, "bd": bd}


def _sage(h, src, dst, Wl, Wr, b):
    # PyG SAGEConv with mean aggregation: lin_l(mean_neighbors) + lin_r(x)
    msgs = h[src]
    agg = jax.ops.segment_sum(msgs, dst, num_segments=N)
    cnt = jax.ops.segment_sum(jnp.ones((E,), jnp.float32), dst, num_segments=N)
    mean = agg / jnp.maximum(cnt, 1.0)[:, None]
    return mean @ Wl.T + b + h @ Wr.T


def reference(x, edge_index, batch, Wl1, Wr1, b1, Wl2, Wr2, b2, Wd, bd):
    src = edge_index[0]
    dst = edge_index[1]
    # layer 1 + relu (dropout p=0.0 is identity, eval mode)
    h = jax.nn.relu(_sage(x, src, dst, Wl1, Wr1, b1))
    # layer 2 + relu
    h = jax.nn.relu(_sage(h, src, dst, Wl2, Wr2, b2))
    # global_mean_pool over graph ids
    sums = jax.ops.segment_sum(h, batch, num_segments=G)
    cnt = jax.ops.segment_sum(jnp.ones((N,), jnp.float32), batch, num_segments=G)
    pooled = sums / jnp.maximum(cnt, 1.0)[:, None]
    # linear decoder head
    scores = pooled @ Wd.T + bd
    return (scores, pooled)

if __name__ == "__main__":
    import jax
    _d = setup_inputs()
    print(jax.jit(kernel)(*tuple(_d.values())))

</pallas_src>

<mosaic_0001>
#map = affine_map<(d0, d1) -> (0, 0)>
module attributes {stable_mosaic.version = 14 : i64} {
  func.func @body(%arg0: i32, %arg1: i32, %arg2: memref<40960x128xf32, #tpu.memory_space<hbm>>, %arg3: memref<10240x64xi32, #tpu.memory_space<hbm>>, %arg4: memref<2560x64xi32, #tpu.memory_space<hbm>>, %arg5: memref<632x128xf32, #tpu.memory_space<hbm>>, %arg6: memref<40960x128xf32, #tpu.memory_space<hbm>>, %arg7: memref<40x64xi32, #tpu.memory_space<vmem>>, %arg8: memref<40x64xi32, #tpu.memory_space<vmem>>, %arg9: memref<2x64x128xf32, #tpu.memory_space<vmem>>, %arg10: memref<10112x128xf32, #tpu.memory_space<vmem_shared>>, %arg11: memref<!tpu.dma_semaphore, #tpu.memory_space<semaphore_mem>>, %arg12: memref<!tpu.dma_semaphore, #tpu.memory_space<semaphore_mem>>) attributes {dimension_semantics = [#tpu.dimension_semantics<core_parallel>, #tpu.dimension_semantics<subcore_parallel>], iteration_bounds = array<i64: 2, 16>, scalar_prefetch = 0 : i64, scratch_operands = 6 : i64, tpu.core_type = #tpu.core_type<sc_vector_subcore>, window_params = [{transform_indices = #map}, {transform_indices = #map}, {transform_indices = #map}, {transform_indices = #map}, {transform_indices = #map}]} {
    %mul3A = arith.constant 632 : i32
    %mul3A_0 = arith.muli %arg1, %mul3A : i32
    "tpu.region"() ({
      %run_scoped3A = tpu.sem_alloc : memref<!tpu.dma_semaphore, #tpu.memory_space<semaphore_mem>>
      %dma_start3A_346 = arith.constant 0 : i32
      %dma_start3A_347 = tpu.memref_slice %arg10[%mul3A_0, %dma_start3A_346] : memref<10112x128xf32, #tpu.memory_space<vmem_shared>> -> memref<632x128xf32, #tpu.memory_space<vmem_shared>>
      tpu.enqueue_dma source(%arg5 : memref<632x128xf32, #tpu.memory_space<hbm>>) target(%dma_start3A_347 : memref<632x128xf32, #tpu.memory_space<vmem_shared>>) target_semaphore(%run_scoped3A : memref<!tpu.dma_semaphore, #tpu.memory_space<semaphore_mem>>)
      %dma_wait3A = arith.constant 0 : i32
      %dma_wait3A_348 = tpu.memref_slice %arg10[%mul3A_0, %dma_wait3A] : memref<10112x128xf32, #tpu.memory_space<vmem_shared>> -> memref<632x128xf32, #tpu.memory_space<vmem_shared>>
      tpu.wait_dma2 semaphore(%run_scoped3A : memref<!tpu.dma_semaphore, #tpu.memory_space<semaphore_mem>>) src(%arg5 : memref<632x128xf32, #tpu.memory_space<hbm>>) dst(%dma_wait3A_348 : memref<632x128xf32, #tpu.memory_space<vmem_shared>>)
      tpu.yield
    }) : () -> ()
    %barrier3A = arith.constant 0 : index
    tpu.barrier barrier_id(%barrier3A)
    %mul3A_1 = arith.constant 2 : i32
    %mul3A_2 = arith.muli %arg0, %mul3A_1 : i32
    %add3A = arith.constant 0 : i32
    %add3A_3 = arith.addi %mul3A_2, %add3A : i32
    %mul3A_4 = arith.constant 2560 : i32
    %mul3A_5 = arith.muli %add3A_3, %mul3A_4 : i32
    %mul3A_6 = arith.constant 160 : i32
    %mul3A_7 = arith.muli %arg1, %mul3A_6 : i32
    %add3A_8 = arith.addi %mul3A_5, %mul3A_7 : i32
    %add3A_9 = arith.constant 0 : i32
    %add3A_10 = arith.addi %add3A_8, %add3A_9 : i32
    "tpu.region"() ({
      %run_scoped3A = tpu.sem_alloc : memref<!tpu.dma_semaphore, #tpu.memory_space<semaphore_mem>>
      %dma_start3A_346 = arith.constant 0 : i32
      %dma_start3A_347 = tpu.memref_slice %arg3[%add3A_10, %dma_start3A_346] : memref<10240x64xi32, #tpu.memory_space<hbm>> -> memref<40x64xi32, #tpu.memory_space<hbm>>
      %dma_start3A_348 = arith.constant 0 : i32
      %dma_start3A_349 = tpu.memref_slice %arg3[%add3A_10, %dma_start3A_348] : memref<10240x64xi32, #tpu.memory_space<hbm>> -> memref<40x64xi32, #tpu.memory_space<hbm>>
      tpu.enqueue_dma source(%dma_start3A_349 : memref<40x64xi32, #tpu.memory_space<hbm>>) target(%arg7 : memref<40x64xi32, #tpu.memory_space<vmem>>) target_semaphore(%run_scoped3A : memref<!tpu.dma_semaphore, #tpu.memory_space<semaphore_mem>>)
      %dma_wait3A = arith.constant 0 : i32
      %dma_wait3A_350 = tpu.memref_slice %arg3[%add3A_10, %dma_wait3A] : memref<10240x64xi32, #tpu.memory_space<hbm>> -> memref<40x64xi32, #tpu.memory_space<hbm>>
      %dma_wait3A_351 = arith.constant 0 : i32
      %dma_wait3A_352 = tpu.memref_slice %arg3[%add3A_10, %dma_wait3A_351] : memref<10240x64xi32, #tpu.memory_space<hbm>> -> memref<40x64xi32, #tpu.memory_space<hbm>>
      tpu.wait_dma2 semaphore(%run_scoped3A : memref<!tpu.dma_semaphore, #tpu.memory_space<semaphore_mem>>) src(%dma_wait3A_352 : memref<40x64xi32, #tpu.memory_space<hbm>>) dst(%arg7 : memref<40x64xi32, #tpu.memory_space<vmem>>)
      tpu.yield
    }) : () -> ()
    %mul3A_11 = arith.constant 160 : i32
    %mul3A_12 = arith.muli %arg1, %mul3A_11 : i32
    %add3A_13 = arith.constant 0 : i32
    %add3A_14 = arith.addi %mul3A_12, %add3A_13 : i32
    "tpu.region"() ({
      %run_scoped3A = tpu.sem_alloc : memref<!tpu.dma_semaphore, #tpu.memory_space<semaphore_mem>>
      %dma_start3A_346 = arith.constant 0 : i32
      %dma_start3A_347 = tpu.memref_slice %arg4[%add3A_14, %dma_start3A_346] : memref<2560x64xi32, #tpu.memory_space<hbm>> -> memref<40x64xi32, #tpu.memory_space<hbm>>
      %dma_start3A_348 = arith.constant 0 : i32
      %dma_start3A_349 = tpu.memref_slice %arg4[%add3A_14, %dma_start3A_348] : memref<2560x64xi32, #tpu.memory_space<hbm>> -> memref<40x64xi32, #tpu.memory_space<hbm>>
      tpu.enqueue_dma source(%dma_start3A_349 : memref<40x64xi32, #tpu.memory_space<hbm>>) target(%arg8 : memref<40x64xi32, #tpu.memory_space<vmem>>) target_semaphore(%run_scoped3A : memref<!tpu.dma_semaphore, #tpu.memory_space<semaphore_mem>>)
      %dma_wait3A = arith.constant 0 : i32
      %dma_wait3A_350 = tpu.memref_slice %arg4[%add3A_14, %dma_wait3A] : memref<2560x64xi32, #tpu.memory_space<hbm>> -> memref<40x64xi32, #tpu.memory_space<hbm>>
      %dma_wait3A_351 = arith.constant 0 : i32
      %dma_wait3A_352 = tpu.memref_slice %arg4[%add3A_14, %dma_wait3A_351] : memref<2560x64xi32, #tpu.memory_space<hbm>> -> memref<40x64xi32, #tpu.memory_space<hbm>>
      tpu.wait_dma2 semaphore(%run_scoped3A : memref<!tpu.dma_semaphore, #tpu.memory_space<semaphore_mem>>) src(%dma_wait3A_352 : memref<40x64xi32, #tpu.memory_space<hbm>>) dst(%arg8 : memref<40x64xi32, #tpu.memory_space<vmem>>)
      tpu.yield
    }) : () -> ()
    %dma_start3A = arith.constant 0 : i32
    %dma_start3A_15 = arith.constant 0 : i32
    %dma_start3A_16 = arith.constant 0 : i32
    %dma_start3A_17 = arith.constant 0 : i32
    %dma_start3A_18 = tpu.memref_slice %arg9[%dma_start3A_15, %dma_start3A_16, %dma_start3A_17] : memref<2x64x128xf32, #tpu.memory_space<vmem>> -> memref<1x64x128xf32, #tpu.memory_space<vmem>>
    %dma_start3A_19 = tpu.memref_squeeze %dma_start3A_18 : memref<1x64x128xf32, #tpu.memory_space<vmem>> -> memref<64x128xf32, #tpu.memory_space<vmem>>
    %dma_start3A_20 = arith.constant 0 : i32
    %dma_start3A_21 = tpu.memref_slice %arg7[%dma_start3A, %dma_start3A_20] : memref<40x64xi32, #tpu.memory_space<vmem>> -> memref<1x64xi32, #tpu.memory_space<vmem>>
    %dma_start3A_22 = tpu.memref_squeeze %dma_start3A_21 : memref<1x64xi32, #tpu.memory_space<vmem>> -> memref<64xi32, #tpu.memory_space<vmem>>
    %dma_start3A_23 = arith.constant 0 : i32
    %dma_start3A_24 = arith.constant 0 : i32
    %dma_start3A_25 = tpu.memref_slice %arg2[%dma_start3A_23, %dma_start3A_24] : memref<40960x128xf32, #tpu.memory_space<hbm>> -> memref<40960x128xf32, #tpu.memory_space<hbm>>
    tpu.enqueue_indirect_dma source(%dma_start3A_25 : memref<40960x128xf32, #tpu.memory_space<hbm>>) target(%dma_start3A_19 : memref<64x128xf32, #tpu.memory_space<vmem>>) offsets(%dma_start3A_22 : memref<64xi32, #tpu.memory_space<vmem>>) semaphore(%arg11 : memref<!tpu.dma_semaphore, #tpu.memory_space<semaphore_mem>>)
    %dma_start3A_26 = arith.constant 1 : i32
    %dma_start3A_27 = arith.constant 1 : i32
    %dma_start3A_28 = arith.constant 0 : i32
    %dma_start3A_29 = arith.constant 0 : i32
    %dma_start3A_30 = tpu.memref_slice %arg9[%dma_start3A_27, %dma_start3A_28, %dma_start3A_29] : memref<2x64x128xf32, #tpu.memory_space<vmem>> -> memref<1x64x128xf32, #tpu.memory_space<vmem>>
    %dma_start3A_31 = tpu.memref_squeeze %dma_start3A_30 : memref<1x64x128xf32, #tpu.memory_space<vmem>> -> memref<64x128xf32, #tpu.memory_space<vmem>>
    %dma_start3A_32 = arith.constant 0 : i32
    %dma_start3A_33 = tpu.memref_slice %arg7[%dma_start3A_26, %dma_start3A_32] : memref<40x64xi32, #tpu.memory_space<vmem>> -> memref<1x64xi32, #tpu.memory_space<vmem>>
    %dma_start3A_34 = tpu.memref_squeeze %dma_start3A_33 : memref<1x64xi32, #tpu.memory_space<vmem>> -> memref<64xi32, #tpu.memory_space<vmem>>
    %dma_start3A_35 = arith.constant 0 : i32
    %dma_start3A_36 = arith.constant 0 : i32
    %dma_start3A_37 = tpu.memref_slice %arg2[%dma_start3A_35, %dma_start3A_36] : memref<40960x128xf32, #tpu.memory_space<hbm>> -> memref<40960x128xf32, #tpu.memory_space<hbm>>
    tpu.enqueue_indirect_dma source(%dma_start3A_37 : memref<40960x128xf32, #tpu.memory_space<hbm>>) target(%dma_start3A_31 : memref<64x128xf32, #tpu.memory_space<vmem>>) offsets(%dma_start3A_34 : memref<64xi32, #tpu.memory_space<vmem>>) semaphore(%arg12 : memref<!tpu.dma_semaphore, #tpu.memory_space<semaphore_mem>>)
    %scan3A = arith.constant 0 : i32
    %scan3A_38 = arith.constant 20 : i32
    %scan3A_39 = arith.addi %scan3A, %scan3A_38 : i32
    %scan3A_40 = arith.constant 1 : i32
    scf.for %scan3A_346 = %scan3A to %scan3A_39 step %scan3A_40  : i32 {
      %mul3A_347 = arith.constant 2 : i32
      %mul3A_348 = arith.muli %scan3A_346, %mul3A_347 : i32
      %add3A_349 = arith.constant 0 : i32
      %add3A_350 = arith.addi %add3A_349, %mul3A_348 : i32
      %add3A_351 = arith.constant 0 : i32
      %add3A_352 = arith.addi %add3A_350, %add3A_351 : i32
      %dma_wait3A = arith.constant 0 : i32
      %dma_wait3A_353 = arith.constant 0 : i32
      %dma_wait3A_354 = arith.constant 0 : i32
      %dma_wait3A_355 = tpu.memref_slice %arg9[%dma_wait3A, %dma_wait3A_353, %dma_wait3A_354] : memref<2x64x128xf32, #tpu.memory_space<vmem>> -> memref<1x64x128xf32, #tpu.memory_space<vmem>>
      %dma_wait3A_356 = tpu.memref_squeeze %dma_wait3A_355 : memref<1x64x128xf32, #tpu.memory_space<vmem>> -> memref<64x128xf32, #tpu.memory_space<vmem>>
      %dma_wait3A_357 = arith.constant 0 : i32
      %dma_wait3A_358 = tpu.memref_slice %arg7[%add3A_352, %dma_wait3A_357] : memref<40x64xi32, #tpu.memory_space<vmem>> -> memref<1x64xi32, #tpu.memory_space<vmem>>
      %dma_wait3A_359 = tpu.memref_squeeze %dma_wait3A_358 : memref<1x64xi32, #tpu.memory_space<vmem>> -> memref<64xi32, #tpu.memory_space<vmem>>
      %dma_wait3A_360 = arith.constant 0 : i32
      %dma_wait3A_361 = arith.constant 0 : i32
      %dma_wait3A_362 = tpu.memref_slice %arg2[%dma_wait3A_360, %dma_wait3A_361] : memref<40960x128xf32, #tpu.memory_space<hbm>> -> memref<40960x128xf32, #tpu.memory_space<hbm>>
      tpu.wait_indirect_dma semaphore(%arg11 : memref<!tpu.dma_semaphore, #tpu.memory_space<semaphore_mem>>) src(%dma_wait3A_362 : memref<40960x128xf32, #tpu.memory_space<hbm>>) dst(%dma_wait3A_356 : memref<64x128xf32, #tpu.memory_space<vmem>>)
      %run_scoped3A = arith.constant 0 : i32
      "tpu.region"() ({
        %run_scoped3A_388 = tpu.sem_alloc : memref<!tpu.dma_semaphore, #tpu.memory_space<semaphore_mem>>
        %dma_start3A_389 = arith.constant 0 : i32
        %dma_start3A_390 = arith.constant 0 : i32
        %dma_start3A_391 = tpu.memref_slice %arg9[%run_scoped3A, %dma_start3A_389, %dma_start3A_390] : memref<2x64x128xf32, #tpu.memory_space<vmem>> -> memref<1x64x128xf32, #tpu.memory_space<vmem>>
        %dma_start3A_392 = tpu.memref_squeeze %dma_start3A_391 : memref<1x64x128xf32, #tpu.memory_space<vmem>> -> memref<64x128xf32, #tpu.memory_space<vmem>>
        %dma_start3A_393 = arith.constant 0 : i32
        %dma_start3A_394 = tpu.memref_slice %arg8[%add3A_352, %dma_start3A_393] : memref<40x64xi32, #tpu.memory_space<vmem>> -> memref<1x64xi32, #tpu.memory_space<vmem>>
        %dma_start3A_395 = tpu.memref_squeeze %dma_start3A_394 : memref<1x64xi32, #tpu.memory_space<vmem>> -> memref<64xi32, #tpu.memory_space<vmem>>
        %dma_start3A_396 = arith.constant 0 : i32
        %dma_start3A_397 = arith.constant 0 : i32
        %dma_start3A_398 = tpu.memref_slice %arg10[%dma_start3A_396, %dma_start3A_397] : memref<10112x128xf32, #tpu.memory_space<vmem_shared>> -> memref<10112x128xf32, #tpu.memory_space<vmem_shared>>
        tpu.enqueue_indirect_dma source(%dma_start3A_392 : memref<64x128xf32, #tpu.memory_space<vmem>>) target(%dma_start3A_398 : memref<10112x128xf32, #tpu.memory_space<vmem_shared>>) offsets(%dma_start3A_395 : memref<64xi32, #tpu.memory_space<vmem>>) semaphore(%run_scoped3A_388 : memref<!tpu.dma_semaphore, #tpu.memory_space<semaphore_mem>>) {add = true}
        %dma_wait3A_399 = arith.constant 0 : i32
        %dma_wait3A_400 = arith.constant 0 : i32
        %dma_wait3A_401 = tpu.memref_slice %arg9[%run_scoped3A, %dma_wait3A_399, %dma_wait3A_400] : memref<2x64x128xf32, #tpu.memory_space<vmem>> -> memref<1x64x128xf32, #tpu.memory_space<vmem>>
        %dma_wait3A_402 = tpu.memref_squeeze %dma_wait3A_401 : memref<1x64x128xf32, #tpu.memory_space<vmem>> -> memref<64x128xf32, #tpu.memory_space<vmem>>
        %dma_wait3A_403 = arith.constant 0 : i32
        %dma_wait3A_404 = tpu.memref_slice %arg8[%add3A_352, %dma_wait3A_403] : memref<40x64xi32, #tpu.memory_space<vmem>> -> memref<1x64xi32, #tpu.memory_space<vmem>>
        %dma_wait3A_405 = tpu.memref_squeeze %dma_wait3A_404 : memref<1x64xi32, #tpu.memory_space<vmem>> -> memref<64xi32, #tpu.memory_space<vmem>>
        %dma_wait3A_406 = arith.constant 0 : i32
        %dma_wait3A_407 = arith.constant 0 : i32
        %dma_wait3A_408 = tpu.memref_slice %arg10[%dma_wait3A_406, %dma_wait3A_407] : memref<10112x128xf32, #tpu.memory_space<vmem_shared>> -> memref<10112x128xf32, #tpu.memory_space<vmem_shared>>
        tpu.wait_indirect_dma semaphore(%run_scoped3A_388 : memref<!tpu.dma_semaphore, #tpu.memory_space<semaphore_mem>>) src(%dma_wait3A_402 : memref<64x128xf32, #tpu.memory_space<vmem>>) dst(%dma_wait3A_408 : memref<10112x128xf32, #tpu.memory_space<vmem_shared>>)
        tpu.yield
      }) : () -> ()
      %add3A_363 = arith.constant 2 : i32
      %add3A_364 = arith.addi %add3A_352, %add3A_363 : i32
      %lt3A = arith.constant 40 : i32
      %lt3A_365 = arith.cmpi slt, %add3A_364, %lt3A : i32
      %convert_element_type3A = arith.extui %lt3A_365 : i1 to i32
      %cond3A = arith.constant 0 : i32
      %cond3A_366 = arith.cmpi ne, %convert_element_type3A, %cond3A : i32
      scf.if %cond3A_366 {
        %add3A_388 = arith.constant 2 : i32
        %add3A_389 = arith.addi %add3A_352, %add3A_388 : i32
        %dma_start3A_390 = arith.constant 0 : i32
        %dma_start3A_391 = arith.constant 0 : i32
        %dma_start3A_392 = arith.constant 0 : i32
        %dma_start3A_393 = tpu.memref_slice %arg9[%dma_start3A_390, %dma_start3A_391, %dma_start3A_392] : memref<2x64x128xf32, #tpu.memory_space<vmem>> -> memref<1x64x128xf32, #tpu.memory_space<vmem>>
        %dma_start3A_394 = tpu.memref_squeeze %dma_start3A_393 : memref<1x64x128xf32, #tpu.memory_space<vmem>> -> memref<64x128xf32, #tpu.memory_space<vmem>>
        %dma_start3A_395 = arith.constant 0 : i32
        %dma_start3A_396 = tpu.memref_slice %arg7[%add3A_389, %dma_start3A_395] : memref<40x64xi32, #tpu.memory_space<vmem>> -> memref<1x64xi32, #tpu.memory_space<vmem>>
        %dma_start3A_397 = tpu.memref_squeeze %dma_start3A_396 : memref<1x64xi32, #tpu.memory_space<vmem>> -> memref<64xi32, #tpu.memory_space<vmem>>
        %dma_start3A_398 = arith.constant 0 : i32
        %dma_start3A_399 = arith.constant 0 : i32
        %dma_start3A_400 = tpu.memref_slice %arg2[%dma_start3A_398, %dma_start3A_399] : memref<40960x128xf32, #tpu.memory_space<hbm>> -> memref<40960x128xf32, #tpu.memory_space<hbm>>
        tpu.enqueue_indirect_dma source(%dma_start3A_400 : memref<40960x128xf32, #tpu.memory_space<hbm>>) target(%dma_start3A_394 : memref<64x128xf32, #tpu.memory_space<vmem>>) offsets(%dma_start3A_397 : memref<64xi32, #tpu.memory_space<vmem>>) semaphore(%arg11 : memref<!tpu.dma_semaphore, #tpu.memory_space<semaphore_mem>>)
      } else {
      }
      %add3A_367 = arith.constant 1 : i32
      %add3A_368 = arith.addi %add3A_350, %add3A_367 : i32
      %dma_wait3A_369 = arith.constant 1 : i32
      %dma_wait3A_370 = arith.constant 0 : i32
      %dma_wait3A_371 = arith.constant 0 : i32
      %dma_wait3A_372 = tpu.memref_slice %arg9[%dma_wait3A_369, %dma_wait3A_370, %dma_wait3A_371] : memref<2x64x128xf32, #tpu.memory_space<vmem>> -> memref<1x64x128xf32, #tpu.memory_space<vmem>>
      %dma_wait3A_373 = tpu.memref_squeeze %dma_wait3A_372 : memref<1x64x128xf32, #tpu.memory_space<vmem>> -> memref<64x128xf32, #tpu.memory_space<vmem>>
      %dma_wait3A_374 = arith.constant 0 : i32
      %dma_wait3A_375 = tpu.memref_slice %arg7[%add3A_368, %dma_wait3A_374] : memref<40x64xi32, #tpu.memory_space<vmem>> -> memref<1x64xi32, #tpu.memory_space<vmem>>
      %dma_wait3A_376 = tpu.memref_squeeze %dma_wait3A_375 : memref<1x64xi32, #tpu.memory_space<vmem>> -> memref<64xi32, #tpu.memory_space<vmem>>
      %dma_wait3A_377 = arith.constant 0 : i32
      %dma_wait3A_378 = arith.constant 0 : i32
      %dma_wait3A_379 = tpu.memref_slice %arg2[%dma_wait3A_377, %dma_wait3A_378] : memref<40960x128xf32, #tpu.memory_space<hbm>> -> memref<40960x128xf32, #tpu.memory_space<hbm>>
      tpu.wait_indirect_dma semaphore(%arg12 : memref<!tpu.dma_semaphore, #tpu.memory_space<semaphore_mem>>) src(%dma_wait3A_379 : memref<40960x128xf32, #tpu.memory_space<hbm>>) dst(%dma_wait3A_373 : memref<64x128xf32, #tpu.memory_space<vmem>>)
      %run_scoped3A_380 = arith.constant 1 : i32
      "tpu.region"() ({
        %run_scoped3A_388 = tpu.sem_alloc : memref<!tpu.dma_semaphore, #tpu.memory_space<semaphore_mem>>
        %dma_start3A_389 = arith.constant 0 : i32
        %dma_start3A_390 = arith.constant 0 : i32
        %dma_start3A_391 = tpu.memref_slice %arg9[%run_scoped3A_380, %dma_start3A_389, %dma_start3A_390] : memref<2x64x128xf32, #tpu.memory_space<vmem>> -> memref<1x64x128xf32, #tpu.memory_space<vmem>>
        %dma_start3A_392 = tpu.memref_squeeze %dma_start3A_391 : memref<1x64x128xf32, #tpu.memory_space<vmem>> -> memref<64x128xf32, #tpu.memory_space<vmem>>
        %dma_start3A_393 = arith.constant 0 : i32
        %dma_start3A_394 = tpu.memref_slice %arg8[%add3A_368, %dma_start3A_393] : memref<40x64xi32, #tpu.memory_space<vmem>> -> memref<1x64xi32, #tpu.memory_space<vmem>>
        %dma_start3A_395 = tpu.memref_squeeze %dma_start3A_394 : memref<1x64xi32, #tpu.memory_space<vmem>> -> memref<64xi32, #tpu.memory_space<vmem>>
        %dma_start3A_396 = arith.constant 0 : i32
        %dma_start3A_397 = arith.constant 0 : i32
        %dma_start3A_398 = tpu.memref_slice %arg10[%dma_start3A_396, %dma_start3A_397] : memref<10112x128xf32, #tpu.memory_space<vmem_shared>> -> memref<10112x128xf32, #tpu.memory_space<vmem_shared>>
        tpu.enqueue_indirect_dma source(%dma_start3A_392 : memref<64x128xf32, #tpu.memory_space<vmem>>) target(%dma_start3A_398 : memref<10112x128xf32, #tpu.memory_space<vmem_shared>>) offsets(%dma_start3A_395 : memref<64xi32, #tpu.memory_space<vmem>>) semaphore(%run_scoped3A_388 : memref<!tpu.dma_semaphore, #tpu.memory_space<semaphore_mem>>) {add = true}
        %dma_wait3A_399 = arith.constant 0 : i32
        %dma_wait3A_400 = arith.constant 0 : i32
        %dma_wait3A_401 = tpu.memref_slice %arg9[%run_scoped3A_380, %dma_wait3A_399, %dma_wait3A_400] : memref<2x64x128xf32, #tpu.memory_space<vmem>> -> memref<1x64x128xf32, #tpu.memory_space<vmem>>
        %dma_wait3A_402 = tpu.memref_squeeze %dma_wait3A_401 : memref<1x64x128xf32, #tpu.memory_space<vmem>> -> memref<64x128xf32, #tpu.memory_space<vmem>>
        %dma_wait3A_403 = arith.constant 0 : i32
        %dma_wait3A_404 = tpu.memref_slice %arg8[%add3A_368, %dma_wait3A_403] : memref<40x64xi32, #tpu.memory_space<vmem>> -> memref<1x64xi32, #tpu.memory_space<vmem>>
        %dma_wait3A_405 = tpu.memref_squeeze %dma_wait3A_404 : memref<1x64xi32, #tpu.memory_space<vmem>> -> memref<64xi32, #tpu.memory_space<vmem>>
        %dma_wait3A_406 = arith.constant 0 : i32
        %dma_wait3A_407 = arith.constant 0 : i32
        %dma_wait3A_408 = tpu.memref_slice %arg10[%dma_wait3A_406, %dma_wait3A_407] : memref<10112x128xf32, #tpu.memory_space<vmem_shared>> -> memref<10112x128xf32, #tpu.memory_space<vmem_shared>>
        tpu.wait_indirect_dma semaphore(%run_scoped3A_388 : memref<!tpu.dma_semaphore, #tpu.memory_space<semaphore_mem>>) src(%dma_wait3A_402 : memref<64x128xf32, #tpu.memory_space<vmem>>) dst(%dma_wait3A_408 : memref<10112x128xf32, #tpu.memory_space<vmem_shared>>)
        tpu.yield
      }) : () -> ()
      %add3A_381 = arith.constant 2 : i32
      %add3A_382 = arith.addi %add3A_368, %add3A_381 : i32
      %lt3A_383 = arith.constant 40 : i32
      %lt3A_384 = arith.cmpi slt, %add3A_382, %lt3A_383 : i32
      %convert_element_type3A_385 = arith.extui %lt3A_384 : i1 to i32
      %cond3A_386 = arith.constant 0 : i32
      %cond3A_387 = arith.cmpi ne, %convert_element_type3A_385, %cond3A_386 : i32
      scf.if %cond3A_387 {
        %add3A_388 = arith.constant 2 : i32
        %add3A_389 = arith.addi %add3A_368, %add3A_388 : i32
        %dma_start3A_390 = arith.constant 1 : i32
        %dma_start3A_391 = arith.constant 0 : i32
        %dma_start3A_392 = arith.constant 0 : i32
        %dma_start3A_393 = tpu.memref_slice %arg9[%dma_start3A_390, %dma_start3A_391, %dma_start3A_392] : memref<2x64x128xf32, #tpu.memory_space<vmem>> -> memref<1x64x128xf32, #tpu.memory_space<vmem>>
        %dma_start3A_394 = tpu.memref_squeeze %dma_start3A_393 : memref<1x64x128xf32, #tpu.memory_space<vmem>> -> memref<64x128xf32, #tpu.memory_space<vmem>>
        %dma_start3A_395 = arith.constant 0 : i32
        %dma_start3A_396 = tpu.memref_slice %arg7[%add3A_389, %dma_start3A_395] : memref<40x64xi32, #tpu.memory_space<vmem>> -> memref<1x64xi32, #tpu.memory_space<vmem>>
        %dma_start3A_397 = tpu.memref_squeeze %dma_start3A_396 : memref<1x64xi32, #tpu.memory_space<vmem>> -> memref<64xi32, #tpu.memory_space<vmem>>
        %dma_start3A_398 = arith.constant 0 : i32
        %dma_start3A_399 = arith.constant 0 : i32
        %dma_start3A_400 = tpu.memref_slice %arg2[%dma_start3A_398, %dma_start3A_399] : memref<40960x128xf32, #tpu.memory_space<hbm>> -> memref<40960x128xf32, #tpu.memory_space<hbm>>
        tpu.enqueue_indirect_dma source(%dma_start3A_400 : memref<40960x128xf32, #tpu.memory_space<hbm>>) target(%dma_start3A_394 : memref<64x128xf32, #tpu.memory_space<vmem>>) offsets(%dma_start3A_397 : memref<64xi32, #tpu.memory_space<vmem>>) semaphore(%arg12 : memref<!tpu.dma_semaphore, #tpu.memory_space<semaphore_mem>>)
      } else {
      }
    }
    %scan3A_41 = arith.constant 20 : i32
    %mul3A_42 = arith.constant 2560 : i32
    %mul3A_43 = arith.muli %add3A_3, %mul3A_42 : i32
    %mul3A_44 = arith.constant 160 : i32
    %mul3A_45 = arith.muli %arg1, %mul3A_44 : i32
    %add3A_46 = arith.addi %mul3A_43, %mul3A_45 : i32
    %add3A_47 = arith.constant 40 : i32
    %add3A_48 = arith.addi %add3A_46, %add3A_47 : i32
    "tpu.region"() ({
      %run_scoped3A = tpu.sem_alloc : memref<!tpu.dma_semaphore, #tpu.memory_space<semaphore_mem>>
      %dma_start3A_346 = arith.constant 0 : i32
      %dma_start3A_347 = tpu.memref_slice %arg3[%add3A_48, %dma_start3A_346] : memref<10240x64xi32, #tpu.memory_space<hbm>> -> memref<40x64xi32, #tpu.memory_space<hbm>>
      %dma_start3A_348 = arith.constant 0 : i32
      %dma_start3A_349 = tpu.memref_slice %arg3[%add3A_48, %dma_start3A_348] : memref<10240x64xi32, #tpu.memory_space<hbm>> -> memref<40x64xi32, #tpu.memory_space<hbm>>
      tpu.enqueue_dma source(%dma_start3A_349 : memref<40x64xi32, #tpu.memory_space<hbm>>) target(%arg7 : memref<40x64xi32, #tpu.memory_space<vmem>>) target_semaphore(%run_scoped3A : memref<!tpu.dma_semaphore, #tpu.memory_space<semaphore_mem>>)
      %dma_wait3A = arith.constant 0 : i32
      %dma_wait3A_350 = tpu.memref_slice %arg3[%add3A_48, %dma_wait3A] : memref<10240x64xi32, #tpu.memory_space<hbm>> -> memref<40x64xi32, #tpu.memory_space<hbm>>
      %dma_wait3A_351 = arith.constant 0 : i32
      %dma_wait3A_352 = tpu.memref_slice %arg3[%add3A_48, %dma_wait3A_351] : memref<10240x64xi32, #tpu.memory_space<hbm>> -> memref<40x64xi32, #tpu.memory_space<hbm>>
      tpu.wait_dma2 semaphore(%run_scoped3A : memref<!tpu.dma_semaphore, #tpu.memory_space<semaphore_mem>>) src(%dma_wait3A_352 : memref<40x64xi32, #tpu.memory_space<hbm>>) dst(%arg7 : memref<40x64xi32, #tpu.memory_space<vmem>>)
      tpu.yield
    }) : () -> ()
    %mul3A_49 = arith.constant 160 : i32
    %mul3A_50 = arith.muli %arg1, %mul3A_49 : i32
    %add3A_51 = arith.constant 40 : i32
    %add3A_52 = arith.addi %mul3A_50, %add3A_51 : i32
    "tpu.region"() ({
      %run_scoped3A = tpu.sem_alloc : memref<!tpu.dma_semaphore, #tpu.memory_space<semaphore_mem>>
      %dma_start3A_346 = arith.constant 0 : i32
      %dma_start3A_347 = tpu.memref_slice %arg4[%add3A_52, %dma_start3A_346] : memref<2560x64xi32, #tpu.memory_space<hbm>> -> memref<40x64xi32, #tpu.memory_space<hbm>>
      %dma_start3A_348 = arith.constant 0 : i32
      %dma_start3A_349 = tpu.memref_slice %arg4[%add3A_52, %dma_start3A_348] : memref<2560x64xi32, #tpu.memory_space<hbm>> -> memref<40x64xi32, #tpu.memory_space<hbm>>
      tpu.enqueue_dma source(%dma_start3A_349 : memref<40x64xi32, #tpu.memory_space<hbm>>) target(%arg8 : memref<40x64xi32, #tpu.memory_space<vmem>>) target_semaphore(%run_scoped3A : memref<!tpu.dma_semaphore, #tpu.memory_space<semaphore_mem>>)
      %dma_wait3A = arith.constant 0 : i32
      %dma_wait3A_350 = tpu.memref_slice %arg4[%add3A_52, %dma_wait3A] : memref<2560x64xi32, #tpu.memory_space<hbm>> -> memref<40x64xi32, #tpu.memory_space<hbm>>
      %dma_wait3A_351 = arith.constant 0 : i32
      %dma_wait3A_352 = tpu.memref_slice %arg4[%add3A_52, %dma_wait3A_351] : memref<2560x64xi32, #tpu.memory_space<hbm>> -> memref<40x64xi32, #tpu.memory_space<hbm>>
      tpu.wait_dma2 semaphore(%run_scoped3A : memref<!tpu.dma_semaphore, #tpu.memory_space<semaphore_mem>>) src(%dma_wait3A_352 : memref<40x64xi32, #tpu.memory_space<hbm>>) dst(%arg8 : memref<40x64xi32, #tpu.memory_space<vmem>>)
      tpu.yield
    }) : () -> ()
    %dma_start3A_53 = arith.constant 0 : i32
    %dma_start3A_54 = arith.constant 0 : i32
    %dma_start3A_55 = arith.constant 0 : i32
    %dma_start3A_56 = arith.constant 0 : i32
    %dma_start3A_57 = tpu.memref_slice %arg9[%dma_start3A_54, %dma_start3A_55, %dma_start3A_56] : memref<2x64x128xf32, #tpu.memory_space<vmem>> -> memref<1x64x128xf32, #tpu.memory_space<vmem>>
    %dma_start3A_58 = tpu.memref_squeeze %dma_start3A_57 : memref<1x64x128xf32, #tpu.memory_space<vmem>> -> memref<64x128xf32, #tpu.memory_space<vmem>>
    %dma_start3A_59 = arith.constant 0 : i32
    %dma_start3A_60 = tpu.memref_slice %arg7[%dma_start3A_53, %dma_start3A_59] : memref<40x64xi32, #tpu.memory_space<vmem>> -> memref<1x64xi32, #tpu.memory_space<vmem>>
    %dma_start3A_61 = tpu.memref_squeeze %dma_start3A_60 : memref<1x64xi32, #tpu.memory_space<vmem>> -> memref<64xi32, #tpu.memory_space<vmem>>
    %dma_start3A_62 = arith.constant 0 : i32
    %dma_start3A_63 = arith.constant 0 : i32
    %dma_start3A_64 = tpu.memref_slice %arg2[%dma_start3A_62, %dma_start3A_63] : memref<40960x128xf32, #tpu.memory_space<hbm>> -> memref<40960x128xf32, #tpu.memory_space<hbm>>
    tpu.enqueue_indirect_dma source(%dma_start3A_64 : memref<40960x128xf32, #tpu.memory_space<hbm>>) target(%dma_start3A_58 : memref<64x128xf32, #tpu.memory_space<vmem>>) offsets(%dma_start3A_61 : memref<64xi32, #tpu.memory_space<vmem>>) semaphore(%arg11 : memref<!tpu.dma_semaphore, #tpu.memory_space<semaphore_mem>>)
    %dma_start3A_65 = arith.constant 1 : i32
    %dma_start3A_66 = arith.constant 1 : i32
    %dma_start3A_67 = arith.constant 0 : i32
    %dma_start3A_68 = arith.constant 0 : i32
    %dma_start3A_69 = tpu.memref_slice %arg9[%dma_start3A_66, %dma_start3A_67, %dma_start3A_68] : memref<2x64x128xf32, #tpu.memory_space<vmem>> -> memref<1x64x128xf32, #tpu.memory_space<vmem>>
    %dma_start3A_70 = tpu.memref_squeeze %dma_start3A_69 : memref<1x64x128xf32, #tpu.memory_space<vmem>> -> memref<64x128xf32, #tpu.memory_space<vmem>>
    %dma_start3A_71 = arith.constant 0 : i32
    %dma_start3A_72 = tpu.memref_slice %arg7[%dma_start3A_65, %dma_start3A_71] : memref<40x64xi32, #tpu.memory_space<vmem>> -> memref<1x64xi32, #tpu.memory_space<vmem>>
    %dma_start3A_73 = tpu.memref_squeeze %dma_start3A_72 : memref<1x64xi32, #tpu.memory_space<vmem>> -> memref<64xi32, #tpu.memory_space<vmem>>
    %dma_start3A_74 = arith.constant 0 : i32
    %dma_start3A_75 = arith.constant 0 : i32
    %dma_start3A_76 = tpu.memref_slice %arg2[%dma_start3A_74, %dma_start3A_75] : memref<40960x128xf32, #tpu.memory_space<hbm>> -> memref<40960x128xf32, #tpu.memory_space<hbm>>
    tpu.enqueue_indirect_dma source(%dma_start3A_76 : memref<40960x128xf32, #tpu.memory_space<hbm>>) target(%dma_start3A_70 : memref<64x128xf32, #tpu.memory_space<vmem>>) offsets(%dma_start3A_73 : memref<64xi32, #tpu.memory_space<vmem>>) semaphore(%arg12 : memref<!tpu.dma_semaphore, #tpu.memory_space<semaphore_mem>>)
    %scan3A_77 = arith.constant 0 : i32
    %scan3A_78 = arith.constant 20 : i32
    %scan3A_79 = arith.addi %scan3A_77, %scan3A_78 : i32
    %scan3A_80 = arith.constant 1 : i32
    scf.for %scan3A_346 = %scan3A_77 to %scan3A_79 step %scan3A_80  : i32 {
      %mul3A_347 = arith.constant 2 : i32
      %mul3A_348 = arith.muli %scan3A_346, %mul3A_347 : i32
      %add3A_349 = arith.constant 0 : i32
      %add3A_350 = arith.addi %add3A_349, %mul3A_348 : i32
      %add3A_351 = arith.constant 0 : i32
      %add3A_352 = arith.addi %add3A_350, %add3A_351 : i32
      %dma_wait3A = arith.constant 0 : i32
      %dma_wait3A_353 = arith.constant 0 : i32
      %dma_wait3A_354 = arith.constant 0 : i32
      %dma_wait3A_355 = tpu.memref_slice %arg9[%dma_wait3A, %dma_wait3A_353, %dma_wait3A_354] : memref<2x64x128xf32, #tpu.memory_space<vmem>> -> memref<1x64x128xf32, #tpu.memory_space<vmem>>
      %dma_wait3A_356 = tpu.memref_squeeze %dma_wait3A_355 : memref<1x64x128xf32, #tpu.memory_space<vmem>> -> memref<64x128xf32, #tpu.memory_space<vmem>>
      %dma_wait3A_357 = arith.constant 0 : i32
      %dma_wait3A_358 = tpu.memref_slice %arg7[%add3A_352, %dma_wait3A_357] : memref<40x64xi32, #tpu.memory_space<vmem>> -> memref<1x64xi32, #tpu.memory_space<vmem>>
      %dma_wait3A_359 = tpu.memref_squeeze %dma_wait3A_358 : memref<1x64xi32, #tpu.memory_space<vmem>> -> memref<64xi32, #tpu.memory_space<vmem>>
      %dma_wait3A_360 = arith.constant 0 : i32
      %dma_wait3A_361 = arith.constant 0 : i32
      %dma_wait3A_362 = tpu.memref_slice %arg2[%dma_wait3A_360, %dma_wait3A_361] : memref<40960x128xf32, #tpu.memory_space<hbm>> -> memref<40960x128xf32, #tpu.memory_space<hbm>>
      tpu.wait_indirect_dma semaphore(%arg11 : memref<!tpu.dma_semaphore, #tpu.memory_space<semaphore_mem>>) src(%dma_wait3A_362 : memref<40960x128xf32, #tpu.memory_space<hbm>>) dst(%dma_wait3A_356 : memref<64x128xf32, #tpu.memory_space<vmem>>)
      %run_scoped3A = arith.constant 0 : i32
      "tpu.region"() ({
        %run_scoped3A_388 = tpu.sem_alloc : memref<!tpu.dma_semaphore, #tpu.memory_space<semaphore_mem>>
        %dma_start3A_389 = arith.constant 0 : i32
        %dma_start3A_390 = arith.constant 0 : i32
        %dma_start3A_391 = tpu.memref_slice %arg9[%run_scoped3A, %dma_start3A_389, %dma_start3A_390] : memref<2x64x128xf32, #tpu.memory_space<vmem>> -> memref<1x64x128xf32, #tpu.memory_space<vmem>>
        %dma_start3A_392 = tpu.memref_squeeze %dma_start3A_391 : memref<1x64x128xf32, #tpu.memory_space<vmem>> -> memref<64x128xf32, #tpu.memory_space<vmem>>
        %dma_start3A_393 = arith.constant 0 : i32
        %dma_start3A_394 = tpu.memref_slice %arg8[%add3A_352, %dma_start3A_393] : memref<40x64xi32, #tpu.memory_space<vmem>> -> memref<1x64xi32, #tpu.memory_space<vmem>>
        %dma_start3A_395 = tpu.memref_squeeze %dma_start3A_394 : memref<1x64xi32, #tpu.memory_space<vmem>> -> memref<64xi32, #tpu.memory_space<vmem>>
        %dma_start3A_396 = arith.constant 0 : i32
        %dma_start3A_397 = arith.constant 0 : i32
        %dma_start3A_398 = tpu.memref_slice %arg10[%dma_start3A_396, %dma_start3A_397] : memref<10112x128xf32, #tpu.memory_space<vmem_shared>> -> memref<10112x128xf32, #tpu.memory_space<vmem_shared>>
        tpu.enqueue_indirect_dma source(%dma_start3A_392 : memref<64x128xf32, #tpu.memory_space<vmem>>) target(%dma_start3A_398 : memref<10112x128xf32, #tpu.memory_space<vmem_shared>>) offsets(%dma_start3A_395 : memref<64xi32, #tpu.memory_space<vmem>>) semaphore(%run_scoped3A_388 : memref<!tpu.dma_semaphore, #tpu.memory_space<semaphore_mem>>) {add = true}
        %dma_wait3A_399 = arith.constant 0 : i32
        %dma_wait3A_400 = arith.constant 0 : i32
        %dma_wait3A_401 = tpu.memref_slice %arg9[%run_scoped3A, %dma_wait3A_399, %dma_wait3A_400] : memref<2x64x128xf32, #tpu.memory_space<vmem>> -> memref<1x64x128xf32, #tpu.memory_space<vmem>>
        %dma_wait3A_402 = tpu.memref_squeeze %dma_wait3A_401 : memref<1x64x128xf32, #tpu.memory_space<vmem>> -> memref<64x128xf32, #tpu.memory_space<vmem>>
        %dma_wait3A_403 = arith.constant 0 : i32
        %dma_wait3A_404 = tpu.memref_slice %arg8[%add3A_352, %dma_wait3A_403] : memref<40x64xi32, #tpu.memory_space<vmem>> -> memref<1x64xi32, #tpu.memory_space<vmem>>
        %dma_wait3A_405 = tpu.memref_squeeze %dma_wait3A_404 : memref<1x64xi32, #tpu.memory_space<vmem>> -> memref<64xi32, #tpu.memory_space<vmem>>
        %dma_wait3A_406 = arith.constant 0 : i32
        %dma_wait3A_407 = arith.constant 0 : i32
        %dma_wait3A_408 = tpu.memref_slice %arg10[%dma_wait3A_406, %dma_wait3A_407] : memref<10112x128xf32, #tpu.memory_space<vmem_shared>> -> memref<10112x128xf32, #tpu.memory_space<vmem_shared>>
        tpu.wait_indirect_dma semaphore(%run_scoped3A_388 : memref<!tpu.dma_semaphore, #tpu.memory_space<semaphore_mem>>) src(%dma_wait3A_402 : memref<64x128xf32, #tpu.memory_space<vmem>>) dst(%dma_wait3A_408 : memref<10112x128xf32, #tpu.memory_space<vmem_shared>>)
        tpu.yield
      }) : () -> ()
      %add3A_363 = arith.constant 2 : i32
      %add3A_364 = arith.addi %add3A_352, %add3A_363 : i32
      %lt3A = arith.constant 40 : i32
      %lt3A_365 = arith.cmpi slt, %add3A_364, %lt3A : i32
      %convert_element_type3A = arith.extui %lt3A_365 : i1 to i32
      %cond3A = arith.constant 0 : i32
      %cond3A_366 = arith.cmpi ne, %convert_element_type3A, %cond3A : i32
      scf.if %cond3A_366 {
        %add3A_388 = arith.constant 2 : i32
        %add3A_389 = arith.addi %add3A_352, %add3A_388 : i32
        %dma_start3A_390 = arith.constant 0 : i32
        %dma_start3A_391 = arith.constant 0 : i32
        %dma_start3A_392 = arith.constant 0 : i32
        %dma_start3A_393 = tpu.memref_slice %arg9[%dma_start3A_390, %dma_start3A_391, %dma_start3A_392] : memref<2x64x128xf32, #tpu.memory_space<vmem>> -> memref<1x64x128xf32, #tpu.memory_space<vmem>>
        %dma_start3A_394 = tpu.memref_squeeze %dma_start3A_393 : memref<1x64x128xf32, #tpu.memory_space<vmem>> -> memref<64x128xf32, #tpu.memory_space<vmem>>
        %dma_start3A_395 = arith.constant 0 : i32
        %dma_start3A_396 = tpu.memref_slice %arg7[%add3A_389, %dma_start3A_395] : memref<40x64xi32, #tpu.memory_space<vmem>> -> memref<1x64xi32, #tpu.memory_space<vmem>>
        %dma_start3A_397 = tpu.memref_squeeze %dma_start3A_396 : memref<1x64xi32, #tpu.memory_space<vmem>> -> memref<64xi32, #tpu.memory_space<vmem>>
        %dma_start3A_398 = arith.constant 0 : i32
        %dma_start3A_399 = arith.constant 0 : i32
        %dma_start3A_400 = tpu.memref_slice %arg2[%dma_start3A_398, %dma_start3A_399] : memref<40960x128xf32, #tpu.memory_space<hbm>> -> memref<40960x128xf32, #tpu.memory_space<hbm>>
        tpu.enqueue_indirect_dma source(%dma_start3A_400 : memref<40960x128xf32, #tpu.memory_space<hbm>>) target(%dma_start3A_394 : memref<64x128xf32, #tpu.memory_space<vmem>>) offsets(%dma_start3A_397 : memref<64xi32, #tpu.memory_space<vmem>>) semaphore(%arg11 : memref<!tpu.dma_semaphore, #tpu.memory_space<semaphore_mem>>)
      } else {
      }
      %add3A_367 = arith.constant 1 : i32
      %add3A_368 = arith.addi %add3A_350, %add3A_367 : i32
      %dma_wait3A_369 = arith.constant 1 : i32
      %dma_wait3A_370 = arith.constant 0 : i32
      %dma_wait3A_371 = arith.constant 0 : i32
      %dma_wait3A_372 = tpu.memref_slice %arg9[%dma_wait3A_369, %dma_wait3A_370, %dma_wait3A_371] : memref<2x64x128xf32, #tpu.memory_space<vmem>> -> memref<1x64x128xf32, #tpu.memory_space<vmem>>
      %dma_wait3A_373 = tpu.memref_squeeze %dma_wait3A_372 : memref<1x64x128xf32, #tpu.memory_space<vmem>> -> memref<64x128xf32, #tpu.memory_space<vmem>>
      %dma_wait3A_374 = arith.constant 0 : i32
      %dma_wait3A_375 = tpu.memref_slice %arg7[%add3A_368, %dma_wait3A_374] : memref<40x64xi32, #tpu.memory_space<vmem>> -> memref<1x64xi32, #tpu.memory_space<vmem>>
      %dma_wait3A_376 = tpu.memref_squeeze %dma_wait3A_375 : memref<1x64xi32, #tpu.memory_space<vmem>> -> memref<64xi32, #tpu.memory_space<vmem>>
      %dma_wait3A_377 = arith.constant 0 : i32
      %dma_wait3A_378 = arith.constant 0 : i32
      %dma_wait3A_379 = tpu.memref_slice %arg2[%dma_wait3A_377, %dma_wait3A_378] : memref<40960x128xf32, #tpu.memory_space<hbm>> -> memref<40960x128xf32, #tpu.memory_space<hbm>>
      tpu.wait_indirect_dma semaphore(%arg12 : memref<!tpu.dma_semaphore, #tpu.memory_space<semaphore_mem>>) src(%dma_wait3A_379 : memref<40960x128xf32, #tpu.memory_space<hbm>>) dst(%dma_wait3A_373 : memref<64x128xf32, #tpu.memory_space<vmem>>)
      %run_scoped3A_380 = arith.constant 1 : i32
      "tpu.region"() ({
        %run_scoped3A_388 = tpu.sem_alloc : memref<!tpu.dma_semaphore, #tpu.memory_space<semaphore_mem>>
        %dma_start3A_389 = arith.constant 0 : i32
        %dma_start3A_390 = arith.constant 0 : i32
        %dma_start3A_391 = tpu.memref_slice %arg9[%run_scoped3A_380, %dma_start3A_389, %dma_start3A_390] : memref<2x64x128xf32, #tpu.memory_space<vmem>> -> memref<1x64x128xf32, #tpu.memory_space<vmem>>
        %dma_start3A_392 = tpu.memref_squeeze %dma_start3A_391 : memref<1x64x128xf32, #tpu.memory_space<vmem>> -> memref<64x128xf32, #tpu.memory_space<vmem>>
        %dma_start3A_393 = arith.constant 0 : i32
        %dma_start3A_394 = tpu.memref_slice %arg8[%add3A_368, %dma_start3A_393] : memref<40x64xi32, #tpu.memory_space<vmem>> -> memref<1x64xi32, #tpu.memory_space<vmem>>
        %dma_start3A_395 = tpu.memref_squeeze %dma_start3A_394 : memref<1x64xi32, #tpu.memory_space<vmem>> -> memref<64xi32, #tpu.memory_space<vmem>>
        %dma_start3A_396 = arith.constant 0 : i32
        %dma_start3A_397 = arith.constant 0 : i32
        %dma_start3A_398 = tpu.memref_slice %arg10[%dma_start3A_396, %dma_start3A_397] : memref<10112x128xf32, #tpu.memory_space<vmem_shared>> -> memref<10112x128xf32, #tpu.memory_space<vmem_shared>>
        tpu.enqueue_indirect_dma source(%dma_start3A_392 : memref<64x128xf32, #tpu.memory_space<vmem>>) target(%dma_start3A_398 : memref<10112x128xf32, #tpu.memory_space<vmem_shared>>) offsets(%dma_start3A_395 : memref<64xi32, #tpu.memory_space<vmem>>) semaphore(%run_scoped3A_388 : memref<!tpu.dma_semaphore, #tpu.memory_space<semaphore_mem>>) {add = true}
        %dma_wait3A_399 = arith.constant 0 : i32
        %dma_wait3A_400 = arith.constant 0 : i32
        %dma_wait3A_401 = tpu.memref_slice %arg9[%run_scoped3A_380, %dma_wait3A_399, %dma_wait3A_400] : memref<2x64x128xf32, #tpu.memory_space<vmem>> -> memref<1x64x128xf32, #tpu.memory_space<vmem>>
        %dma_wait3A_402 = tpu.memref_squeeze %dma_wait3A_401 : memref<1x64x128xf32, #tpu.memory_space<vmem>> -> memref<64x128xf32, #tpu.memory_space<vmem>>
        %dma_wait3A_403 = arith.constant 0 : i32
        %dma_wait3A_404 = tpu.memref_slice %arg8[%add3A_368, %dma_wait3A_403] : memref<40x64xi32, #tpu.memory_space<vmem>> -> memref<1x64xi32, #tpu.memory_space<vmem>>
        %dma_wait3A_405 = tpu.memref_squeeze %dma_wait3A_404 : memref<1x64xi32, #tpu.memory_space<vmem>> -> memref<64xi32, #tpu.memory_space<vmem>>
        %dma_wait3A_406 = arith.constant 0 : i32
        %dma_wait3A_407 = arith.constant 0 : i32
        %dma_wait3A_408 = tpu.memref_slice %arg10[%dma_wait3A_406, %dma_wait3A_407] : memref<10112x128xf32, #tpu.memory_space<vmem_shared>> -> memref<10112x128xf32, #tpu.memory_space<vmem_shared>>
        tpu.wait_indirect_dma semaphore(%run_scoped3A_388 : memref<!tpu.dma_semaphore, #tpu.memory_space<semaphore_mem>>) src(%dma_wait3A_402 : memref<64x128xf32, #tpu.memory_space<vmem>>) dst(%dma_wait3A_408 : memref<10112x128xf32, #tpu.memory_space<vmem_shared>>)
        tpu.yield
      }) : () -> ()
      %add3A_381 = arith.constant 2 : i32
      %add3A_382 = arith.addi %add3A_368, %add3A_381 : i32
      %lt3A_383 = arith.constant 40 : i32
      %lt3A_384 = arith.cmpi slt, %add3A_382, %lt3A_383 : i32
      %convert_element_type3A_385 = arith.extui %lt3A_384 : i1 to i32
      %cond3A_386 = arith.constant 0 : i32
      %cond3A_387 = arith.cmpi ne, %convert_element_type3A_385, %cond3A_386 : i32
      scf.if %cond3A_387 {
        %add3A_388 = arith.constant 2 : i32
        %add3A_389 = arith.addi %add3A_368, %add3A_388 : i32
        %dma_start3A_390 = arith.constant 1 : i32
        %dma_start3A_391 = arith.constant 0 : i32
        %dma_start3A_392 = arith.constant 0 : i32
        %dma_start3A_393 = tpu.memref_slice %arg9[%dma_start3A_390, %dma_start3A_391, %dma_start3A_392] : memref<2x64x128xf32, #tpu.memory_space<vmem>> -> memref<1x64x128xf32, #tpu.memory_space<vmem>>
        %dma_start3A_394 = tpu.memref_squeeze %dma_start3A_393 : memref<1x64x128xf32, #tpu.memory_space<vmem>> -> memref<64x128xf32, #tpu.memory_space<vmem>>
        %dma_start3A_395 = arith.constant 0 : i32
        %dma_start3A_396 = tpu.memref_slice %arg7[%add3A_389, %dma_start3A_395] : memref<40x64xi32, #tpu.memory_space<vmem>> -> memref<1x64xi32, #tpu.memory_space<vmem>>
        %dma_start3A_397 = tpu.memref_squeeze %dma_start3A_396 : memref<1x64xi32, #tpu.memory_space<vmem>> -> memref<64xi32, #tpu.memory_space<vmem>>
        %dma_start3A_398 = arith.constant 0 : i32
        %dma_start3A_399 = arith.constant 0 : i32
        %dma_start3A_400 = tpu.memref_slice %arg2[%dma_start3A_398, %dma_start3A_399] : memref<40960x128xf32, #tpu.memory_space<hbm>> -> memref<40960x128xf32, #tpu.memory_space<hbm>>
        tpu.enqueue_indirect_dma source(%dma_start3A_400 : memref<40960x128xf32, #tpu.memory_space<hbm>>) target(%dma_start3A_394 : memref<64x128xf32, #tpu.memory_space<vmem>>) offsets(%dma_start3A_397 : memref<64xi32, #tpu.memory_space<vmem>>) semaphore(%arg12 : memref<!tpu.dma_semaphore, #tpu.memory_space<semaphore_mem>>)
      } else {
      }
    }
    %scan3A_81 = arith.constant 20 : i32
    %mul3A_82 = arith.constant 2560 : i32
    %mul3A_83 = arith.muli %add3A_3, %mul3A_82 : i32
    %mul3A_84 = arith.constant 160 : i32
    %mul3A_85 = arith.muli %arg1, %mul3A_84 : i32
    %add3A_86 = arith.addi %mul3A_83, %mul3A_85 : i32
    %add3A_87 = arith.constant 80 : i32
    %add3A_88 = arith.addi %add3A_86, %add3A_87 : i32
    "tpu.region"() ({
      %run_scoped3A = tpu.sem_alloc : memref<!tpu.dma_semaphore, #tpu.memory_space<semaphore_mem>>
      %dma_start3A_346 = arith.constant 0 : i32
      %dma_start3A_347 = tpu.memref_slice %arg3[%add3A_88, %dma_start3A_346] : memref<10240x64xi32, #tpu.memory_space<hbm>> -> memref<40x64xi32, #tpu.memory_space<hbm>>
      %dma_start3A_348 = arith.constant 0 : i32
      %dma_start3A_349 = tpu.memref_slice %arg3[%add3A_88, %dma_start3A_348] : memref<10240x64xi32, #tpu.memory_space<hbm>> -> memref<40x64xi32, #tpu.memory_space<hbm>>
      tpu.enqueue_dma source(%dma_start3A_349 : memref<40x64xi32, #tpu.memory_space<hbm>>) target(%arg7 : memref<40x64xi32, #tpu.memory_space<vmem>>) target_semaphore(%run_scoped3A : memref<!tpu.dma_semaphore, #tpu.memory_space<semaphore_mem>>)
      %dma_wait3A = arith.constant 0 : i32
      %dma_wait3A_350 = tpu.memref_slice %arg3[%add3A_88, %dma_wait3A] : memref<10240x64xi32, #tpu.memory_space<hbm>> -> memref<40x64xi32, #tpu.memory_space<hbm>>
      %dma_wait3A_351 = arith.constant 0 : i32
      %dma_wait3A_352 = tpu.memref_slice %arg3[%add3A_88, %dma_wait3A_351] : memref<10240x64xi32, #tpu.memory_space<hbm>> -> memref<40x64xi32, #tpu.memory_space<hbm>>
      tpu.wait_dma2 semaphore(%run_scoped3A : memref<!tpu.dma_semaphore, #tpu.memory_space<semaphore_mem>>) src(%dma_wait3A_352 : memref<40x64xi32, #tpu.memory_space<hbm>>) dst(%arg7 : memref<40x64xi32, #tpu.memory_space<vmem>>)
      tpu.yield
    }) : () -> ()
    %mul3A_89 = arith.constant 160 : i32
    %mul3A_90 = arith.muli %arg1, %mul3A_89 : i32
    %add3A_91 = arith.constant 80 : i32
    %add3A_92 = arith.addi %mul3A_90, %add3A_91 : i32
    "tpu.region"() ({
      %run_scoped3A = tpu.sem_alloc : memref<!tpu.dma_semaphore, #tpu.memory_space<semaphore_mem>>
      %dma_start3A_346 = arith.constant 0 : i32
      %dma_start3A_347 = tpu.memref_slice %arg4[%add3A_92, %dma_start3A_346] : memref<2560x64xi32, #tpu.memory_space<hbm>> -> memref<40x64xi32, #tpu.memory_space<hbm>>
      %dma_start3A_348 = arith.constant 0 : i32
      %dma_start3A_349 = tpu.memref_slice %arg4[%add3A_92, %dma_start3A_348] : memref<2560x64xi32, #tpu.memory_space<hbm>> -> memref<40x64xi32, #tpu.memory_space<hbm>>
      tpu.enqueue_dma source(%dma_start3A_349 : memref<40x64xi32, #tpu.memory_space<hbm>>) target(%arg8 : memref<40x64xi32, #tpu.memory_space<vmem>>) target_semaphore(%run_scoped3A : memref<!tpu.dma_semaphore, #tpu.memory_space<semaphore_mem>>)
      %dma_wait3A = arith.constant 0 : i32
      %dma_wait3A_350 = tpu.memref_slice %arg4[%add3A_92, %dma_wait3A] : memref<2560x64xi32, #tpu.memory_space<hbm>> -> memref<40x64xi32, #tpu.memory_space<hbm>>
      %dma_wait3A_351 = arith.constant 0 : i32
      %dma_wait3A_352 = tpu.memref_slice %arg4[%add3A_92, %dma_wait3A_351] : memref<2560x64xi32, #tpu.memory_space<hbm>> -> memref<40x64xi32, #tpu.memory_space<hbm>>
      tpu.wait_dma2 semaphore(%run_scoped3A : memref<!tpu.dma_semaphore, #tpu.memory_space<semaphore_mem>>) src(%dma_wait3A_352 : memref<40x64xi32, #tpu.memory_space<hbm>>) dst(%arg8 : memref<40x64xi32, #tpu.memory_space<vmem>>)
      tpu.yield
    }) : () -> ()
    %dma_start3A_93 = arith.constant 0 : i32
    %dma_start3A_94 = arith.constant 0 : i32
    %dma_start3A_95 = arith.constant 0 : i32
    %dma_start3A_96 = arith.constant 0 : i32
    %dma_start3A_97 = tpu.memref_slice %arg9[%dma_start3A_94, %dma_start3A_95, %dma_start3A_96] : memref<2x64x128xf32, #tpu.memory_space<vmem>> -> memref<1x64x128xf32, #tpu.memory_space<vmem>>
    %dma_start3A_98 = tpu.memref_squeeze %dma_start3A_97 : memref<1x64x128xf32, #tpu.memory_space<vmem>> -> memref<64x128xf32, #tpu.memory_space<vmem>>
    %dma_start3A_99 = arith.constant 0 : i32
    %dma_start3A_100 = tpu.memref_slice %arg7[%dma_start3A_93, %dma_start3A_99] : memref<40x64xi32, #tpu.memory_space<vmem>> -> memref<1x64xi32, #tpu.memory_space<vmem>>
    %dma_start3A_101 = tpu.memref_squeeze %dma_start3A_100 : memref<1x64xi32, #tpu.memory_space<vmem>> -> memref<64xi32, #tpu.memory_space<vmem>>
    %dma_start3A_102 = arith.constant 0 : i32
    %dma_start3A_103 = arith.constant 0 : i32
    %dma_start3A_104 = tpu.memref_slice %arg2[%dma_start3A_102, %dma_start3A_103] : memref<40960x128xf32, #tpu.memory_space<hbm>> -> memref<40960x128xf32, #tpu.memory_space<hbm>>
    tpu.enqueue_indirect_dma source(%dma_start3A_104 : memref<40960x128xf32, #tpu.memory_space<hbm>>) target(%dma_start3A_98 : memref<64x128xf32, #tpu.memory_space<vmem>>) offsets(%dma_start3A_101 : memref<64xi32, #tpu.memory_space<vmem>>) semaphore(%arg11 : memref<!tpu.dma_semaphore, #tpu.memory_space<semaphore_mem>>)
    %dma_start3A_105 = arith.constant 1 : i32
    %dma_start3A_106 = arith.constant 1 : i32
    %dma_start3A_107 = arith.constant 0 : i32
    %dma_start3A_108 = arith.constant 0 : i32
    %dma_start3A_109 = tpu.memref_slice %arg9[%dma_start3A_106, %dma_start3A_107, %dma_start3A_108] : memref<2x64x128xf32, #tpu.memory_space<vmem>> -> memref<1x64x128xf32, #tpu.memory_space<vmem>>
    %dma_start3A_110 = tpu.memref_squeeze %dma_start3A_109 : memref<1x64x128xf32, #tpu.memory_space<vmem>> -> memref<64x128xf32, #tpu.memory_space<vmem>>
    %dma_start3A_111 = arith.constant 0 : i32
    %dma_start3A_112 = tpu.memref_slice %arg7[%dma_start3A_105, %dma_start3A_111] : memref<40x64xi32, #tpu.memory_space<vmem>> -> memref<1x64xi32, #tpu.memory_space<vmem>>
    %dma_start3A_113 = tpu.memref_squeeze %dma_start3A_112 : memref<1x64xi32, #tpu.memory_space<vmem>> -> memref<64xi32, #tpu.memory_space<vmem>>
    %dma_start3A_114 = arith.constant 0 : i32
    %dma_start3A_115 = arith.constant 0 : i32
    %dma_start3A_116 = tpu.memref_slice %arg2[%dma_start3A_114, %dma_start3A_115] : memref<40960x128xf32, #tpu.memory_space<hbm>> -> memref<40960x128xf32, #tpu.memory_space<hbm>>
    tpu.enqueue_indirect_dma source(%dma_start3A_116 : memref<40960x128xf32, #tpu.memory_space<hbm>>) target(%dma_start3A_110 : memref<64x128xf32, #tpu.memory_space<vmem>>) offsets(%dma_start3A_113 : memref<64xi32, #tpu.memory_space<vmem>>) semaphore(%arg12 : memref<!tpu.dma_semaphore, #tpu.memory_space<semaphore_mem>>)
    %scan3A_117 = arith.constant 0 : i32
    %scan3A_118 = arith.constant 20 : i32
    %scan3A_119 = arith.addi %scan3A_117, %scan3A_118 : i32
    %scan3A_120 = arith.constant 1 : i32
    scf.for %scan3A_346 = %scan3A_117 to %scan3A_119 step %scan3A_120  : i32 {
      %mul3A_347 = arith.constant 2 : i32
      %mul3A_348 = arith.muli %scan3A_346, %mul3A_347 : i32
      %add3A_349 = arith.constant 0 : i32
      %add3A_350 = arith.addi %add3A_349, %mul3A_348 : i32
      %add3A_351 = arith.constant 0 : i32
      %add3A_352 = arith.addi %add3A_350, %add3A_351 : i32
      %dma_wait3A = arith.constant 0 : i32
      %dma_wait3A_353 = arith.constant 0 : i32
      %dma_wait3A_354 = arith.constant 0 : i32
      %dma_wait3A_355 = tpu.memref_slice %arg9[%dma_wait3A, %dma_wait3A_353, %dma_wait3A_354] : memref<2x64x128xf32, #tpu.memory_space<vmem>> -> memref<1x64x128xf32, #tpu.memory_space<vmem>>
      %dma_wait3A_356 = tpu.memref_squeeze %dma_wait3A_355 : memref<1x64x128xf32, #tpu.memory_space<vmem>> -> memref<64x128xf32, #tpu.memory_space<vmem>>
      %dma_wait3A_357 = arith.constant 0 : i32
      %dma_wait3A_358 = tpu.memref_slice %arg7[%add3A_352, %dma_wait3A_357] : memref<40x64xi32, #tpu.memory_space<vmem>> -> memref<1x64xi32, #tpu.memory_space<vmem>>
      %dma_wait3A_359 = tpu.memref_squeeze %dma_wait3A_358 : memref<1x64xi32, #tpu.memory_space<vmem>> -> memref<64xi32, #tpu.memory_space<vmem>>
      %dma_wait3A_360 = arith.constant 0 : i32
      %dma_wait3A_361 = arith.constant 0 : i32
      %dma_wait3A_362 = tpu.memref_slice %arg2[%dma_wait3A_360, %dma_wait3A_361] : memref<40960x128xf32, #tpu.memory_space<hbm>> -> memref<40960x128xf32, #tpu.memory_space<hbm>>
      tpu.wait_indirect_dma semaphore(%arg11 : memref<!tpu.dma_semaphore, #tpu.memory_space<semaphore_mem>>) src(%dma_wait3A_362 : memref<40960x128xf32, #tpu.memory_space<hbm>>) dst(%dma_wait3A_356 : memref<64x128xf32, #tpu.memory_space<vmem>>)
      %run_scoped3A = arith.constant 0 : i32
      "tpu.region"() ({
        %run_scoped3A_388 = tpu.sem_alloc : memref<!tpu.dma_semaphore, #tpu.memory_space<semaphore_mem>>
        %dma_start3A_389 = arith.constant 0 : i32
        %dma_start3A_390 = arith.constant 0 : i32
        %dma_start3A_391 = tpu.memref_slice %arg9[%run_scoped3A, %dma_start3A_389, %dma_start3A_390] : memref<2x64x128xf32, #tpu.memory_space<vmem>> -> memref<1x64x128xf32, #tpu.memory_space<vmem>>
        %dma_start3A_392 = tpu.memref_squeeze %dma_start3A_391 : memref<1x64x128xf32, #tpu.memory_space<vmem>> -> memref<64x128xf32, #tpu.memory_space<vmem>>
        %dma_start3A_393 = arith.constant 0 : i32
        %dma_start3A_394 = tpu.memref_slice %arg8[%add3A_352, %dma_start3A_393] : memref<40x64xi32, #tpu.memory_space<vmem>> -> memref<1x64xi32, #tpu.memory_space<vmem>>
        %dma_start3A_395 = tpu.memref_squeeze %dma_start3A_394 : memref<1x64xi32, #tpu.memory_space<vmem>> -> memref<64xi32, #tpu.memory_space<vmem>>
        %dma_start3A_396 = arith.constant 0 : i32
        %dma_start3A_397 = arith.constant 0 : i32
        %dma_start3A_398 = tpu.memref_slice %arg10[%dma_start3A_396, %dma_start3A_397] : memref<10112x128xf32, #tpu.memory_space<vmem_shared>> -> memref<10112x128xf32, #tpu.memory_space<vmem_shared>>
        tpu.enqueue_indirect_dma source(%dma_start3A_392 : memref<64x128xf32, #tpu.memory_space<vmem>>) target(%dma_start3A_398 : memref<10112x128xf32, #tpu.memory_space<vmem_shared>>) offsets(%dma_start3A_395 : memref<64xi32, #tpu.memory_space<vmem>>) semaphore(%run_scoped3A_388 : memref<!tpu.dma_semaphore, #tpu.memory_space<semaphore_mem>>) {add = true}
        %dma_wait3A_399 = arith.constant 0 : i32
        %dma_wait3A_400 = arith.constant 0 : i32
        %dma_wait3A_401 = tpu.memref_slice %arg9[%run_scoped3A, %dma_wait3A_399, %dma_wait3A_400] : memref<2x64x128xf32, #tpu.memory_space<vmem>> -> memref<1x64x128xf32, #tpu.memory_space<vmem>>
        %dma_wait3A_402 = tpu.memref_squeeze %dma_wait3A_401 : memref<1x64x128xf32, #tpu.memory_space<vmem>> -> memref<64x128xf32, #tpu.memory_space<vmem>>
        %dma_wait3A_403 = arith.constant 0 : i32
        %dma_wait3A_404 = tpu.memref_slice %arg8[%add3A_352, %dma_wait3A_403] : memref<40x64xi32, #tpu.memory_space<vmem>> -> memref<1x64xi32, #tpu.memory_space<vmem>>
        %dma_wait3A_405 = tpu.memref_squeeze %dma_wait3A_404 : memref<1x64xi32, #tpu.memory_space<vmem>> -> memref<64xi32, #tpu.memory_space<vmem>>
        %dma_wait3A_406 = arith.constant 0 : i32
        %dma_wait3A_407 = arith.constant 0 : i32
        %dma_wait3A_408 = tpu.memref_slice %arg10[%dma_wait3A_406, %dma_wait3A_407] : memref<10112x128xf32, #tpu.memory_space<vmem_shared>> -> memref<10112x128xf32, #tpu.memory_space<vmem_shared>>
        tpu.wait_indirect_dma semaphore(%run_scoped3A_388 : memref<!tpu.dma_semaphore, #tpu.memory_space<semaphore_mem>>) src(%dma_wait3A_402 : memref<64x128xf32, #tpu.memory_space<vmem>>) dst(%dma_wait3A_408 : memref<10112x128xf32, #tpu.memory_space<vmem_shared>>)
        tpu.yield
      }) : () -> ()
      %add3A_363 = arith.constant 2 : i32
      %add3A_364 = arith.addi %add3A_352, %add3A_363 : i32
      %lt3A = arith.constant 40 : i32
      %lt3A_365 = arith.cmpi slt, %add3A_364, %lt3A : i32
      %convert_element_type3A = arith.extui %lt3A_365 : i1 to i32
      %cond3A = arith.constant 0 : i32
      %cond3A_366 = arith.cmpi ne, %convert_element_type3A, %cond3A : i32
      scf.if %cond3A_366 {
        %add3A_388 = arith.constant 2 : i32
        %add3A_389 = arith.addi %add3A_352, %add3A_388 : i32
        %dma_start3A_390 = arith.constant 0 : i32
        %dma_start3A_391 = arith.constant 0 : i32
        %dma_start3A_392 = arith.constant 0 : i32
        %dma_start3A_393 = tpu.memref_slice %arg9[%dma_start3A_390, %dma_start3A_391, %dma_start3A_392] : memref<2x64x128xf32, #tpu.memory_space<vmem>> -> memref<1x64x128xf32, #tpu.memory_space<vmem>>
        %dma_start3A_394 = tpu.memref_squeeze %dma_start3A_393 : memref<1x64x128xf32, #tpu.memory_space<vmem>> -> memref<64x128xf32, #tpu.memory_space<vmem>>
        %dma_start3A_395 = arith.constant 0 : i32
        %dma_start3A_396 = tpu.memref_slice %arg7[%add3A_389, %dma_start3A_395] : memref<40x64xi32, #tpu.memory_space<vmem>> -> memref<1x64xi32, #tpu.memory_space<vmem>>
        %dma_start3A_397 = tpu.memref_squeeze %dma_start3A_396 : memref<1x64xi32, #tpu.memory_space<vmem>> -> memref<64xi32, #tpu.memory_space<vmem>>
        %dma_start3A_398 = arith.constant 0 : i32
        %dma_start3A_399 = arith.constant 0 : i32
        %dma_start3A_400 = tpu.memref_slice %arg2[%dma_start3A_398, %dma_start3A_399] : memref<40960x128xf32, #tpu.memory_space<hbm>> -> memref<40960x128xf32, #tpu.memory_space<hbm>>
        tpu.enqueue_indirect_dma source(%dma_start3A_400 : memref<40960x128xf32, #tpu.memory_space<hbm>>) target(%dma_start3A_394 : memref<64x128xf32, #tpu.memory_space<vmem>>) offsets(%dma_start3A_397 : memref<64xi32, #tpu.memory_space<vmem>>) semaphore(%arg11 : memref<!tpu.dma_semaphore, #tpu.memory_space<semaphore_mem>>)
      } else {
      }
      %add3A_367 = arith.constant 1 : i32
      %add3A_368 = arith.addi %add3A_350, %add3A_367 : i32
      %dma_wait3A_369 = arith.constant 1 : i32
      %dma_wait3A_370 = arith.constant 0 : i32
      %dma_wait3A_371 = arith.constant 0 : i32
      %dma_wait3A_372 = tpu.memref_slice %arg9[%dma_wait3A_369, %dma_wait3A_370, %dma_wait3A_371] : memref<2x64x128xf32, #tpu.memory_space<vmem>> -> memref<1x64x128xf32, #tpu.memory_space<vmem>>
      %dma_wait3A_373 = tpu.memref_squeeze %dma_wait3A_372 : memref<1x64x128xf32, #tpu.memory_space<vmem>> -> memref<64x128xf32, #tpu.memory_space<vmem>>
      %dma_wait3A_374 = arith.constant 0 : i32
      %dma_wait3A_375 = tpu.memref_slice %arg7[%add3A_368, %dma_wait3A_374] : memref<40x64xi32, #tpu.memory_space<vmem>> -> memref<1x64xi32, #tpu.memory_space<vmem>>
      %dma_wait3A_376 = tpu.memref_squeeze %dma_wait3A_375 : memref<1x64xi32, #tpu.memory_space<vmem>> -> memref<64xi32, #tpu.memory_space<vmem>>
      %dma_wait3A_377 = arith.constant 0 : i32
      %dma_wait3A_378 = arith.constant 0 : i32
      %dma_wait3A_379 = tpu.memref_slice %arg2[%dma_wait3A_377, %dma_wait3A_378] : memref<40960x128xf32, #tpu.memory_space<hbm>> -> memref<40960x128xf32, #tpu.memory_space<hbm>>
      tpu.wait_indirect_dma semaphore(%arg12 : memref<!tpu.dma_semaphore, #tpu.memory_space<semaphore_mem>>) src(%dma_wait3A_379 : memref<40960x128xf32, #tpu.memory_space<hbm>>) dst(%dma_wait3A_373 : memref<64x128xf32, #tpu.memory_space<vmem>>)
      %run_scoped3A_380 = arith.constant 1 : i32
      "tpu.region"() ({
        %run_scoped3A_388 = tpu.sem_alloc : memref<!tpu.dma_semaphore, #tpu.memory_space<semaphore_mem>>
        %dma_start3A_389 = arith.constant 0 : i32
        %dma_start3A_390 = arith.constant 0 : i32
        %dma_start3A_391 = tpu.memref_slice %arg9[%run_scoped3A_380, %dma_start3A_389, %dma_start3A_390] : memref<2x64x128xf32, #tpu.memory_space<vmem>> -> memref<1x64x128xf32, #tpu.memory_space<vmem>>
        %dma_start3A_392 = tpu.memref_squeeze %dma_start3A_391 : memref<1x64x128xf32, #tpu.memory_space<vmem>> -> memref<64x128xf32, #tpu.memory_space<vmem>>
        %dma_start3A_393 = arith.constant 0 : i32
        %dma_start3A_394 = tpu.memref_slice %arg8[%add3A_368, %dma_start3A_393] : memref<40x64xi32, #tpu.memory_space<vmem>> -> memref<1x64xi32, #tpu.memory_space<vmem>>
        %dma_start3A_395 = tpu.memref_squeeze %dma_start3A_394 : memref<1x64xi32, #tpu.memory_space<vmem>> -> memref<64xi32, #tpu.memory_space<vmem>>
        %dma_start3A_396 = arith.constant 0 : i32
        %dma_start3A_397 = arith.constant 0 : i32
        %dma_start3A_398 = tpu.memref_slice %arg10[%dma_start3A_396, %dma_start3A_397] : memref<10112x128xf32, #tpu.memory_space<vmem_shared>> -> memref<10112x128xf32, #tpu.memory_space<vmem_shared>>
        tpu.enqueue_indirect_dma source(%dma_start3A_392 : memref<64x128xf32, #tpu.memory_space<vmem>>) target(%dma_start3A_398 : memref<10112x128xf32, #tpu.memory_space<vmem_shared>>) offsets(%dma_start3A_395 : memref<64xi32, #tpu.memory_space<vmem>>) semaphore(%run_scoped3A_388 : memref<!tpu.dma_semaphore, #tpu.memory_space<semaphore_mem>>) {add = true}
        %dma_wait3A_399 = arith.constant 0 : i32
        %dma_wait3A_400 = arith.constant 0 : i32
        %dma_wait3A_401 = tpu.memref_slice %arg9[%run_scoped3A_380, %dma_wait3A_399, %dma_wait3A_400] : memref<2x64x128xf32, #tpu.memory_space<vmem>> -> memref<1x64x128xf32, #tpu.memory_space<vmem>>
        %dma_wait3A_402 = tpu.memref_squeeze %dma_wait3A_401 : memref<1x64x128xf32, #tpu.memory_space<vmem>> -> memref<64x128xf32, #tpu.memory_space<vmem>>
        %dma_wait3A_403 = arith.constant 0 : i32
        %dma_wait3A_404 = tpu.memref_slice %arg8[%add3A_368, %dma_wait3A_403] : memref<40x64xi32, #tpu.memory_space<vmem>> -> memref<1x64xi32, #tpu.memory_space<vmem>>
        %dma_wait3A_405 = tpu.memref_squeeze %dma_wait3A_404 : memref<1x64xi32, #tpu.memory_space<vmem>> -> memref<64xi32, #tpu.memory_space<vmem>>
        %dma_wait3A_406 = arith.constant 0 : i32
        %dma_wait3A_407 = arith.constant 0 : i32
        %dma_wait3A_408 = tpu.memref_slice %arg10[%dma_wait3A_406, %dma_wait3A_407] : memref<10112x128xf32, #tpu.memory_space<vmem_shared>> -> memref<10112x128xf32, #tpu.memory_space<vmem_shared>>
        tpu.wait_indirect_dma semaphore(%run_scoped3A_388 : memref<!tpu.dma_semaphore, #tpu.memory_space<semaphore_mem>>) src(%dma_wait3A_402 : memref<64x128xf32, #tpu.memory_space<vmem>>) dst(%dma_wait3A_408 : memref<10112x128xf32, #tpu.memory_space<vmem_shared>>)
        tpu.yield
      }) : () -> ()
      %add3A_381 = arith.constant 2 : i32
      %add3A_382 = arith.addi %add3A_368, %add3A_381 : i32
      %lt3A_383 = arith.constant 40 : i32
      %lt3A_384 = arith.cmpi slt, %add3A_382, %lt3A_383 : i32
      %convert_element_type3A_385 = arith.extui %lt3A_384 : i1 to i32
      %cond3A_386 = arith.constant 0 : i32
      %cond3A_387 = arith.cmpi ne, %convert_element_type3A_385, %cond3A_386 : i32
      scf.if %cond3A_387 {
        %add3A_388 = arith.constant 2 : i32
        %add3A_389 = arith.addi %add3A_368, %add3A_388 : i32
        %dma_start3A_390 = arith.constant 1 : i32
        %dma_start3A_391 = arith.constant 0 : i32
        %dma_start3A_392 = arith.constant 0 : i32
        %dma_start3A_393 = tpu.memref_slice %arg9[%dma_start3A_390, %dma_start3A_391, %dma_start3A_392] : memref<2x64x128xf32, #tpu.memory_space<vmem>> -> memref<1x64x128xf32, #tpu.memory_space<vmem>>
        %dma_start3A_394 = tpu.memref_squeeze %dma_start3A_393 : memref<1x64x128xf32, #tpu.memory_space<vmem>> -> memref<64x128xf32, #tpu.memory_space<vmem>>
        %dma_start3A_395 = arith.constant 0 : i32
        %dma_start3A_396 = tpu.memref_slice %arg7[%add3A_389, %dma_start3A_395] : memref<40x64xi32, #tpu.memory_space<vmem>> -> memref<1x64xi32, #tpu.memory_space<vmem>>
        %dma_start3A_397 = tpu.memref_squeeze %dma_start3A_396 : memref<1x64xi32, #tpu.memory_space<vmem>> -> memref<64xi32, #tpu.memory_space<vmem>>
        %dma_start3A_398 = arith.constant 0 : i32
        %dma_start3A_399 = arith.constant 0 : i32
        %dma_start3A_400 = tpu.memref_slice %arg2[%dma_start3A_398, %dma_start3A_399] : memref<40960x128xf32, #tpu.memory_space<hbm>> -> memref<40960x128xf32, #tpu.memory_space<hbm>>
        tpu.enqueue_indirect_dma source(%dma_start3A_400 : memref<40960x128xf32, #tpu.memory_space<hbm>>) target(%dma_start3A_394 : memref<64x128xf32, #tpu.memory_space<vmem>>) offsets(%dma_start3A_397 : memref<64xi32, #tpu.memory_space<vmem>>) semaphore(%arg12 : memref<!tpu.dma_semaphore, #tpu.memory_space<semaphore_mem>>)
      } else {
      }
    }
    %scan3A_121 = arith.constant 20 : i32
    %mul3A_122 = arith.constant 2560 : i32
    %mul3A_123 = arith.muli %add3A_3, %mul3A_122 : i32
    %mul3A_124 = arith.constant 160 : i32
    %mul3A_125 = arith.muli %arg1, %mul3A_124 : i32
    %add3A_126 = arith.addi %mul3A_123, %mul3A_125 : i32
    %add3A_127 = arith.constant 120 : i32
    %add3A_128 = arith.addi %add3A_126, %add3A_127 : i32
    "tpu.region"() ({
      %run_scoped3A = tpu.sem_alloc : memref<!tpu.dma_semaphore, #tpu.memory_space<semaphore_mem>>
      %dma_start3A_346 = arith.constant 0 : i32
      %dma_start3A_347 = tpu.memref_slice %arg3[%add3A_128, %dma_start3A_346] : memref<10240x64xi32, #tpu.memory_space<hbm>> -> memref<40x64xi32, #tpu.memory_space<hbm>>
      %dma_start3A_348 = arith.constant 0 : i32
      %dma_start3A_349 = tpu.memref_slice %arg3[%add3A_128, %dma_start3A_348] : memref<10240x64xi32, #tpu.memory_space<hbm>> -> memref<40x64xi32, #tpu.memory_space<hbm>>
      tpu.enqueue_dma source(%dma_start3A_349 : memref<40x64xi32, #tpu.memory_space<hbm>>) target(%arg7 : memref<40x64xi32, #tpu.memory_space<vmem>>) target_semaphore(%run_scoped3A : memref<!tpu.dma_semaphore, #tpu.memory_space<semaphore_mem>>)
      %dma_wait3A = arith.constant 0 : i32
      %dma_wait3A_350 = tpu.memref_slice %arg3[%add3A_128, %dma_wait3A] : memref<10240x64xi32, #tpu.memory_space<hbm>> -> memref<40x64xi32, #tpu.memory_space<hbm>>
      %dma_wait3A_351 = arith.constant 0 : i32
      %dma_wait3A_352 = tpu.memref_slice %arg3[%add3A_128, %dma_wait3A_351] : memref<10240x64xi32, #tpu.memory_space<hbm>> -> memref<40x64xi32, #tpu.memory_space<hbm>>
      tpu.wait_dma2 semaphore(%run_scoped3A : memref<!tpu.dma_semaphore, #tpu.memory_space<semaphore_mem>>) src(%dma_wait3A_352 : memref<40x64xi32, #tpu.memory_space<hbm>>) dst(%arg7 : memref<40x64xi32, #tpu.memory_space<vmem>>)
      tpu.yield
    }) : () -> ()
    %mul3A_129 = arith.constant 160 : i32
    %mul3A_130 = arith.muli %arg1, %mul3A_129 : i32
    %add3A_131 = arith.constant 120 : i32
    %add3A_132 = arith.addi %mul3A_130, %add3A_131 : i32
    "tpu.region"() ({
      %run_scoped3A = tpu.sem_alloc : memref<!tpu.dma_semaphore, #tpu.memory_space<semaphore_mem>>
      %dma_start3A_346 = arith.constant 0 : i32
      %dma_start3A_347 = tpu.memref_slice %arg4[%add3A_132, %dma_start3A_346] : memref<2560x64xi32, #tpu.memory_space<hbm>> -> memref<40x64xi32, #tpu.memory_space<hbm>>
      %dma_start3A_348 = arith.constant 0 : i32
      %dma_start3A_349 = tpu.memref_slice %arg4[%add3A_132, %dma_start3A_348] : memref<2560x64xi32, #tpu.memory_space<hbm>> -> memref<40x64xi32, #tpu.memory_space<hbm>>
      tpu.enqueue_dma source(%dma_start3A_349 : memref<40x64xi32, #tpu.memory_space<hbm>>) target(%arg8 : memref<40x64xi32, #tpu.memory_space<vmem>>) target_semaphore(%run_scoped3A : memref<!tpu.dma_semaphore, #tpu.memory_space<semaphore_mem>>)
      %dma_wait3A = arith.constant 0 : i32
      %dma_wait3A_350 = tpu.memref_slice %arg4[%add3A_132, %dma_wait3A] : memref<2560x64xi32, #tpu.memory_space<hbm>> -> memref<40x64xi32, #tpu.memory_space<hbm>>
      %dma_wait3A_351 = arith.constant 0 : i32
      %dma_wait3A_352 = tpu.memref_slice %arg4[%add3A_132, %dma_wait3A_351] : memref<2560x64xi32, #tpu.memory_space<hbm>> -> memref<40x64xi32, #tpu.memory_space<hbm>>
      tpu.wait_dma2 semaphore(%run_scoped3A : memref<!tpu.dma_semaphore, #tpu.memory_space<semaphore_mem>>) src(%dma_wait3A_352 : memref<40x64xi32, #tpu.memory_space<hbm>>) dst(%arg8 : memref<40x64xi32, #tpu.memory_space<vmem>>)
      tpu.yield
    }) : () -> ()
    %dma_start3A_133 = arith.constant 0 : i32
    %dma_start3A_134 = arith.constant 0 : i32
    %dma_start3A_135 = arith.constant 0 : i32
    %dma_start3A_136 = arith.constant 0 : i32
    %dma_start3A_137 = tpu.memref_slice %arg9[%dma_start3A_134, %dma_start3A_135, %dma_start3A_136] : memref<2x64x128xf32, #tpu.memory_space<vmem>> -> memref<1x64x128xf32, #tpu.memory_space<vmem>>
    %dma_start3A_138 = tpu.memref_squeeze %dma_start3A_137 : memref<1x64x128xf32, #tpu.memory_space<vmem>> -> memref<64x128xf32, #tpu.memory_space<vmem>>
    %dma_start3A_139 = arith.constant 0 : i32
    %dma_start3A_140 = tpu.memref_slice %arg7[%dma_start3A_133, %dma_start3A_139] : memref<40x64xi32, #tpu.memory_space<vmem>> -> memref<1x64xi32, #tpu.memory_space<vmem>>
    %dma_start3A_141 = tpu.memref_squeeze %dma_start3A_140 : memref<1x64xi32, #tpu.memory_space<vmem>> -> memref<64xi32, #tpu.memory_space<vmem>>
    %dma_start3A_142 = arith.constant 0 : i32
    %dma_start3A_143 = arith.constant 0 : i32
    %dma_start3A_144 = tpu.memref_slice %arg2[%dma_start3A_142, %dma_start3A_143] : memref<40960x128xf32, #tpu.memory_space<hbm>> -> memref<40960x128xf32, #tpu.memory_space<hbm>>
    tpu.enqueue_indirect_dma source(%dma_start3A_144 : memref<40960x128xf32, #tpu.memory_space<hbm>>) target(%dma_start3A_138 : memref<64x128xf32, #tpu.memory_space<vmem>>) offsets(%dma_start3A_141 : memref<64xi32, #tpu.memory_space<vmem>>) semaphore(%arg11 : memref<!tpu.dma_semaphore, #tpu.memory_space<semaphore_mem>>)
    %dma_start3A_145 = arith.constant 1 : i32
    %dma_start3A_146 = arith.constant 1 : i32
    %dma_start3A_147 = arith.constant 0 : i32
    %dma_start3A_148 = arith.constant 0 : i32
    %dma_start3A_149 = tpu.memref_slice %arg9[%dma_start3A_146, %dma_start3A_147, %dma_start3A_148] : memref<2x64x128xf32, #tpu.memory_space<vmem>> -> memref<1x64x128xf32, #tpu.memory_space<vmem>>
    %dma_start3A_150 = tpu.memref_squeeze %dma_start3A_149 : memref<1x64x128xf32, #tpu.memory_space<vmem>> -> memref<64x128xf32, #tpu.memory_space<vmem>>
    %dma_start3A_151 = arith.constant 0 : i32
    %dma_start3A_152 = tpu.memref_slice %arg7[%dma_start3A_145, %dma_start3A_151] : memref<40x64xi32, #tpu.memory_space<vmem>> -> memref<1x64xi32, #tpu.memory_space<vmem>>
    %dma_start3A_153 = tpu.memref_squeeze %dma_start3A_152 : memref<1x64xi32, #tpu.memory_space<vmem>> -> memref<64xi32, #tpu.memory_space<vmem>>
    %dma_start3A_154 = arith.constant 0 : i32
    %dma_start3A_155 = arith.constant 0 : i32
    %dma_start3A_156 = tpu.memref_slice %arg2[%dma_start3A_154, %dma_start3A_155] : memref<40960x128xf32, #tpu.memory_space<hbm>> -> memref<40960x128xf32, #tpu.memory_space<hbm>>
    tpu.enqueue_indirect_dma source(%dma_start3A_156 : memref<40960x128xf32, #tpu.memory_space<hbm>>) target(%dma_start3A_150 : memref<64x128xf32, #tpu.memory_space<vmem>>) offsets(%dma_start3A_153 : memref<64xi32, #tpu.memory_space<vmem>>) semaphore(%arg12 : memref<!tpu.dma_semaphore, #tpu.memory_space<semaphore_mem>>)
    %scan3A_157 = arith.constant 0 : i32
    %scan3A_158 = arith.constant 20 : i32
    %scan3A_159 = arith.addi %scan3A_157, %scan3A_158 : i32
    %scan3A_160 = arith.constant 1 : i32
    scf.for %scan3A_346 = %scan3A_157 to %scan3A_159 step %scan3A_160  : i32 {
      %mul3A_347 = arith.constant 2 : i32
      %mul3A_348 = arith.muli %scan3A_346, %mul3A_347 : i32
      %add3A_349 = arith.constant 0 : i32
      %add3A_350 = arith.addi %add3A_349, %mul3A_348 : i32
      %add3A_351 = arith.constant 0 : i32
      %add3A_352 = arith.addi %add3A_350, %add3A_351 : i32
      %dma_wait3A = arith.constant 0 : i32
      %dma_wait3A_353 = arith.constant 0 : i32
      %dma_wait3A_354 = arith.constant 0 : i32
      %dma_wait3A_355 = tpu.memref_slice %arg9[%dma_wait3A, %dma_wait3A_353, %dma_wait3A_354] : memref<2x64x128xf32, #tpu.memory_space<vmem>> -> memref<1x64x128xf32, #tpu.memory_space<vmem>>
      %dma_wait3A_356 = tpu.memref_squeeze %dma_wait3A_355 : memref<1x64x128xf32, #tpu.memory_space<vmem>> -> memref<64x128xf32, #tpu.memory_space<vmem>>
      %dma_wait3A_357 = arith.constant 0 : i32
      %dma_wait3A_358 = tpu.memref_slice %arg7[%add3A_352, %dma_wait3A_357] : memref<40x64xi32, #tpu.memory_space<vmem>> -> memref<1x64xi32, #tpu.memory_space<vmem>>
      %dma_wait3A_359 = tpu.memref_squeeze %dma_wait3A_358 : memref<1x64xi32, #tpu.memory_space<vmem>> -> memref<64xi32, #tpu.memory_space<vmem>>
      %dma_wait3A_360 = arith.constant 0 : i32
      %dma_wait3A_361 = arith.constant 0 : i32
      %dma_wait3A_362 = tpu.memref_slice %arg2[%dma_wait3A_360, %dma_wait3A_361] : memref<40960x128xf32, #tpu.memory_space<hbm>> -> memref<40960x128xf32, #tpu.memory_space<hbm>>
      tpu.wait_indirect_dma semaphore(%arg11 : memref<!tpu.dma_semaphore, #tpu.memory_space<semaphore_mem>>) src(%dma_wait3A_362 : memref<40960x128xf32, #tpu.memory_space<hbm>>) dst(%dma_wait3A_356 : memref<64x128xf32, #tpu.memory_space<vmem>>)
      %run_scoped3A = arith.constant 0 : i32
      "tpu.region"() ({
        %run_scoped3A_388 = tpu.sem_alloc : memref<!tpu.dma_semaphore, #tpu.memory_space<semaphore_mem>>
        %dma_start3A_389 = arith.constant 0 : i32
        %dma_start3A_390 = arith.constant 0 : i32
        %dma_start3A_391 = tpu.memref_slice %arg9[%run_scoped3A, %dma_start3A_389, %dma_start3A_390] : memref<2x64x128xf32, #tpu.memory_space<vmem>> -> memref<1x64x128xf32, #tpu.memory_space<vmem>>
        %dma_start3A_392 = tpu.memref_squeeze %dma_start3A_391 : memref<1x64x128xf32, #tpu.memory_space<vmem>> -> memref<64x128xf32, #tpu.memory_space<vmem>>
        %dma_start3A_393 = arith.constant 0 : i32
        %dma_start3A_394 = tpu.memref_slice %arg8[%add3A_352, %dma_start3A_393] : memref<40x64xi32, #tpu.memory_space<vmem>> -> memref<1x64xi32, #tpu.memory_space<vmem>>
        %dma_start3A_395 = tpu.memref_squeeze %dma_start3A_394 : memref<1x64xi32, #tpu.memory_space<vmem>> -> memref<64xi32, #tpu.memory_space<vmem>>
        %dma_start3A_396 = arith.constant 0 : i32
        %dma_start3A_397 = arith.constant 0 : i32
        %dma_start3A_398 = tpu.memref_slice %arg10[%dma_start3A_396, %dma_start3A_397] : memref<10112x128xf32, #tpu.memory_space<vmem_shared>> -> memref<10112x128xf32, #tpu.memory_space<vmem_shared>>
        tpu.enqueue_indirect_dma source(%dma_start3A_392 : memref<64x128xf32, #tpu.memory_space<vmem>>) target(%dma_start3A_398 : memref<10112x128xf32, #tpu.memory_space<vmem_shared>>) offsets(%dma_start3A_395 : memref<64xi32, #tpu.memory_space<vmem>>) semaphore(%run_scoped3A_388 : memref<!tpu.dma_semaphore, #tpu.memory_space<semaphore_mem>>) {add = true}
        %dma_wait3A_399 = arith.constant 0 : i32
        %dma_wait3A_400 = arith.constant 0 : i32
        %dma_wait3A_401 = tpu.memref_slice %arg9[%run_scoped3A, %dma_wait3A_399, %dma_wait3A_400] : memref<2x64x128xf32, #tpu.memory_space<vmem>> -> memref<1x64x128xf32, #tpu.memory_space<vmem>>
        %dma_wait3A_402 = tpu.memref_squeeze %dma_wait3A_401 : memref<1x64x128xf32, #tpu.memory_space<vmem>> -> memref<64x128xf32, #tpu.memory_space<vmem>>
        %dma_wait3A_403 = arith.constant 0 : i32
        %dma_wait3A_404 = tpu.memref_slice %arg8[%add3A_352, %dma_wait3A_403] : memref<40x64xi32, #tpu.memory_space<vmem>> -> memref<1x64xi32, #tpu.memory_space<vmem>>
        %dma_wait3A_405 = tpu.memref_squeeze %dma_wait3A_404 : memref<1x64xi32, #tpu.memory_space<vmem>> -> memref<64xi32, #tpu.memory_space<vmem>>
        %dma_wait3A_406 = arith.constant 0 : i32
        %dma_wait3A_407 = arith.constant 0 : i32
        %dma_wait3A_408 = tpu.memref_slice %arg10[%dma_wait3A_406, %dma_wait3A_407] : memref<10112x128xf32, #tpu.memory_space<vmem_shared>> -> memref<10112x128xf32, #tpu.memory_space<vmem_shared>>
        tpu.wait_indirect_dma semaphore(%run_scoped3A_388 : memref<!tpu.dma_semaphore, #tpu.memory_space<semaphore_mem>>) src(%dma_wait3A_402 : memref<64x128xf32, #tpu.memory_space<vmem>>) dst(%dma_wait3A_408 : memref<10112x128xf32, #tpu.memory_space<vmem_shared>>)
        tpu.yield
      }) : () -> ()
      %add3A_363 = arith.constant 2 : i32
      %add3A_364 = arith.addi %add3A_352, %add3A_363 : i32
      %lt3A = arith.constant 40 : i32
      %lt3A_365 = arith.cmpi slt, %add3A_364, %lt3A : i32
      %convert_element_type3A = arith.extui %lt3A_365 : i1 to i32
      %cond3A = arith.constant 0 : i32
      %cond3A_366 = arith.cmpi ne, %convert_element_type3A, %cond3A : i32
      scf.if %cond3A_366 {
        %add3A_388 = arith.constant 2 : i32
        %add3A_389 = arith.addi %add3A_352, %add3A_388 : i32
        %dma_start3A_390 = arith.constant 0 : i32
        %dma_start3A_391 = arith.constant 0 : i32
        %dma_start3A_392 = arith.constant 0 : i32
        %dma_start3A_393 = tpu.memref_slice %arg9[%dma_start3A_390, %dma_start3A_391, %dma_start3A_392] : memref<2x64x128xf32, #tpu.memory_space<vmem>> -> memref<1x64x128xf32, #tpu.memory_space<vmem>>
        %dma_start3A_394 = tpu.memref_squeeze %dma_start3A_393 : memref<1x64x128xf32, #tpu.memory_space<vmem>> -> memref<64x128xf32, #tpu.memory_space<vmem>>
        %dma_start3A_395 = arith.constant 0 : i32
        %dma_start3A_396 = tpu.memref_slice %arg7[%add3A_389, %dma_start3A_395] : memref<40x64xi32, #tpu.memory_space<vmem>> -> memref<1x64xi32, #tpu.memory_space<vmem>>
        %dma_start3A_397 = tpu.memref_squeeze %dma_start3A_396 : memref<1x64xi32, #tpu.memory_space<vmem>> -> memref<64xi32, #tpu.memory_space<vmem>>
        %dma_start3A_398 = arith.constant 0 : i32
        %dma_start3A_399 = arith.constant 0 : i32
        %dma_start3A_400 = tpu.memref_slice %arg2[%dma_start3A_398, %dma_start3A_399] : memref<40960x128xf32, #tpu.memory_space<hbm>> -> memref<40960x128xf32, #tpu.memory_space<hbm>>
        tpu.enqueue_indirect_dma source(%dma_start3A_400 : memref<40960x128xf32, #tpu.memory_space<hbm>>) target(%dma_start3A_394 : memref<64x128xf32, #tpu.memory_space<vmem>>) offsets(%dma_start3A_397 : memref<64xi32, #tpu.memory_space<vmem>>) semaphore(%arg11 : memref<!tpu.dma_semaphore, #tpu.memory_space<semaphore_mem>>)
      } else {
      }
      %add3A_367 = arith.constant 1 : i32
      %add3A_368 = arith.addi %add3A_350, %add3A_367 : i32
      %dma_wait3A_369 = arith.constant 1 : i32
      %dma_wait3A_370 = arith.constant 0 : i32
      %dma_wait3A_371 = arith.constant 0 : i32
      %dma_wait3A_372 = tpu.memref_slice %arg9[%dma_wait3A_369, %dma_wait3A_370, %dma_wait3A_371] : memref<2x64x128xf32, #tpu.memory_space<vmem>> -> memref<1x64x128xf32, #tpu.memory_space<vmem>>
      %dma_wait3A_373 = tpu.memref_squeeze %dma_wait3A_372 : memref<1x64x128xf32, #tpu.memory_space<vmem>> -> memref<64x128xf32, #tpu.memory_space<vmem>>
      %dma_wait3A_374 = arith.constant 0 : i32
      %dma_wait3A_375 = tpu.memref_slice %arg7[%add3A_368, %dma_wait3A_374] : memref<40x64xi32, #tpu.memory_space<vmem>> -> memref<1x64xi32, #tpu.memory_space<vmem>>
      %dma_wait3A_376 = tpu.memref_squeeze %dma_wait3A_375 : memref<1x64xi32, #tpu.memory_space<vmem>> -> memref<64xi32, #tpu.memory_space<vmem>>
      %dma_wait3A_377 = arith.constant 0 : i32
      %dma_wait3A_378 = arith.constant 0 : i32
      %dma_wait3A_379 = tpu.memref_slice %arg2[%dma_wait3A_377, %dma_wait3A_378] : memref<40960x128xf32, #tpu.memory_space<hbm>> -> memref<40960x128xf32, #tpu.memory_space<hbm>>
      tpu.wait_indirect_dma semaphore(%arg12 : memref<!tpu.dma_semaphore, #tpu.memory_space<semaphore_mem>>) src(%dma_wait3A_379 : memref<40960x128xf32, #tpu.memory_space<hbm>>) dst(%dma_wait3A_373 : memref<64x128xf32, #tpu.memory_space<vmem>>)
      %run_scoped3A_380 = arith.constant 1 : i32
      "tpu.region"() ({
        %run_scoped3A_388 = tpu.sem_alloc : memref<!tpu.dma_semaphore, #tpu.memory_space<semaphore_mem>>
        %dma_start3A_389 = arith.constant 0 : i32
        %dma_start3A_390 = arith.constant 0 : i32
        %dma_start3A_391 = tpu.memref_slice %arg9[%run_scoped3A_380, %dma_start3A_389, %dma_start3A_390] : memref<2x64x128xf32, #tpu.memory_space<vmem>> -> memref<1x64x128xf32, #tpu.memory_space<vmem>>
        %dma_start3A_392 = tpu.memref_squeeze %dma_start3A_391 : memref<1x64x128xf32, #tpu.memory_space<vmem>> -> memref<64x128xf32, #tpu.memory_space<vmem>>
        %dma_start3A_393 = arith.constant 0 : i32
        %dma_start3A_394 = tpu.memref_slice %arg8[%add3A_368, %dma_start3A_393] : memref<40x64xi32, #tpu.memory_space<vmem>> -> memref<1x64xi32, #tpu.memory_space<vmem>>
        %dma_start3A_395 = tpu.memref_squeeze %dma_start3A_394 : memref<1x64xi32, #tpu.memory_space<vmem>> -> memref<64xi32, #tpu.memory_space<vmem>>
        %dma_start3A_396 = arith.constant 0 : i32
        %dma_start3A_397 = arith.constant 0 : i32
        %dma_start3A_398 = tpu.memref_slice %arg10[%dma_start3A_396, %dma_start3A_397] : memref<10112x128xf32, #tpu.memory_space<vmem_shared>> -> memref<10112x128xf32, #tpu.memory_space<vmem_shared>>
        tpu.enqueue_indirect_dma source(%dma_start3A_392 : memref<64x128xf32, #tpu.memory_space<vmem>>) target(%dma_start3A_398 : memref<10112x128xf32, #tpu.memory_space<vmem_shared>>) offsets(%dma_start3A_395 : memref<64xi32, #tpu.memory_space<vmem>>) semaphore(%run_scoped3A_388 : memref<!tpu.dma_semaphore, #tpu.memory_space<semaphore_mem>>) {add = true}
        %dma_wait3A_399 = arith.constant 0 : i32
        %dma_wait3A_400 = arith.constant 0 : i32
        %dma_wait3A_401 = tpu.memref_slice %arg9[%run_scoped3A_380, %dma_wait3A_399, %dma_wait3A_400] : memref<2x64x128xf32, #tpu.memory_space<vmem>> -> memref<1x64x128xf32, #tpu.memory_space<vmem>>
        %dma_wait3A_402 = tpu.memref_squeeze %dma_wait3A_401 : memref<1x64x128xf32, #tpu.memory_space<vmem>> -> memref<64x128xf32, #tpu.memory_space<vmem>>
        %dma_wait3A_403 = arith.constant 0 : i32
        %dma_wait3A_404 = tpu.memref_slice %arg8[%add3A_368, %dma_wait3A_403] : memref<40x64xi32, #tpu.memory_space<vmem>> -> memref<1x64xi32, #tpu.memory_space<vmem>>
        %dma_wait3A_405 = tpu.memref_squeeze %dma_wait3A_404 : memref<1x64xi32, #tpu.memory_space<vmem>> -> memref<64xi32, #tpu.memory_space<vmem>>
        %dma_wait3A_406 = arith.constant 0 : i32
        %dma_wait3A_407 = arith.constant 0 : i32
        %dma_wait3A_408 = tpu.memref_slice %arg10[%dma_wait3A_406, %dma_wait3A_407] : memref<10112x128xf32, #tpu.memory_space<vmem_shared>> -> memref<10112x128xf32, #tpu.memory_space<vmem_shared>>
        tpu.wait_indirect_dma semaphore(%run_scoped3A_388 : memref<!tpu.dma_semaphore, #tpu.memory_space<semaphore_mem>>) src(%dma_wait3A_402 : memref<64x128xf32, #tpu.memory_space<vmem>>) dst(%dma_wait3A_408 : memref<10112x128xf32, #tpu.memory_space<vmem_shared>>)
        tpu.yield
      }) : () -> ()
      %add3A_381 = arith.constant 2 : i32
      %add3A_382 = arith.addi %add3A_368, %add3A_381 : i32
      %lt3A_383 = arith.constant 40 : i32
      %lt3A_384 = arith.cmpi slt, %add3A_382, %lt3A_383 : i32
      %convert_element_type3A_385 = arith.extui %lt3A_384 : i1 to i32
      %cond3A_386 = arith.constant 0 : i32
      %cond3A_387 = arith.cmpi ne, %convert_element_type3A_385, %cond3A_386 : i32
      scf.if %cond3A_387 {
        %add3A_388 = arith.constant 2 : i32
        %add3A_389 = arith.addi %add3A_368, %add3A_388 : i32
        %dma_start3A_390 = arith.constant 1 : i32
        %dma_start3A_391 = arith.constant 0 : i32
        %dma_start3A_392 = arith.constant 0 : i32
        %dma_start3A_393 = tpu.memref_slice %arg9[%dma_start3A_390, %dma_start3A_391, %dma_start3A_392] : memref<2x64x128xf32, #tpu.memory_space<vmem>> -> memref<1x64x128xf32, #tpu.memory_space<vmem>>
        %dma_start3A_394 = tpu.memref_squeeze %dma_start3A_393 : memref<1x64x128xf32, #tpu.memory_space<vmem>> -> memref<64x128xf32, #tpu.memory_space<vmem>>
        %dma_start3A_395 = arith.constant 0 : i32
        %dma_start3A_396 = tpu.memref_slice %arg7[%add3A_389, %dma_start3A_395] : memref<40x64xi32, #tpu.memory_space<vmem>> -> memref<1x64xi32, #tpu.memory_space<vmem>>
        %dma_start3A_397 = tpu.memref_squeeze %dma_start3A_396 : memref<1x64xi32, #tpu.memory_space<vmem>> -> memref<64xi32, #tpu.memory_space<vmem>>
        %dma_start3A_398 = arith.constant 0 : i32
        %dma_start3A_399 = arith.constant 0 : i32
        %dma_start3A_400 = tpu.memref_slice %arg2[%dma_start3A_398, %dma_start3A_399] : memref<40960x128xf32, #tpu.memory_space<hbm>> -> memref<40960x128xf32, #tpu.memory_space<hbm>>
        tpu.enqueue_indirect_dma source(%dma_start3A_400 : memref<40960x128xf32, #tpu.memory_space<hbm>>) target(%dma_start3A_394 : memref<64x128xf32, #tpu.memory_space<vmem>>) offsets(%dma_start3A_397 : memref<64xi32, #tpu.memory_space<vmem>>) semaphore(%arg12 : memref<!tpu.dma_semaphore, #tpu.memory_space<semaphore_mem>>)
      } else {
      }
    }
    %scan3A_161 = arith.constant 20 : i32
    %barrier3A_162 = arith.constant 0 : index
    tpu.barrier barrier_id(%barrier3A_162)
    %mul3A_163 = arith.constant 632 : i32
    %mul3A_164 = arith.muli %arg1, %mul3A_163 : i32
    %mul3A_165 = arith.constant 10240 : i32
    %mul3A_166 = arith.muli %add3A_3, %mul3A_165 : i32
    %mul3A_167 = arith.constant 632 : i32
    %mul3A_168 = arith.muli %arg1, %mul3A_167 : i32
    %add3A_169 = arith.addi %mul3A_166, %mul3A_168 : i32
    "tpu.region"() ({
      %run_scoped3A = tpu.sem_alloc : memref<!tpu.dma_semaphore, #tpu.memory_space<semaphore_mem>>
      %dma_start3A_346 = arith.constant 0 : i32
      %dma_start3A_347 = tpu.memref_slice %arg6[%add3A_169, %dma_start3A_346] : memref<40960x128xf32, #tpu.memory_space<hbm>> -> memref<632x128xf32, #tpu.memory_space<hbm>>
      %dma_start3A_348 = arith.constant 0 : i32
      %dma_start3A_349 = tpu.memref_slice %arg10[%mul3A_164, %dma_start3A_348] : memref<10112x128xf32, #tpu.memory_space<vmem_shared>> -> memref<632x128xf32, #tpu.memory_space<vmem_shared>>
      tpu.enqueue_dma source(%dma_start3A_349 : memref<632x128xf32, #tpu.memory_space<vmem_shared>>) target(%dma_start3A_347 : memref<632x128xf32, #tpu.memory_space<hbm>>) target_semaphore(%run_scoped3A : memref<!tpu.dma_semaphore, #tpu.memory_space<semaphore_mem>>)
      %dma_wait3A = arith.constant 0 : i32
      %dma_wait3A_350 = tpu.memref_slice %arg6[%add3A_169, %dma_wait3A] : memref<40960x128xf32, #tpu.memory_space<hbm>> -> memref<632x128xf32, #tpu.memory_space<hbm>>
      %dma_wait3A_351 = arith.constant 0 : i32
      %dma_wait3A_352 = tpu.memref_slice %arg10[%mul3A_164, %dma_wait3A_351] : memref<10112x128xf32, #tpu.memory_space<vmem_shared>> -> memref<632x128xf32, #tpu.memory_space<vmem_shared>>
      tpu.wait_dma2 semaphore(%run_scoped3A : memref<!tpu.dma_semaphore, #tpu.memory_space<semaphore_mem>>) src(%dma_wait3A_352 : memref<632x128xf32, #tpu.memory_space<vmem_shared>>) dst(%dma_wait3A_350 : memref<632x128xf32, #tpu.memory_space<hbm>>)
      tpu.yield
    }) : () -> ()
    %mul3A_170 = arith.constant 632 : i32
    %mul3A_171 = arith.muli %arg1, %mul3A_170 : i32
    "tpu.region"() ({
      %run_scoped3A = tpu.sem_alloc : memref<!tpu.dma_semaphore, #tpu.memory_space<semaphore_mem>>
      %dma_start3A_346 = arith.constant 0 : i32
      %dma_start3A_347 = tpu.memref_slice %arg10[%mul3A_171, %dma_start3A_346] : memref<10112x128xf32, #tpu.memory_space<vmem_shared>> -> memref<632x128xf32, #tpu.memory_space<vmem_shared>>
      tpu.enqueue_dma source(%arg5 : memref<632x128xf32, #tpu.memory_space<hbm>>) target(%dma_start3A_347 : memref<632x128xf32, #tpu.memory_space<vmem_shared>>) target_semaphore(%run_scoped3A : memref<!tpu.dma_semaphore, #tpu.memory_space<semaphore_mem>>)
      %dma_wait3A = arith.constant 0 : i32
      %dma_wait3A_348 = tpu.memref_slice %arg10[%mul3A_171, %dma_wait3A] : memref<10112x128xf32, #tpu.memory_space<vmem_shared>> -> memref<632x128xf32, #tpu.memory_space<vmem_shared>>
      tpu.wait_dma2 semaphore(%run_scoped3A : memref<!tpu.dma_semaphore, #tpu.memory_space<semaphore_mem>>) src(%arg5 : memref<632x128xf32, #tpu.memory_space<hbm>>) dst(%dma_wait3A_348 : memref<632x128xf32, #tpu.memory_space<vmem_shared>>)
      tpu.yield
    }) : () -> ()
    %barrier3A_172 = arith.constant 0 : index
    tpu.barrier barrier_id(%barrier3A_172)
    %mul3A_173 = arith.constant 2 : i32
    %mul3A_174 = arith.muli %arg0, %mul3A_173 : i32
    %add3A_175 = arith.constant 1 : i32
    %add3A_176 = arith.addi %mul3A_174, %add3A_175 : i32
    %mul3A_177 = arith.constant 2560 : i32
    %mul3A_178 = arith.muli %add3A_176, %mul3A_177 : i32
    %mul3A_179 = arith.constant 160 : i32
    %mul3A_180 = arith.muli %arg1, %mul3A_179 : i32
    %add3A_181 = arith.addi %mul3A_178, %mul3A_180 : i32
    %add3A_182 = arith.constant 0 : i32
    %add3A_183 = arith.addi %add3A_181, %add3A_182 : i32
    "tpu.region"() ({
      %run_scoped3A = tpu.sem_alloc : memref<!tpu.dma_semaphore, #tpu.memory_space<semaphore_mem>>
      %dma_start3A_346 = arith.constant 0 : i32
      %dma_start3A_347 = tpu.memref_slice %arg3[%add3A_183, %dma_start3A_346] : memref<10240x64xi32, #tpu.memory_space<hbm>> -> memref<40x64xi32, #tpu.memory_space<hbm>>
      %dma_start3A_348 = arith.constant 0 : i32
      %dma_start3A_349 = tpu.memref_slice %arg3[%add3A_183, %dma_start3A_348] : memref<10240x64xi32, #tpu.memory_space<hbm>> -> memref<40x64xi32, #tpu.memory_space<hbm>>
      tpu.enqueue_dma source(%dma_start3A_349 : memref<40x64xi32, #tpu.memory_space<hbm>>) target(%arg7 : memref<40x64xi32, #tpu.memory_space<vmem>>) target_semaphore(%run_scoped3A : memref<!tpu.dma_semaphore, #tpu.memory_space<semaphore_mem>>)
      %dma_wait3A = arith.constant 0 : i32
      %dma_wait3A_350 = tpu.memref_slice %arg3[%add3A_183, %dma_wait3A] : memref<10240x64xi32, #tpu.memory_space<hbm>> -> memref<40x64xi32, #tpu.memory_space<hbm>>
      %dma_wait3A_351 = arith.constant 0 : i32
      %dma_wait3A_352 = tpu.memref_slice %arg3[%add3A_183, %dma_wait3A_351] : memref<10240x64xi32, #tpu.memory_space<hbm>> -> memref<40x64xi32, #tpu.memory_space<hbm>>
      tpu.wait_dma2 semaphore(%run_scoped3A : memref<!tpu.dma_semaphore, #tpu.memory_space<semaphore_mem>>) src(%dma_wait3A_352 : memref<40x64xi32, #tpu.memory_space<hbm>>) dst(%arg7 : memref<40x64xi32, #tpu.memory_space<vmem>>)
      tpu.yield
    }) : () -> ()
    %mul3A_184 = arith.constant 160 : i32
    %mul3A_185 = arith.muli %arg1, %mul3A_184 : i32
    %add3A_186 = arith.constant 0 : i32
    %add3A_187 = arith.addi %mul3A_185, %add3A_186 : i32
    "tpu.region"() ({
      %run_scoped3A = tpu.sem_alloc : memref<!tpu.dma_semaphore, #tpu.memory_space<semaphore_mem>>
      %dma_start3A_346 = arith.constant 0 : i32
      %dma_start3A_347 = tpu.memref_slice %arg4[%add3A_187, %dma_start3A_346] : memref<2560x64xi32, #tpu.memory_space<hbm>> -> memref<40x64xi32, #tpu.memory_space<hbm>>
      %dma_start3A_348 = arith.constant 0 : i32
      %dma_start3A_349 = tpu.memref_slice %arg4[%add3A_187, %dma_start3A_348] : memref<2560x64xi32, #tpu.memory_space<hbm>> -> memref<40x64xi32, #tpu.memory_space<hbm>>
      tpu.enqueue_dma source(%dma_start3A_349 : memref<40x64xi32, #tpu.memory_space<hbm>>) target(%arg8 : memref<40x64xi32, #tpu.memory_space<vmem>>) target_semaphore(%run_scoped3A : memref<!tpu.dma_semaphore, #tpu.memory_space<semaphore_mem>>)
      %dma_wait3A = arith.constant 0 : i32
      %dma_wait3A_350 = tpu.memref_slice %arg4[%add3A_187, %dma_wait3A] : memref<2560x64xi32, #tpu.memory_space<hbm>> -> memref<40x64xi32, #tpu.memory_space<hbm>>
      %dma_wait3A_351 = arith.constant 0 : i32
      %dma_wait3A_352 = tpu.memref_slice %arg4[%add3A_187, %dma_wait3A_351] : memref<2560x64xi32, #tpu.memory_space<hbm>> -> memref<40x64xi32, #tpu.memory_space<hbm>>
      tpu.wait_dma2 semaphore(%run_scoped3A : memref<!tpu.dma_semaphore, #tpu.memory_space<semaphore_mem>>) src(%dma_wait3A_352 : memref<40x64xi32, #tpu.memory_space<hbm>>) dst(%arg8 : memref<40x64xi32, #tpu.memory_space<vmem>>)
      tpu.yield
    }) : () -> ()
    %dma_start3A_188 = arith.constant 0 : i32
    %dma_start3A_189 = arith.constant 0 : i32
    %dma_start3A_190 = arith.constant 0 : i32
    %dma_start3A_191 = arith.constant 0 : i32
    %dma_start3A_192 = tpu.memref_slice %arg9[%dma_start3A_189, %dma_start3A_190, %dma_start3A_191] : memref<2x64x128xf32, #tpu.memory_space<vmem>> -> memref<1x64x128xf32, #tpu.memory_space<vmem>>
    %dma_start3A_193 = tpu.memref_squeeze %dma_start3A_192 : memref<1x64x128xf32, #tpu.memory_space<vmem>> -> memref<64x128xf32, #tpu.memory_space<vmem>>
    %dma_start3A_194 = arith.constant 0 : i32
    %dma_start3A_195 = tpu.memref_slice %arg7[%dma_start3A_188, %dma_start3A_194] : memref<40x64xi32, #tpu.memory_space<vmem>> -> memref<1x64xi32, #tpu.memory_space<vmem>>
    %dma_start3A_196 = tpu.memref_squeeze %dma_start3A_195 : memref<1x64xi32, #tpu.memory_space<vmem>> -> memref<64xi32, #tpu.memory_space<vmem>>
    %dma_start3A_197 = arith.constant 0 : i32
    %dma_start3A_198 = arith.constant 0 : i32
    %dma_start3A_199 = tpu.memref_slice %arg2[%dma_start3A_197, %dma_start3A_198] : memref<40960x128xf32, #tpu.memory_space<hbm>> -> memref<40960x128xf32, #tpu.memory_space<hbm>>
    tpu.enqueue_indirect_dma source(%dma_start3A_199 : memref<40960x128xf32, #tpu.memory_space<hbm>>) target(%dma_start3A_193 : memref<64x128xf32, #tpu.memory_space<vmem>>) offsets(%dma_start3A_196 : memref<64xi32, #tpu.memory_space<vmem>>) semaphore(%arg11 : memref<!tpu.dma_semaphore, #tpu.memory_space<semaphore_mem>>)
    %dma_start3A_200 = arith.constant 1 : i32
    %dma_start3A_201 = arith.constant 1 : i32
    %dma_start3A_202 = arith.constant 0 : i32
    %dma_start3A_203 = arith.constant 0 : i32
    %dma_start3A_204 = tpu.memref_slice %arg9[%dma_start3A_201, %dma_start3A_202, %dma_start3A_203] : memref<2x64x128xf32, #tpu.memory_space<vmem>> -> memref<1x64x128xf32, #tpu.memory_space<vmem>>
    %dma_start3A_205 = tpu.memref_squeeze %dma_start3A_204 : memref<1x64x128xf32, #tpu.memory_space<vmem>> -> memref<64x128xf32, #tpu.memory_space<vmem>>
    %dma_start3A_206 = arith.constant 0 : i32
    %dma_start3A_207 = tpu.memref_slice %arg7[%dma_start3A_200, %dma_start3A_206] : memref<40x64xi32, #tpu.memory_space<vmem>> -> memref<1x64xi32, #tpu.memory_space<vmem>>
    %dma_start3A_208 = tpu.memref_squeeze %dma_start3A_207 : memref<1x64xi32, #tpu.memory_space<vmem>> -> memref<64xi32, #tpu.memory_space<vmem>>
    %dma_start3A_209 = arith.constant 0 : i32
    %dma_start3A_210 = arith.constant 0 : i32
    %dma_start3A_211 = tpu.memref_slice %arg2[%dma_start3A_209, %dma_start3A_210] : memref<40960x128xf32, #tpu.memory_space<hbm>> -> memref<40960x128xf32, #tpu.memory_space<hbm>>
    tpu.enqueue_indirect_dma source(%dma_start3A_211 : memref<40960x128xf32, #tpu.memory_space<hbm>>) target(%dma_start3A_205 : memref<64x128xf32, #tpu.memory_space<vmem>>) offsets(%dma_start3A_208 : memref<64xi32, #tpu.memory_space<vmem>>) semaphore(%arg12 : memref<!tpu.dma_semaphore, #tpu.memory_space<semaphore_mem>>)
    %scan3A_212 = arith.constant 0 : i32
    %scan3A_213 = arith.constant 20 : i32
    %scan3A_214 = arith.addi %scan3A_212, %scan3A_213 : i32
    %scan3A_215 = arith.constant 1 : i32
    scf.for %scan3A_346 = %scan3A_212 to %scan3A_214 step %scan3A_215  : i32 {
      %mul3A_347 = arith.constant 2 : i32
      %mul3A_348 = arith.muli %scan3A_346, %mul3A_347 : i32
      %add3A_349 = arith.constant 0 : i32
      %add3A_350 = arith.addi %add3A_349, %mul3A_348 : i32
      %add3A_351 = arith.constant 0 : i32
      %add3A_352 = arith.addi %add3A_350, %add3A_351 : i32
      %dma_wait3A = arith.constant 0 : i32
      %dma_wait3A_353 = arith.constant 0 : i32
      %dma_wait3A_354 = arith.constant 0 : i32
      %dma_wait3A_355 = tpu.memref_slice %arg9[%dma_wait3A, %dma_wait3A_353, %dma_wait3A_354] : memref<2x64x128xf32, #tpu.memory_space<vmem>> -> memref<1x64x128xf32, #tpu.memory_space<vmem>>
      %dma_wait3A_356 = tpu.memref_squeeze %dma_wait3A_355 : memref<1x64x128xf32, #tpu.memory_space<vmem>> -> memref<64x128xf32, #tpu.memory_space<vmem>>
      %dma_wait3A_357 = arith.constant 0 : i32
      %dma_wait3A_358 = tpu.memref_slice %arg7[%add3A_352, %dma_wait3A_357] : memref<40x64xi32, #tpu.memory_space<vmem>> -> memref<1x64xi32, #tpu.memory_space<vmem>>
      %dma_wait3A_359 = tpu.memref_squeeze %dma_wait3A_358 : memref<1x64xi32, #tpu.memory_space<vmem>> -> memref<64xi32, #tpu.memory_space<vmem>>
      %dma_wait3A_360 = arith.constant 0 : i32
      %dma_wait3A_361 = arith.constant 0 : i32
      %dma_wait3A_362 = tpu.memref_slice %arg2[%dma_wait3A_360, %dma_wait3A_361] : memref<40960x128xf32, #tpu.memory_space<hbm>> -> memref<40960x128xf32, #tpu.memory_space<hbm>>
      tpu.wait_indirect_dma semaphore(%arg11 : memref<!tpu.dma_semaphore, #tpu.memory_space<semaphore_mem>>) src(%dma_wait3A_362 : memref<40960x128xf32, #tpu.memory_space<hbm>>) dst(%dma_wait3A_356 : memref<64x128xf32, #tpu.memory_space<vmem>>)
      %run_scoped3A = arith.constant 0 : i32
      "tpu.region"() ({
        %run_scoped3A_388 = tpu.sem_alloc : memref<!tpu.dma_semaphore, #tpu.memory_space<semaphore_mem>>
        %dma_start3A_389 = arith.constant 0 : i32
        %dma_start3A_390 = arith.constant 0 : i32
        %dma_start3A_391 = tpu.memref_slice %arg9[%run_scoped3A, %dma_start3A_389, %dma_start3A_390] : memref<2x64x128xf32, #tpu.memory_space<vmem>> -> memref<1x64x128xf32, #tpu.memory_space<vmem>>
        %dma_start3A_392 = tpu.memref_squeeze %dma_start3A_391 : memref<1x64x128xf32, #tpu.memory_space<vmem>> -> memref<64x128xf32, #tpu.memory_space<vmem>>
        %dma_start3A_393 = arith.constant 0 : i32
        %dma_start3A_394 = tpu.memref_slice %arg8[%add3A_352, %dma_start3A_393] : memref<40x64xi32, #tpu.memory_space<vmem>> -> memref<1x64xi32, #tpu.memory_space<vmem>>
        %dma_start3A_395 = tpu.memref_squeeze %dma_start3A_394 : memref<1x64xi32, #tpu.memory_space<vmem>> -> memref<64xi32, #tpu.memory_space<vmem>>
        %dma_start3A_396 = arith.constant 0 : i32
        %dma_start3A_397 = arith.constant 0 : i32
        %dma_start3A_398 = tpu.memref_slice %arg10[%dma_start3A_396, %dma_start3A_397] : memref<10112x128xf32, #tpu.memory_space<vmem_shared>> -> memref<10112x128xf32, #tpu.memory_space<vmem_shared>>
        tpu.enqueue_indirect_dma source(%dma_start3A_392 : memref<64x128xf32, #tpu.memory_space<vmem>>) target(%dma_start3A_398 : memref<10112x128xf32, #tpu.memory_space<vmem_shared>>) offsets(%dma_start3A_395 : memref<64xi32, #tpu.memory_space<vmem>>) semaphore(%run_scoped3A_388 : memref<!tpu.dma_semaphore, #tpu.memory_space<semaphore_mem>>) {add = true}
        %dma_wait3A_399 = arith.constant 0 : i32
        %dma_wait3A_400 = arith.constant 0 : i32
        %dma_wait3A_401 = tpu.memref_slice %arg9[%run_scoped3A, %dma_wait3A_399, %dma_wait3A_400] : memref<2x64x128xf32, #tpu.memory_space<vmem>> -> memref<1x64x128xf32, #tpu.memory_space<vmem>>
        %dma_wait3A_402 = tpu.memref_squeeze %dma_wait3A_401 : memref<1x64x128xf32, #tpu.memory_space<vmem>> -> memref<64x128xf32, #tpu.memory_space<vmem>>
        %dma_wait3A_403 = arith.constant 0 : i32
        %dma_wait3A_404 = tpu.memref_slice %arg8[%add3A_352, %dma_wait3A_403] : memref<40x64xi32, #tpu.memory_space<vmem>> -> memref<1x64xi32, #tpu.memory_space<vmem>>
        %dma_wait3A_405 = tpu.memref_squeeze %dma_wait3A_404 : memref<1x64xi32, #tpu.memory_space<vmem>> -> memref<64xi32, #tpu.memory_space<vmem>>
        %dma_wait3A_406 = arith.constant 0 : i32
        %dma_wait3A_407 = arith.constant 0 : i32
        %dma_wait3A_408 = tpu.memref_slice %arg10[%dma_wait3A_406, %dma_wait3A_407] : memref<10112x128xf32, #tpu.memory_space<vmem_shared>> -> memref<10112x128xf32, #tpu.memory_space<vmem_shared>>
        tpu.wait_indirect_dma semaphore(%run_scoped3A_388 : memref<!tpu.dma_semaphore, #tpu.memory_space<semaphore_mem>>) src(%dma_wait3A_402 : memref<64x128xf32, #tpu.memory_space<vmem>>) dst(%dma_wait3A_408 : memref<10112x128xf32, #tpu.memory_space<vmem_shared>>)
        tpu.yield
      }) : () -> ()
      %add3A_363 = arith.constant 2 : i32
      %add3A_364 = arith.addi %add3A_352, %add3A_363 : i32
      %lt3A = arith.constant 40 : i32
      %lt3A_365 = arith.cmpi slt, %add3A_364, %lt3A : i32
      %convert_element_type3A = arith.extui %lt3A_365 : i1 to i32
      %cond3A = arith.constant 0 : i32
      %cond3A_366 = arith.cmpi ne, %convert_element_type3A, %cond3A : i32
      scf.if %cond3A_366 {
        %add3A_388 = arith.constant 2 : i32
        %add3A_389 = arith.addi %add3A_352, %add3A_388 : i32
        %dma_start3A_390 = arith.constant 0 : i32
        %dma_start3A_391 = arith.constant 0 : i32
        %dma_start3A_392 = arith.constant 0 : i32
        %dma_start3A_393 = tpu.memref_slice %arg9[%dma_start3A_390, %dma_start3A_391, %dma_start3A_392] : memref<2x64x128xf32, #tpu.memory_space<vmem>> -> memref<1x64x128xf32, #tpu.memory_space<vmem>>
        %dma_start3A_394 = tpu.memref_squeeze %dma_start3A_393 : memref<1x64x128xf32, #tpu.memory_space<vmem>> -> memref<64x128xf32, #tpu.memory_space<vmem>>
        %dma_start3A_395 = arith.constant 0 : i32
        %dma_start3A_396 = tpu.memref_slice %arg7[%add3A_389, %dma_start3A_395] : memref<40x64xi32, #tpu.memory_space<vmem>> -> memref<1x64xi32, #tpu.memory_space<vmem>>
        %dma_start3A_397 = tpu.memref_squeeze %dma_start3A_396 : memref<1x64xi32, #tpu.memory_space<vmem>> -> memref<64xi32, #tpu.memory_space<vmem>>
        %dma_start3A_398 = arith.constant 0 : i32
        %dma_start3A_399 = arith.constant 0 : i32
        %dma_start3A_400 = tpu.memref_slice %arg2[%dma_start3A_398, %dma_start3A_399] : memref<40960x128xf32, #tpu.memory_space<hbm>> -> memref<40960x128xf32, #tpu.memory_space<hbm>>
        tpu.enqueue_indirect_dma source(%dma_start3A_400 : memref<40960x128xf32, #tpu.memory_space<hbm>>) target(%dma_start3A_394 : memref<64x128xf32, #tpu.memory_space<vmem>>) offsets(%dma_start3A_397 : memref<64xi32, #tpu.memory_space<vmem>>) semaphore(%arg11 : memref<!tpu.dma_semaphore, #tpu.memory_space<semaphore_mem>>)
      } else {
      }
      %add3A_367 = arith.constant 1 : i32
      %add3A_368 = arith.addi %add3A_350, %add3A_367 : i32
      %dma_wait3A_369 = arith.constant 1 : i32
      %dma_wait3A_370 = arith.constant 0 : i32
      %dma_wait3A_371 = arith.constant 0 : i32
      %dma_wait3A_372 = tpu.memref_slice %arg9[%dma_wait3A_369, %dma_wait3A_370, %dma_wait3A_371] : memref<2x64x128xf32, #tpu.memory_space<vmem>> -> memref<1x64x128xf32, #tpu.memory_space<vmem>>
      %dma_wait3A_373 = tpu.memref_squeeze %dma_wait3A_372 : memref<1x64x128xf32, #tpu.memory_space<vmem>> -> memref<64x128xf32, #tpu.memory_space<vmem>>
      %dma_wait3A_374 = arith.constant 0 : i32
      %dma_wait3A_375 = tpu.memref_slice %arg7[%add3A_368, %dma_wait3A_374] : memref<40x64xi32, #tpu.memory_space<vmem>> -> memref<1x64xi32, #tpu.memory_space<vmem>>
      %dma_wait3A_376 = tpu.memref_squeeze %dma_wait3A_375 : memref<1x64xi32, #tpu.memory_space<vmem>> -> memref<64xi32, #tpu.memory_space<vmem>>
      %dma_wait3A_377 = arith.constant 0 : i32
      %dma_wait3A_378 = arith.constant 0 : i32
      %dma_wait3A_379 = tpu.memref_slice %arg2[%dma_wait3A_377, %dma_wait3A_378] : memref<40960x128xf32, #tpu.memory_space<hbm>> -> memref<40960x128xf32, #tpu.memory_space<hbm>>
      tpu.wait_indirect_dma semaphore(%arg12 : memref<!tpu.dma_semaphore, #tpu.memory_space<semaphore_mem>>) src(%dma_wait3A_379 : memref<40960x128xf32, #tpu.memory_space<hbm>>) dst(%dma_wait3A_373 : memref<64x128xf32, #tpu.memory_space<vmem>>)
      %run_scoped3A_380 = arith.constant 1 : i32
      "tpu.region"() ({
        %run_scoped3A_388 = tpu.sem_alloc : memref<!tpu.dma_semaphore, #tpu.memory_space<semaphore_mem>>
        %dma_start3A_389 = arith.constant 0 : i32
        %dma_start3A_390 = arith.constant 0 : i32
        %dma_start3A_391 = tpu.memref_slice %arg9[%run_scoped3A_380, %dma_start3A_389, %dma_start3A_390] : memref<2x64x128xf32, #tpu.memory_space<vmem>> -> memref<1x64x128xf32, #tpu.memory_space<vmem>>
        %dma_start3A_392 = tpu.memref_squeeze %dma_start3A_391 : memref<1x64x128xf32, #tpu.memory_space<vmem>> -> memref<64x128xf32, #tpu.memory_space<vmem>>
        %dma_start3A_393 = arith.constant 0 : i32
        %dma_start3A_394 = tpu.memref_slice %arg8[%add3A_368, %dma_start3A_393] : memref<40x64xi32, #tpu.memory_space<vmem>> -> memref<1x64xi32, #tpu.memory_space<vmem>>
        %dma_start3A_395 = tpu.memref_squeeze %dma_start3A_394 : memref<1x64xi32, #tpu.memory_space<vmem>> -> memref<64xi32, #tpu.memory_space<vmem>>
        %dma_start3A_396 = arith.constant 0 : i32
        %dma_start3A_397 = arith.constant 0 : i32
        %dma_start3A_398 = tpu.memref_slice %arg10[%dma_start3A_396, %dma_start3A_397] : memref<10112x128xf32, #tpu.memory_space<vmem_shared>> -> memref<10112x128xf32, #tpu.memory_space<vmem_shared>>
        tpu.enqueue_indirect_dma source(%dma_start3A_392 : memref<64x128xf32, #tpu.memory_space<vmem>>) target(%dma_start3A_398 : memref<10112x128xf32, #tpu.memory_space<vmem_shared>>) offsets(%dma_start3A_395 : memref<64xi32, #tpu.memory_space<vmem>>) semaphore(%run_scoped3A_388 : memref<!tpu.dma_semaphore, #tpu.memory_space<semaphore_mem>>) {add = true}
        %dma_wait3A_399 = arith.constant 0 : i32
        %dma_wait3A_400 = arith.constant 0 : i32
        %dma_wait3A_401 = tpu.memref_slice %arg9[%run_scoped3A_380, %dma_wait3A_399, %dma_wait3A_400] : memref<2x64x128xf32, #tpu.memory_space<vmem>> -> memref<1x64x128xf32, #tpu.memory_space<vmem>>
        %dma_wait3A_402 = tpu.memref_squeeze %dma_wait3A_401 : memref<1x64x128xf32, #tpu.memory_space<vmem>> -> memref<64x128xf32, #tpu.memory_space<vmem>>
        %dma_wait3A_403 = arith.constant 0 : i32
        %dma_wait3A_404 = tpu.memref_slice %arg8[%add3A_368, %dma_wait3A_403] : memref<40x64xi32, #tpu.memory_space<vmem>> -> memref<1x64xi32, #tpu.memory_space<vmem>>
        %dma_wait3A_405 = tpu.memref_squeeze %dma_wait3A_404 : memref<1x64xi32, #tpu.memory_space<vmem>> -> memref<64xi32, #tpu.memory_space<vmem>>
        %dma_wait3A_406 = arith.constant 0 : i32
        %dma_wait3A_407 = arith.constant 0 : i32
        %dma_wait3A_408 = tpu.memref_slice %arg10[%dma_wait3A_406, %dma_wait3A_407] : memref<10112x128xf32, #tpu.memory_space<vmem_shared>> -> memref<10112x128xf32, #tpu.memory_space<vmem_shared>>
        tpu.wait_indirect_dma semaphore(%run_scoped3A_388 : memref<!tpu.dma_semaphore, #tpu.memory_space<semaphore_mem>>) src(%dma_wait3A_402 : memref<64x128xf32, #tpu.memory_space<vmem>>) dst(%dma_wait3A_408 : memref<10112x128xf32, #tpu.memory_space<vmem_shared>>)
        tpu.yield
      }) : () -> ()
      %add3A_381 = arith.constant 2 : i32
      %add3A_382 = arith.addi %add3A_368, %add3A_381 : i32
      %lt3A_383 = arith.constant 40 : i32
      %lt3A_384 = arith.cmpi slt, %add3A_382, %lt3A_383 : i32
      %convert_element_type3A_385 = arith.extui %lt3A_384 : i1 to i32
      %cond3A_386 = arith.constant 0 : i32
      %cond3A_387 = arith.cmpi ne, %convert_element_type3A_385, %cond3A_386 : i32
      scf.if %cond3A_387 {
        %add3A_388 = arith.constant 2 : i32
        %add3A_389 = arith.addi %add3A_368, %add3A_388 : i32
        %dma_start3A_390 = arith.constant 1 : i32
        %dma_start3A_391 = arith.constant 0 : i32
        %dma_start3A_392 = arith.constant 0 : i32
        %dma_start3A_393 = tpu.memref_slice %arg9[%dma_start3A_390, %dma_start3A_391, %dma_start3A_392] : memref<2x64x128xf32, #tpu.memory_space<vmem>> -> memref<1x64x128xf32, #tpu.memory_space<vmem>>
        %dma_start3A_394 = tpu.memref_squeeze %dma_start3A_393 : memref<1x64x128xf32, #tpu.memory_space<vmem>> -> memref<64x128xf32, #tpu.memory_space<vmem>>
        %dma_start3A_395 = arith.constant 0 : i32
        %dma_start3A_396 = tpu.memref_slice %arg7[%add3A_389, %dma_start3A_395] : memref<40x64xi32, #tpu.memory_space<vmem>> -> memref<1x64xi32, #tpu.memory_space<vmem>>
        %dma_start3A_397 = tpu.memref_squeeze %dma_start3A_396 : memref<1x64xi32, #tpu.memory_space<vmem>> -> memref<64xi32, #tpu.memory_space<vmem>>
        %dma_start3A_398 = arith.constant 0 : i32
        %dma_start3A_399 = arith.constant 0 : i32
        %dma_start3A_400 = tpu.memref_slice %arg2[%dma_start3A_398, %dma_start3A_399] : memref<40960x128xf32, #tpu.memory_space<hbm>> -> memref<40960x128xf32, #tpu.memory_space<hbm>>
        tpu.enqueue_indirect_dma source(%dma_start3A_400 : memref<40960x128xf32, #tpu.memory_space<hbm>>) target(%dma_start3A_394 : memref<64x128xf32, #tpu.memory_space<vmem>>) offsets(%dma_start3A_397 : memref<64xi32, #tpu.memory_space<vmem>>) semaphore(%arg12 : memref<!tpu.dma_semaphore, #tpu.memory_space<semaphore_mem>>)
      } else {
      }
    }
    %scan3A_216 = arith.constant 20 : i32
    %mul3A_217 = arith.constant 2560 : i32
    %mul3A_218 = arith.muli %add3A_176, %mul3A_217 : i32
    %mul3A_219 = arith.constant 160 : i32
    %mul3A_220 = arith.muli %arg1, %mul3A_219 : i32
    %add3A_221 = arith.addi %mul3A_218, %mul3A_220 : i32
    %add3A_222 = arith.constant 40 : i32
    %add3A_223 = arith.addi %add3A_221, %add3A_222 : i32
    "tpu.region"() ({
      %run_scoped3A = tpu.sem_alloc : memref<!tpu.dma_semaphore, #tpu.memory_space<semaphore_mem>>
      %dma_start3A_346 = arith.constant 0 : i32
      %dma_start3A_347 = tpu.memref_slice %arg3[%add3A_223, %dma_start3A_346] : memref<10240x64xi32, #tpu.memory_space<hbm>> -> memref<40x64xi32, #tpu.memory_space<hbm>>
      %dma_start3A_348 = arith.constant 0 : i32
      %dma_start3A_349 = tpu.memref_slice %arg3[%add3A_223, %dma_start3A_348] : memref<10240x64xi32, #tpu.memory_space<hbm>> -> memref<40x64xi32, #tpu.memory_space<hbm>>
      tpu.enqueue_dma source(%dma_start3A_349 : memref<40x64xi32, #tpu.memory_space<hbm>>) target(%arg7 : memref<40x64xi32, #tpu.memory_space<vmem>>) target_semaphore(%run_scoped3A : memref<!tpu.dma_semaphore, #tpu.memory_space<semaphore_mem>>)
      %dma_wait3A = arith.constant 0 : i32
      %dma_wait3A_350 = tpu.memref_slice %arg3[%add3A_223, %dma_wait3A] : memref<10240x64xi32, #tpu.memory_space<hbm>> -> memref<40x64xi32, #tpu.memory_space<hbm>>
      %dma_wait3A_351 = arith.constant 0 : i32
      %dma_wait3A_352 = tpu.memref_slice %arg3[%add3A_223, %dma_wait3A_351] : memref<10240x64xi32, #tpu.memory_space<hbm>> -> memref<40x64xi32, #tpu.memory_space<hbm>>
      tpu.wait_dma2 semaphore(%run_scoped3A : memref<!tpu.dma_semaphore, #tpu.memory_space<semaphore_mem>>) src(%dma_wait3A_352 : memref<40x64xi32, #tpu.memory_space<hbm>>) dst(%arg7 : memref<40x64xi32, #tpu.memory_space<vmem>>)
      tpu.yield
    }) : () -> ()
    %mul3A_224 = arith.constant 160 : i32
    %mul3A_225 = arith.muli %arg1, %mul3A_224 : i32
    %add3A_226 = arith.constant 40 : i32
    %add3A_227 = arith.addi %mul3A_225, %add3A_226 : i32
    "tpu.region"() ({
      %run_scoped3A = tpu.sem_alloc : memref<!tpu.dma_semaphore, #tpu.memory_space<semaphore_mem>>
      %dma_start3A_346 = arith.constant 0 : i32
      %dma_start3A_347 = tpu.memref_slice %arg4[%add3A_227, %dma_start3A_346] : memref<2560x64xi32, #tpu.memory_space<hbm>> -> memref<40x64xi32, #tpu.memory_space<hbm>>
      %dma_start3A_348 = arith.constant 0 : i32
      %dma_start3A_349 = tpu.memref_slice %arg4[%add3A_227, %dma_start3A_348] : memref<2560x64xi32, #tpu.memory_space<hbm>> -> memref<40x64xi32, #tpu.memory_space<hbm>>
      tpu.enqueue_dma source(%dma_start3A_349 : memref<40x64xi32, #tpu.memory_space<hbm>>) target(%arg8 : memref<40x64xi32, #tpu.memory_space<vmem>>) target_semaphore(%run_scoped3A : memref<!tpu.dma_semaphore, #tpu.memory_space<semaphore_mem>>)
      %dma_wait3A = arith.constant 0 : i32
      %dma_wait3A_350 = tpu.memref_slice %arg4[%add3A_227, %dma_wait3A] : memref<2560x64xi32, #tpu.memory_space<hbm>> -> memref<40x64xi32, #tpu.memory_space<hbm>>
      %dma_wait3A_351 = arith.constant 0 : i32
      %dma_wait3A_352 = tpu.memref_slice %arg4[%add3A_227, %dma_wait3A_351] : memref<2560x64xi32, #tpu.memory_space<hbm>> -> memref<40x64xi32, #tpu.memory_space<hbm>>
      tpu.wait_dma2 semaphore(%run_scoped3A : memref<!tpu.dma_semaphore, #tpu.memory_space<semaphore_mem>>) src(%dma_wait3A_352 : memref<40x64xi32, #tpu.memory_space<hbm>>) dst(%arg8 : memref<40x64xi32, #tpu.memory_space<vmem>>)
      tpu.yield
    }) : () -> ()
    %dma_start3A_228 = arith.constant 0 : i32
    %dma_start3A_229 = arith.constant 0 : i32
    %dma_start3A_230 = arith.constant 0 : i32
    %dma_start3A_231 = arith.constant 0 : i32
    %dma_start3A_232 = tpu.memref_slice %arg9[%dma_start3A_229, %dma_start3A_230, %dma_start3A_231] : memref<2x64x128xf32, #tpu.memory_space<vmem>> -> memref<1x64x128xf32, #tpu.memory_space<vmem>>
    %dma_start3A_233 = tpu.memref_squeeze %dma_start3A_232 : memref<1x64x128xf32, #tpu.memory_space<vmem>> -> memref<64x128xf32, #tpu.memory_space<vmem>>
    %dma_start3A_234 = arith.constant 0 : i32
    %dma_start3A_235 = tpu.memref_slice %arg7[%dma_start3A_228, %dma_start3A_234] : memref<40x64xi32, #tpu.memory_space<vmem>> -> memref<1x64xi32, #tpu.memory_space<vmem>>
    %dma_start3A_236 = tpu.memref_squeeze %dma_start3A_235 : memref<1x64xi32, #tpu.memory_space<vmem>> -> memref<64xi32, #tpu.memory_space<vmem>>
    %dma_start3A_237 = arith.constant 0 : i32
    %dma_start3A_238 = arith.constant 0 : i32
    %dma_start3A_239 = tpu.memref_slice %arg2[%dma_start3A_237, %dma_start3A_238] : memref<40960x128xf32, #tpu.memory_space<hbm>> -> memref<40960x128xf32, #tpu.memory_space<hbm>>
    tpu.enqueue_indirect_dma source(%dma_start3A_239 : memref<40960x128xf32, #tpu.memory_space<hbm>>) target(%dma_start3A_233 : memref<64x128xf32, #tpu.memory_space<vmem>>) offsets(%dma_start3A_236 : memref<64xi32, #tpu.memory_space<vmem>>) semaphore(%arg11 : memref<!tpu.dma_semaphore, #tpu.memory_space<semaphore_mem>>)
    %dma_start3A_240 = arith.constant 1 : i32
    %dma_start3A_241 = arith.constant 1 : i32
    %dma_start3A_242 = arith.constant 0 : i32
    %dma_start3A_243 = arith.constant 0 : i32
    %dma_start3A_244 = tpu.memref_slice %arg9[%dma_start3A_241, %dma_start3A_242, %dma_start3A_243] : memref<2x64x128xf32, #tpu.memory_space<vmem>> -> memref<1x64x128xf32, #tpu.memory_space<vmem>>
    %dma_start3A_245 = tpu.memref_squeeze %dma_start3A_244 : memref<1x64x128xf32, #tpu.memory_space<vmem>> -> memref<64x128xf32, #tpu.memory_space<vmem>>
    %dma_start3A_246 = arith.constant 0 : i32
    %dma_start3A_247 = tpu.memref_slice %arg7[%dma_start3A_240, %dma_start3A_246] : memref<40x64xi32, #tpu.memory_space<vmem>> -> memref<1x64xi32, #tpu.memory_space<vmem>>
    %dma_start3A_248 = tpu.memref_squeeze %dma_start3A_247 : memref<1x64xi32, #tpu.memory_space<vmem>> -> memref<64xi32, #tpu.memory_space<vmem>>
    %dma_start3A_249 = arith.constant 0 : i32
    %dma_start3A_250 = arith.constant 0 : i32
    %dma_start3A_251 = tpu.memref_slice %arg2[%dma_start3A_249, %dma_start3A_250] : memref<40960x128xf32, #tpu.memory_space<hbm>> -> memref<40960x128xf32, #tpu.memory_space<hbm>>
    tpu.enqueue_indirect_dma source(%dma_start3A_251 : memref<40960x128xf32, #tpu.memory_space<hbm>>) target(%dma_start3A_245 : memref<64x128xf32, #tpu.memory_space<vmem>>) offsets(%dma_start3A_248 : memref<64xi32, #tpu.memory_space<vmem>>) semaphore(%arg12 : memref<!tpu.dma_semaphore, #tpu.memory_space<semaphore_mem>>)
    %scan3A_252 = arith.constant 0 : i32
    %scan3A_253 = arith.constant 20 : i32
    %scan3A_254 = arith.addi %scan3A_252, %scan3A_253 : i32
    %scan3A_255 = arith.constant 1 : i32
    scf.for %scan3A_346 = %scan3A_252 to %scan3A_254 step %scan3A_255  : i32 {
      %mul3A_347 = arith.constant 2 : i32
      %mul3A_348 = arith.muli %scan3A_346, %mul3A_347 : i32
      %add3A_349 = arith.constant 0 : i32
      %add3A_350 = arith.addi %add3A_349, %mul3A_348 : i32
      %add3A_351 = arith.constant 0 : i32
      %add3A_352 = arith.addi %add3A_350, %add3A_351 : i32
      %dma_wait3A = arith.constant 0 : i32
      %dma_wait3A_353 = arith.constant 0 : i32
      %dma_wait3A_354 = arith.constant 0 : i32
      %dma_wait3A_355 = tpu.memref_slice %arg9[%dma_wait3A, %dma_wait3A_353, %dma_wait3A_354] : memref<2x64x128xf32, #tpu.memory_space<vmem>> -> memref<1x64x128xf32, #tpu.memory_space<vmem>>
      %dma_wait3A_356 = tpu.memref_squeeze %dma_wait3A_355 : memref<1x64x128xf32, #tpu.memory_space<vmem>> -> memref<64x128xf32, #tpu.memory_space<vmem>>
      %dma_wait3A_357 = arith.constant 0 : i32
      %dma_wait3A_358 = tpu.memref_slice %arg7[%add3A_352, %dma_wait3A_357] : memref<40x64xi32, #tpu.memory_space<vmem>> -> memref<1x64xi32, #tpu.memory_space<vmem>>
      %dma_wait3A_359 = tpu.memref_squeeze %dma_wait3A_358 : memref<1x64xi32, #tpu.memory_space<vmem>> -> memref<64xi32, #tpu.memory_space<vmem>>
      %dma_wait3A_360 = arith.constant 0 : i32
      %dma_wait3A_361 = arith.constant 0 : i32
      %dma_wait3A_362 = tpu.memref_slice %arg2[%dma_wait3A_360, %dma_wait3A_361] : memref<40960x128xf32, #tpu.memory_space<hbm>> -> memref<40960x128xf32, #tpu.memory_space<hbm>>
      tpu.wait_indirect_dma semaphore(%arg11 : memref<!tpu.dma_semaphore, #tpu.memory_space<semaphore_mem>>) src(%dma_wait3A_362 : memref<40960x128xf32, #tpu.memory_space<hbm>>) dst(%dma_wait3A_356 : memref<64x128xf32, #tpu.memory_space<vmem>>)
      %run_scoped3A = arith.constant 0 : i32
      "tpu.region"() ({
        %run_scoped3A_388 = tpu.sem_alloc : memref<!tpu.dma_semaphore, #tpu.memory_space<semaphore_mem>>
        %dma_start3A_389 = arith.constant 0 : i32
        %dma_start3A_390 = arith.constant 0 : i32
        %dma_start3A_391 = tpu.memref_slice %arg9[%run_scoped3A, %dma_start3A_389, %dma_start3A_390] : memref<2x64x128xf32, #tpu.memory_space<vmem>> -> memref<1x64x128xf32, #tpu.memory_space<vmem>>
        %dma_start3A_392 = tpu.memref_squeeze %dma_start3A_391 : memref<1x64x128xf32, #tpu.memory_space<vmem>> -> memref<64x128xf32, #tpu.memory_space<vmem>>
        %dma_start3A_393 = arith.constant 0 : i32
        %dma_start3A_394 = tpu.memref_slice %arg8[%add3A_352, %dma_start3A_393] : memref<40x64xi32, #tpu.memory_space<vmem>> -> memref<1x64xi32, #tpu.memory_space<vmem>>
        %dma_start3A_395 = tpu.memref_squeeze %dma_start3A_394 : memref<1x64xi32, #tpu.memory_space<vmem>> -> memref<64xi32, #tpu.memory_space<vmem>>
        %dma_start3A_396 = arith.constant 0 : i32
        %dma_start3A_397 = arith.constant 0 : i32
        %dma_start3A_398 = tpu.memref_slice %arg10[%dma_start3A_396, %dma_start3A_397] : memref<10112x128xf32, #tpu.memory_space<vmem_shared>> -> memref<10112x128xf32, #tpu.memory_space<vmem_shared>>
        tpu.enqueue_indirect_dma source(%dma_start3A_392 : memref<64x128xf32, #tpu.memory_space<vmem>>) target(%dma_start3A_398 : memref<10112x128xf32, #tpu.memory_space<vmem_shared>>) offsets(%dma_start3A_395 : memref<64xi32, #tpu.memory_space<vmem>>) semaphore(%run_scoped3A_388 : memref<!tpu.dma_semaphore, #tpu.memory_space<semaphore_mem>>) {add = true}
        %dma_wait3A_399 = arith.constant 0 : i32
        %dma_wait3A_400 = arith.constant 0 : i32
        %dma_wait3A_401 = tpu.memref_slice %arg9[%run_scoped3A, %dma_wait3A_399, %dma_wait3A_400] : memref<2x64x128xf32, #tpu.memory_space<vmem>> -> memref<1x64x128xf32, #tpu.memory_space<vmem>>
        %dma_wait3A_402 = tpu.memref_squeeze %dma_wait3A_401 : memref<1x64x128xf32, #tpu.memory_space<vmem>> -> memref<64x128xf32, #tpu.memory_space<vmem>>
        %dma_wait3A_403 = arith.constant 0 : i32
        %dma_wait3A_404 = tpu.memref_slice %arg8[%add3A_352, %dma_wait3A_403] : memref<40x64xi32, #tpu.memory_space<vmem>> -> memref<1x64xi32, #tpu.memory_space<vmem>>
        %dma_wait3A_405 = tpu.memref_squeeze %dma_wait3A_404 : memref<1x64xi32, #tpu.memory_space<vmem>> -> memref<64xi32, #tpu.memory_space<vmem>>
        %dma_wait3A_406 = arith.constant 0 : i32
        %dma_wait3A_407 = arith.constant 0 : i32
        %dma_wait3A_408 = tpu.memref_slice %arg10[%dma_wait3A_406, %dma_wait3A_407] : memref<10112x128xf32, #tpu.memory_space<vmem_shared>> -> memref<10112x128xf32, #tpu.memory_space<vmem_shared>>
        tpu.wait_indirect_dma semaphore(%run_scoped3A_388 : memref<!tpu.dma_semaphore, #tpu.memory_space<semaphore_mem>>) src(%dma_wait3A_402 : memref<64x128xf32, #tpu.memory_space<vmem>>) dst(%dma_wait3A_408 : memref<10112x128xf32, #tpu.memory_space<vmem_shared>>)
        tpu.yield
      }) : () -> ()
      %add3A_363 = arith.constant 2 : i32
      %add3A_364 = arith.addi %add3A_352, %add3A_363 : i32
      %lt3A = arith.constant 40 : i32
      %lt3A_365 = arith.cmpi slt, %add3A_364, %lt3A : i32
      %convert_element_type3A = arith.extui %lt3A_365 : i1 to i32
      %cond3A = arith.constant 0 : i32
      %cond3A_366 = arith.cmpi ne, %convert_element_type3A, %cond3A : i32
      scf.if %cond3A_366 {
        %add3A_388 = arith.constant 2 : i32
        %add3A_389 = arith.addi %add3A_352, %add3A_388 : i32
        %dma_start3A_390 = arith.constant 0 : i32
        %dma_start3A_391 = arith.constant 0 : i32
        %dma_start3A_392 = arith.constant 0 : i32
        %dma_start3A_393 = tpu.memref_slice %arg9[%dma_start3A_390, %dma_start3A_391, %dma_start3A_392] : memref<2x64x128xf32, #tpu.memory_space<vmem>> -> memref<1x64x128xf32, #tpu.memory_space<vmem>>
        %dma_start3A_394 = tpu.memref_squeeze %dma_start3A_393 : memref<1x64x128xf32, #tpu.memory_space<vmem>> -> memref<64x128xf32, #tpu.memory_space<vmem>>
        %dma_start3A_395 = arith.constant 0 : i32
        %dma_start3A_396 = tpu.memref_slice %arg7[%add3A_389, %dma_start3A_395] : memref<40x64xi32, #tpu.memory_space<vmem>> -> memref<1x64xi32, #tpu.memory_space<vmem>>
        %dma_start3A_397 = tpu.memref_squeeze %dma_start3A_396 : memref<1x64xi32, #tpu.memory_space<vmem>> -> memref<64xi32, #tpu.memory_space<vmem>>
        %dma_start3A_398 = arith.constant 0 : i32
        %dma_start3A_399 = arith.constant 0 : i32
        %dma_start3A_400 = tpu.memref_slice %arg2[%dma_start3A_398, %dma_start3A_399] : memref<40960x128xf32, #tpu.memory_space<hbm>> -> memref<40960x128xf32, #tpu.memory_space<hbm>>
        tpu.enqueue_indirect_dma source(%dma_start3A_400 : memref<40960x128xf32, #tpu.memory_space<hbm>>) target(%dma_start3A_394 : memref<64x128xf32, #tpu.memory_space<vmem>>) offsets(%dma_start3A_397 : memref<64xi32, #tpu.memory_space<vmem>>) semaphore(%arg11 : memref<!tpu.dma_semaphore, #tpu.memory_space<semaphore_mem>>)
      } else {
      }
      %add3A_367 = arith.constant 1 : i32
      %add3A_368 = arith.addi %add3A_350, %add3A_367 : i32
      %dma_wait3A_369 = arith.constant 1 : i32
      %dma_wait3A_370 = arith.constant 0 : i32
      %dma_wait3A_371 = arith.constant 0 : i32
      %dma_wait3A_372 = tpu.memref_slice %arg9[%dma_wait3A_369, %dma_wait3A_370, %dma_wait3A_371] : memref<2x64x128xf32, #tpu.memory_space<vmem>> -> memref<1x64x128xf32, #tpu.memory_space<vmem>>
      %dma_wait3A_373 = tpu.memref_squeeze %dma_wait3A_372 : memref<1x64x128xf32, #tpu.memory_space<vmem>> -> memref<64x128xf32, #tpu.memory_space<vmem>>
      %dma_wait3A_374 = arith.constant 0 : i32
      %dma_wait3A_375 = tpu.memref_slice %arg7[%add3A_368, %dma_wait3A_374] : memref<40x64xi32, #tpu.memory_space<vmem>> -> memref<1x64xi32, #tpu.memory_space<vmem>>
      %dma_wait3A_376 = tpu.memref_squeeze %dma_wait3A_375 : memref<1x64xi32, #tpu.memory_space<vmem>> -> memref<64xi32, #tpu.memory_space<vmem>>
      %dma_wait3A_377 = arith.constant 0 : i32
      %dma_wait3A_378 = arith.constant 0 : i32
      %dma_wait3A_379 = tpu.memref_slice %arg2[%dma_wait3A_377, %dma_wait3A_378] : memref<40960x128xf32, #tpu.memory_space<hbm>> -> memref<40960x128xf32, #tpu.memory_space<hbm>>
      tpu.wait_indirect_dma semaphore(%arg12 : memref<!tpu.dma_semaphore, #tpu.memory_space<semaphore_mem>>) src(%dma_wait3A_379 : memref<40960x128xf32, #tpu.memory_space<hbm>>) dst(%dma_wait3A_373 : memref<64x128xf32, #tpu.memory_space<vmem>>)
      %run_scoped3A_380 = arith.constant 1 : i32
      "tpu.region"() ({
        %run_scoped3A_388 = tpu.sem_alloc : memref<!tpu.dma_semaphore, #tpu.memory_space<semaphore_mem>>
        %dma_start3A_389 = arith.constant 0 : i32
        %dma_start3A_390 = arith.constant 0 : i32
        %dma_start3A_391 = tpu.memref_slice %arg9[%run_scoped3A_380, %dma_start3A_389, %dma_start3A_390] : memref<2x64x128xf32, #tpu.memory_space<vmem>> -> memref<1x64x128xf32, #tpu.memory_space<vmem>>
        %dma_start3A_392 = tpu.memref_squeeze %dma_start3A_391 : memref<1x64x128xf32, #tpu.memory_space<vmem>> -> memref<64x128xf32, #tpu.memory_space<vmem>>
        %dma_start3A_393 = arith.constant 0 : i32
        %dma_start3A_394 = tpu.memref_slice %arg8[%add3A_368, %dma_start3A_393] : memref<40x64xi32, #tpu.memory_space<vmem>> -> memref<1x64xi32, #tpu.memory_space<vmem>>
        %dma_start3A_395 = tpu.memref_squeeze %dma_start3A_394 : memref<1x64xi32, #tpu.memory_space<vmem>> -> memref<64xi32, #tpu.memory_space<vmem>>
        %dma_start3A_396 = arith.constant 0 : i32
        %dma_start3A_397 = arith.constant 0 : i32
        %dma_start3A_398 = tpu.memref_slice %arg10[%dma_start3A_396, %dma_start3A_397] : memref<10112x128xf32, #tpu.memory_space<vmem_shared>> -> memref<10112x128xf32, #tpu.memory_space<vmem_shared>>
        tpu.enqueue_indirect_dma source(%dma_start3A_392 : memref<64x128xf32, #tpu.memory_space<vmem>>) target(%dma_start3A_398 : memref<10112x128xf32, #tpu.memory_space<vmem_shared>>) offsets(%dma_start3A_395 : memref<64xi32, #tpu.memory_space<vmem>>) semaphore(%run_scoped3A_388 : memref<!tpu.dma_semaphore, #tpu.memory_space<semaphore_mem>>) {add = true}
        %dma_wait3A_399 = arith.constant 0 : i32
        %dma_wait3A_400 = arith.constant 0 : i32
        %dma_wait3A_401 = tpu.memref_slice %arg9[%run_scoped3A_380, %dma_wait3A_399, %dma_wait3A_400] : memref<2x64x128xf32, #tpu.memory_space<vmem>> -> memref<1x64x128xf32, #tpu.memory_space<vmem>>
        %dma_wait3A_402 = tpu.memref_squeeze %dma_wait3A_401 : memref<1x64x128xf32, #tpu.memory_space<vmem>> -> memref<64x128xf32, #tpu.memory_space<vmem>>
        %dma_wait3A_403 = arith.constant 0 : i32
        %dma_wait3A_404 = tpu.memref_slice %arg8[%add3A_368, %dma_wait3A_403] : memref<40x64xi32, #tpu.memory_space<vmem>> -> memref<1x64xi32, #tpu.memory_space<vmem>>
        %dma_wait3A_405 = tpu.memref_squeeze %dma_wait3A_404 : memref<1x64xi32, #tpu.memory_space<vmem>> -> memref<64xi32, #tpu.memory_space<vmem>>
        %dma_wait3A_406 = arith.constant 0 : i32
        %dma_wait3A_407 = arith.constant 0 : i32
        %dma_wait3A_408 = tpu.memref_slice %arg10[%dma_wait3A_406, %dma_wait3A_407] : memref<10112x128xf32, #tpu.memory_space<vmem_shared>> -> memref<10112x128xf32, #tpu.memory_space<vmem_shared>>
        tpu.wait_indirect_dma semaphore(%run_scoped3A_388 : memref<!tpu.dma_semaphore, #tpu.memory_space<semaphore_mem>>) src(%dma_wait3A_402 : memref<64x128xf32, #tpu.memory_space<vmem>>) dst(%dma_wait3A_408 : memref<10112x128xf32, #tpu.memory_space<vmem_shared>>)
        tpu.yield
      }) : () -> ()
      %add3A_381 = arith.constant 2 : i32
      %add3A_382 = arith.addi %add3A_368, %add3A_381 : i32
      %lt3A_383 = arith.constant 40 : i32
      %lt3A_384 = arith.cmpi slt, %add3A_382, %lt3A_383 : i32
      %convert_element_type3A_385 = arith.extui %lt3A_384 : i1 to i32
      %cond3A_386 = arith.constant 0 : i32
      %cond3A_387 = arith.cmpi ne, %convert_element_type3A_385, %cond3A_386 : i32
      scf.if %cond3A_387 {
        %add3A_388 = arith.constant 2 : i32
        %add3A_389 = arith.addi %add3A_368, %add3A_388 : i32
        %dma_start3A_390 = arith.constant 1 : i32
        %dma_start3A_391 = arith.constant 0 : i32
        %dma_start3A_392 = arith.constant 0 : i32
        %dma_start3A_393 = tpu.memref_slice %arg9[%dma_start3A_390, %dma_start3A_391, %dma_start3A_392] : memref<2x64x128xf32, #tpu.memory_space<vmem>> -> memref<1x64x128xf32, #tpu.memory_space<vmem>>
        %dma_start3A_394 = tpu.memref_squeeze %dma_start3A_393 : memref<1x64x128xf32, #tpu.memory_space<vmem>> -> memref<64x128xf32, #tpu.memory_space<vmem>>
        %dma_start3A_395 = arith.constant 0 : i32
        %dma_start3A_396 = tpu.memref_slice %arg7[%add3A_389, %dma_start3A_395] : memref<40x64xi32, #tpu.memory_space<vmem>> -> memref<1x64xi32, #tpu.memory_space<vmem>>
        %dma_start3A_397 = tpu.memref_squeeze %dma_start3A_396 : memref<1x64xi32, #tpu.memory_space<vmem>> -> memref<64xi32, #tpu.memory_space<vmem>>
        %dma_start3A_398 = arith.constant 0 : i32
        %dma_start3A_399 = arith.constant 0 : i32
        %dma_start3A_400 = tpu.memref_slice %arg2[%dma_start3A_398, %dma_start3A_399] : memref<40960x128xf32, #tpu.memory_space<hbm>> -> memref<40960x128xf32, #tpu.memory_space<hbm>>
        tpu.enqueue_indirect_dma source(%dma_start3A_400 : memref<40960x128xf32, #tpu.memory_space<hbm>>) target(%dma_start3A_394 : memref<64x128xf32, #tpu.memory_space<vmem>>) offsets(%dma_start3A_397 : memref<64xi32, #tpu.memory_space<vmem>>) semaphore(%arg12 : memref<!tpu.dma_semaphore, #tpu.memory_space<semaphore_mem>>)
      } else {
      }
    }
    %scan3A_256 = arith.constant 20 : i32
    %mul3A_257 = arith.constant 2560 : i32
    %mul3A_258 = arith.muli %add3A_176, %mul3A_257 : i32
    %mul3A_259 = arith.constant 160 : i32
    %mul3A_260 = arith.muli %arg1, %mul3A_259 : i32
    %add3A_261 = arith.addi %mul3A_258, %mul3A_260 : i32
    %add3A_262 = arith.constant 80 : i32
    %add3A_263 = arith.addi %add3A_261, %add3A_262 : i32
    "tpu.region"() ({
      %run_scoped3A = tpu.sem_alloc : memref<!tpu.dma_semaphore, #tpu.memory_space<semaphore_mem>>
      %dma_start3A_346 = arith.constant 0 : i32
      %dma_start3A_347 = tpu.memref_slice %arg3[%add3A_263, %dma_start3A_346] : memref<10240x64xi32, #tpu.memory_space<hbm>> -> memref<40x64xi32, #tpu.memory_space<hbm>>
      %dma_start3A_348 = arith.constant 0 : i32
      %dma_start3A_349 = tpu.memref_slice %arg3[%add3A_263, %dma_start3A_348] : memref<10240x64xi32, #tpu.memory_space<hbm>> -> memref<40x64xi32, #tpu.memory_space<hbm>>
      tpu.enqueue_dma source(%dma_start3A_349 : memref<40x64xi32, #tpu.memory_space<hbm>>) target(%arg7 : memref<40x64xi32, #tpu.memory_space<vmem>>) target_semaphore(%run_scoped3A : memref<!tpu.dma_semaphore, #tpu.memory_space<semaphore_mem>>)
      %dma_wait3A = arith.constant 0 : i32
      %dma_wait3A_350 = tpu.memref_slice %arg3[%add3A_263, %dma_wait3A] : memref<10240x64xi32, #tpu.memory_space<hbm>> -> memref<40x64xi32, #tpu.memory_space<hbm>>
      %dma_wait3A_351 = arith.constant 0 : i32
      %dma_wait3A_352 = tpu.memref_slice %arg3[%add3A_263, %dma_wait3A_351] : memref<10240x64xi32, #tpu.memory_space<hbm>> -> memref<40x64xi32, #tpu.memory_space<hbm>>
      tpu.wait_dma2 semaphore(%run_scoped3A : memref<!tpu.dma_semaphore, #tpu.memory_space<semaphore_mem>>) src(%dma_wait3A_352 : memref<40x64xi32, #tpu.memory_space<hbm>>) dst(%arg7 : memref<40x64xi32, #tpu.memory_space<vmem>>)
      tpu.yield
    }) : () -> ()
    %mul3A_264 = arith.constant 160 : i32
    %mul3A_265 = arith.muli %arg1, %mul3A_264 : i32
    %add3A_266 = arith.constant 80 : i32
    %add3A_267 = arith.addi %mul3A_265, %add3A_266 : i32
    "tpu.region"() ({
      %run_scoped3A = tpu.sem_alloc : memref<!tpu.dma_semaphore, #tpu.memory_space<semaphore_mem>>
      %dma_start3A_346 = arith.constant 0 : i32
      %dma_start3A_347 = tpu.memref_slice %arg4[%add3A_267, %dma_start3A_346] : memref<2560x64xi32, #tpu.memory_space<hbm>> -> memref<40x64xi32, #tpu.memory_space<hbm>>
      %dma_start3A_348 = arith.constant 0 : i32
      %dma_start3A_349 = tpu.memref_slice %arg4[%add3A_267, %dma_start3A_348] : memref<2560x64xi32, #tpu.memory_space<hbm>> -> memref<40x64xi32, #tpu.memory_space<hbm>>
      tpu.enqueue_dma source(%dma_start3A_349 : memref<40x64xi32, #tpu.memory_space<hbm>>) target(%arg8 : memref<40x64xi32, #tpu.memory_space<vmem>>) target_semaphore(%run_scoped3A : memref<!tpu.dma_semaphore, #tpu.memory_space<semaphore_mem>>)
      %dma_wait3A = arith.constant 0 : i32
      %dma_wait3A_350 = tpu.memref_slice %arg4[%add3A_267, %dma_wait3A] : memref<2560x64xi32, #tpu.memory_space<hbm>> -> memref<40x64xi32, #tpu.memory_space<hbm>>
      %dma_wait3A_351 = arith.constant 0 : i32
      %dma_wait3A_352 = tpu.memref_slice %arg4[%add3A_267, %dma_wait3A_351] : memref<2560x64xi32, #tpu.memory_space<hbm>> -> memref<40x64xi32, #tpu.memory_space<hbm>>
      tpu.wait_dma2 semaphore(%run_scoped3A : memref<!tpu.dma_semaphore, #tpu.memory_space<semaphore_mem>>) src(%dma_wait3A_352 : memref<40x64xi32, #tpu.memory_space<hbm>>) dst(%arg8 : memref<40x64xi32, #tpu.memory_space<vmem>>)
      tpu.yield
    }) : () -> ()
    %dma_start3A_268 = arith.constant 0 : i32
    %dma_start3A_269 = arith.constant 0 : i32
    %dma_start3A_270 = arith.constant 0 : i32
    %dma_start3A_271 = arith.constant 0 : i32
    %dma_start3A_272 = tpu.memref_slice %arg9[%dma_start3A_269, %dma_start3A_270, %dma_start3A_271] : memref<2x64x128xf32, #tpu.memory_space<vmem>> -> memref<1x64x128xf32, #tpu.memory_space<vmem>>
    %dma_start3A_273 = tpu.memref_squeeze %dma_start3A_272 : memref<1x64x128xf32, #tpu.memory_space<vmem>> -> memref<64x128xf32, #tpu.memory_space<vmem>>
    %dma_start3A_274 = arith.constant 0 : i32
    %dma_start3A_275 = tpu.memref_slice %arg7[%dma_start3A_268, %dma_start3A_274] : memref<40x64xi32, #tpu.memory_space<vmem>> -> memref<1x64xi32, #tpu.memory_space<vmem>>
    %dma_start3A_276 = tpu.memref_squeeze %dma_start3A_275 : memref<1x64xi32, #tpu.memory_space<vmem>> -> memref<64xi32, #tpu.memory_space<vmem>>
    %dma_start3A_277 = arith.constant 0 : i32
    %dma_start3A_278 = arith.constant 0 : i32
    %dma_start3A_279 = tpu.memref_slice %arg2[%dma_start3A_277, %dma_start3A_278] : memref<40960x128xf32, #tpu.memory_space<hbm>> -> memref<40960x128xf32, #tpu.memory_space<hbm>>
    tpu.enqueue_indirect_dma source(%dma_start3A_279 : memref<40960x128xf32, #tpu.memory_space<hbm>>) target(%dma_start3A_273 : memref<64x128xf32, #tpu.memory_space<vmem>>) offsets(%dma_start3A_276 : memref<64xi32, #tpu.memory_space<vmem>>) semaphore(%arg11 : memref<!tpu.dma_semaphore, #tpu.memory_space<semaphore_mem>>)
    %dma_start3A_280 = arith.constant 1 : i32
    %dma_start3A_281 = arith.constant 1 : i32
    %dma_start3A_282 = arith.constant 0 : i32
    %dma_start3A_283 = arith.constant 0 : i32
    %dma_start3A_284 = tpu.memref_slice %arg9[%dma_start3A_281, %dma_start3A_282, %dma_start3A_283] : memref<2x64x128xf32, #tpu.memory_space<vmem>> -> memref<1x64x128xf32, #tpu.memory_space<vmem>>
    %dma_start3A_285 = tpu.memref_squeeze %dma_start3A_284 : memref<1x64x128xf32, #tpu.memory_space<vmem>> -> memref<64x128xf32, #tpu.memory_space<vmem>>
    %dma_start3A_286 = arith.constant 0 : i32
    %dma_start3A_287 = tpu.memref_slice %arg7[%dma_start3A_280, %dma_start3A_286] : memref<40x64xi32, #tpu.memory_space<vmem>> -> memref<1x64xi32, #tpu.memory_space<vmem>>
    %dma_start3A_288 = tpu.memref_squeeze %dma_start3A_287 : memref<1x64xi32, #tpu.memory_space<vmem>> -> memref<64xi32, #tpu.memory_space<vmem>>
    %dma_start3A_289 = arith.constant 0 : i32
    %dma_start3A_290 = arith.constant 0 : i32
    %dma_start3A_291 = tpu.memref_slice %arg2[%dma_start3A_289, %dma_start3A_290] : memref<40960x128xf32, #tpu.memory_space<hbm>> -> memref<40960x128xf32, #tpu.memory_space<hbm>>
    tpu.enqueue_indirect_dma source(%dma_start3A_291 : memref<40960x128xf32, #tpu.memory_space<hbm>>) target(%dma_start3A_285 : memref<64x128xf32, #tpu.memory_space<vmem>>) offsets(%dma_start3A_288 : memref<64xi32, #tpu.memory_space<vmem>>) semaphore(%arg12 : memref<!tpu.dma_semaphore, #tpu.memory_space<semaphore_mem>>)
    %scan3A_292 = arith.constant 0 : i32
    %scan3A_293 = arith.constant 20 : i32
    %scan3A_294 = arith.addi %scan3A_292, %scan3A_293 : i32
    %scan3A_295 = arith.constant 1 : i32
    scf.for %scan3A_346 = %scan3A_292 to %scan3A_294 step %scan3A_295  : i32 {
      %mul3A_347 = arith.constant 2 : i32
      %mul3A_348 = arith.muli %scan3A_346, %mul3A_347 : i32
      %add3A_349 = arith.constant 0 : i32
      %add3A_350 = arith.addi %add3A_349, %mul3A_348 : i32
      %add3A_351 = arith.constant 0 : i32
      %add3A_352 = arith.addi %add3A_350, %add3A_351 : i32
      %dma_wait3A = arith.constant 0 : i32
      %dma_wait3A_353 = arith.constant 0 : i32
      %dma_wait3A_354 = arith.constant 0 : i32
      %dma_wait3A_355 = tpu.memref_slice %arg9[%dma_wait3A, %dma_wait3A_353, %dma_wait3A_354] : memref<2x64x128xf32, #tpu.memory_space<vmem>> -> memref<1x64x128xf32, #tpu.memory_space<vmem>>
      %dma_wait3A_356 = tpu.memref_squeeze %dma_wait3A_355 : memref<1x64x128xf32, #tpu.memory_space<vmem>> -> memref<64x128xf32, #tpu.memory_space<vmem>>
      %dma_wait3A_357 = arith.constant 0 : i32
      %dma_wait3A_358 = tpu.memref_slice %arg7[%add3A_352, %dma_wait3A_357] : memref<40x64xi32, #tpu.memory_space<vmem>> -> memref<1x64xi32, #tpu.memory_space<vmem>>
      %dma_wait3A_359 = tpu.memref_squeeze %dma_wait3A_358 : memref<1x64xi32, #tpu.memory_space<vmem>> -> memref<64xi32, #tpu.memory_space<vmem>>
      %dma_wait3A_360 = arith.constant 0 : i32
      %dma_wait3A_361 = arith.constant 0 : i32
      %dma_wait3A_362 = tpu.memref_slice %arg2[%dma_wait3A_360, %dma_wait3A_361] : memref<40960x128xf32, #tpu.memory_space<hbm>> -> memref<40960x128xf32, #tpu.memory_space<hbm>>
      tpu.wait_indirect_dma semaphore(%arg11 : memref<!tpu.dma_semaphore, #tpu.memory_space<semaphore_mem>>) src(%dma_wait3A_362 : memref<40960x128xf32, #tpu.memory_space<hbm>>) dst(%dma_wait3A_356 : memref<64x128xf32, #tpu.memory_space<vmem>>)
      %run_scoped3A = arith.constant 0 : i32
      "tpu.region"() ({
        %run_scoped3A_388 = tpu.sem_alloc : memref<!tpu.dma_semaphore, #tpu.memory_space<semaphore_mem>>
        %dma_start3A_389 = arith.constant 0 : i32
        %dma_start3A_390 = arith.constant 0 : i32
        %dma_start3A_391 = tpu.memref_slice %arg9[%run_scoped3A, %dma_start3A_389, %dma_start3A_390] : memref<2x64x128xf32, #tpu.memory_space<vmem>> -> memref<1x64x128xf32, #tpu.memory_space<vmem>>
        %dma_start3A_392 = tpu.memref_squeeze %dma_start3A_391 : memref<1x64x128xf32, #tpu.memory_space<vmem>> -> memref<64x128xf32, #tpu.memory_space<vmem>>
        %dma_start3A_393 = arith.constant 0 : i32
        %dma_start3A_394 = tpu.memref_slice %arg8[%add3A_352, %dma_start3A_393] : memref<40x64xi32, #tpu.memory_space<vmem>> -> memref<1x64xi32, #tpu.memory_space<vmem>>
        %dma_start3A_395 = tpu.memref_squeeze %dma_start3A_394 : memref<1x64xi32, #tpu.memory_space<vmem>> -> memref<64xi32, #tpu.memory_space<vmem>>
        %dma_start3A_396 = arith.constant 0 : i32
        %dma_start3A_397 = arith.constant 0 : i32
        %dma_start3A_398 = tpu.memref_slice %arg10[%dma_start3A_396, %dma_start3A_397] : memref<10112x128xf32, #tpu.memory_space<vmem_shared>> -> memref<10112x128xf32, #tpu.memory_space<vmem_shared>>
        tpu.enqueue_indirect_dma source(%dma_start3A_392 : memref<64x128xf32, #tpu.memory_space<vmem>>) target(%dma_start3A_398 : memref<10112x128xf32, #tpu.memory_space<vmem_shared>>) offsets(%dma_start3A_395 : memref<64xi32, #tpu.memory_space<vmem>>) semaphore(%run_scoped3A_388 : memref<!tpu.dma_semaphore, #tpu.memory_space<semaphore_mem>>) {add = true}
        %dma_wait3A_399 = arith.constant 0 : i32
        %dma_wait3A_400 = arith.constant 0 : i32
        %dma_wait3A_401 = tpu.memref_slice %arg9[%run_scoped3A, %dma_wait3A_399, %dma_wait3A_400] : memref<2x64x128xf32, #tpu.memory_space<vmem>> -> memref<1x64x128xf32, #tpu.memory_space<vmem>>
        %dma_wait3A_402 = tpu.memref_squeeze %dma_wait3A_401 : memref<1x64x128xf32, #tpu.memory_space<vmem>> -> memref<64x128xf32, #tpu.memory_space<vmem>>
        %dma_wait3A_403 = arith.constant 0 : i32
        %dma_wait3A_404 = tpu.memref_slice %arg8[%add3A_352, %dma_wait3A_403] : memref<40x64xi32, #tpu.memory_space<vmem>> -> memref<1x64xi32, #tpu.memory_space<vmem>>
        %dma_wait3A_405 = tpu.memref_squeeze %dma_wait3A_404 : memref<1x64xi32, #tpu.memory_space<vmem>> -> memref<64xi32, #tpu.memory_space<vmem>>
        %dma_wait3A_406 = arith.constant 0 : i32
        %dma_wait3A_407 = arith.constant 0 : i32
        %dma_wait3A_408 = tpu.memref_slice %arg10[%dma_wait3A_406, %dma_wait3A_407] : memref<10112x128xf32, #tpu.memory_space<vmem_shared>> -> memref<10112x128xf32, #tpu.memory_space<vmem_shared>>
        tpu.wait_indirect_dma semaphore(%run_scoped3A_388 : memref<!tpu.dma_semaphore, #tpu.memory_space<semaphore_mem>>) src(%dma_wait3A_402 : memref<64x128xf32, #tpu.memory_space<vmem>>) dst(%dma_wait3A_408 : memref<10112x128xf32, #tpu.memory_space<vmem_shared>>)
        tpu.yield
      }) : () -> ()
      %add3A_363 = arith.constant 2 : i32
      %add3A_364 = arith.addi %add3A_352, %add3A_363 : i32
      %lt3A = arith.constant 40 : i32
      %lt3A_365 = arith.cmpi slt, %add3A_364, %lt3A : i32
      %convert_element_type3A = arith.extui %lt3A_365 : i1 to i32
      %cond3A = arith.constant 0 : i32
      %cond3A_366 = arith.cmpi ne, %convert_element_type3A, %cond3A : i32
      scf.if %cond3A_366 {
        %add3A_388 = arith.constant 2 : i32
        %add3A_389 = arith.addi %add3A_352, %add3A_388 : i32
        %dma_start3A_390 = arith.constant 0 : i32
        %dma_start3A_391 = arith.constant 0 : i32
        %dma_start3A_392 = arith.constant 0 : i32
        %dma_start3A_393 = tpu.memref_slice %arg9[%dma_start3A_390, %dma_start3A_391, %dma_start3A_392] : memref<2x64x128xf32, #tpu.memory_space<vmem>> -> memref<1x64x128xf32, #tpu.memory_space<vmem>>
        %dma_start3A_394 = tpu.memref_squeeze %dma_start3A_393 : memref<1x64x128xf32, #tpu.memory_space<vmem>> -> memref<64x128xf32, #tpu.memory_space<vmem>>
        %dma_start3A_395 = arith.constant 0 : i32
        %dma_start3A_396 = tpu.memref_slice %arg7[%add3A_389, %dma_start3A_395] : memref<40x64xi32, #tpu.memory_space<vmem>> -> memref<1x64xi32, #tpu.memory_space<vmem>>
        %dma_start3A_397 = tpu.memref_squeeze %dma_start3A_396 : memref<1x64xi32, #tpu.memory_space<vmem>> -> memref<64xi32, #tpu.memory_space<vmem>>
        %dma_start3A_398 = arith.constant 0 : i32
        %dma_start3A_399 = arith.constant 0 : i32
        %dma_start3A_400 = tpu.memref_slice %arg2[%dma_start3A_398, %dma_start3A_399] : memref<40960x128xf32, #tpu.memory_space<hbm>> -> memref<40960x128xf32, #tpu.memory_space<hbm>>
        tpu.enqueue_indirect_dma source(%dma_start3A_400 : memref<40960x128xf32, #tpu.memory_space<hbm>>) target(%dma_start3A_394 : memref<64x128xf32, #tpu.memory_space<vmem>>) offsets(%dma_start3A_397 : memref<64xi32, #tpu.memory_space<vmem>>) semaphore(%arg11 : memref<!tpu.dma_semaphore, #tpu.memory_space<semaphore_mem>>)
      } else {
      }
      %add3A_367 = arith.constant 1 : i32
      %add3A_368 = arith.addi %add3A_350, %add3A_367 : i32
      %dma_wait3A_369 = arith.constant 1 : i32
      %dma_wait3A_370 = arith.constant 0 : i32
      %dma_wait3A_371 = arith.constant 0 : i32
      %dma_wait3A_372 = tpu.memref_slice %arg9[%dma_wait3A_369, %dma_wait3A_370, %dma_wait3A_371] : memref<2x64x128xf32, #tpu.memory_space<vmem>> -> memref<1x64x128xf32, #tpu.memory_space<vmem>>
      %dma_wait3A_373 = tpu.memref_squeeze %dma_wait3A_372 : memref<1x64x128xf32, #tpu.memory_space<vmem>> -> memref<64x128xf32, #tpu.memory_space<vmem>>
      %dma_wait3A_374 = arith.constant 0 : i32
      %dma_wait3A_375 = tpu.memref_slice %arg7[%add3A_368, %dma_wait3A_374] : memref<40x64xi32, #tpu.memory_space<vmem>> -> memref<1x64xi32, #tpu.memory_space<vmem>>
      %dma_wait3A_376 = tpu.memref_squeeze %dma_wait3A_375 : memref<1x64xi32, #tpu.memory_space<vmem>> -> memref<64xi32, #tpu.memory_space<vmem>>
      %dma_wait3A_377 = arith.constant 0 : i32
      %dma_wait3A_378 = arith.constant 0 : i32
      %dma_wait3A_379 = tpu.memref_slice %arg2[%dma_wait3A_377, %dma_wait3A_378] : memref<40960x128xf32, #tpu.memory_space<hbm>> -> memref<40960x128xf32, #tpu.memory_space<hbm>>
      tpu.wait_indirect_dma semaphore(%arg12 : memref<!tpu.dma_semaphore, #tpu.memory_space<semaphore_mem>>) src(%dma_wait3A_379 : memref<40960x128xf32, #tpu.memory_space<hbm>>) dst(%dma_wait3A_373 : memref<64x128xf32, #tpu.memory_space<vmem>>)
      %run_scoped3A_380 = arith.constant 1 : i32
      "tpu.region"() ({
        %run_scoped3A_388 = tpu.sem_alloc : memref<!tpu.dma_semaphore, #tpu.memory_space<semaphore_mem>>
        %dma_start3A_389 = arith.constant 0 : i32
        %dma_start3A_390 = arith.constant 0 : i32
        %dma_start3A_391 = tpu.memref_slice %arg9[%run_scoped3A_380, %dma_start3A_389, %dma_start3A_390] : memref<2x64x128xf32, #tpu.memory_space<vmem>> -> memref<1x64x128xf32, #tpu.memory_space<vmem>>
        %dma_start3A_392 = tpu.memref_squeeze %dma_start3A_391 : memref<1x64x128xf32, #tpu.memory_space<vmem>> -> memref<64x128xf32, #tpu.memory_space<vmem>>
        %dma_start3A_393 = arith.constant 0 : i32
        %dma_start3A_394 = tpu.memref_slice %arg8[%add3A_368, %dma_start3A_393] : memref<40x64xi32, #tpu.memory_space<vmem>> -> memref<1x64xi32, #tpu.memory_space<vmem>>
        %dma_start3A_395 = tpu.memref_squeeze %dma_start3A_394 : memref<1x64xi32, #tpu.memory_space<vmem>> -> memref<64xi32, #tpu.memory_space<vmem>>
        %dma_start3A_396 = arith.constant 0 : i32
        %dma_start3A_397 = arith.constant 0 : i32
        %dma_start3A_398 = tpu.memref_slice %arg10[%dma_start3A_396, %dma_start3A_397] : memref<10112x128xf32, #tpu.memory_space<vmem_shared>> -> memref<10112x128xf32, #tpu.memory_space<vmem_shared>>
        tpu.enqueue_indirect_dma source(%dma_start3A_392 : memref<64x128xf32, #tpu.memory_space<vmem>>) target(%dma_start3A_398 : memref<10112x128xf32, #tpu.memory_space<vmem_shared>>) offsets(%dma_start3A_395 : memref<64xi32, #tpu.memory_space<vmem>>) semaphore(%run_scoped3A_388 : memref<!tpu.dma_semaphore, #tpu.memory_space<semaphore_mem>>) {add = true}
        %dma_wait3A_399 = arith.constant 0 : i32
        %dma_wait3A_400 = arith.constant 0 : i32
        %dma_wait3A_401 = tpu.memref_slice %arg9[%run_scoped3A_380, %dma_wait3A_399, %dma_wait3A_400] : memref<2x64x128xf32, #tpu.memory_space<vmem>> -> memref<1x64x128xf32, #tpu.memory_space<vmem>>
        %dma_wait3A_402 = tpu.memref_squeeze %dma_wait3A_401 : memref<1x64x128xf32, #tpu.memory_space<vmem>> -> memref<64x128xf32, #tpu.memory_space<vmem>>
        %dma_wait3A_403 = arith.constant 0 : i32
        %dma_wait3A_404 = tpu.memref_slice %arg8[%add3A_368, %dma_wait3A_403] : memref<40x64xi32, #tpu.memory_space<vmem>> -> memref<1x64xi32, #tpu.memory_space<vmem>>
        %dma_wait3A_405 = tpu.memref_squeeze %dma_wait3A_404 : memref<1x64xi32, #tpu.memory_space<vmem>> -> memref<64xi32, #tpu.memory_space<vmem>>
        %dma_wait3A_406 = arith.constant 0 : i32
        %dma_wait3A_407 = arith.constant 0 : i32
        %dma_wait3A_408 = tpu.memref_slice %arg10[%dma_wait3A_406, %dma_wait3A_407] : memref<10112x128xf32, #tpu.memory_space<vmem_shared>> -> memref<10112x128xf32, #tpu.memory_space<vmem_shared>>
        tpu.wait_indirect_dma semaphore(%run_scoped3A_388 : memref<!tpu.dma_semaphore, #tpu.memory_space<semaphore_mem>>) src(%dma_wait3A_402 : memref<64x128xf32, #tpu.memory_space<vmem>>) dst(%dma_wait3A_408 : memref<10112x128xf32, #tpu.memory_space<vmem_shared>>)
        tpu.yield
      }) : () -> ()
      %add3A_381 = arith.constant 2 : i32
      %add3A_382 = arith.addi %add3A_368, %add3A_381 : i32
      %lt3A_383 = arith.constant 40 : i32
      %lt3A_384 = arith.cmpi slt, %add3A_382, %lt3A_383 : i32
      %convert_element_type3A_385 = arith.extui %lt3A_384 : i1 to i32
      %cond3A_386 = arith.constant 0 : i32
      %cond3A_387 = arith.cmpi ne, %convert_element_type3A_385, %cond3A_386 : i32
      scf.if %cond3A_387 {
        %add3A_388 = arith.constant 2 : i32
        %add3A_389 = arith.addi %add3A_368, %add3A_388 : i32
        %dma_start3A_390 = arith.constant 1 : i32
        %dma_start3A_391 = arith.constant 0 : i32
        %dma_start3A_392 = arith.constant 0 : i32
        %dma_start3A_393 = tpu.memref_slice %arg9[%dma_start3A_390, %dma_start3A_391, %dma_start3A_392] : memref<2x64x128xf32, #tpu.memory_space<vmem>> -> memref<1x64x128xf32, #tpu.memory_space<vmem>>
        %dma_start3A_394 = tpu.memref_squeeze %dma_start3A_393 : memref<1x64x128xf32, #tpu.memory_space<vmem>> -> memref<64x128xf32, #tpu.memory_space<vmem>>
        %dma_start3A_395 = arith.constant 0 : i32
        %dma_start3A_396 = tpu.memref_slice %arg7[%add3A_389, %dma_start3A_395] : memref<40x64xi32, #tpu.memory_space<vmem>> -> memref<1x64xi32, #tpu.memory_space<vmem>>
        %dma_start3A_397 = tpu.memref_squeeze %dma_start3A_396 : memref<1x64xi32, #tpu.memory_space<vmem>> -> memref<64xi32, #tpu.memory_space<vmem>>
        %dma_start3A_398 = arith.constant 0 : i32
        %dma_start3A_399 = arith.constant 0 : i32
        %dma_start3A_400 = tpu.memref_slice %arg2[%dma_start3A_398, %dma_start3A_399] : memref<40960x128xf32, #tpu.memory_space<hbm>> -> memref<40960x128xf32, #tpu.memory_space<hbm>>
        tpu.enqueue_indirect_dma source(%dma_start3A_400 : memref<40960x128xf32, #tpu.memory_space<hbm>>) target(%dma_start3A_394 : memref<64x128xf32, #tpu.memory_space<vmem>>) offsets(%dma_start3A_397 : memref<64xi32, #tpu.memory_space<vmem>>) semaphore(%arg12 : memref<!tpu.dma_semaphore, #tpu.memory_space<semaphore_mem>>)
      } else {
      }
    }
    %scan3A_296 = arith.constant 20 : i32
    %mul3A_297 = arith.constant 2560 : i32
    %mul3A_298 = arith.muli %add3A_176, %mul3A_297 : i32
    %mul3A_299 = arith.constant 160 : i32
    %mul3A_300 = arith.muli %arg1, %mul3A_299 : i32
    %add3A_301 = arith.addi %mul3A_298, %mul3A_300 : i32
    %add3A_302 = arith.constant 120 : i32
    %add3A_303 = arith.addi %add3A_301, %add3A_302 : i32
    "tpu.region"() ({
      %run_scoped3A = tpu.sem_alloc : memref<!tpu.dma_semaphore, #tpu.memory_space<semaphore_mem>>
      %dma_start3A_346 = arith.constant 0 : i32
      %dma_start3A_347 = tpu.memref_slice %arg3[%add3A_303, %dma_start3A_346] : memref<10240x64xi32, #tpu.memory_space<hbm>> -> memref<40x64xi32, #tpu.memory_space<hbm>>
      %dma_start3A_348 = arith.constant 0 : i32
      %dma_start3A_349 = tpu.memref_slice %arg3[%add3A_303, %dma_start3A_348] : memref<10240x64xi32, #tpu.memory_space<hbm>> -> memref<40x64xi32, #tpu.memory_space<hbm>>
      tpu.enqueue_dma source(%dma_start3A_349 : memref<40x64xi32, #tpu.memory_space<hbm>>) target(%arg7 : memref<40x64xi32, #tpu.memory_space<vmem>>) target_semaphore(%run_scoped3A : memref<!tpu.dma_semaphore, #tpu.memory_space<semaphore_mem>>)
      %dma_wait3A = arith.constant 0 : i32
      %dma_wait3A_350 = tpu.memref_slice %arg3[%add3A_303, %dma_wait3A] : memref<10240x64xi32, #tpu.memory_space<hbm>> -> memref<40x64xi32, #tpu.memory_space<hbm>>
      %dma_wait3A_351 = arith.constant 0 : i32
      %dma_wait3A_352 = tpu.memref_slice %arg3[%add3A_303, %dma_wait3A_351] : memref<10240x64xi32, #tpu.memory_space<hbm>> -> memref<40x64xi32, #tpu.memory_space<hbm>>
      tpu.wait_dma2 semaphore(%run_scoped3A : memref<!tpu.dma_semaphore, #tpu.memory_space<semaphore_mem>>) src(%dma_wait3A_352 : memref<40x64xi32, #tpu.memory_space<hbm>>) dst(%arg7 : memref<40x64xi32, #tpu.memory_space<vmem>>)
      tpu.yield
    }) : () -> ()
    %mul3A_304 = arith.constant 160 : i32
    %mul3A_305 = arith.muli %arg1, %mul3A_304 : i32
    %add3A_306 = arith.constant 120 : i32
    %add3A_307 = arith.addi %mul3A_305, %add3A_306 : i32
    "tpu.region"() ({
      %run_scoped3A = tpu.sem_alloc : memref<!tpu.dma_semaphore, #tpu.memory_space<semaphore_mem>>
      %dma_start3A_346 = arith.constant 0 : i32
      %dma_start3A_347 = tpu.memref_slice %arg4[%add3A_307, %dma_start3A_346] : memref<2560x64xi32, #tpu.memory_space<hbm>> -> memref<40x64xi32, #tpu.memory_space<hbm>>
      %dma_start3A_348 = arith.constant 0 : i32
      %dma_start3A_349 = tpu.memref_slice %arg4[%add3A_307, %dma_start3A_348] : memref<2560x64xi32, #tpu.memory_space<hbm>> -> memref<40x64xi32, #tpu.memory_space<hbm>>
      tpu.enqueue_dma source(%dma_start3A_349 : memref<40x64xi32, #tpu.memory_space<hbm>>) target(%arg8 : memref<40x64xi32, #tpu.memory_space<vmem>>) target_semaphore(%run_scoped3A : memref<!tpu.dma_semaphore, #tpu.memory_space<semaphore_mem>>)
      %dma_wait3A = arith.constant 0 : i32
      %dma_wait3A_350 = tpu.memref_slice %arg4[%add3A_307, %dma_wait3A] : memref<2560x64xi32, #tpu.memory_space<hbm>> -> memref<40x64xi32, #tpu.memory_space<hbm>>
      %dma_wait3A_351 = arith.constant 0 : i32
      %dma_wait3A_352 = tpu.memref_slice %arg4[%add3A_307, %dma_wait3A_351] : memref<2560x64xi32, #tpu.memory_space<hbm>> -> memref<40x64xi32, #tpu.memory_space<hbm>>
      tpu.wait_dma2 semaphore(%run_scoped3A : memref<!tpu.dma_semaphore, #tpu.memory_space<semaphore_mem>>) src(%dma_wait3A_352 : memref<40x64xi32, #tpu.memory_space<hbm>>) dst(%arg8 : memref<40x64xi32, #tpu.memory_space<vmem>>)
      tpu.yield
    }) : () -> ()
    %dma_start3A_308 = arith.constant 0 : i32
    %dma_start3A_309 = arith.constant 0 : i32
    %dma_start3A_310 = arith.constant 0 : i32
    %dma_start3A_311 = arith.constant 0 : i32
    %dma_start3A_312 = tpu.memref_slice %arg9[%dma_start3A_309, %dma_start3A_310, %dma_start3A_311] : memref<2x64x128xf32, #tpu.memory_space<vmem>> -> memref<1x64x128xf32, #tpu.memory_space<vmem>>
    %dma_start3A_313 = tpu.memref_squeeze %dma_start3A_312 : memref<1x64x128xf32, #tpu.memory_space<vmem>> -> memref<64x128xf32, #tpu.memory_space<vmem>>
    %dma_start3A_314 = arith.constant 0 : i32
    %dma_start3A_315 = tpu.memref_slice %arg7[%dma_start3A_308, %dma_start3A_314] : memref<40x64xi32, #tpu.memory_space<vmem>> -> memref<1x64xi32, #tpu.memory_space<vmem>>
    %dma_start3A_316 = tpu.memref_squeeze %dma_start3A_315 : memref<1x64xi32, #tpu.memory_space<vmem>> -> memref<64xi32, #tpu.memory_space<vmem>>
    %dma_start3A_317 = arith.constant 0 : i32
    %dma_start3A_318 = arith.constant 0 : i32
    %dma_start3A_319 = tpu.memref_slice %arg2[%dma_start3A_317, %dma_start3A_318] : memref<40960x128xf32, #tpu.memory_space<hbm>> -> memref<40960x128xf32, #tpu.memory_space<hbm>>
    tpu.enqueue_indirect_dma source(%dma_start3A_319 : memref<40960x128xf32, #tpu.memory_space<hbm>>) target(%dma_start3A_313 : memref<64x128xf32, #tpu.memory_space<vmem>>) offsets(%dma_start3A_316 : memref<64xi32, #tpu.memory_space<vmem>>) semaphore(%arg11 : memref<!tpu.dma_semaphore, #tpu.memory_space<semaphore_mem>>)
    %dma_start3A_320 = arith.constant 1 : i32
    %dma_start3A_321 = arith.constant 1 : i32
    %dma_start3A_322 = arith.constant 0 : i32
    %dma_start3A_323 = arith.constant 0 : i32
    %dma_start3A_324 = tpu.memref_slice %arg9[%dma_start3A_321, %dma_start3A_322, %dma_start3A_323] : memref<2x64x128xf32, #tpu.memory_space<vmem>> -> memref<1x64x128xf32, #tpu.memory_space<vmem>>
    %dma_start3A_325 = tpu.memref_squeeze %dma_start3A_324 : memref<1x64x128xf32, #tpu.memory_space<vmem>> -> memref<64x128xf32, #tpu.memory_space<vmem>>
    %dma_start3A_326 = arith.constant 0 : i32
    %dma_start3A_327 = tpu.memref_slice %arg7[%dma_start3A_320, %dma_start3A_326] : memref<40x64xi32, #tpu.memory_space<vmem>> -> memref<1x64xi32, #tpu.memory_space<vmem>>
    %dma_start3A_328 = tpu.memref_squeeze %dma_start3A_327 : memref<1x64xi32, #tpu.memory_space<vmem>> -> memref<64xi32, #tpu.memory_space<vmem>>
    %dma_start3A_329 = arith.constant 0 : i32
    %dma_start3A_330 = arith.constant 0 : i32
    %dma_start3A_331 = tpu.memref_slice %arg2[%dma_start3A_329, %dma_start3A_330] : memref<40960x128xf32, #tpu.memory_space<hbm>> -> memref<40960x128xf32, #tpu.memory_space<hbm>>
    tpu.enqueue_indirect_dma source(%dma_start3A_331 : memref<40960x128xf32, #tpu.memory_space<hbm>>) target(%dma_start3A_325 : memref<64x128xf32, #tpu.memory_space<vmem>>) offsets(%dma_start3A_328 : memref<64xi32, #tpu.memory_space<vmem>>) semaphore(%arg12 : memref<!tpu.dma_semaphore, #tpu.memory_space<semaphore_mem>>)
    %scan3A_332 = arith.constant 0 : i32
    %scan3A_333 = arith.constant 20 : i32
    %scan3A_334 = arith.addi %scan3A_332, %scan3A_333 : i32
    %scan3A_335 = arith.constant 1 : i32
    scf.for %scan3A_346 = %scan3A_332 to %scan3A_334 step %scan3A_335  : i32 {
      %mul3A_347 = arith.constant 2 : i32
      %mul3A_348 = arith.muli %scan3A_346, %mul3A_347 : i32
      %add3A_349 = arith.constant 0 : i32
      %add3A_350 = arith.addi %add3A_349, %mul3A_348 : i32
      %add3A_351 = arith.constant 0 : i32
      %add3A_352 = arith.addi %add3A_350, %add3A_351 : i32
      %dma_wait3A = arith.constant 0 : i32
      %dma_wait3A_353 = arith.constant 0 : i32
      %dma_wait3A_354 = arith.constant 0 : i32
      %dma_wait3A_355 = tpu.memref_slice %arg9[%dma_wait3A, %dma_wait3A_353, %dma_wait3A_354] : memref<2x64x128xf32, #tpu.memory_space<vmem>> -> memref<1x64x128xf32, #tpu.memory_space<vmem>>
      %dma_wait3A_356 = tpu.memref_squeeze %dma_wait3A_355 : memref<1x64x128xf32, #tpu.memory_space<vmem>> -> memref<64x128xf32, #tpu.memory_space<vmem>>
      %dma_wait3A_357 = arith.constant 0 : i32
      %dma_wait3A_358 = tpu.memref_slice %arg7[%add3A_352, %dma_wait3A_357] : memref<40x64xi32, #tpu.memory_space<vmem>> -> memref<1x64xi32, #tpu.memory_space<vmem>>
      %dma_wait3A_359 = tpu.memref_squeeze %dma_wait3A_358 : memref<1x64xi32, #tpu.memory_space<vmem>> -> memref<64xi32, #tpu.memory_space<vmem>>
      %dma_wait3A_360 = arith.constant 0 : i32
      %dma_wait3A_361 = arith.constant 0 : i32
      %dma_wait3A_362 = tpu.memref_slice %arg2[%dma_wait3A_360, %dma_wait3A_361] : memref<40960x128xf32, #tpu.memory_space<hbm>> -> memref<40960x128xf32, #tpu.memory_space<hbm>>
      tpu.wait_indirect_dma semaphore(%arg11 : memref<!tpu.dma_semaphore, #tpu.memory_space<semaphore_mem>>) src(%dma_wait3A_362 : memref<40960x128xf32, #tpu.memory_space<hbm>>) dst(%dma_wait3A_356 : memref<64x128xf32, #tpu.memory_space<vmem>>)
      %run_scoped3A = arith.constant 0 : i32
      "tpu.region"() ({
        %run_scoped3A_388 = tpu.sem_alloc : memref<!tpu.dma_semaphore, #tpu.memory_space<semaphore_mem>>
        %dma_start3A_389 = arith.constant 0 : i32
        %dma_start3A_390 = arith.constant 0 : i32
        %dma_start3A_391 = tpu.memref_slice %arg9[%run_scoped3A, %dma_start3A_389, %dma_start3A_390] : memref<2x64x128xf32, #tpu.memory_space<vmem>> -> memref<1x64x128xf32, #tpu.memory_space<vmem>>
        %dma_start3A_392 = tpu.memref_squeeze %dma_start3A_391 : memref<1x64x128xf32, #tpu.memory_space<vmem>> -> memref<64x128xf32, #tpu.memory_space<vmem>>
        %dma_start3A_393 = arith.constant 0 : i32
        %dma_start3A_394 = tpu.memref_slice %arg8[%add3A_352, %dma_start3A_393] : memref<40x64xi32, #tpu.memory_space<vmem>> -> memref<1x64xi32, #tpu.memory_space<vmem>>
        %dma_start3A_395 = tpu.memref_squeeze %dma_start3A_394 : memref<1x64xi32, #tpu.memory_space<vmem>> -> memref<64xi32, #tpu.memory_space<vmem>>
        %dma_start3A_396 = arith.constant 0 : i32
        %dma_start3A_397 = arith.constant 0 : i32
        %dma_start3A_398 = tpu.memref_slice %arg10[%dma_start3A_396, %dma_start3A_397] : memref<10112x128xf32, #tpu.memory_space<vmem_shared>> -> memref<10112x128xf32, #tpu.memory_space<vmem_shared>>
        tpu.enqueue_indirect_dma source(%dma_start3A_392 : memref<64x128xf32, #tpu.memory_space<vmem>>) target(%dma_start3A_398 : memref<10112x128xf32, #tpu.memory_space<vmem_shared>>) offsets(%dma_start3A_395 : memref<64xi32, #tpu.memory_space<vmem>>) semaphore(%run_scoped3A_388 : memref<!tpu.dma_semaphore, #tpu.memory_space<semaphore_mem>>) {add = true}
        %dma_wait3A_399 = arith.constant 0 : i32
        %dma_wait3A_400 = arith.constant 0 : i32
        %dma_wait3A_401 = tpu.memref_slice %arg9[%run_scoped3A, %dma_wait3A_399, %dma_wait3A_400] : memref<2x64x128xf32, #tpu.memory_space<vmem>> -> memref<1x64x128xf32, #tpu.memory_space<vmem>>
        %dma_wait3A_402 = tpu.memref_squeeze %dma_wait3A_401 : memref<1x64x128xf32, #tpu.memory_space<vmem>> -> memref<64x128xf32, #tpu.memory_space<vmem>>
        %dma_wait3A_403 = arith.constant 0 : i32
        %dma_wait3A_404 = tpu.memref_slice %arg8[%add3A_352, %dma_wait3A_403] : memref<40x64xi32, #tpu.memory_space<vmem>> -> memref<1x64xi32, #tpu.memory_space<vmem>>
        %dma_wait3A_405 = tpu.memref_squeeze %dma_wait3A_404 : memref<1x64xi32, #tpu.memory_space<vmem>> -> memref<64xi32, #tpu.memory_space<vmem>>
        %dma_wait3A_406 = arith.constant 0 : i32
        %dma_wait3A_407 = arith.constant 0 : i32
        %dma_wait3A_408 = tpu.memref_slice %arg10[%dma_wait3A_406, %dma_wait3A_407] : memref<10112x128xf32, #tpu.memory_space<vmem_shared>> -> memref<10112x128xf32, #tpu.memory_space<vmem_shared>>
        tpu.wait_indirect_dma semaphore(%run_scoped3A_388 : memref<!tpu.dma_semaphore, #tpu.memory_space<semaphore_mem>>) src(%dma_wait3A_402 : memref<64x128xf32, #tpu.memory_space<vmem>>) dst(%dma_wait3A_408 : memref<10112x128xf32, #tpu.memory_space<vmem_shared>>)
        tpu.yield
      }) : () -> ()
      %add3A_363 = arith.constant 2 : i32
      %add3A_364 = arith.addi %add3A_352, %add3A_363 : i32
      %lt3A = arith.constant 40 : i32
      %lt3A_365 = arith.cmpi slt, %add3A_364, %lt3A : i32
      %convert_element_type3A = arith.extui %lt3A_365 : i1 to i32
      %cond3A = arith.constant 0 : i32
      %cond3A_366 = arith.cmpi ne, %convert_element_type3A, %cond3A : i32
      scf.if %cond3A_366 {
        %add3A_388 = arith.constant 2 : i32
        %add3A_389 = arith.addi %add3A_352, %add3A_388 : i32
        %dma_start3A_390 = arith.constant 0 : i32
        %dma_start3A_391 = arith.constant 0 : i32
        %dma_start3A_392 = arith.constant 0 : i32
        %dma_start3A_393 = tpu.memref_slice %arg9[%dma_start3A_390, %dma_start3A_391, %dma_start3A_392] : memref<2x64x128xf32, #tpu.memory_space<vmem>> -> memref<1x64x128xf32, #tpu.memory_space<vmem>>
        %dma_start3A_394 = tpu.memref_squeeze %dma_start3A_393 : memref<1x64x128xf32, #tpu.memory_space<vmem>> -> memref<64x128xf32, #tpu.memory_space<vmem>>
        %dma_start3A_395 = arith.constant 0 : i32
        %dma_start3A_396 = tpu.memref_slice %arg7[%add3A_389, %dma_start3A_395] : memref<40x64xi32, #tpu.memory_space<vmem>> -> memref<1x64xi32, #tpu.memory_space<vmem>>
        %dma_start3A_397 = tpu.memref_squeeze %dma_start3A_396 : memref<1x64xi32, #tpu.memory_space<vmem>> -> memref<64xi32, #tpu.memory_space<vmem>>
        %dma_start3A_398 = arith.constant 0 : i32
        %dma_start3A_399 = arith.constant 0 : i32
        %dma_start3A_400 = tpu.memref_slice %arg2[%dma_start3A_398, %dma_start3A_399] : memref<40960x128xf32, #tpu.memory_space<hbm>> -> memref<40960x128xf32, #tpu.memory_space<hbm>>
        tpu.enqueue_indirect_dma source(%dma_start3A_400 : memref<40960x128xf32, #tpu.memory_space<hbm>>) target(%dma_start3A_394 : memref<64x128xf32, #tpu.memory_space<vmem>>) offsets(%dma_start3A_397 : memref<64xi32, #tpu.memory_space<vmem>>) semaphore(%arg11 : memref<!tpu.dma_semaphore, #tpu.memory_space<semaphore_mem>>)
      } else {
      }
      %add3A_367 = arith.constant 1 : i32
      %add3A_368 = arith.addi %add3A_350, %add3A_367 : i32
      %dma_wait3A_369 = arith.constant 1 : i32
      %dma_wait3A_370 = arith.constant 0 : i32
      %dma_wait3A_371 = arith.constant 0 : i32
      %dma_wait3A_372 = tpu.memref_slice %arg9[%dma_wait3A_369, %dma_wait3A_370, %dma_wait3A_371] : memref<2x64x128xf32, #tpu.memory_space<vmem>> -> memref<1x64x128xf32, #tpu.memory_space<vmem>>
      %dma_wait3A_373 = tpu.memref_squeeze %dma_wait3A_372 : memref<1x64x128xf32, #tpu.memory_space<vmem>> -> memref<64x128xf32, #tpu.memory_space<vmem>>
      %dma_wait3A_374 = arith.constant 0 : i32
      %dma_wait3A_375 = tpu.memref_slice %arg7[%add3A_368, %dma_wait3A_374] : memref<40x64xi32, #tpu.memory_space<vmem>> -> memref<1x64xi32, #tpu.memory_space<vmem>>
      %dma_wait3A_376 = tpu.memref_squeeze %dma_wait3A_375 : memref<1x64xi32, #tpu.memory_space<vmem>> -> memref<64xi32, #tpu.memory_space<vmem>>
      %dma_wait3A_377 = arith.constant 0 : i32
      %dma_wait3A_378 = arith.constant 0 : i32
      %dma_wait3A_379 = tpu.memref_slice %arg2[%dma_wait3A_377, %dma_wait3A_378] : memref<40960x128xf32, #tpu.memory_space<hbm>> -> memref<40960x128xf32, #tpu.memory_space<hbm>>
      tpu.wait_indirect_dma semaphore(%arg12 : memref<!tpu.dma_semaphore, #tpu.memory_space<semaphore_mem>>) src(%dma_wait3A_379 : memref<40960x128xf32, #tpu.memory_space<hbm>>) dst(%dma_wait3A_373 : memref<64x128xf32, #tpu.memory_space<vmem>>)
      %run_scoped3A_380 = arith.constant 1 : i32
      "tpu.region"() ({
        %run_scoped3A_388 = tpu.sem_alloc : memref<!tpu.dma_semaphore, #tpu.memory_space<semaphore_mem>>
        %dma_start3A_389 = arith.constant 0 : i32
        %dma_start3A_390 = arith.constant 0 : i32
        %dma_start3A_391 = tpu.memref_slice %arg9[%run_scoped3A_380, %dma_start3A_389, %dma_start3A_390] : memref<2x64x128xf32, #tpu.memory_space<vmem>> -> memref<1x64x128xf32, #tpu.memory_space<vmem>>
        %dma_start3A_392 = tpu.memref_squeeze %dma_start3A_391 : memref<1x64x128xf32, #tpu.memory_space<vmem>> -> memref<64x128xf32, #tpu.memory_space<vmem>>
        %dma_start3A_393 = arith.constant 0 : i32
        %dma_start3A_394 = tpu.memref_slice %arg8[%add3A_368, %dma_start3A_393] : memref<40x64xi32, #tpu.memory_space<vmem>> -> memref<1x64xi32, #tpu.memory_space<vmem>>
        %dma_start3A_395 = tpu.memref_squeeze %dma_start3A_394 : memref<1x64xi32, #tpu.memory_space<vmem>> -> memref<64xi32, #tpu.memory_space<vmem>>
        %dma_start3A_396 = arith.constant 0 : i32
        %dma_start3A_397 = arith.constant 0 : i32
        %dma_start3A_398 = tpu.memref_slice %arg10[%dma_start3A_396, %dma_start3A_397] : memref<10112x128xf32, #tpu.memory_space<vmem_shared>> -> memref<10112x128xf32, #tpu.memory_space<vmem_shared>>
        tpu.enqueue_indirect_dma source(%dma_start3A_392 : memref<64x128xf32, #tpu.memory_space<vmem>>) target(%dma_start3A_398 : memref<10112x128xf32, #tpu.memory_space<vmem_shared>>) offsets(%dma_start3A_395 : memref<64xi32, #tpu.memory_space<vmem>>) semaphore(%run_scoped3A_388 : memref<!tpu.dma_semaphore, #tpu.memory_space<semaphore_mem>>) {add = true}
        %dma_wait3A_399 = arith.constant 0 : i32
        %dma_wait3A_400 = arith.constant 0 : i32
        %dma_wait3A_401 = tpu.memref_slice %arg9[%run_scoped3A_380, %dma_wait3A_399, %dma_wait3A_400] : memref<2x64x128xf32, #tpu.memory_space<vmem>> -> memref<1x64x128xf32, #tpu.memory_space<vmem>>
        %dma_wait3A_402 = tpu.memref_squeeze %dma_wait3A_401 : memref<1x64x128xf32, #tpu.memory_space<vmem>> -> memref<64x128xf32, #tpu.memory_space<vmem>>
        %dma_wait3A_403 = arith.constant 0 : i32
        %dma_wait3A_404 = tpu.memref_slice %arg8[%add3A_368, %dma_wait3A_403] : memref<40x64xi32, #tpu.memory_space<vmem>> -> memref<1x64xi32, #tpu.memory_space<vmem>>
        %dma_wait3A_405 = tpu.memref_squeeze %dma_wait3A_404 : memref<1x64xi32, #tpu.memory_space<vmem>> -> memref<64xi32, #tpu.memory_space<vmem>>
        %dma_wait3A_406 = arith.constant 0 : i32
        %dma_wait3A_407 = arith.constant 0 : i32
        %dma_wait3A_408 = tpu.memref_slice %arg10[%dma_wait3A_406, %dma_wait3A_407] : memref<10112x128xf32, #tpu.memory_space<vmem_shared>> -> memref<10112x128xf32, #tpu.memory_space<vmem_shared>>
        tpu.wait_indirect_dma semaphore(%run_scoped3A_388 : memref<!tpu.dma_semaphore, #tpu.memory_space<semaphore_mem>>) src(%dma_wait3A_402 : memref<64x128xf32, #tpu.memory_space<vmem>>) dst(%dma_wait3A_408 : memref<10112x128xf32, #tpu.memory_space<vmem_shared>>)
        tpu.yield
      }) : () -> ()
      %add3A_381 = arith.constant 2 : i32
      %add3A_382 = arith.addi %add3A_368, %add3A_381 : i32
      %lt3A_383 = arith.constant 40 : i32
      %lt3A_384 = arith.cmpi slt, %add3A_382, %lt3A_383 : i32
      %convert_element_type3A_385 = arith.extui %lt3A_384 : i1 to i32
      %cond3A_386 = arith.constant 0 : i32
      %cond3A_387 = arith.cmpi ne, %convert_element_type3A_385, %cond3A_386 : i32
      scf.if %cond3A_387 {
        %add3A_388 = arith.constant 2 : i32
        %add3A_389 = arith.addi %add3A_368, %add3A_388 : i32
        %dma_start3A_390 = arith.constant 1 : i32
        %dma_start3A_391 = arith.constant 0 : i32
        %dma_start3A_392 = arith.constant 0 : i32
        %dma_start3A_393 = tpu.memref_slice %arg9[%dma_start3A_390, %dma_start3A_391, %dma_start3A_392] : memref<2x64x128xf32, #tpu.memory_space<vmem>> -> memref<1x64x128xf32, #tpu.memory_space<vmem>>
        %dma_start3A_394 = tpu.memref_squeeze %dma_start3A_393 : memref<1x64x128xf32, #tpu.memory_space<vmem>> -> memref<64x128xf32, #tpu.memory_space<vmem>>
        %dma_start3A_395 = arith.constant 0 : i32
        %dma_start3A_396 = tpu.memref_slice %arg7[%add3A_389, %dma_start3A_395] : memref<40x64xi32, #tpu.memory_space<vmem>> -> memref<1x64xi32, #tpu.memory_space<vmem>>
        %dma_start3A_397 = tpu.memref_squeeze %dma_start3A_396 : memref<1x64xi32, #tpu.memory_space<vmem>> -> memref<64xi32, #tpu.memory_space<vmem>>
        %dma_start3A_398 = arith.constant 0 : i32
        %dma_start3A_399 = arith.constant 0 : i32
        %dma_start3A_400 = tpu.memref_slice %arg2[%dma_start3A_398, %dma_start3A_399] : memref<40960x128xf32, #tpu.memory_space<hbm>> -> memref<40960x128xf32, #tpu.memory_space<hbm>>
        tpu.enqueue_indirect_dma source(%dma_start3A_400 : memref<40960x128xf32, #tpu.memory_space<hbm>>) target(%dma_start3A_394 : memref<64x128xf32, #tpu.memory_space<vmem>>) offsets(%dma_start3A_397 : memref<64xi32, #tpu.memory_space<vmem>>) semaphore(%arg12 : memref<!tpu.dma_semaphore, #tpu.memory_space<semaphore_mem>>)
      } else {
      }
    }
    %scan3A_336 = arith.constant 20 : i32
    %barrier3A_337 = arith.constant 0 : index
    tpu.barrier barrier_id(%barrier3A_337)
    %mul3A_338 = arith.constant 632 : i32
    %mul3A_339 = arith.muli %arg1, %mul3A_338 : i32
    %mul3A_340 = arith.constant 10240 : i32
    %mul3A_341 = arith.muli %add3A_176, %mul3A_340 : i32
    %mul3A_342 = arith.constant 632 : i32
    %mul3A_343 = arith.muli %arg1, %mul3A_342 : i32
    %add3A_344 = arith.addi %mul3A_341, %mul3A_343 : i32
    "tpu.region"() ({
      %run_scoped3A = tpu.sem_alloc : memref<!tpu.dma_semaphore, #tpu.memory_space<semaphore_mem>>
      %dma_start3A_346 = arith.constant 0 : i32
      %dma_start3A_347 = tpu.memref_slice %arg6[%add3A_344, %dma_start3A_346] : memref<40960x128xf32, #tpu.memory_space<hbm>> -> memref<632x128xf32, #tpu.memory_space<hbm>>
      %dma_start3A_348 = arith.constant 0 : i32
      %dma_start3A_349 = tpu.memref_slice %arg10[%mul3A_339, %dma_start3A_348] : memref<10112x128xf32, #tpu.memory_space<vmem_shared>> -> memref<632x128xf32, #tpu.memory_space<vmem_shared>>
      tpu.enqueue_dma source(%dma_start3A_349 : memref<632x128xf32, #tpu.memory_space<vmem_shared>>) target(%dma_start3A_347 : memref<632x128xf32, #tpu.memory_space<hbm>>) target_semaphore(%run_scoped3A : memref<!tpu.dma_semaphore, #tpu.memory_space<semaphore_mem>>)
      %dma_wait3A = arith.constant 0 : i32
      %dma_wait3A_350 = tpu.memref_slice %arg6[%add3A_344, %dma_wait3A] : memref<40960x128xf32, #tpu.memory_space<hbm>> -> memref<632x128xf32, #tpu.memory_space<hbm>>
      %dma_wait3A_351 = arith.constant 0 : i32
      %dma_wait3A_352 = tpu.memref_slice %arg10[%mul3A_339, %dma_wait3A_351] : memref<10112x128xf32, #tpu.memory_space<vmem_shared>> -> memref<632x128xf32, #tpu.memory_space<vmem_shared>>
      tpu.wait_dma2 semaphore(%run_scoped3A : memref<!tpu.dma_semaphore, #tpu.memory_space<semaphore_mem>>) src(%dma_wait3A_352 : memref<632x128xf32, #tpu.memory_space<vmem_shared>>) dst(%dma_wait3A_350 : memref<632x128xf32, #tpu.memory_space<hbm>>)
      tpu.yield
    }) : () -> ()
    %barrier3A_345 = arith.constant 0 : index
    tpu.barrier barrier_id(%barrier3A_345)
    return
  }
}

#map = affine_map<(d0, d1) -> (0, 0)>
module attributes {stable_mosaic.version = 14 : i64} {
  func.func @body(%arg0: i32, %arg1: i32, %arg2: memref<20480x128xf32, #tpu.memory_space<hbm>>, %arg3: memref<5120x64xi32, #tpu.memory_space<hbm>>, %arg4: memref<2560x64xi32, #tpu.memory_space<hbm>>, %arg5: memref<632x128xf32, #tpu.memory_space<hbm>>, %arg6: memref<64x128xf32, #tpu.memory_space<hbm>>, %arg7: memref<20480x128xf32, #tpu.memory_space<hbm>>, %arg8: memref<20480x128xf32, #tpu.memory_space<hbm>>, %arg9: memref<40x64xi32, #tpu.memory_space<vmem>>, %arg10: memref<40x64xi32, #tpu.memory_space<vmem>>, %arg11: memref<2x64x128xf32, #tpu.memory_space<vmem>>, %arg12: memref<10112x128xf32, #tpu.memory_space<vmem_shared>>, %arg13: memref<!tpu.dma_semaphore, #tpu.memory_space<semaphore_mem>>, %arg14: memref<!tpu.dma_semaphore, #tpu.memory_space<semaphore_mem>>) attributes {dimension_semantics = [#tpu.dimension_semantics<core_parallel>, #tpu.dimension_semantics<subcore_parallel>], iteration_bounds = array<i64: 2, 16>, scalar_prefetch = 0 : i64, scratch_operands = 6 : i64, tpu.core_type = #tpu.core_type<sc_vector_subcore>, window_params = [{transform_indices = #map}, {transform_indices = #map}, {transform_indices = #map}, {transform_indices = #map}, {transform_indices = #map}, {transform_indices = #map}, {transform_indices = #map}]} {
    %mul3A = arith.constant 632 : i32
    %mul3A_0 = arith.muli %arg1, %mul3A : i32
    "tpu.region"() ({
      %run_scoped3A_211 = tpu.sem_alloc : memref<!tpu.dma_semaphore, #tpu.memory_space<semaphore_mem>>
      %dma_start3A_212 = arith.constant 0 : i32
      %dma_start3A_213 = tpu.memref_slice %arg12[%mul3A_0, %dma_start3A_212] : memref<10112x128xf32, #tpu.memory_space<vmem_shared>> -> memref<632x128xf32, #tpu.memory_space<vmem_shared>>
      tpu.enqueue_dma source(%arg5 : memref<632x128xf32, #tpu.memory_space<hbm>>) target(%dma_start3A_213 : memref<632x128xf32, #tpu.memory_space<vmem_shared>>) target_semaphore(%run_scoped3A_211 : memref<!tpu.dma_semaphore, #tpu.memory_space<semaphore_mem>>)
      %dma_wait3A = arith.constant 0 : i32
      %dma_wait3A_214 = tpu.memref_slice %arg12[%mul3A_0, %dma_wait3A] : memref<10112x128xf32, #tpu.memory_space<vmem_shared>> -> memref<632x128xf32, #tpu.memory_space<vmem_shared>>
      tpu.wait_dma2 semaphore(%run_scoped3A_211 : memref<!tpu.dma_semaphore, #tpu.memory_space<semaphore_mem>>) src(%arg5 : memref<632x128xf32, #tpu.memory_space<hbm>>) dst(%dma_wait3A_214 : memref<632x128xf32, #tpu.memory_space<vmem_shared>>)
      tpu.yield
    }) : () -> ()
    %barrier3A = arith.constant 0 : index
    tpu.barrier barrier_id(%barrier3A)
    %mul3A_1 = arith.constant 1 : i32
    %mul3A_2 = arith.muli %arg0, %mul3A_1 : i32
    %add3A = arith.constant 0 : i32
    %add3A_3 = arith.addi %mul3A_2, %add3A : i32
    %mul3A_4 = arith.constant 2560 : i32
    %mul3A_5 = arith.muli %add3A_3, %mul3A_4 : i32
    %mul3A_6 = arith.constant 160 : i32
    %mul3A_7 = arith.muli %arg1, %mul3A_6 : i32
    %add3A_8 = arith.addi %mul3A_5, %mul3A_7 : i32
    %add3A_9 = arith.constant 0 : i32
    %add3A_10 = arith.addi %add3A_8, %add3A_9 : i32
    "tpu.region"() ({
      %run_scoped3A_211 = tpu.sem_alloc : memref<!tpu.dma_semaphore, #tpu.memory_space<semaphore_mem>>
      %dma_start3A_212 = arith.constant 0 : i32
      %dma_start3A_213 = tpu.memref_slice %arg3[%add3A_10, %dma_start3A_212] : memref<5120x64xi32, #tpu.memory_space<hbm>> -> memref<40x64xi32, #tpu.memory_space<hbm>>
      %dma_start3A_214 = arith.constant 0 : i32
      %dma_start3A_215 = tpu.memref_slice %arg3[%add3A_10, %dma_start3A_214] : memref<5120x64xi32, #tpu.memory_space<hbm>> -> memref<40x64xi32, #tpu.memory_space<hbm>>
      tpu.enqueue_dma source(%dma_start3A_215 : memref<40x64xi32, #tpu.memory_space<hbm>>) target(%arg9 : memref<40x64xi32, #tpu.memory_space<vmem>>) target_semaphore(%run_scoped3A_211 : memref<!tpu.dma_semaphore, #tpu.memory_space<semaphore_mem>>)
      %dma_wait3A = arith.constant 0 : i32
      %dma_wait3A_216 = tpu.memref_slice %arg3[%add3A_10, %dma_wait3A] : memref<5120x64xi32, #tpu.memory_space<hbm>> -> memref<40x64xi32, #tpu.memory_space<hbm>>
      %dma_wait3A_217 = arith.constant 0 : i32
      %dma_wait3A_218 = tpu.memref_slice %arg3[%add3A_10, %dma_wait3A_217] : memref<5120x64xi32, #tpu.memory_space<hbm>> -> memref<40x64xi32, #tpu.memory_space<hbm>>
      tpu.wait_dma2 semaphore(%run_scoped3A_211 : memref<!tpu.dma_semaphore, #tpu.memory_space<semaphore_mem>>) src(%dma_wait3A_218 : memref<40x64xi32, #tpu.memory_space<hbm>>) dst(%arg9 : memref<40x64xi32, #tpu.memory_space<vmem>>)
      tpu.yield
    }) : () -> ()
    %mul3A_11 = arith.constant 160 : i32
    %mul3A_12 = arith.muli %arg1, %mul3A_11 : i32
    %add3A_13 = arith.constant 0 : i32
    %add3A_14 = arith.addi %mul3A_12, %add3A_13 : i32
    "tpu.region"() ({
      %run_scoped3A_211 = tpu.sem_alloc : memref<!tpu.dma_semaphore, #tpu.memory_space<semaphore_mem>>
      %dma_start3A_212 = arith.constant 0 : i32
      %dma_start3A_213 = tpu.memref_slice %arg4[%add3A_14, %dma_start3A_212] : memref<2560x64xi32, #tpu.memory_space<hbm>> -> memref<40x64xi32, #tpu.memory_space<hbm>>
      %dma_start3A_214 = arith.constant 0 : i32
      %dma_start3A_215 = tpu.memref_slice %arg4[%add3A_14, %dma_start3A_214] : memref<2560x64xi32, #tpu.memory_space<hbm>> -> memref<40x64xi32, #tpu.memory_space<hbm>>
      tpu.enqueue_dma source(%dma_start3A_215 : memref<40x64xi32, #tpu.memory_space<hbm>>) target(%arg10 : memref<40x64xi32, #tpu.memory_space<vmem>>) target_semaphore(%run_scoped3A_211 : memref<!tpu.dma_semaphore, #tpu.memory_space<semaphore_mem>>)
      %dma_wait3A = arith.constant 0 : i32
      %dma_wait3A_216 = tpu.memref_slice %arg4[%add3A_14, %dma_wait3A] : memref<2560x64xi32, #tpu.memory_space<hbm>> -> memref<40x64xi32, #tpu.memory_space<hbm>>
      %dma_wait3A_217 = arith.constant 0 : i32
      %dma_wait3A_218 = tpu.memref_slice %arg4[%add3A_14, %dma_wait3A_217] : memref<2560x64xi32, #tpu.memory_space<hbm>> -> memref<40x64xi32, #tpu.memory_space<hbm>>
      tpu.wait_dma2 semaphore(%run_scoped3A_211 : memref<!tpu.dma_semaphore, #tpu.memory_space<semaphore_mem>>) src(%dma_wait3A_218 : memref<40x64xi32, #tpu.memory_space<hbm>>) dst(%arg10 : memref<40x64xi32, #tpu.memory_space<vmem>>)
      tpu.yield
    }) : () -> ()
    %dma_start3A = arith.constant 0 : i32
    %dma_start3A_15 = arith.constant 0 : i32
    %dma_start3A_16 = arith.constant 0 : i32
    %dma_start3A_17 = arith.constant 0 : i32
    %dma_start3A_18 = tpu.memref_slice %arg11[%dma_start3A_15, %dma_start3A_16, %dma_start3A_17] : memref<2x64x128xf32, #tpu.memory_space<vmem>> -> memref<1x64x128xf32, #tpu.memory_space<vmem>>
    %dma_start3A_19 = tpu.memref_squeeze %dma_start3A_18 : memref<1x64x128xf32, #tpu.memory_space<vmem>> -> memref<64x128xf32, #tpu.memory_space<vmem>>
    %dma_start3A_20 = arith.constant 0 : i32
    %dma_start3A_21 = tpu.memref_slice %arg9[%dma_start3A, %dma_start3A_20] : memref<40x64xi32, #tpu.memory_space<vmem>> -> memref<1x64xi32, #tpu.memory_space<vmem>>
    %dma_start3A_22 = tpu.memref_squeeze %dma_start3A_21 : memref<1x64xi32, #tpu.memory_space<vmem>> -> memref<64xi32, #tpu.memory_space<vmem>>
    %dma_start3A_23 = arith.constant 0 : i32
    %dma_start3A_24 = arith.constant 0 : i32
    %dma_start3A_25 = tpu.memref_slice %arg2[%dma_start3A_23, %dma_start3A_24] : memref<20480x128xf32, #tpu.memory_space<hbm>> -> memref<20480x128xf32, #tpu.memory_space<hbm>>
    tpu.enqueue_indirect_dma source(%dma_start3A_25 : memref<20480x128xf32, #tpu.memory_space<hbm>>) target(%dma_start3A_19 : memref<64x128xf32, #tpu.memory_space<vmem>>) offsets(%dma_start3A_22 : memref<64xi32, #tpu.memory_space<vmem>>) semaphore(%arg13 : memref<!tpu.dma_semaphore, #tpu.memory_space<semaphore_mem>>)
    %dma_start3A_26 = arith.constant 1 : i32
    %dma_start3A_27 = arith.constant 1 : i32
    %dma_start3A_28 = arith.constant 0 : i32
    %dma_start3A_29 = arith.constant 0 : i32
    %dma_start3A_30 = tpu.memref_slice %arg11[%dma_start3A_27, %dma_start3A_28, %dma_start3A_29] : memref<2x64x128xf32, #tpu.memory_space<vmem>> -> memref<1x64x128xf32, #tpu.memory_space<vmem>>
    %dma_start3A_31 = tpu.memref_squeeze %dma_start3A_30 : memref<1x64x128xf32, #tpu.memory_space<vmem>> -> memref<64x128xf32, #tpu.memory_space<vmem>>
    %dma_start3A_32 = arith.constant 0 : i32
    %dma_start3A_33 = tpu.memref_slice %arg9[%dma_start3A_26, %dma_start3A_32] : memref<40x64xi32, #tpu.memory_space<vmem>> -> memref<1x64xi32, #tpu.memory_space<vmem>>
    %dma_start3A_34 = tpu.memref_squeeze %dma_start3A_33 : memref<1x64xi32, #tpu.memory_space<vmem>> -> memref<64xi32, #tpu.memory_space<vmem>>
    %dma_start3A_35 = arith.constant 0 : i32
    %dma_start3A_36 = arith.constant 0 : i32
    %dma_start3A_37 = tpu.memref_slice %arg2[%dma_start3A_35, %dma_start3A_36] : memref<20480x128xf32, #tpu.memory_space<hbm>> -> memref<20480x128xf32, #tpu.memory_space<hbm>>
    tpu.enqueue_indirect_dma source(%dma_start3A_37 : memref<20480x128xf32, #tpu.memory_space<hbm>>) target(%dma_start3A_31 : memref<64x128xf32, #tpu.memory_space<vmem>>) offsets(%dma_start3A_34 : memref<64xi32, #tpu.memory_space<vmem>>) semaphore(%arg14 : memref<!tpu.dma_semaphore, #tpu.memory_space<semaphore_mem>>)
    %scan3A = arith.constant 0 : i32
    %scan3A_38 = arith.constant 20 : i32
    %scan3A_39 = arith.addi %scan3A, %scan3A_38 : i32
    %scan3A_40 = arith.constant 1 : i32
    scf.for %scan3A_211 = %scan3A to %scan3A_39 step %scan3A_40  : i32 {
      %mul3A_212 = arith.constant 2 : i32
      %mul3A_213 = arith.muli %scan3A_211, %mul3A_212 : i32
      %add3A_214 = arith.constant 0 : i32
      %add3A_215 = arith.addi %add3A_214, %mul3A_213 : i32
      %add3A_216 = arith.constant 0 : i32
      %add3A_217 = arith.addi %add3A_215, %add3A_216 : i32
      %dma_wait3A = arith.constant 0 : i32
      %dma_wait3A_218 = arith.constant 0 : i32
      %dma_wait3A_219 = arith.constant 0 : i32
      %dma_wait3A_220 = tpu.memref_slice %arg11[%dma_wait3A, %dma_wait3A_218, %dma_wait3A_219] : memref<2x64x128xf32, #tpu.memory_space<vmem>> -> memref<1x64x128xf32, #tpu.memory_space<vmem>>
      %dma_wait3A_221 = tpu.memref_squeeze %dma_wait3A_220 : memref<1x64x128xf32, #tpu.memory_space<vmem>> -> memref<64x128xf32, #tpu.memory_space<vmem>>
      %dma_wait3A_222 = arith.constant 0 : i32
      %dma_wait3A_223 = tpu.memref_slice %arg9[%add3A_217, %dma_wait3A_222] : memref<40x64xi32, #tpu.memory_space<vmem>> -> memref<1x64xi32, #tpu.memory_space<vmem>>
      %dma_wait3A_224 = tpu.memref_squeeze %dma_wait3A_223 : memref<1x64xi32, #tpu.memory_space<vmem>> -> memref<64xi32, #tpu.memory_space<vmem>>
      %dma_wait3A_225 = arith.constant 0 : i32
      %dma_wait3A_226 = arith.constant 0 : i32
      %dma_wait3A_227 = tpu.memref_slice %arg2[%dma_wait3A_225, %dma_wait3A_226] : memref<20480x128xf32, #tpu.memory_space<hbm>> -> memref<20480x128xf32, #tpu.memory_space<hbm>>
      tpu.wait_indirect_dma semaphore(%arg13 : memref<!tpu.dma_semaphore, #tpu.memory_space<semaphore_mem>>) src(%dma_wait3A_227 : memref<20480x128xf32, #tpu.memory_space<hbm>>) dst(%dma_wait3A_221 : memref<64x128xf32, #tpu.memory_space<vmem>>)
      %run_scoped3A_228 = arith.constant 0 : i32
      "tpu.region"() ({
        %run_scoped3A_254 = tpu.sem_alloc : memref<!tpu.dma_semaphore, #tpu.memory_space<semaphore_mem>>
        %dma_start3A_255 = arith.constant 0 : i32
        %dma_start3A_256 = arith.constant 0 : i32
        %dma_start3A_257 = tpu.memref_slice %arg11[%run_scoped3A_228, %dma_start3A_255, %dma_start3A_256] : memref<2x64x128xf32, #tpu.memory_space<vmem>> -> memref<1x64x128xf32, #tpu.memory_space<vmem>>
        %dma_start3A_258 = tpu.memref_squeeze %dma_start3A_257 : memref<1x64x128xf32, #tpu.memory_space<vmem>> -> memref<64x128xf32, #tpu.memory_space<vmem>>
        %dma_start3A_259 = arith.constant 0 : i32
        %dma_start3A_260 = tpu.memref_slice %arg10[%add3A_217, %dma_start3A_259] : memref<40x64xi32, #tpu.memory_space<vmem>> -> memref<1x64xi32, #tpu.memory_space<vmem>>
        %dma_start3A_261 = tpu.memref_squeeze %dma_start3A_260 : memref<1x64xi32, #tpu.memory_space<vmem>> -> memref<64xi32, #tpu.memory_space<vmem>>
        %dma_start3A_262 = arith.constant 0 : i32
        %dma_start3A_263 = arith.constant 0 : i32
        %dma_start3A_264 = tpu.memref_slice %arg12[%dma_start3A_262, %dma_start3A_263] : memref<10112x128xf32, #tpu.memory_space<vmem_shared>> -> memref<10112x128xf32, #tpu.memory_space<vmem_shared>>
        tpu.enqueue_indirect_dma source(%dma_start3A_258 : memref<64x128xf32, #tpu.memory_space<vmem>>) target(%dma_start3A_264 : memref<10112x128xf32, #tpu.memory_space<vmem_shared>>) offsets(%dma_start3A_261 : memref<64xi32, #tpu.memory_space<vmem>>) semaphore(%run_scoped3A_254 : memref<!tpu.dma_semaphore, #tpu.memory_space<semaphore_mem>>) {add = true}
        %dma_wait3A_265 = arith.constant 0 : i32
        %dma_wait3A_266 = arith.constant 0 : i32
        %dma_wait3A_267 = tpu.memref_slice %arg11[%run_scoped3A_228, %dma_wait3A_265, %dma_wait3A_266] : memref<2x64x128xf32, #tpu.memory_space<vmem>> -> memref<1x64x128xf32, #tpu.memory_space<vmem>>
        %dma_wait3A_268 = tpu.memref_squeeze %dma_wait3A_267 : memref<1x64x128xf32, #tpu.memory_space<vmem>> -> memref<64x128xf32, #tpu.memory_space<vmem>>
        %dma_wait3A_269 = arith.constant 0 : i32
        %dma_wait3A_270 = tpu.memref_slice %arg10[%add3A_217, %dma_wait3A_269] : memref<40x64xi32, #tpu.memory_space<vmem>> -> memref<1x64xi32, #tpu.memory_space<vmem>>
        %dma_wait3A_271 = tpu.memref_squeeze %dma_wait3A_270 : memref<1x64xi32, #tpu.memory_space<vmem>> -> memref<64xi32, #tpu.memory_space<vmem>>
        %dma_wait3A_272 = arith.constant 0 : i32
        %dma_wait3A_273 = arith.constant 0 : i32
        %dma_wait3A_274 = tpu.memref_slice %arg12[%dma_wait3A_272, %dma_wait3A_273] : memref<10112x128xf32, #tpu.memory_space<vmem_shared>> -> memref<10112x128xf32, #tpu.memory_space<vmem_shared>>
        tpu.wait_indirect_dma semaphore(%run_scoped3A_254 : memref<!tpu.dma_semaphore, #tpu.memory_space<semaphore_mem>>) src(%dma_wait3A_268 : memref<64x128xf32, #tpu.memory_space<vmem>>) dst(%dma_wait3A_274 : memref<10112x128xf32, #tpu.memory_space<vmem_shared>>)
        tpu.yield
      }) : () -> ()
      %add3A_229 = arith.constant 2 : i32
      %add3A_230 = arith.addi %add3A_217, %add3A_229 : i32
      %lt3A = arith.constant 40 : i32
      %lt3A_231 = arith.cmpi slt, %add3A_230, %lt3A : i32
      %convert_element_type3A = arith.extui %lt3A_231 : i1 to i32
      %cond3A = arith.constant 0 : i32
      %cond3A_232 = arith.cmpi ne, %convert_element_type3A, %cond3A : i32
      scf.if %cond3A_232 {
        %add3A_254 = arith.constant 2 : i32
        %add3A_255 = arith.addi %add3A_217, %add3A_254 : i32
        %dma_start3A_256 = arith.constant 0 : i32
        %dma_start3A_257 = arith.constant 0 : i32
        %dma_start3A_258 = arith.constant 0 : i32
        %dma_start3A_259 = tpu.memref_slice %arg11[%dma_start3A_256, %dma_start3A_257, %dma_start3A_258] : memref<2x64x128xf32, #tpu.memory_space<vmem>> -> memref<1x64x128xf32, #tpu.memory_space<vmem>>
        %dma_start3A_260 = tpu.memref_squeeze %dma_start3A_259 : memref<1x64x128xf32, #tpu.memory_space<vmem>> -> memref<64x128xf32, #tpu.memory_space<vmem>>
        %dma_start3A_261 = arith.constant 0 : i32
        %dma_start3A_262 = tpu.memref_slice %arg9[%add3A_255, %dma_start3A_261] : memref<40x64xi32, #tpu.memory_space<vmem>> -> memref<1x64xi32, #tpu.memory_space<vmem>>
        %dma_start3A_263 = tpu.memref_squeeze %dma_start3A_262 : memref<1x64xi32, #tpu.memory_space<vmem>> -> memref<64xi32, #tpu.memory_space<vmem>>
        %dma_start3A_264 = arith.constant 0 : i32
        %dma_start3A_265 = arith.constant 0 : i32
        %dma_start3A_266 = tpu.memref_slice %arg2[%dma_start3A_264, %dma_start3A_265] : memref<20480x128xf32, #tpu.memory_space<hbm>> -> memref<20480x128xf32, #tpu.memory_space<hbm>>
        tpu.enqueue_indirect_dma source(%dma_start3A_266 : memref<20480x128xf32, #tpu.memory_space<hbm>>) target(%dma_start3A_260 : memref<64x128xf32, #tpu.memory_space<vmem>>) offsets(%dma_start3A_263 : memref<64xi32, #tpu.memory_space<vmem>>) semaphore(%arg13 : memref<!tpu.dma_semaphore, #tpu.memory_space<semaphore_mem>>)
      } else {
      }
      %add3A_233 = arith.constant 1 : i32
      %add3A_234 = arith.addi %add3A_215, %add3A_233 : i32
      %dma_wait3A_235 = arith.constant 1 : i32
      %dma_wait3A_236 = arith.constant 0 : i32
      %dma_wait3A_237 = arith.constant 0 : i32
      %dma_wait3A_238 = tpu.memref_slice %arg11[%dma_wait3A_235, %dma_wait3A_236, %dma_wait3A_237] : memref<2x64x128xf32, #tpu.memory_space<vmem>> -> memref<1x64x128xf32, #tpu.memory_space<vmem>>
      %dma_wait3A_239 = tpu.memref_squeeze %dma_wait3A_238 : memref<1x64x128xf32, #tpu.memory_space<vmem>> -> memref<64x128xf32, #tpu.memory_space<vmem>>
      %dma_wait3A_240 = arith.constant 0 : i32
      %dma_wait3A_241 = tpu.memref_slice %arg9[%add3A_234, %dma_wait3A_240] : memref<40x64xi32, #tpu.memory_space<vmem>> -> memref<1x64xi32, #tpu.memory_space<vmem>>
      %dma_wait3A_242 = tpu.memref_squeeze %dma_wait3A_241 : memref<1x64xi32, #tpu.memory_space<vmem>> -> memref<64xi32, #tpu.memory_space<vmem>>
      %dma_wait3A_243 = arith.constant 0 : i32
      %dma_wait3A_244 = arith.constant 0 : i32
      %dma_wait3A_245 = tpu.memref_slice %arg2[%dma_wait3A_243, %dma_wait3A_244] : memref<20480x128xf32, #tpu.memory_space<hbm>> -> memref<20480x128xf32, #tpu.memory_space<hbm>>
      tpu.wait_indirect_dma semaphore(%arg14 : memref<!tpu.dma_semaphore, #tpu.memory_space<semaphore_mem>>) src(%dma_wait3A_245 : memref<20480x128xf32, #tpu.memory_space<hbm>>) dst(%dma_wait3A_239 : memref<64x128xf32, #tpu.memory_space<vmem>>)
      %run_scoped3A_246 = arith.constant 1 : i32
      "tpu.region"() ({
        %run_scoped3A_254 = tpu.sem_alloc : memref<!tpu.dma_semaphore, #tpu.memory_space<semaphore_mem>>
        %dma_start3A_255 = arith.constant 0 : i32
        %dma_start3A_256 = arith.constant 0 : i32
        %dma_start3A_257 = tpu.memref_slice %arg11[%run_scoped3A_246, %dma_start3A_255, %dma_start3A_256] : memref<2x64x128xf32, #tpu.memory_space<vmem>> -> memref<1x64x128xf32, #tpu.memory_space<vmem>>
        %dma_start3A_258 = tpu.memref_squeeze %dma_start3A_257 : memref<1x64x128xf32, #tpu.memory_space<vmem>> -> memref<64x128xf32, #tpu.memory_space<vmem>>
        %dma_start3A_259 = arith.constant 0 : i32
        %dma_start3A_260 = tpu.memref_slice %arg10[%add3A_234, %dma_start3A_259] : memref<40x64xi32, #tpu.memory_space<vmem>> -> memref<1x64xi32, #tpu.memory_space<vmem>>
        %dma_start3A_261 = tpu.memref_squeeze %dma_start3A_260 : memref<1x64xi32, #tpu.memory_space<vmem>> -> memref<64xi32, #tpu.memory_space<vmem>>
        %dma_start3A_262 = arith.constant 0 : i32
        %dma_start3A_263 = arith.constant 0 : i32
        %dma_start3A_264 = tpu.memref_slice %arg12[%dma_start3A_262, %dma_start3A_263] : memref<10112x128xf32, #tpu.memory_space<vmem_shared>> -> memref<10112x128xf32, #tpu.memory_space<vmem_shared>>
        tpu.enqueue_indirect_dma source(%dma_start3A_258 : memref<64x128xf32, #tpu.memory_space<vmem>>) target(%dma_start3A_264 : memref<10112x128xf32, #tpu.memory_space<vmem_shared>>) offsets(%dma_start3A_261 : memref<64xi32, #tpu.memory_space<vmem>>) semaphore(%run_scoped3A_254 : memref<!tpu.dma_semaphore, #tpu.memory_space<semaphore_mem>>) {add = true}
        %dma_wait3A_265 = arith.constant 0 : i32
        %dma_wait3A_266 = arith.constant 0 : i32
        %dma_wait3A_267 = tpu.memref_slice %arg11[%run_scoped3A_246, %dma_wait3A_265, %dma_wait3A_266] : memref<2x64x128xf32, #tpu.memory_space<vmem>> -> memref<1x64x128xf32, #tpu.memory_space<vmem>>
        %dma_wait3A_268 = tpu.memref_squeeze %dma_wait3A_267 : memref<1x64x128xf32, #tpu.memory_space<vmem>> -> memref<64x128xf32, #tpu.memory_space<vmem>>
        %dma_wait3A_269 = arith.constant 0 : i32
        %dma_wait3A_270 = tpu.memref_slice %arg10[%add3A_234, %dma_wait3A_269] : memref<40x64xi32, #tpu.memory_space<vmem>> -> memref<1x64xi32, #tpu.memory_space<vmem>>
        %dma_wait3A_271 = tpu.memref_squeeze %dma_wait3A_270 : memref<1x64xi32, #tpu.memory_space<vmem>> -> memref<64xi32, #tpu.memory_space<vmem>>
        %dma_wait3A_272 = arith.constant 0 : i32
        %dma_wait3A_273 = arith.constant 0 : i32
        %dma_wait3A_274 = tpu.memref_slice %arg12[%dma_wait3A_272, %dma_wait3A_273] : memref<10112x128xf32, #tpu.memory_space<vmem_shared>> -> memref<10112x128xf32, #tpu.memory_space<vmem_shared>>
        tpu.wait_indirect_dma semaphore(%run_scoped3A_254 : memref<!tpu.dma_semaphore, #tpu.memory_space<semaphore_mem>>) src(%dma_wait3A_268 : memref<64x128xf32, #tpu.memory_space<vmem>>) dst(%dma_wait3A_274 : memref<10112x128xf32, #tpu.memory_space<vmem_shared>>)
        tpu.yield
      }) : () -> ()
      %add3A_247 = arith.constant 2 : i32
      %add3A_248 = arith.addi %add3A_234, %add3A_247 : i32
      %lt3A_249 = arith.constant 40 : i32
      %lt3A_250 = arith.cmpi slt, %add3A_248, %lt3A_249 : i32
      %convert_element_type3A_251 = arith.extui %lt3A_250 : i1 to i32
      %cond3A_252 = arith.constant 0 : i32
      %cond3A_253 = arith.cmpi ne, %convert_element_type3A_251, %cond3A_252 : i32
      scf.if %cond3A_253 {
        %add3A_254 = arith.constant 2 : i32
        %add3A_255 = arith.addi %add3A_234, %add3A_254 : i32
        %dma_start3A_256 = arith.constant 1 : i32
        %dma_start3A_257 = arith.constant 0 : i32
        %dma_start3A_258 = arith.constant 0 : i32
        %dma_start3A_259 = tpu.memref_slice %arg11[%dma_start3A_256, %dma_start3A_257, %dma_start3A_258] : memref<2x64x128xf32, #tpu.memory_space<vmem>> -> memref<1x64x128xf32, #tpu.memory_space<vmem>>
        %dma_start3A_260 = tpu.memref_squeeze %dma_start3A_259 : memref<1x64x128xf32, #tpu.memory_space<vmem>> -> memref<64x128xf32, #tpu.memory_space<vmem>>
        %dma_start3A_261 = arith.constant 0 : i32
        %dma_start3A_262 = tpu.memref_slice %arg9[%add3A_255, %dma_start3A_261] : memref<40x64xi32, #tpu.memory_space<vmem>> -> memref<1x64xi32, #tpu.memory_space<vmem>>
        %dma_start3A_263 = tpu.memref_squeeze %dma_start3A_262 : memref<1x64xi32, #tpu.memory_space<vmem>> -> memref<64xi32, #tpu.memory_space<vmem>>
        %dma_start3A_264 = arith.constant 0 : i32
        %dma_start3A_265 = arith.constant 0 : i32
        %dma_start3A_266 = tpu.memref_slice %arg2[%dma_start3A_264, %dma_start3A_265] : memref<20480x128xf32, #tpu.memory_space<hbm>> -> memref<20480x128xf32, #tpu.memory_space<hbm>>
        tpu.enqueue_indirect_dma source(%dma_start3A_266 : memref<20480x128xf32, #tpu.memory_space<hbm>>) target(%dma_start3A_260 : memref<64x128xf32, #tpu.memory_space<vmem>>) offsets(%dma_start3A_263 : memref<64xi32, #tpu.memory_space<vmem>>) semaphore(%arg14 : memref<!tpu.dma_semaphore, #tpu.memory_space<semaphore_mem>>)
      } else {
      }
    }
    %scan3A_41 = arith.constant 20 : i32
    %mul3A_42 = arith.constant 2560 : i32
    %mul3A_43 = arith.muli %add3A_3, %mul3A_42 : i32
    %mul3A_44 = arith.constant 160 : i32
    %mul3A_45 = arith.muli %arg1, %mul3A_44 : i32
    %add3A_46 = arith.addi %mul3A_43, %mul3A_45 : i32
    %add3A_47 = arith.constant 40 : i32
    %add3A_48 = arith.addi %add3A_46, %add3A_47 : i32
    "tpu.region"() ({
      %run_scoped3A_211 = tpu.sem_alloc : memref<!tpu.dma_semaphore, #tpu.memory_space<semaphore_mem>>
      %dma_start3A_212 = arith.constant 0 : i32
      %dma_start3A_213 = tpu.memref_slice %arg3[%add3A_48, %dma_start3A_212] : memref<5120x64xi32, #tpu.memory_space<hbm>> -> memref<40x64xi32, #tpu.memory_space<hbm>>
      %dma_start3A_214 = arith.constant 0 : i32
      %dma_start3A_215 = tpu.memref_slice %arg3[%add3A_48, %dma_start3A_214] : memref<5120x64xi32, #tpu.memory_space<hbm>> -> memref<40x64xi32, #tpu.memory_space<hbm>>
      tpu.enqueue_dma source(%dma_start3A_215 : memref<40x64xi32, #tpu.memory_space<hbm>>) target(%arg9 : memref<40x64xi32, #tpu.memory_space<vmem>>) target_semaphore(%run_scoped3A_211 : memref<!tpu.dma_semaphore, #tpu.memory_space<semaphore_mem>>)
      %dma_wait3A = arith.constant 0 : i32
      %dma_wait3A_216 = tpu.memref_slice %arg3[%add3A_48, %dma_wait3A] : memref<5120x64xi32, #tpu.memory_space<hbm>> -> memref<40x64xi32, #tpu.memory_space<hbm>>
      %dma_wait3A_217 = arith.constant 0 : i32
      %dma_wait3A_218 = tpu.memref_slice %arg3[%add3A_48, %dma_wait3A_217] : memref<5120x64xi32, #tpu.memory_space<hbm>> -> memref<40x64xi32, #tpu.memory_space<hbm>>
      tpu.wait_dma2 semaphore(%run_scoped3A_211 : memref<!tpu.dma_semaphore, #tpu.memory_space<semaphore_mem>>) src(%dma_wait3A_218 : memref<40x64xi32, #tpu.memory_space<hbm>>) dst(%arg9 : memref<40x64xi32, #tpu.memory_space<vmem>>)
      tpu.yield
    }) : () -> ()
    %mul3A_49 = arith.constant 160 : i32
    %mul3A_50 = arith.muli %arg1, %mul3A_49 : i32
    %add3A_51 = arith.constant 40 : i32
    %add3A_52 = arith.addi %mul3A_50, %add3A_51 : i32
    "tpu.region"() ({
      %run_scoped3A_211 = tpu.sem_alloc : memref<!tpu.dma_semaphore, #tpu.memory_space<semaphore_mem>>
      %dma_start3A_212 = arith.constant 0 : i32
      %dma_start3A_213 = tpu.memref_slice %arg4[%add3A_52, %dma_start3A_212] : memref<2560x64xi32, #tpu.memory_space<hbm>> -> memref<40x64xi32, #tpu.memory_space<hbm>>
      %dma_start3A_214 = arith.constant 0 : i32
      %dma_start3A_215 = tpu.memref_slice %arg4[%add3A_52, %dma_start3A_214] : memref<2560x64xi32, #tpu.memory_space<hbm>> -> memref<40x64xi32, #tpu.memory_space<hbm>>
      tpu.enqueue_dma source(%dma_start3A_215 : memref<40x64xi32, #tpu.memory_space<hbm>>) target(%arg10 : memref<40x64xi32, #tpu.memory_space<vmem>>) target_semaphore(%run_scoped3A_211 : memref<!tpu.dma_semaphore, #tpu.memory_space<semaphore_mem>>)
      %dma_wait3A = arith.constant 0 : i32
      %dma_wait3A_216 = tpu.memref_slice %arg4[%add3A_52, %dma_wait3A] : memref<2560x64xi32, #tpu.memory_space<hbm>> -> memref<40x64xi32, #tpu.memory_space<hbm>>
      %dma_wait3A_217 = arith.constant 0 : i32
      %dma_wait3A_218 = tpu.memref_slice %arg4[%add3A_52, %dma_wait3A_217] : memref<2560x64xi32, #tpu.memory_space<hbm>> -> memref<40x64xi32, #tpu.memory_space<hbm>>
      tpu.wait_dma2 semaphore(%run_scoped3A_211 : memref<!tpu.dma_semaphore, #tpu.memory_space<semaphore_mem>>) src(%dma_wait3A_218 : memref<40x64xi32, #tpu.memory_space<hbm>>) dst(%arg10 : memref<40x64xi32, #tpu.memory_space<vmem>>)
      tpu.yield
    }) : () -> ()
    %dma_start3A_53 = arith.constant 0 : i32
    %dma_start3A_54 = arith.constant 0 : i32
    %dma_start3A_55 = arith.constant 0 : i32
    %dma_start3A_56 = arith.constant 0 : i32
    %dma_start3A_57 = tpu.memref_slice %arg11[%dma_start3A_54, %dma_start3A_55, %dma_start3A_56] : memref<2x64x128xf32, #tpu.memory_space<vmem>> -> memref<1x64x128xf32, #tpu.memory_space<vmem>>
    %dma_start3A_58 = tpu.memref_squeeze %dma_start3A_57 : memref<1x64x128xf32, #tpu.memory_space<vmem>> -> memref<64x128xf32, #tpu.memory_space<vmem>>
    %dma_start3A_59 = arith.constant 0 : i32
    %dma_start3A_60 = tpu.memref_slice %arg9[%dma_start3A_53, %dma_start3A_59] : memref<40x64xi32, #tpu.memory_space<vmem>> -> memref<1x64xi32, #tpu.memory_space<vmem>>
    %dma_start3A_61 = tpu.memref_squeeze %dma_start3A_60 : memref<1x64xi32, #tpu.memory_space<vmem>> -> memref<64xi32, #tpu.memory_space<vmem>>
    %dma_start3A_62 = arith.constant 0 : i32
    %dma_start3A_63 = arith.constant 0 : i32
    %dma_start3A_64 = tpu.memref_slice %arg2[%dma_start3A_62, %dma_start3A_63] : memref<20480x128xf32, #tpu.memory_space<hbm>> -> memref<20480x128xf32, #tpu.memory_space<hbm>>
    tpu.enqueue_indirect_dma source(%dma_start3A_64 : memref<20480x128xf32, #tpu.memory_space<hbm>>) target(%dma_start3A_58 : memref<64x128xf32, #tpu.memory_space<vmem>>) offsets(%dma_start3A_61 : memref<64xi32, #tpu.memory_space<vmem>>) semaphore(%arg13 : memref<!tpu.dma_semaphore, #tpu.memory_space<semaphore_mem>>)
    %dma_start3A_65 = arith.constant 1 : i32
    %dma_start3A_66 = arith.constant 1 : i32
    %dma_start3A_67 = arith.constant 0 : i32
    %dma_start3A_68 = arith.constant 0 : i32
    %dma_start3A_69 = tpu.memref_slice %arg11[%dma_start3A_66, %dma_start3A_67, %dma_start3A_68] : memref<2x64x128xf32, #tpu.memory_space<vmem>> -> memref<1x64x128xf32, #tpu.memory_space<vmem>>
    %dma_start3A_70 = tpu.memref_squeeze %dma_start3A_69 : memref<1x64x128xf32, #tpu.memory_space<vmem>> -> memref<64x128xf32, #tpu.memory_space<vmem>>
    %dma_start3A_71 = arith.constant 0 : i32
    %dma_start3A_72 = tpu.memref_slice %arg9[%dma_start3A_65, %dma_start3A_71] : memref<40x64xi32, #tpu.memory_space<vmem>> -> memref<1x64xi32, #tpu.memory_space<vmem>>
    %dma_start3A_73 = tpu.memref_squeeze %dma_start3A_72 : memref<1x64xi32, #tpu.memory_space<vmem>> -> memref<64xi32, #tpu.memory_space<vmem>>
    %dma_start3A_74 = arith.constant 0 : i32
    %dma_start3A_75 = arith.constant 0 : i32
    %dma_start3A_76 = tpu.memref_slice %arg2[%dma_start3A_74, %dma_start3A_75] : memref<20480x128xf32, #tpu.memory_space<hbm>> -> memref<20480x128xf32, #tpu.memory_space<hbm>>
    tpu.enqueue_indirect_dma source(%dma_start3A_76 : memref<20480x128xf32, #tpu.memory_space<hbm>>) target(%dma_start3A_70 : memref<64x128xf32, #tpu.memory_space<vmem>>) offsets(%dma_start3A_73 : memref<64xi32, #tpu.memory_space<vmem>>) semaphore(%arg14 : memref<!tpu.dma_semaphore, #tpu.memory_space<semaphore_mem>>)
    %scan3A_77 = arith.constant 0 : i32
    %scan3A_78 = arith.constant 20 : i32
    %scan3A_79 = arith.addi %scan3A_77, %scan3A_78 : i32
    %scan3A_80 = arith.constant 1 : i32
    scf.for %scan3A_211 = %scan3A_77 to %scan3A_79 step %scan3A_80  : i32 {
      %mul3A_212 = arith.constant 2 : i32
      %mul3A_213 = arith.muli %scan3A_211, %mul3A_212 : i32
      %add3A_214 = arith.constant 0 : i32
      %add3A_215 = arith.addi %add3A_214, %mul3A_213 : i32
      %add3A_216 = arith.constant 0 : i32
      %add3A_217 = arith.addi %add3A_215, %add3A_216 : i32
      %dma_wait3A = arith.constant 0 : i32
      %dma_wait3A_218 = arith.constant 0 : i32
      %dma_wait3A_219 = arith.constant 0 : i32
      %dma_wait3A_220 = tpu.memref_slice %arg11[%dma_wait3A, %dma_wait3A_218, %dma_wait3A_219] : memref<2x64x128xf32, #tpu.memory_space<vmem>> -> memref<1x64x128xf32, #tpu.memory_space<vmem>>
      %dma_wait3A_221 = tpu.memref_squeeze %dma_wait3A_220 : memref<1x64x128xf32, #tpu.memory_space<vmem>> -> memref<64x128xf32, #tpu.memory_space<vmem>>
      %dma_wait3A_222 = arith.constant 0 : i32
      %dma_wait3A_223 = tpu.memref_slice %arg9[%add3A_217, %dma_wait3A_222] : memref<40x64xi32, #tpu.memory_space<vmem>> -> memref<1x64xi32, #tpu.memory_space<vmem>>
      %dma_wait3A_224 = tpu.memref_squeeze %dma_wait3A_223 : memref<1x64xi32, #tpu.memory_space<vmem>> -> memref<64xi32, #tpu.memory_space<vmem>>
      %dma_wait3A_225 = arith.constant 0 : i32
      %dma_wait3A_226 = arith.constant 0 : i32
      %dma_wait3A_227 = tpu.memref_slice %arg2[%dma_wait3A_225, %dma_wait3A_226] : memref<20480x128xf32, #tpu.memory_space<hbm>> -> memref<20480x128xf32, #tpu.memory_space<hbm>>
      tpu.wait_indirect_dma semaphore(%arg13 : memref<!tpu.dma_semaphore, #tpu.memory_space<semaphore_mem>>) src(%dma_wait3A_227 : memref<20480x128xf32, #tpu.memory_space<hbm>>) dst(%dma_wait3A_221 : memref<64x128xf32, #tpu.memory_space<vmem>>)
      %run_scoped3A_228 = arith.constant 0 : i32
      "tpu.region"() ({
        %run_scoped3A_254 = tpu.sem_alloc : memref<!tpu.dma_semaphore, #tpu.memory_space<semaphore_mem>>
        %dma_start3A_255 = arith.constant 0 : i32
        %dma_start3A_256 = arith.constant 0 : i32
        %dma_start3A_257 = tpu.memref_slice %arg11[%run_scoped3A_228, %dma_start3A_255, %dma_start3A_256] : memref<2x64x128xf32, #tpu.memory_space<vmem>> -> memref<1x64x128xf32, #tpu.memory_space<vmem>>
        %dma_start3A_258 = tpu.memref_squeeze %dma_start3A_257 : memref<1x64x128xf32, #tpu.memory_space<vmem>> -> memref<64x128xf32, #tpu.memory_space<vmem>>
        %dma_start3A_259 = arith.constant 0 : i32
        %dma_start3A_260 = tpu.memref_slice %arg10[%add3A_217, %dma_start3A_259] : memref<40x64xi32, #tpu.memory_space<vmem>> -> memref<1x64xi32, #tpu.memory_space<vmem>>
        %dma_start3A_261 = tpu.memref_squeeze %dma_start3A_260 : memref<1x64xi32, #tpu.memory_space<vmem>> -> memref<64xi32, #tpu.memory_space<vmem>>
        %dma_start3A_262 = arith.constant 0 : i32
        %dma_start3A_263 = arith.constant 0 : i32
        %dma_start3A_264 = tpu.memref_slice %arg12[%dma_start3A_262, %dma_start3A_263] : memref<10112x128xf32, #tpu.memory_space<vmem_shared>> -> memref<10112x128xf32, #tpu.memory_space<vmem_shared>>
        tpu.enqueue_indirect_dma source(%dma_start3A_258 : memref<64x128xf32, #tpu.memory_space<vmem>>) target(%dma_start3A_264 : memref<10112x128xf32, #tpu.memory_space<vmem_shared>>) offsets(%dma_start3A_261 : memref<64xi32, #tpu.memory_space<vmem>>) semaphore(%run_scoped3A_254 : memref<!tpu.dma_semaphore, #tpu.memory_space<semaphore_mem>>) {add = true}
        %dma_wait3A_265 = arith.constant 0 : i32
        %dma_wait3A_266 = arith.constant 0 : i32
        %dma_wait3A_267 = tpu.memref_slice %arg11[%run_scoped3A_228, %dma_wait3A_265, %dma_wait3A_266] : memref<2x64x128xf32, #tpu.memory_space<vmem>> -> memref<1x64x128xf32, #tpu.memory_space<vmem>>
        %dma_wait3A_268 = tpu.memref_squeeze %dma_wait3A_267 : memref<1x64x128xf32, #tpu.memory_space<vmem>> -> memref<64x128xf32, #tpu.memory_space<vmem>>
        %dma_wait3A_269 = arith.constant 0 : i32
        %dma_wait3A_270 = tpu.memref_slice %arg10[%add3A_217, %dma_wait3A_269] : memref<40x64xi32, #tpu.memory_space<vmem>> -> memref<1x64xi32, #tpu.memory_space<vmem>>
        %dma_wait3A_271 = tpu.memref_squeeze %dma_wait3A_270 : memref<1x64xi32, #tpu.memory_space<vmem>> -> memref<64xi32, #tpu.memory_space<vmem>>
        %dma_wait3A_272 = arith.constant 0 : i32
        %dma_wait3A_273 = arith.constant 0 : i32
        %dma_wait3A_274 = tpu.memref_slice %arg12[%dma_wait3A_272, %dma_wait3A_273] : memref<10112x128xf32, #tpu.memory_space<vmem_shared>> -> memref<10112x128xf32, #tpu.memory_space<vmem_shared>>
        tpu.wait_indirect_dma semaphore(%run_scoped3A_254 : memref<!tpu.dma_semaphore, #tpu.memory_space<semaphore_mem>>) src(%dma_wait3A_268 : memref<64x128xf32, #tpu.memory_space<vmem>>) dst(%dma_wait3A_274 : memref<10112x128xf32, #tpu.memory_space<vmem_shared>>)
        tpu.yield
      }) : () -> ()
      %add3A_229 = arith.constant 2 : i32
      %add3A_230 = arith.addi %add3A_217, %add3A_229 : i32
      %lt3A = arith.constant 40 : i32
      %lt3A_231 = arith.cmpi slt, %add3A_230, %lt3A : i32
      %convert_element_type3A = arith.extui %lt3A_231 : i1 to i32
      %cond3A = arith.constant 0 : i32
      %cond3A_232 = arith.cmpi ne, %convert_element_type3A, %cond3A : i32
      scf.if %cond3A_232 {
        %add3A_254 = arith.constant 2 : i32
        %add3A_255 = arith.addi %add3A_217, %add3A_254 : i32
        %dma_start3A_256 = arith.constant 0 : i32
        %dma_start3A_257 = arith.constant 0 : i32
        %dma_start3A_258 = arith.constant 0 : i32
        %dma_start3A_259 = tpu.memref_slice %arg11[%dma_start3A_256, %dma_start3A_257, %dma_start3A_258] : memref<2x64x128xf32, #tpu.memory_space<vmem>> -> memref<1x64x128xf32, #tpu.memory_space<vmem>>
        %dma_start3A_260 = tpu.memref_squeeze %dma_start3A_259 : memref<1x64x128xf32, #tpu.memory_space<vmem>> -> memref<64x128xf32, #tpu.memory_space<vmem>>
        %dma_start3A_261 = arith.constant 0 : i32
        %dma_start3A_262 = tpu.memref_slice %arg9[%add3A_255, %dma_start3A_261] : memref<40x64xi32, #tpu.memory_space<vmem>> -> memref<1x64xi32, #tpu.memory_space<vmem>>
        %dma_start3A_263 = tpu.memref_squeeze %dma_start3A_262 : memref<1x64xi32, #tpu.memory_space<vmem>> -> memref<64xi32, #tpu.memory_space<vmem>>
        %dma_start3A_264 = arith.constant 0 : i32
        %dma_start3A_265 = arith.constant 0 : i32
        %dma_start3A_266 = tpu.memref_slice %arg2[%dma_start3A_264, %dma_start3A_265] : memref<20480x128xf32, #tpu.memory_space<hbm>> -> memref<20480x128xf32, #tpu.memory_space<hbm>>
        tpu.enqueue_indirect_dma source(%dma_start3A_266 : memref<20480x128xf32, #tpu.memory_space<hbm>>) target(%dma_start3A_260 : memref<64x128xf32, #tpu.memory_space<vmem>>) offsets(%dma_start3A_263 : memref<64xi32, #tpu.memory_space<vmem>>) semaphore(%arg13 : memref<!tpu.dma_semaphore, #tpu.memory_space<semaphore_mem>>)
      } else {
      }
      %add3A_233 = arith.constant 1 : i32
      %add3A_234 = arith.addi %add3A_215, %add3A_233 : i32
      %dma_wait3A_235 = arith.constant 1 : i32
      %dma_wait3A_236 = arith.constant 0 : i32
      %dma_wait3A_237 = arith.constant 0 : i32
      %dma_wait3A_238 = tpu.memref_slice %arg11[%dma_wait3A_235, %dma_wait3A_236, %dma_wait3A_237] : memref<2x64x128xf32, #tpu.memory_space<vmem>> -> memref<1x64x128xf32, #tpu.memory_space<vmem>>
      %dma_wait3A_239 = tpu.memref_squeeze %dma_wait3A_238 : memref<1x64x128xf32, #tpu.memory_space<vmem>> -> memref<64x128xf32, #tpu.memory_space<vmem>>
      %dma_wait3A_240 = arith.constant 0 : i32
      %dma_wait3A_241 = tpu.memref_slice %arg9[%add3A_234, %dma_wait3A_240] : memref<40x64xi32, #tpu.memory_space<vmem>> -> memref<1x64xi32, #tpu.memory_space<vmem>>
      %dma_wait3A_242 = tpu.memref_squeeze %dma_wait3A_241 : memref<1x64xi32, #tpu.memory_space<vmem>> -> memref<64xi32, #tpu.memory_space<vmem>>
      %dma_wait3A_243 = arith.constant 0 : i32
      %dma_wait3A_244 = arith.constant 0 : i32
      %dma_wait3A_245 = tpu.memref_slice %arg2[%dma_wait3A_243, %dma_wait3A_244] : memref<20480x128xf32, #tpu.memory_space<hbm>> -> memref<20480x128xf32, #tpu.memory_space<hbm>>
      tpu.wait_indirect_dma semaphore(%arg14 : memref<!tpu.dma_semaphore, #tpu.memory_space<semaphore_mem>>) src(%dma_wait3A_245 : memref<20480x128xf32, #tpu.memory_space<hbm>>) dst(%dma_wait3A_239 : memref<64x128xf32, #tpu.memory_space<vmem>>)
      %run_scoped3A_246 = arith.constant 1 : i32
      "tpu.region"() ({
        %run_scoped3A_254 = tpu.sem_alloc : memref<!tpu.dma_semaphore, #tpu.memory_space<semaphore_mem>>
        %dma_start3A_255 = arith.constant 0 : i32
        %dma_start3A_256 = arith.constant 0 : i32
        %dma_start3A_257 = tpu.memref_slice %arg11[%run_scoped3A_246, %dma_start3A_255, %dma_start3A_256] : memref<2x64x128xf32, #tpu.memory_space<vmem>> -> memref<1x64x128xf32, #tpu.memory_space<vmem>>
        %dma_start3A_258 = tpu.memref_squeeze %dma_start3A_257 : memref<1x64x128xf32, #tpu.memory_space<vmem>> -> memref<64x128xf32, #tpu.memory_space<vmem>>
        %dma_start3A_259 = arith.constant 0 : i32
        %dma_start3A_260 = tpu.memref_slice %arg10[%add3A_234, %dma_start3A_259] : memref<40x64xi32, #tpu.memory_space<vmem>> -> memref<1x64xi32, #tpu.memory_space<vmem>>
        %dma_start3A_261 = tpu.memref_squeeze %dma_start3A_260 : memref<1x64xi32, #tpu.memory_space<vmem>> -> memref<64xi32, #tpu.memory_space<vmem>>
        %dma_start3A_262 = arith.constant 0 : i32
        %dma_start3A_263 = arith.constant 0 : i32
        %dma_start3A_264 = tpu.memref_slice %arg12[%dma_start3A_262, %dma_start3A_263] : memref<10112x128xf32, #tpu.memory_space<vmem_shared>> -> memref<10112x128xf32, #tpu.memory_space<vmem_shared>>
        tpu.enqueue_indirect_dma source(%dma_start3A_258 : memref<64x128xf32, #tpu.memory_space<vmem>>) target(%dma_start3A_264 : memref<10112x128xf32, #tpu.memory_space<vmem_shared>>) offsets(%dma_start3A_261 : memref<64xi32, #tpu.memory_space<vmem>>) semaphore(%run_scoped3A_254 : memref<!tpu.dma_semaphore, #tpu.memory_space<semaphore_mem>>) {add = true}
        %dma_wait3A_265 = arith.constant 0 : i32
        %dma_wait3A_266 = arith.constant 0 : i32
        %dma_wait3A_267 = tpu.memref_slice %arg11[%run_scoped3A_246, %dma_wait3A_265, %dma_wait3A_266] : memref<2x64x128xf32, #tpu.memory_space<vmem>> -> memref<1x64x128xf32, #tpu.memory_space<vmem>>
        %dma_wait3A_268 = tpu.memref_squeeze %dma_wait3A_267 : memref<1x64x128xf32, #tpu.memory_space<vmem>> -> memref<64x128xf32, #tpu.memory_space<vmem>>
        %dma_wait3A_269 = arith.constant 0 : i32
        %dma_wait3A_270 = tpu.memref_slice %arg10[%add3A_234, %dma_wait3A_269] : memref<40x64xi32, #tpu.memory_space<vmem>> -> memref<1x64xi32, #tpu.memory_space<vmem>>
        %dma_wait3A_271 = tpu.memref_squeeze %dma_wait3A_270 : memref<1x64xi32, #tpu.memory_space<vmem>> -> memref<64xi32, #tpu.memory_space<vmem>>
        %dma_wait3A_272 = arith.constant 0 : i32
        %dma_wait3A_273 = arith.constant 0 : i32
        %dma_wait3A_274 = tpu.memref_slice %arg12[%dma_wait3A_272, %dma_wait3A_273] : memref<10112x128xf32, #tpu.memory_space<vmem_shared>> -> memref<10112x128xf32, #tpu.memory_space<vmem_shared>>
        tpu.wait_indirect_dma semaphore(%run_scoped3A_254 : memref<!tpu.dma_semaphore, #tpu.memory_space<semaphore_mem>>) src(%dma_wait3A_268 : memref<64x128xf32, #tpu.memory_space<vmem>>) dst(%dma_wait3A_274 : memref<10112x128xf32, #tpu.memory_space<vmem_shared>>)
        tpu.yield
      }) : () -> ()
      %add3A_247 = arith.constant 2 : i32
      %add3A_248 = arith.addi %add3A_234, %add3A_247 : i32
      %lt3A_249 = arith.constant 40 : i32
      %lt3A_250 = arith.cmpi slt, %add3A_248, %lt3A_249 : i32
      %convert_element_type3A_251 = arith.extui %lt3A_250 : i1 to i32
      %cond3A_252 = arith.constant 0 : i32
      %cond3A_253 = arith.cmpi ne, %convert_element_type3A_251, %cond3A_252 : i32
      scf.if %cond3A_253 {
        %add3A_254 = arith.constant 2 : i32
        %add3A_255 = arith.addi %add3A_234, %add3A_254 : i32
        %dma_start3A_256 = arith.constant 1 : i32
        %dma_start3A_257 = arith.constant 0 : i32
        %dma_start3A_258 = arith.constant 0 : i32
        %dma_start3A_259 = tpu.memref_slice %arg11[%dma_start3A_256, %dma_start3A_257, %dma_start3A_258] : memref<2x64x128xf32, #tpu.memory_space<vmem>> -> memref<1x64x128xf32, #tpu.memory_space<vmem>>
        %dma_start3A_260 = tpu.memref_squeeze %dma_start3A_259 : memref<1x64x128xf32, #tpu.memory_space<vmem>> -> memref<64x128xf32, #tpu.memory_space<vmem>>
        %dma_start3A_261 = arith.constant 0 : i32
        %dma_start3A_262 = tpu.memref_slice %arg9[%add3A_255, %dma_start3A_261] : memref<40x64xi32, #tpu.memory_space<vmem>> -> memref<1x64xi32, #tpu.memory_space<vmem>>
        %dma_start3A_263 = tpu.memref_squeeze %dma_start3A_262 : memref<1x64xi32, #tpu.memory_space<vmem>> -> memref<64xi32, #tpu.memory_space<vmem>>
        %dma_start3A_264 = arith.constant 0 : i32
        %dma_start3A_265 = arith.constant 0 : i32
        %dma_start3A_266 = tpu.memref_slice %arg2[%dma_start3A_264, %dma_start3A_265] : memref<20480x128xf32, #tpu.memory_space<hbm>> -> memref<20480x128xf32, #tpu.memory_space<hbm>>
        tpu.enqueue_indirect_dma source(%dma_start3A_266 : memref<20480x128xf32, #tpu.memory_space<hbm>>) target(%dma_start3A_260 : memref<64x128xf32, #tpu.memory_space<vmem>>) offsets(%dma_start3A_263 : memref<64xi32, #tpu.memory_space<vmem>>) semaphore(%arg14 : memref<!tpu.dma_semaphore, #tpu.memory_space<semaphore_mem>>)
      } else {
      }
    }
    %scan3A_81 = arith.constant 20 : i32
    %mul3A_82 = arith.constant 2560 : i32
    %mul3A_83 = arith.muli %add3A_3, %mul3A_82 : i32
    %mul3A_84 = arith.constant 160 : i32
    %mul3A_85 = arith.muli %arg1, %mul3A_84 : i32
    %add3A_86 = arith.addi %mul3A_83, %mul3A_85 : i32
    %add3A_87 = arith.constant 80 : i32
    %add3A_88 = arith.addi %add3A_86, %add3A_87 : i32
    "tpu.region"() ({
      %run_scoped3A_211 = tpu.sem_alloc : memref<!tpu.dma_semaphore, #tpu.memory_space<semaphore_mem>>
      %dma_start3A_212 = arith.constant 0 : i32
      %dma_start3A_213 = tpu.memref_slice %arg3[%add3A_88, %dma_start3A_212] : memref<5120x64xi32, #tpu.memory_space<hbm>> -> memref<40x64xi32, #tpu.memory_space<hbm>>
      %dma_start3A_214 = arith.constant 0 : i32
      %dma_start3A_215 = tpu.memref_slice %arg3[%add3A_88, %dma_start3A_214] : memref<5120x64xi32, #tpu.memory_space<hbm>> -> memref<40x64xi32, #tpu.memory_space<hbm>>
      tpu.enqueue_dma source(%dma_start3A_215 : memref<40x64xi32, #tpu.memory_space<hbm>>) target(%arg9 : memref<40x64xi32, #tpu.memory_space<vmem>>) target_semaphore(%run_scoped3A_211 : memref<!tpu.dma_semaphore, #tpu.memory_space<semaphore_mem>>)
      %dma_wait3A = arith.constant 0 : i32
      %dma_wait3A_216 = tpu.memref_slice %arg3[%add3A_88, %dma_wait3A] : memref<5120x64xi32, #tpu.memory_space<hbm>> -> memref<40x64xi32, #tpu.memory_space<hbm>>
      %dma_wait3A_217 = arith.constant 0 : i32
      %dma_wait3A_218 = tpu.memref_slice %arg3[%add3A_88, %dma_wait3A_217] : memref<5120x64xi32, #tpu.memory_space<hbm>> -> memref<40x64xi32, #tpu.memory_space<hbm>>
      tpu.wait_dma2 semaphore(%run_scoped3A_211 : memref<!tpu.dma_semaphore, #tpu.memory_space<semaphore_mem>>) src(%dma_wait3A_218 : memref<40x64xi32, #tpu.memory_space<hbm>>) dst(%arg9 : memref<40x64xi32, #tpu.memory_space<vmem>>)
      tpu.yield
    }) : () -> ()
    %mul3A_89 = arith.constant 160 : i32
    %mul3A_90 = arith.muli %arg1, %mul3A_89 : i32
    %add3A_91 = arith.constant 80 : i32
    %add3A_92 = arith.addi %mul3A_90, %add3A_91 : i32
    "tpu.region"() ({
      %run_scoped3A_211 = tpu.sem_alloc : memref<!tpu.dma_semaphore, #tpu.memory_space<semaphore_mem>>
      %dma_start3A_212 = arith.constant 0 : i32
      %dma_start3A_213 = tpu.memref_slice %arg4[%add3A_92, %dma_start3A_212] : memref<2560x64xi32, #tpu.memory_space<hbm>> -> memref<40x64xi32, #tpu.memory_space<hbm>>
      %dma_start3A_214 = arith.constant 0 : i32
      %dma_start3A_215 = tpu.memref_slice %arg4[%add3A_92, %dma_start3A_214] : memref<2560x64xi32, #tpu.memory_space<hbm>> -> memref<40x64xi32, #tpu.memory_space<hbm>>
      tpu.enqueue_dma source(%dma_start3A_215 : memref<40x64xi32, #tpu.memory_space<hbm>>) target(%arg10 : memref<40x64xi32, #tpu.memory_space<vmem>>) target_semaphore(%run_scoped3A_211 : memref<!tpu.dma_semaphore, #tpu.memory_space<semaphore_mem>>)
      %dma_wait3A = arith.constant 0 : i32
      %dma_wait3A_216 = tpu.memref_slice %arg4[%add3A_92, %dma_wait3A] : memref<2560x64xi32, #tpu.memory_space<hbm>> -> memref<40x64xi32, #tpu.memory_space<hbm>>
      %dma_wait3A_217 = arith.constant 0 : i32
      %dma_wait3A_218 = tpu.memref_slice %arg4[%add3A_92, %dma_wait3A_217] : memref<2560x64xi32, #tpu.memory_space<hbm>> -> memref<40x64xi32, #tpu.memory_space<hbm>>
      tpu.wait_dma2 semaphore(%run_scoped3A_211 : memref<!tpu.dma_semaphore, #tpu.memory_space<semaphore_mem>>) src(%dma_wait3A_218 : memref<40x64xi32, #tpu.memory_space<hbm>>) dst(%arg10 : memref<40x64xi32, #tpu.memory_space<vmem>>)
      tpu.yield
    }) : () -> ()
    %dma_start3A_93 = arith.constant 0 : i32
    %dma_start3A_94 = arith.constant 0 : i32
    %dma_start3A_95 = arith.constant 0 : i32
    %dma_start3A_96 = arith.constant 0 : i32
    %dma_start3A_97 = tpu.memref_slice %arg11[%dma_start3A_94, %dma_start3A_95, %dma_start3A_96] : memref<2x64x128xf32, #tpu.memory_space<vmem>> -> memref<1x64x128xf32, #tpu.memory_space<vmem>>
    %dma_start3A_98 = tpu.memref_squeeze %dma_start3A_97 : memref<1x64x128xf32, #tpu.memory_space<vmem>> -> memref<64x128xf32, #tpu.memory_space<vmem>>
    %dma_start3A_99 = arith.constant 0 : i32
    %dma_start3A_100 = tpu.memref_slice %arg9[%dma_start3A_93, %dma_start3A_99] : memref<40x64xi32, #tpu.memory_space<vmem>> -> memref<1x64xi32, #tpu.memory_space<vmem>>
    %dma_start3A_101 = tpu.memref_squeeze %dma_start3A_100 : memref<1x64xi32, #tpu.memory_space<vmem>> -> memref<64xi32, #tpu.memory_space<vmem>>
    %dma_start3A_102 = arith.constant 0 : i32
    %dma_start3A_103 = arith.constant 0 : i32
    %dma_start3A_104 = tpu.memref_slice %arg2[%dma_start3A_102, %dma_start3A_103] : memref<20480x128xf32, #tpu.memory_space<hbm>> -> memref<20480x128xf32, #tpu.memory_space<hbm>>
    tpu.enqueue_indirect_dma source(%dma_start3A_104 : memref<20480x128xf32, #tpu.memory_space<hbm>>) target(%dma_start3A_98 : memref<64x128xf32, #tpu.memory_space<vmem>>) offsets(%dma_start3A_101 : memref<64xi32, #tpu.memory_space<vmem>>) semaphore(%arg13 : memref<!tpu.dma_semaphore, #tpu.memory_space<semaphore_mem>>)
    %dma_start3A_105 = arith.constant 1 : i32
    %dma_start3A_106 = arith.constant 1 : i32
    %dma_start3A_107 = arith.constant 0 : i32
    %dma_start3A_108 = arith.constant 0 : i32
    %dma_start3A_109 = tpu.memref_slice %arg11[%dma_start3A_106, %dma_start3A_107, %dma_start3A_108] : memref<2x64x128xf32, #tpu.memory_space<vmem>> -> memref<1x64x128xf32, #tpu.memory_space<vmem>>
    %dma_start3A_110 = tpu.memref_squeeze %dma_start3A_109 : memref<1x64x128xf32, #tpu.memory_space<vmem>> -> memref<64x128xf32, #tpu.memory_space<vmem>>
    %dma_start3A_111 = arith.constant 0 : i32
    %dma_start3A_112 = tpu.memref_slice %arg9[%dma_start3A_105, %dma_start3A_111] : memref<40x64xi32, #tpu.memory_space<vmem>> -> memref<1x64xi32, #tpu.memory_space<vmem>>
    %dma_start3A_113 = tpu.memref_squeeze %dma_start3A_112 : memref<1x64xi32, #tpu.memory_space<vmem>> -> memref<64xi32, #tpu.memory_space<vmem>>
    %dma_start3A_114 = arith.constant 0 : i32
    %dma_start3A_115 = arith.constant 0 : i32
    %dma_start3A_116 = tpu.memref_slice %arg2[%dma_start3A_114, %dma_start3A_115] : memref<20480x128xf32, #tpu.memory_space<hbm>> -> memref<20480x128xf32, #tpu.memory_space<hbm>>
    tpu.enqueue_indirect_dma source(%dma_start3A_116 : memref<20480x128xf32, #tpu.memory_space<hbm>>) target(%dma_start3A_110 : memref<64x128xf32, #tpu.memory_space<vmem>>) offsets(%dma_start3A_113 : memref<64xi32, #tpu.memory_space<vmem>>) semaphore(%arg14 : memref<!tpu.dma_semaphore, #tpu.memory_space<semaphore_mem>>)
    %scan3A_117 = arith.constant 0 : i32
    %scan3A_118 = arith.constant 20 : i32
    %scan3A_119 = arith.addi %scan3A_117, %scan3A_118 : i32
    %scan3A_120 = arith.constant 1 : i32
    scf.for %scan3A_211 = %scan3A_117 to %scan3A_119 step %scan3A_120  : i32 {
      %mul3A_212 = arith.constant 2 : i32
      %mul3A_213 = arith.muli %scan3A_211, %mul3A_212 : i32
      %add3A_214 = arith.constant 0 : i32
      %add3A_215 = arith.addi %add3A_214, %mul3A_213 : i32
      %add3A_216 = arith.constant 0 : i32
      %add3A_217 = arith.addi %add3A_215, %add3A_216 : i32
      %dma_wait3A = arith.constant 0 : i32
      %dma_wait3A_218 = arith.constant 0 : i32
      %dma_wait3A_219 = arith.constant 0 : i32
      %dma_wait3A_220 = tpu.memref_slice %arg11[%dma_wait3A, %dma_wait3A_218, %dma_wait3A_219] : memref<2x64x128xf32, #tpu.memory_space<vmem>> -> memref<1x64x128xf32, #tpu.memory_space<vmem>>
      %dma_wait3A_221 = tpu.memref_squeeze %dma_wait3A_220 : memref<1x64x128xf32, #tpu.memory_space<vmem>> -> memref<64x128xf32, #tpu.memory_space<vmem>>
      %dma_wait3A_222 = arith.constant 0 : i32
      %dma_wait3A_223 = tpu.memref_slice %arg9[%add3A_217, %dma_wait3A_222] : memref<40x64xi32, #tpu.memory_space<vmem>> -> memref<1x64xi32, #tpu.memory_space<vmem>>
      %dma_wait3A_224 = tpu.memref_squeeze %dma_wait3A_223 : memref<1x64xi32, #tpu.memory_space<vmem>> -> memref<64xi32, #tpu.memory_space<vmem>>
      %dma_wait3A_225 = arith.constant 0 : i32
      %dma_wait3A_226 = arith.constant 0 : i32
      %dma_wait3A_227 = tpu.memref_slice %arg2[%dma_wait3A_225, %dma_wait3A_226] : memref<20480x128xf32, #tpu.memory_space<hbm>> -> memref<20480x128xf32, #tpu.memory_space<hbm>>
      tpu.wait_indirect_dma semaphore(%arg13 : memref<!tpu.dma_semaphore, #tpu.memory_space<semaphore_mem>>) src(%dma_wait3A_227 : memref<20480x128xf32, #tpu.memory_space<hbm>>) dst(%dma_wait3A_221 : memref<64x128xf32, #tpu.memory_space<vmem>>)
      %run_scoped3A_228 = arith.constant 0 : i32
      "tpu.region"() ({
        %run_scoped3A_254 = tpu.sem_alloc : memref<!tpu.dma_semaphore, #tpu.memory_space<semaphore_mem>>
        %dma_start3A_255 = arith.constant 0 : i32
        %dma_start3A_256 = arith.constant 0 : i32
        %dma_start3A_257 = tpu.memref_slice %arg11[%run_scoped3A_228, %dma_start3A_255, %dma_start3A_256] : memref<2x64x128xf32, #tpu.memory_space<vmem>> -> memref<1x64x128xf32, #tpu.memory_space<vmem>>
        %dma_start3A_258 = tpu.memref_squeeze %dma_start3A_257 : memref<1x64x128xf32, #tpu.memory_space<vmem>> -> memref<64x128xf32, #tpu.memory_space<vmem>>
        %dma_start3A_259 = arith.constant 0 : i32
        %dma_start3A_260 = tpu.memref_slice %arg10[%add3A_217, %dma_start3A_259] : memref<40x64xi32, #tpu.memory_space<vmem>> -> memref<1x64xi32, #tpu.memory_space<vmem>>
        %dma_start3A_261 = tpu.memref_squeeze %dma_start3A_260 : memref<1x64xi32, #tpu.memory_space<vmem>> -> memref<64xi32, #tpu.memory_space<vmem>>
        %dma_start3A_262 = arith.constant 0 : i32
        %dma_start3A_263 = arith.constant 0 : i32
        %dma_start3A_264 = tpu.memref_slice %arg12[%dma_start3A_262, %dma_start3A_263] : memref<10112x128xf32, #tpu.memory_space<vmem_shared>> -> memref<10112x128xf32, #tpu.memory_space<vmem_shared>>
        tpu.enqueue_indirect_dma source(%dma_start3A_258 : memref<64x128xf32, #tpu.memory_space<vmem>>) target(%dma_start3A_264 : memref<10112x128xf32, #tpu.memory_space<vmem_shared>>) offsets(%dma_start3A_261 : memref<64xi32, #tpu.memory_space<vmem>>) semaphore(%run_scoped3A_254 : memref<!tpu.dma_semaphore, #tpu.memory_space<semaphore_mem>>) {add = true}
        %dma_wait3A_265 = arith.constant 0 : i32
        %dma_wait3A_266 = arith.constant 0 : i32
        %dma_wait3A_267 = tpu.memref_slice %arg11[%run_scoped3A_228, %dma_wait3A_265, %dma_wait3A_266] : memref<2x64x128xf32, #tpu.memory_space<vmem>> -> memref<1x64x128xf32, #tpu.memory_space<vmem>>
        %dma_wait3A_268 = tpu.memref_squeeze %dma_wait3A_267 : memref<1x64x128xf32, #tpu.memory_space<vmem>> -> memref<64x128xf32, #tpu.memory_space<vmem>>
        %dma_wait3A_269 = arith.constant 0 : i32
        %dma_wait3A_270 = tpu.memref_slice %arg10[%add3A_217, %dma_wait3A_269] : memref<40x64xi32, #tpu.memory_space<vmem>> -> memref<1x64xi32, #tpu.memory_space<vmem>>
        %dma_wait3A_271 = tpu.memref_squeeze %dma_wait3A_270 : memref<1x64xi32, #tpu.memory_space<vmem>> -> memref<64xi32, #tpu.memory_space<vmem>>
        %dma_wait3A_272 = arith.constant 0 : i32
        %dma_wait3A_273 = arith.constant 0 : i32
        %dma_wait3A_274 = tpu.memref_slice %arg12[%dma_wait3A_272, %dma_wait3A_273] : memref<10112x128xf32, #tpu.memory_space<vmem_shared>> -> memref<10112x128xf32, #tpu.memory_space<vmem_shared>>
        tpu.wait_indirect_dma semaphore(%run_scoped3A_254 : memref<!tpu.dma_semaphore, #tpu.memory_space<semaphore_mem>>) src(%dma_wait3A_268 : memref<64x128xf32, #tpu.memory_space<vmem>>) dst(%dma_wait3A_274 : memref<10112x128xf32, #tpu.memory_space<vmem_shared>>)
        tpu.yield
      }) : () -> ()
      %add3A_229 = arith.constant 2 : i32
      %add3A_230 = arith.addi %add3A_217, %add3A_229 : i32
      %lt3A = arith.constant 40 : i32
      %lt3A_231 = arith.cmpi slt, %add3A_230, %lt3A : i32
      %convert_element_type3A = arith.extui %lt3A_231 : i1 to i32
      %cond3A = arith.constant 0 : i32
      %cond3A_232 = arith.cmpi ne, %convert_element_type3A, %cond3A : i32
      scf.if %cond3A_232 {
        %add3A_254 = arith.constant 2 : i32
        %add3A_255 = arith.addi %add3A_217, %add3A_254 : i32
        %dma_start3A_256 = arith.constant 0 : i32
        %dma_start3A_257 = arith.constant 0 : i32
        %dma_start3A_258 = arith.constant 0 : i32
        %dma_start3A_259 = tpu.memref_slice %arg11[%dma_start3A_256, %dma_start3A_257, %dma_start3A_258] : memref<2x64x128xf32, #tpu.memory_space<vmem>> -> memref<1x64x128xf32, #tpu.memory_space<vmem>>
        %dma_start3A_260 = tpu.memref_squeeze %dma_start3A_259 : memref<1x64x128xf32, #tpu.memory_space<vmem>> -> memref<64x128xf32, #tpu.memory_space<vmem>>
        %dma_start3A_261 = arith.constant 0 : i32
        %dma_start3A_262 = tpu.memref_slice %arg9[%add3A_255, %dma_start3A_261] : memref<40x64xi32, #tpu.memory_space<vmem>> -> memref<1x64xi32, #tpu.memory_space<vmem>>
        %dma_start3A_263 = tpu.memref_squeeze %dma_start3A_262 : memref<1x64xi32, #tpu.memory_space<vmem>> -> memref<64xi32, #tpu.memory_space<vmem>>
        %dma_start3A_264 = arith.constant 0 : i32
        %dma_start3A_265 = arith.constant 0 : i32
        %dma_start3A_266 = tpu.memref_slice %arg2[%dma_start3A_264, %dma_start3A_265] : memref<20480x128xf32, #tpu.memory_space<hbm>> -> memref<20480x128xf32, #tpu.memory_space<hbm>>
        tpu.enqueue_indirect_dma source(%dma_start3A_266 : memref<20480x128xf32, #tpu.memory_space<hbm>>) target(%dma_start3A_260 : memref<64x128xf32, #tpu.memory_space<vmem>>) offsets(%dma_start3A_263 : memref<64xi32, #tpu.memory_space<vmem>>) semaphore(%arg13 : memref<!tpu.dma_semaphore, #tpu.memory_space<semaphore_mem>>)
      } else {
      }
      %add3A_233 = arith.constant 1 : i32
      %add3A_234 = arith.addi %add3A_215, %add3A_233 : i32
      %dma_wait3A_235 = arith.constant 1 : i32
      %dma_wait3A_236 = arith.constant 0 : i32
      %dma_wait3A_237 = arith.constant 0 : i32
      %dma_wait3A_238 = tpu.memref_slice %arg11[%dma_wait3A_235, %dma_wait3A_236, %dma_wait3A_237] : memref<2x64x128xf32, #tpu.memory_space<vmem>> -> memref<1x64x128xf32, #tpu.memory_space<vmem>>
      %dma_wait3A_239 = tpu.memref_squeeze %dma_wait3A_238 : memref<1x64x128xf32, #tpu.memory_space<vmem>> -> memref<64x128xf32, #tpu.memory_space<vmem>>
      %dma_wait3A_240 = arith.constant 0 : i32
      %dma_wait3A_241 = tpu.memref_slice %arg9[%add3A_234, %dma_wait3A_240] : memref<40x64xi32, #tpu.memory_space<vmem>> -> memref<1x64xi32, #tpu.memory_space<vmem>>
      %dma_wait3A_242 = tpu.memref_squeeze %dma_wait3A_241 : memref<1x64xi32, #tpu.memory_space<vmem>> -> memref<64xi32, #tpu.memory_space<vmem>>
      %dma_wait3A_243 = arith.constant 0 : i32
      %dma_wait3A_244 = arith.constant 0 : i32
      %dma_wait3A_245 = tpu.memref_slice %arg2[%dma_wait3A_243, %dma_wait3A_244] : memref<20480x128xf32, #tpu.memory_space<hbm>> -> memref<20480x128xf32, #tpu.memory_space<hbm>>
      tpu.wait_indirect_dma semaphore(%arg14 : memref<!tpu.dma_semaphore, #tpu.memory_space<semaphore_mem>>) src(%dma_wait3A_245 : memref<20480x128xf32, #tpu.memory_space<hbm>>) dst(%dma_wait3A_239 : memref<64x128xf32, #tpu.memory_space<vmem>>)
      %run_scoped3A_246 = arith.constant 1 : i32
      "tpu.region"() ({
        %run_scoped3A_254 = tpu.sem_alloc : memref<!tpu.dma_semaphore, #tpu.memory_space<semaphore_mem>>
        %dma_start3A_255 = arith.constant 0 : i32
        %dma_start3A_256 = arith.constant 0 : i32
        %dma_start3A_257 = tpu.memref_slice %arg11[%run_scoped3A_246, %dma_start3A_255, %dma_start3A_256] : memref<2x64x128xf32, #tpu.memory_space<vmem>> -> memref<1x64x128xf32, #tpu.memory_space<vmem>>
        %dma_start3A_258 = tpu.memref_squeeze %dma_start3A_257 : memref<1x64x128xf32, #tpu.memory_space<vmem>> -> memref<64x128xf32, #tpu.memory_space<vmem>>
        %dma_start3A_259 = arith.constant 0 : i32
        %dma_start3A_260 = tpu.memref_slice %arg10[%add3A_234, %dma_start3A_259] : memref<40x64xi32, #tpu.memory_space<vmem>> -> memref<1x64xi32, #tpu.memory_space<vmem>>
        %dma_start3A_261 = tpu.memref_squeeze %dma_start3A_260 : memref<1x64xi32, #tpu.memory_space<vmem>> -> memref<64xi32, #tpu.memory_space<vmem>>
        %dma_start3A_262 = arith.constant 0 : i32
        %dma_start3A_263 = arith.constant 0 : i32
        %dma_start3A_264 = tpu.memref_slice %arg12[%dma_start3A_262, %dma_start3A_263] : memref<10112x128xf32, #tpu.memory_space<vmem_shared>> -> memref<10112x128xf32, #tpu.memory_space<vmem_shared>>
        tpu.enqueue_indirect_dma source(%dma_start3A_258 : memref<64x128xf32, #tpu.memory_space<vmem>>) target(%dma_start3A_264 : memref<10112x128xf32, #tpu.memory_space<vmem_shared>>) offsets(%dma_start3A_261 : memref<64xi32, #tpu.memory_space<vmem>>) semaphore(%run_scoped3A_254 : memref<!tpu.dma_semaphore, #tpu.memory_space<semaphore_mem>>) {add = true}
        %dma_wait3A_265 = arith.constant 0 : i32
        %dma_wait3A_266 = arith.constant 0 : i32
        %dma_wait3A_267 = tpu.memref_slice %arg11[%run_scoped3A_246, %dma_wait3A_265, %dma_wait3A_266] : memref<2x64x128xf32, #tpu.memory_space<vmem>> -> memref<1x64x128xf32, #tpu.memory_space<vmem>>
        %dma_wait3A_268 = tpu.memref_squeeze %dma_wait3A_267 : memref<1x64x128xf32, #tpu.memory_space<vmem>> -> memref<64x128xf32, #tpu.memory_space<vmem>>
        %dma_wait3A_269 = arith.constant 0 : i32
        %dma_wait3A_270 = tpu.memref_slice %arg10[%add3A_234, %dma_wait3A_269] : memref<40x64xi32, #tpu.memory_space<vmem>> -> memref<1x64xi32, #tpu.memory_space<vmem>>
        %dma_wait3A_271 = tpu.memref_squeeze %dma_wait3A_270 : memref<1x64xi32, #tpu.memory_space<vmem>> -> memref<64xi32, #tpu.memory_space<vmem>>
        %dma_wait3A_272 = arith.constant 0 : i32
        %dma_wait3A_273 = arith.constant 0 : i32
        %dma_wait3A_274 = tpu.memref_slice %arg12[%dma_wait3A_272, %dma_wait3A_273] : memref<10112x128xf32, #tpu.memory_space<vmem_shared>> -> memref<10112x128xf32, #tpu.memory_space<vmem_shared>>
        tpu.wait_indirect_dma semaphore(%run_scoped3A_254 : memref<!tpu.dma_semaphore, #tpu.memory_space<semaphore_mem>>) src(%dma_wait3A_268 : memref<64x128xf32, #tpu.memory_space<vmem>>) dst(%dma_wait3A_274 : memref<10112x128xf32, #tpu.memory_space<vmem_shared>>)
        tpu.yield
      }) : () -> ()
      %add3A_247 = arith.constant 2 : i32
      %add3A_248 = arith.addi %add3A_234, %add3A_247 : i32
      %lt3A_249 = arith.constant 40 : i32
      %lt3A_250 = arith.cmpi slt, %add3A_248, %lt3A_249 : i32
      %convert_element_type3A_251 = arith.extui %lt3A_250 : i1 to i32
      %cond3A_252 = arith.constant 0 : i32
      %cond3A_253 = arith.cmpi ne, %convert_element_type3A_251, %cond3A_252 : i32
      scf.if %cond3A_253 {
        %add3A_254 = arith.constant 2 : i32
        %add3A_255 = arith.addi %add3A_234, %add3A_254 : i32
        %dma_start3A_256 = arith.constant 1 : i32
        %dma_start3A_257 = arith.constant 0 : i32
        %dma_start3A_258 = arith.constant 0 : i32
        %dma_start3A_259 = tpu.memref_slice %arg11[%dma_start3A_256, %dma_start3A_257, %dma_start3A_258] : memref<2x64x128xf32, #tpu.memory_space<vmem>> -> memref<1x64x128xf32, #tpu.memory_space<vmem>>
        %dma_start3A_260 = tpu.memref_squeeze %dma_start3A_259 : memref<1x64x128xf32, #tpu.memory_space<vmem>> -> memref<64x128xf32, #tpu.memory_space<vmem>>
        %dma_start3A_261 = arith.constant 0 : i32
        %dma_start3A_262 = tpu.memref_slice %arg9[%add3A_255, %dma_start3A_261] : memref<40x64xi32, #tpu.memory_space<vmem>> -> memref<1x64xi32, #tpu.memory_space<vmem>>
        %dma_start3A_263 = tpu.memref_squeeze %dma_start3A_262 : memref<1x64xi32, #tpu.memory_space<vmem>> -> memref<64xi32, #tpu.memory_space<vmem>>
        %dma_start3A_264 = arith.constant 0 : i32
        %dma_start3A_265 = arith.constant 0 : i32
        %dma_start3A_266 = tpu.memref_slice %arg2[%dma_start3A_264, %dma_start3A_265] : memref<20480x128xf32, #tpu.memory_space<hbm>> -> memref<20480x128xf32, #tpu.memory_space<hbm>>
        tpu.enqueue_indirect_dma source(%dma_start3A_266 : memref<20480x128xf32, #tpu.memory_space<hbm>>) target(%dma_start3A_260 : memref<64x128xf32, #tpu.memory_space<vmem>>) offsets(%dma_start3A_263 : memref<64xi32, #tpu.memory_space<vmem>>) semaphore(%arg14 : memref<!tpu.dma_semaphore, #tpu.memory_space<semaphore_mem>>)
      } else {
      }
    }
    %scan3A_121 = arith.constant 20 : i32
    %mul3A_122 = arith.constant 2560 : i32
    %mul3A_123 = arith.muli %add3A_3, %mul3A_122 : i32
    %mul3A_124 = arith.constant 160 : i32
    %mul3A_125 = arith.muli %arg1, %mul3A_124 : i32
    %add3A_126 = arith.addi %mul3A_123, %mul3A_125 : i32
    %add3A_127 = arith.constant 120 : i32
    %add3A_128 = arith.addi %add3A_126, %add3A_127 : i32
    "tpu.region"() ({
      %run_scoped3A_211 = tpu.sem_alloc : memref<!tpu.dma_semaphore, #tpu.memory_space<semaphore_mem>>
      %dma_start3A_212 = arith.constant 0 : i32
      %dma_start3A_213 = tpu.memref_slice %arg3[%add3A_128, %dma_start3A_212] : memref<5120x64xi32, #tpu.memory_space<hbm>> -> memref<40x64xi32, #tpu.memory_space<hbm>>
      %dma_start3A_214 = arith.constant 0 : i32
      %dma_start3A_215 = tpu.memref_slice %arg3[%add3A_128, %dma_start3A_214] : memref<5120x64xi32, #tpu.memory_space<hbm>> -> memref<40x64xi32, #tpu.memory_space<hbm>>
      tpu.enqueue_dma source(%dma_start3A_215 : memref<40x64xi32, #tpu.memory_space<hbm>>) target(%arg9 : memref<40x64xi32, #tpu.memory_space<vmem>>) target_semaphore(%run_scoped3A_211 : memref<!tpu.dma_semaphore, #tpu.memory_space<semaphore_mem>>)
      %dma_wait3A = arith.constant 0 : i32
      %dma_wait3A_216 = tpu.memref_slice %arg3[%add3A_128, %dma_wait3A] : memref<5120x64xi32, #tpu.memory_space<hbm>> -> memref<40x64xi32, #tpu.memory_space<hbm>>
      %dma_wait3A_217 = arith.constant 0 : i32
      %dma_wait3A_218 = tpu.memref_slice %arg3[%add3A_128, %dma_wait3A_217] : memref<5120x64xi32, #tpu.memory_space<hbm>> -> memref<40x64xi32, #tpu.memory_space<hbm>>
      tpu.wait_dma2 semaphore(%run_scoped3A_211 : memref<!tpu.dma_semaphore, #tpu.memory_space<semaphore_mem>>) src(%dma_wait3A_218 : memref<40x64xi32, #tpu.memory_space<hbm>>) dst(%arg9 : memref<40x64xi32, #tpu.memory_space<vmem>>)
      tpu.yield
    }) : () -> ()
    %mul3A_129 = arith.constant 160 : i32
    %mul3A_130 = arith.muli %arg1, %mul3A_129 : i32
    %add3A_131 = arith.constant 120 : i32
    %add3A_132 = arith.addi %mul3A_130, %add3A_131 : i32
    "tpu.region"() ({
      %run_scoped3A_211 = tpu.sem_alloc : memref<!tpu.dma_semaphore, #tpu.memory_space<semaphore_mem>>
      %dma_start3A_212 = arith.constant 0 : i32
      %dma_start3A_213 = tpu.memref_slice %arg4[%add3A_132, %dma_start3A_212] : memref<2560x64xi32, #tpu.memory_space<hbm>> -> memref<40x64xi32, #tpu.memory_space<hbm>>
      %dma_start3A_214 = arith.constant 0 : i32
      %dma_start3A_215 = tpu.memref_slice %arg4[%add3A_132, %dma_start3A_214] : memref<2560x64xi32, #tpu.memory_space<hbm>> -> memref<40x64xi32, #tpu.memory_space<hbm>>
      tpu.enqueue_dma source(%dma_start3A_215 : memref<40x64xi32, #tpu.memory_space<hbm>>) target(%arg10 : memref<40x64xi32, #tpu.memory_space<vmem>>) target_semaphore(%run_scoped3A_211 : memref<!tpu.dma_semaphore, #tpu.memory_space<semaphore_mem>>)
      %dma_wait3A = arith.constant 0 : i32
      %dma_wait3A_216 = tpu.memref_slice %arg4[%add3A_132, %dma_wait3A] : memref<2560x64xi32, #tpu.memory_space<hbm>> -> memref<40x64xi32, #tpu.memory_space<hbm>>
      %dma_wait3A_217 = arith.constant 0 : i32
      %dma_wait3A_218 = tpu.memref_slice %arg4[%add3A_132, %dma_wait3A_217] : memref<2560x64xi32, #tpu.memory_space<hbm>> -> memref<40x64xi32, #tpu.memory_space<hbm>>
      tpu.wait_dma2 semaphore(%run_scoped3A_211 : memref<!tpu.dma_semaphore, #tpu.memory_space<semaphore_mem>>) src(%dma_wait3A_218 : memref<40x64xi32, #tpu.memory_space<hbm>>) dst(%arg10 : memref<40x64xi32, #tpu.memory_space<vmem>>)
      tpu.yield
    }) : () -> ()
    %dma_start3A_133 = arith.constant 0 : i32
    %dma_start3A_134 = arith.constant 0 : i32
    %dma_start3A_135 = arith.constant 0 : i32
    %dma_start3A_136 = arith.constant 0 : i32
    %dma_start3A_137 = tpu.memref_slice %arg11[%dma_start3A_134, %dma_start3A_135, %dma_start3A_136] : memref<2x64x128xf32, #tpu.memory_space<vmem>> -> memref<1x64x128xf32, #tpu.memory_space<vmem>>
    %dma_start3A_138 = tpu.memref_squeeze %dma_start3A_137 : memref<1x64x128xf32, #tpu.memory_space<vmem>> -> memref<64x128xf32, #tpu.memory_space<vmem>>
    %dma_start3A_139 = arith.constant 0 : i32
    %dma_start3A_140 = tpu.memref_slice %arg9[%dma_start3A_133, %dma_start3A_139] : memref<40x64xi32, #tpu.memory_space<vmem>> -> memref<1x64xi32, #tpu.memory_space<vmem>>
    %dma_start3A_141 = tpu.memref_squeeze %dma_start3A_140 : memref<1x64xi32, #tpu.memory_space<vmem>> -> memref<64xi32, #tpu.memory_space<vmem>>
    %dma_start3A_142 = arith.constant 0 : i32
    %dma_start3A_143 = arith.constant 0 : i32
    %dma_start3A_144 = tpu.memref_slice %arg2[%dma_start3A_142, %dma_start3A_143] : memref<20480x128xf32, #tpu.memory_space<hbm>> -> memref<20480x128xf32, #tpu.memory_space<hbm>>
    tpu.enqueue_indirect_dma source(%dma_start3A_144 : memref<20480x128xf32, #tpu.memory_space<hbm>>) target(%dma_start3A_138 : memref<64x128xf32, #tpu.memory_space<vmem>>) offsets(%dma_start3A_141 : memref<64xi32, #tpu.memory_space<vmem>>) semaphore(%arg13 : memref<!tpu.dma_semaphore, #tpu.memory_space<semaphore_mem>>)
    %dma_start3A_145 = arith.constant 1 : i32
    %dma_start3A_146 = arith.constant 1 : i32
    %dma_start3A_147 = arith.constant 0 : i32
    %dma_start3A_148 = arith.constant 0 : i32
    %dma_start3A_149 = tpu.memref_slice %arg11[%dma_start3A_146, %dma_start3A_147, %dma_start3A_148] : memref<2x64x128xf32, #tpu.memory_space<vmem>> -> memref<1x64x128xf32, #tpu.memory_space<vmem>>
    %dma_start3A_150 = tpu.memref_squeeze %dma_start3A_149 : memref<1x64x128xf32, #tpu.memory_space<vmem>> -> memref<64x128xf32, #tpu.memory_space<vmem>>
    %dma_start3A_151 = arith.constant 0 : i32
    %dma_start3A_152 = tpu.memref_slice %arg9[%dma_start3A_145, %dma_start3A_151] : memref<40x64xi32, #tpu.memory_space<vmem>> -> memref<1x64xi32, #tpu.memory_space<vmem>>
    %dma_start3A_153 = tpu.memref_squeeze %dma_start3A_152 : memref<1x64xi32, #tpu.memory_space<vmem>> -> memref<64xi32, #tpu.memory_space<vmem>>
    %dma_start3A_154 = arith.constant 0 : i32
    %dma_start3A_155 = arith.constant 0 : i32
    %dma_start3A_156 = tpu.memref_slice %arg2[%dma_start3A_154, %dma_start3A_155] : memref<20480x128xf32, #tpu.memory_space<hbm>> -> memref<20480x128xf32, #tpu.memory_space<hbm>>
    tpu.enqueue_indirect_dma source(%dma_start3A_156 : memref<20480x128xf32, #tpu.memory_space<hbm>>) target(%dma_start3A_150 : memref<64x128xf32, #tpu.memory_space<vmem>>) offsets(%dma_start3A_153 : memref<64xi32, #tpu.memory_space<vmem>>) semaphore(%arg14 : memref<!tpu.dma_semaphore, #tpu.memory_space<semaphore_mem>>)
    %scan3A_157 = arith.constant 0 : i32
    %scan3A_158 = arith.constant 20 : i32
    %scan3A_159 = arith.addi %scan3A_157, %scan3A_158 : i32
    %scan3A_160 = arith.constant 1 : i32
    scf.for %scan3A_211 = %scan3A_157 to %scan3A_159 step %scan3A_160  : i32 {
      %mul3A_212 = arith.constant 2 : i32
      %mul3A_213 = arith.muli %scan3A_211, %mul3A_212 : i32
      %add3A_214 = arith.constant 0 : i32
      %add3A_215 = arith.addi %add3A_214, %mul3A_213 : i32
      %add3A_216 = arith.constant 0 : i32
      %add3A_217 = arith.addi %add3A_215, %add3A_216 : i32
      %dma_wait3A = arith.constant 0 : i32
      %dma_wait3A_218 = arith.constant 0 : i32
      %dma_wait3A_219 = arith.constant 0 : i32
      %dma_wait3A_220 = tpu.memref_slice %arg11[%dma_wait3A, %dma_wait3A_218, %dma_wait3A_219] : memref<2x64x128xf32, #tpu.memory_space<vmem>> -> memref<1x64x128xf32, #tpu.memory_space<vmem>>
      %dma_wait3A_221 = tpu.memref_squeeze %dma_wait3A_220 : memref<1x64x128xf32, #tpu.memory_space<vmem>> -> memref<64x128xf32, #tpu.memory_space<vmem>>
      %dma_wait3A_222 = arith.constant 0 : i32
      %dma_wait3A_223 = tpu.memref_slice %arg9[%add3A_217, %dma_wait3A_222] : memref<40x64xi32, #tpu.memory_space<vmem>> -> memref<1x64xi32, #tpu.memory_space<vmem>>
      %dma_wait3A_224 = tpu.memref_squeeze %dma_wait3A_223 : memref<1x64xi32, #tpu.memory_space<vmem>> -> memref<64xi32, #tpu.memory_space<vmem>>
      %dma_wait3A_225 = arith.constant 0 : i32
      %dma_wait3A_226 = arith.constant 0 : i32
      %dma_wait3A_227 = tpu.memref_slice %arg2[%dma_wait3A_225, %dma_wait3A_226] : memref<20480x128xf32, #tpu.memory_space<hbm>> -> memref<20480x128xf32, #tpu.memory_space<hbm>>
      tpu.wait_indirect_dma semaphore(%arg13 : memref<!tpu.dma_semaphore, #tpu.memory_space<semaphore_mem>>) src(%dma_wait3A_227 : memref<20480x128xf32, #tpu.memory_space<hbm>>) dst(%dma_wait3A_221 : memref<64x128xf32, #tpu.memory_space<vmem>>)
      %run_scoped3A_228 = arith.constant 0 : i32
      "tpu.region"() ({
        %run_scoped3A_254 = tpu.sem_alloc : memref<!tpu.dma_semaphore, #tpu.memory_space<semaphore_mem>>
        %dma_start3A_255 = arith.constant 0 : i32
        %dma_start3A_256 = arith.constant 0 : i32
        %dma_start3A_257 = tpu.memref_slice %arg11[%run_scoped3A_228, %dma_start3A_255, %dma_start3A_256] : memref<2x64x128xf32, #tpu.memory_space<vmem>> -> memref<1x64x128xf32, #tpu.memory_space<vmem>>
        %dma_start3A_258 = tpu.memref_squeeze %dma_start3A_257 : memref<1x64x128xf32, #tpu.memory_space<vmem>> -> memref<64x128xf32, #tpu.memory_space<vmem>>
        %dma_start3A_259 = arith.constant 0 : i32
        %dma_start3A_260 = tpu.memref_slice %arg10[%add3A_217, %dma_start3A_259] : memref<40x64xi32, #tpu.memory_space<vmem>> -> memref<1x64xi32, #tpu.memory_space<vmem>>
        %dma_start3A_261 = tpu.memref_squeeze %dma_start3A_260 : memref<1x64xi32, #tpu.memory_space<vmem>> -> memref<64xi32, #tpu.memory_space<vmem>>
        %dma_start3A_262 = arith.constant 0 : i32
        %dma_start3A_263 = arith.constant 0 : i32
        %dma_start3A_264 = tpu.memref_slice %arg12[%dma_start3A_262, %dma_start3A_263] : memref<10112x128xf32, #tpu.memory_space<vmem_shared>> -> memref<10112x128xf32, #tpu.memory_space<vmem_shared>>
        tpu.enqueue_indirect_dma source(%dma_start3A_258 : memref<64x128xf32, #tpu.memory_space<vmem>>) target(%dma_start3A_264 : memref<10112x128xf32, #tpu.memory_space<vmem_shared>>) offsets(%dma_start3A_261 : memref<64xi32, #tpu.memory_space<vmem>>) semaphore(%run_scoped3A_254 : memref<!tpu.dma_semaphore, #tpu.memory_space<semaphore_mem>>) {add = true}
        %dma_wait3A_265 = arith.constant 0 : i32
        %dma_wait3A_266 = arith.constant 0 : i32
        %dma_wait3A_267 = tpu.memref_slice %arg11[%run_scoped3A_228, %dma_wait3A_265, %dma_wait3A_266] : memref<2x64x128xf32, #tpu.memory_space<vmem>> -> memref<1x64x128xf32, #tpu.memory_space<vmem>>
        %dma_wait3A_268 = tpu.memref_squeeze %dma_wait3A_267 : memref<1x64x128xf32, #tpu.memory_space<vmem>> -> memref<64x128xf32, #tpu.memory_space<vmem>>
        %dma_wait3A_269 = arith.constant 0 : i32
        %dma_wait3A_270 = tpu.memref_slice %arg10[%add3A_217, %dma_wait3A_269] : memref<40x64xi32, #tpu.memory_space<vmem>> -> memref<1x64xi32, #tpu.memory_space<vmem>>
        %dma_wait3A_271 = tpu.memref_squeeze %dma_wait3A_270 : memref<1x64xi32, #tpu.memory_space<vmem>> -> memref<64xi32, #tpu.memory_space<vmem>>
        %dma_wait3A_272 = arith.constant 0 : i32
        %dma_wait3A_273 = arith.constant 0 : i32
        %dma_wait3A_274 = tpu.memref_slice %arg12[%dma_wait3A_272, %dma_wait3A_273] : memref<10112x128xf32, #tpu.memory_space<vmem_shared>> -> memref<10112x128xf32, #tpu.memory_space<vmem_shared>>
        tpu.wait_indirect_dma semaphore(%run_scoped3A_254 : memref<!tpu.dma_semaphore, #tpu.memory_space<semaphore_mem>>) src(%dma_wait3A_268 : memref<64x128xf32, #tpu.memory_space<vmem>>) dst(%dma_wait3A_274 : memref<10112x128xf32, #tpu.memory_space<vmem_shared>>)
        tpu.yield
      }) : () -> ()
      %add3A_229 = arith.constant 2 : i32
      %add3A_230 = arith.addi %add3A_217, %add3A_229 : i32
      %lt3A = arith.constant 40 : i32
      %lt3A_231 = arith.cmpi slt, %add3A_230, %lt3A : i32
      %convert_element_type3A = arith.extui %lt3A_231 : i1 to i32
      %cond3A = arith.constant 0 : i32
      %cond3A_232 = arith.cmpi ne, %convert_element_type3A, %cond3A : i32
      scf.if %cond3A_232 {
        %add3A_254 = arith.constant 2 : i32
        %add3A_255 = arith.addi %add3A_217, %add3A_254 : i32
        %dma_start3A_256 = arith.constant 0 : i32
        %dma_start3A_257 = arith.constant 0 : i32
        %dma_start3A_258 = arith.constant 0 : i32
        %dma_start3A_259 = tpu.memref_slice %arg11[%dma_start3A_256, %dma_start3A_257, %dma_start3A_258] : memref<2x64x128xf32, #tpu.memory_space<vmem>> -> memref<1x64x128xf32, #tpu.memory_space<vmem>>
        %dma_start3A_260 = tpu.memref_squeeze %dma_start3A_259 : memref<1x64x128xf32, #tpu.memory_space<vmem>> -> memref<64x128xf32, #tpu.memory_space<vmem>>
        %dma_start3A_261 = arith.constant 0 : i32
        %dma_start3A_262 = tpu.memref_slice %arg9[%add3A_255, %dma_start3A_261] : memref<40x64xi32, #tpu.memory_space<vmem>> -> memref<1x64xi32, #tpu.memory_space<vmem>>
        %dma_start3A_263 = tpu.memref_squeeze %dma_start3A_262 : memref<1x64xi32, #tpu.memory_space<vmem>> -> memref<64xi32, #tpu.memory_space<vmem>>
        %dma_start3A_264 = arith.constant 0 : i32
        %dma_start3A_265 = arith.constant 0 : i32
        %dma_start3A_266 = tpu.memref_slice %arg2[%dma_start3A_264, %dma_start3A_265] : memref<20480x128xf32, #tpu.memory_space<hbm>> -> memref<20480x128xf32, #tpu.memory_space<hbm>>
        tpu.enqueue_indirect_dma source(%dma_start3A_266 : memref<20480x128xf32, #tpu.memory_space<hbm>>) target(%dma_start3A_260 : memref<64x128xf32, #tpu.memory_space<vmem>>) offsets(%dma_start3A_263 : memref<64xi32, #tpu.memory_space<vmem>>) semaphore(%arg13 : memref<!tpu.dma_semaphore, #tpu.memory_space<semaphore_mem>>)
      } else {
      }
      %add3A_233 = arith.constant 1 : i32
      %add3A_234 = arith.addi %add3A_215, %add3A_233 : i32
      %dma_wait3A_235 = arith.constant 1 : i32
      %dma_wait3A_236 = arith.constant 0 : i32
      %dma_wait3A_237 = arith.constant 0 : i32
      %dma_wait3A_238 = tpu.memref_slice %arg11[%dma_wait3A_235, %dma_wait3A_236, %dma_wait3A_237] : memref<2x64x128xf32, #tpu.memory_space<vmem>> -> memref<1x64x128xf32, #tpu.memory_space<vmem>>
      %dma_wait3A_239 = tpu.memref_squeeze %dma_wait3A_238 : memref<1x64x128xf32, #tpu.memory_space<vmem>> -> memref<64x128xf32, #tpu.memory_space<vmem>>
      %dma_wait3A_240 = arith.constant 0 : i32
      %dma_wait3A_241 = tpu.memref_slice %arg9[%add3A_234, %dma_wait3A_240] : memref<40x64xi32, #tpu.memory_space<vmem>> -> memref<1x64xi32, #tpu.memory_space<vmem>>
      %dma_wait3A_242 = tpu.memref_squeeze %dma_wait3A_241 : memref<1x64xi32, #tpu.memory_space<vmem>> -> memref<64xi32, #tpu.memory_space<vmem>>
      %dma_wait3A_243 = arith.constant 0 : i32
      %dma_wait3A_244 = arith.constant 0 : i32
      %dma_wait3A_245 = tpu.memref_slice %arg2[%dma_wait3A_243, %dma_wait3A_244] : memref<20480x128xf32, #tpu.memory_space<hbm>> -> memref<20480x128xf32, #tpu.memory_space<hbm>>
      tpu.wait_indirect_dma semaphore(%arg14 : memref<!tpu.dma_semaphore, #tpu.memory_space<semaphore_mem>>) src(%dma_wait3A_245 : memref<20480x128xf32, #tpu.memory_space<hbm>>) dst(%dma_wait3A_239 : memref<64x128xf32, #tpu.memory_space<vmem>>)
      %run_scoped3A_246 = arith.constant 1 : i32
      "tpu.region"() ({
        %run_scoped3A_254 = tpu.sem_alloc : memref<!tpu.dma_semaphore, #tpu.memory_space<semaphore_mem>>
        %dma_start3A_255 = arith.constant 0 : i32
        %dma_start3A_256 = arith.constant 0 : i32
        %dma_start3A_257 = tpu.memref_slice %arg11[%run_scoped3A_246, %dma_start3A_255, %dma_start3A_256] : memref<2x64x128xf32, #tpu.memory_space<vmem>> -> memref<1x64x128xf32, #tpu.memory_space<vmem>>
        %dma_start3A_258 = tpu.memref_squeeze %dma_start3A_257 : memref<1x64x128xf32, #tpu.memory_space<vmem>> -> memref<64x128xf32, #tpu.memory_space<vmem>>
        %dma_start3A_259 = arith.constant 0 : i32
        %dma_start3A_260 = tpu.memref_slice %arg10[%add3A_234, %dma_start3A_259] : memref<40x64xi32, #tpu.memory_space<vmem>> -> memref<1x64xi32, #tpu.memory_space<vmem>>
        %dma_start3A_261 = tpu.memref_squeeze %dma_start3A_260 : memref<1x64xi32, #tpu.memory_space<vmem>> -> memref<64xi32, #tpu.memory_space<vmem>>
        %dma_start3A_262 = arith.constant 0 : i32
        %dma_start3A_263 = arith.constant 0 : i32
        %dma_start3A_264 = tpu.memref_slice %arg12[%dma_start3A_262, %dma_start3A_263] : memref<10112x128xf32, #tpu.memory_space<vmem_shared>> -> memref<10112x128xf32, #tpu.memory_space<vmem_shared>>
        tpu.enqueue_indirect_dma source(%dma_start3A_258 : memref<64x128xf32, #tpu.memory_space<vmem>>) target(%dma_start3A_264 : memref<10112x128xf32, #tpu.memory_space<vmem_shared>>) offsets(%dma_start3A_261 : memref<64xi32, #tpu.memory_space<vmem>>) semaphore(%run_scoped3A_254 : memref<!tpu.dma_semaphore, #tpu.memory_space<semaphore_mem>>) {add = true}
        %dma_wait3A_265 = arith.constant 0 : i32
        %dma_wait3A_266 = arith.constant 0 : i32
        %dma_wait3A_267 = tpu.memref_slice %arg11[%run_scoped3A_246, %dma_wait3A_265, %dma_wait3A_266] : memref<2x64x128xf32, #tpu.memory_space<vmem>> -> memref<1x64x128xf32, #tpu.memory_space<vmem>>
        %dma_wait3A_268 = tpu.memref_squeeze %dma_wait3A_267 : memref<1x64x128xf32, #tpu.memory_space<vmem>> -> memref<64x128xf32, #tpu.memory_space<vmem>>
        %dma_wait3A_269 = arith.constant 0 : i32
        %dma_wait3A_270 = tpu.memref_slice %arg10[%add3A_234, %dma_wait3A_269] : memref<40x64xi32, #tpu.memory_space<vmem>> -> memref<1x64xi32, #tpu.memory_space<vmem>>
        %dma_wait3A_271 = tpu.memref_squeeze %dma_wait3A_270 : memref<1x64xi32, #tpu.memory_space<vmem>> -> memref<64xi32, #tpu.memory_space<vmem>>
        %dma_wait3A_272 = arith.constant 0 : i32
        %dma_wait3A_273 = arith.constant 0 : i32
        %dma_wait3A_274 = tpu.memref_slice %arg12[%dma_wait3A_272, %dma_wait3A_273] : memref<10112x128xf32, #tpu.memory_space<vmem_shared>> -> memref<10112x128xf32, #tpu.memory_space<vmem_shared>>
        tpu.wait_indirect_dma semaphore(%run_scoped3A_254 : memref<!tpu.dma_semaphore, #tpu.memory_space<semaphore_mem>>) src(%dma_wait3A_268 : memref<64x128xf32, #tpu.memory_space<vmem>>) dst(%dma_wait3A_274 : memref<10112x128xf32, #tpu.memory_space<vmem_shared>>)
        tpu.yield
      }) : () -> ()
      %add3A_247 = arith.constant 2 : i32
      %add3A_248 = arith.addi %add3A_234, %add3A_247 : i32
      %lt3A_249 = arith.constant 40 : i32
      %lt3A_250 = arith.cmpi slt, %add3A_248, %lt3A_249 : i32
      %convert_element_type3A_251 = arith.extui %lt3A_250 : i1 to i32
      %cond3A_252 = arith.constant 0 : i32
      %cond3A_253 = arith.cmpi ne, %convert_element_type3A_251, %cond3A_252 : i32
      scf.if %cond3A_253 {
        %add3A_254 = arith.constant 2 : i32
        %add3A_255 = arith.addi %add3A_234, %add3A_254 : i32
        %dma_start3A_256 = arith.constant 1 : i32
        %dma_start3A_257 = arith.constant 0 : i32
        %dma_start3A_258 = arith.constant 0 : i32
        %dma_start3A_259 = tpu.memref_slice %arg11[%dma_start3A_256, %dma_start3A_257, %dma_start3A_258] : memref<2x64x128xf32, #tpu.memory_space<vmem>> -> memref<1x64x128xf32, #tpu.memory_space<vmem>>
        %dma_start3A_260 = tpu.memref_squeeze %dma_start3A_259 : memref<1x64x128xf32, #tpu.memory_space<vmem>> -> memref<64x128xf32, #tpu.memory_space<vmem>>
        %dma_start3A_261 = arith.constant 0 : i32
        %dma_start3A_262 = tpu.memref_slice %arg9[%add3A_255, %dma_start3A_261] : memref<40x64xi32, #tpu.memory_space<vmem>> -> memref<1x64xi32, #tpu.memory_space<vmem>>
        %dma_start3A_263 = tpu.memref_squeeze %dma_start3A_262 : memref<1x64xi32, #tpu.memory_space<vmem>> -> memref<64xi32, #tpu.memory_space<vmem>>
        %dma_start3A_264 = arith.constant 0 : i32
        %dma_start3A_265 = arith.constant 0 : i32
        %dma_start3A_266 = tpu.memref_slice %arg2[%dma_start3A_264, %dma_start3A_265] : memref<20480x128xf32, #tpu.memory_space<hbm>> -> memref<20480x128xf32, #tpu.memory_space<hbm>>
        tpu.enqueue_indirect_dma source(%dma_start3A_266 : memref<20480x128xf32, #tpu.memory_space<hbm>>) target(%dma_start3A_260 : memref<64x128xf32, #tpu.memory_space<vmem>>) offsets(%dma_start3A_263 : memref<64xi32, #tpu.memory_space<vmem>>) semaphore(%arg14 : memref<!tpu.dma_semaphore, #tpu.memory_space<semaphore_mem>>)
      } else {
      }
    }
    %scan3A_161 = arith.constant 20 : i32
    %barrier3A_162 = arith.constant 0 : index
    tpu.barrier barrier_id(%barrier3A_162)
    %mul3A_163 = arith.constant 632 : i32
    %mul3A_164 = arith.muli %arg1, %mul3A_163 : i32
    %mul3A_165 = arith.constant 10240 : i32
    %mul3A_166 = arith.muli %add3A_3, %mul3A_165 : i32
    %mul3A_167 = arith.constant 632 : i32
    %mul3A_168 = arith.muli %arg1, %mul3A_167 : i32
    %add3A_169 = arith.addi %mul3A_166, %mul3A_168 : i32
    "tpu.region"() ({
      %run_scoped3A_211 = tpu.sem_alloc : memref<!tpu.dma_semaphore, #tpu.memory_space<semaphore_mem>>
      %dma_start3A_212 = arith.constant 0 : i32
      %dma_start3A_213 = tpu.memref_slice %arg7[%add3A_169, %dma_start3A_212] : memref<20480x128xf32, #tpu.memory_space<hbm>> -> memref<632x128xf32, #tpu.memory_space<hbm>>
      %dma_start3A_214 = arith.constant 0 : i32
      %dma_start3A_215 = tpu.memref_slice %arg12[%mul3A_164, %dma_start3A_214] : memref<10112x128xf32, #tpu.memory_space<vmem_shared>> -> memref<632x128xf32, #tpu.memory_space<vmem_shared>>
      tpu.enqueue_dma source(%dma_start3A_215 : memref<632x128xf32, #tpu.memory_space<vmem_shared>>) target(%dma_start3A_213 : memref<632x128xf32, #tpu.memory_space<hbm>>) target_semaphore(%run_scoped3A_211 : memref<!tpu.dma_semaphore, #tpu.memory_space<semaphore_mem>>)
      %dma_wait3A = arith.constant 0 : i32
      %dma_wait3A_216 = tpu.memref_slice %arg7[%add3A_169, %dma_wait3A] : memref<20480x128xf32, #tpu.memory_space<hbm>> -> memref<632x128xf32, #tpu.memory_space<hbm>>
      %dma_wait3A_217 = arith.constant 0 : i32
      %dma_wait3A_218 = tpu.memref_slice %arg12[%mul3A_164, %dma_wait3A_217] : memref<10112x128xf32, #tpu.memory_space<vmem_shared>> -> memref<632x128xf32, #tpu.memory_space<vmem_shared>>
      tpu.wait_dma2 semaphore(%run_scoped3A_211 : memref<!tpu.dma_semaphore, #tpu.memory_space<semaphore_mem>>) src(%dma_wait3A_218 : memref<632x128xf32, #tpu.memory_space<vmem_shared>>) dst(%dma_wait3A_216 : memref<632x128xf32, #tpu.memory_space<hbm>>)
      tpu.yield
    }) : () -> ()
    %mul3A_170 = arith.constant 632 : i32
    %mul3A_171 = arith.muli %arg1, %mul3A_170 : i32
    "tpu.region"() ({
      %run_scoped3A_211 = tpu.sem_alloc : memref<!tpu.dma_semaphore, #tpu.memory_space<semaphore_mem>>
      %dma_start3A_212 = arith.constant 0 : i32
      %dma_start3A_213 = tpu.memref_slice %arg12[%mul3A_171, %dma_start3A_212] : memref<10112x128xf32, #tpu.memory_space<vmem_shared>> -> memref<632x128xf32, #tpu.memory_space<vmem_shared>>
      tpu.enqueue_dma source(%arg5 : memref<632x128xf32, #tpu.memory_space<hbm>>) target(%dma_start3A_213 : memref<632x128xf32, #tpu.memory_space<vmem_shared>>) target_semaphore(%run_scoped3A_211 : memref<!tpu.dma_semaphore, #tpu.memory_space<semaphore_mem>>)
      %dma_wait3A = arith.constant 0 : i32
      %dma_wait3A_214 = tpu.memref_slice %arg12[%mul3A_171, %dma_wait3A] : memref<10112x128xf32, #tpu.memory_space<vmem_shared>> -> memref<632x128xf32, #tpu.memory_space<vmem_shared>>
      tpu.wait_dma2 semaphore(%run_scoped3A_211 : memref<!tpu.dma_semaphore, #tpu.memory_space<semaphore_mem>>) src(%arg5 : memref<632x128xf32, #tpu.memory_space<hbm>>) dst(%dma_wait3A_214 : memref<632x128xf32, #tpu.memory_space<vmem_shared>>)
      tpu.yield
    }) : () -> ()
    %barrier3A_172 = arith.constant 0 : index
    tpu.barrier barrier_id(%barrier3A_172)
    %run_scoped3A = arith.constant 0 : i32
    "tpu.region"() ({
      %run_scoped3A_211 = tpu.sem_alloc : memref<!tpu.dma_semaphore, #tpu.memory_space<semaphore_mem>>
      %dma_start3A_212 = arith.constant 0 : i32
      %dma_start3A_213 = arith.constant 0 : i32
      %dma_start3A_214 = tpu.memref_slice %arg11[%run_scoped3A, %dma_start3A_212, %dma_start3A_213] : memref<2x64x128xf32, #tpu.memory_space<vmem>> -> memref<1x64x128xf32, #tpu.memory_space<vmem>>
      %dma_start3A_215 = tpu.memref_squeeze %dma_start3A_214 : memref<1x64x128xf32, #tpu.memory_space<vmem>> -> memref<64x128xf32, #tpu.memory_space<vmem>>
      %dma_start3A_216 = arith.constant 0 : i32
      %dma_start3A_217 = arith.constant 0 : i32
      %dma_start3A_218 = tpu.memref_slice %arg11[%run_scoped3A, %dma_start3A_216, %dma_start3A_217] : memref<2x64x128xf32, #tpu.memory_space<vmem>> -> memref<1x64x128xf32, #tpu.memory_space<vmem>>
      %dma_start3A_219 = tpu.memref_squeeze %dma_start3A_218 : memref<1x64x128xf32, #tpu.memory_space<vmem>> -> memref<64x128xf32, #tpu.memory_space<vmem>>
      tpu.enqueue_dma source(%arg6 : memref<64x128xf32, #tpu.memory_space<hbm>>) target(%dma_start3A_219 : memref<64x128xf32, #tpu.memory_space<vmem>>) target_semaphore(%run_scoped3A_211 : memref<!tpu.dma_semaphore, #tpu.memory_space<semaphore_mem>>)
      %dma_wait3A = arith.constant 0 : i32
      %dma_wait3A_220 = arith.constant 0 : i32
      %dma_wait3A_221 = tpu.memref_slice %arg11[%run_scoped3A, %dma_wait3A, %dma_wait3A_220] : memref<2x64x128xf32, #tpu.memory_space<vmem>> -> memref<1x64x128xf32, #tpu.memory_space<vmem>>
      %dma_wait3A_222 = tpu.memref_squeeze %dma_wait3A_221 : memref<1x64x128xf32, #tpu.memory_space<vmem>> -> memref<64x128xf32, #tpu.memory_space<vmem>>
      %dma_wait3A_223 = arith.constant 0 : i32
      %dma_wait3A_224 = arith.constant 0 : i32
      %dma_wait3A_225 = tpu.memref_slice %arg11[%run_scoped3A, %dma_wait3A_223, %dma_wait3A_224] : memref<2x64x128xf32, #tpu.memory_space<vmem>> -> memref<1x64x128xf32, #tpu.memory_space<vmem>>
      %dma_wait3A_226 = tpu.memref_squeeze %dma_wait3A_225 : memref<1x64x128xf32, #tpu.memory_space<vmem>> -> memref<64x128xf32, #tpu.memory_space<vmem>>
      tpu.wait_dma2 semaphore(%run_scoped3A_211 : memref<!tpu.dma_semaphore, #tpu.memory_space<semaphore_mem>>) src(%arg6 : memref<64x128xf32, #tpu.memory_space<hbm>>) dst(%dma_wait3A_226 : memref<64x128xf32, #tpu.memory_space<vmem>>)
      tpu.yield
    }) : () -> ()
    %mul3A_173 = arith.constant 1280 : i32
    %mul3A_174 = arith.muli %arg0, %mul3A_173 : i32
    %mul3A_175 = arith.constant 2 : i32
    %mul3A_176 = arith.muli %arg1, %mul3A_175 : i32
    %mul3A_177 = arith.constant 40 : i32
    %mul3A_178 = arith.muli %mul3A_176, %mul3A_177 : i32
    %add3A_179 = arith.addi %mul3A_174, %mul3A_178 : i32
    %add3A_180 = arith.constant 0 : i32
    %add3A_181 = arith.addi %add3A_179, %add3A_180 : i32
    "tpu.region"() ({
      %run_scoped3A_211 = tpu.sem_alloc : memref<!tpu.dma_semaphore, #tpu.memory_space<semaphore_mem>>
      %dma_start3A_212 = arith.constant 0 : i32
      %dma_start3A_213 = tpu.memref_slice %arg4[%add3A_181, %dma_start3A_212] : memref<2560x64xi32, #tpu.memory_space<hbm>> -> memref<40x64xi32, #tpu.memory_space<hbm>>
      %dma_start3A_214 = arith.constant 0 : i32
      %dma_start3A_215 = tpu.memref_slice %arg4[%add3A_181, %dma_start3A_214] : memref<2560x64xi32, #tpu.memory_space<hbm>> -> memref<40x64xi32, #tpu.memory_space<hbm>>
      tpu.enqueue_dma source(%dma_start3A_215 : memref<40x64xi32, #tpu.memory_space<hbm>>) target(%arg9 : memref<40x64xi32, #tpu.memory_space<vmem>>) target_semaphore(%run_scoped3A_211 : memref<!tpu.dma_semaphore, #tpu.memory_space<semaphore_mem>>)
      %dma_wait3A = arith.constant 0 : i32
      %dma_wait3A_216 = tpu.memref_slice %arg4[%add3A_181, %dma_wait3A] : memref<2560x64xi32, #tpu.memory_space<hbm>> -> memref<40x64xi32, #tpu.memory_space<hbm>>
      %dma_wait3A_217 = arith.constant 0 : i32
      %dma_wait3A_218 = tpu.memref_slice %arg4[%add3A_181, %dma_wait3A_217] : memref<2560x64xi32, #tpu.memory_space<hbm>> -> memref<40x64xi32, #tpu.memory_space<hbm>>
      tpu.wait_dma2 semaphore(%run_scoped3A_211 : memref<!tpu.dma_semaphore, #tpu.memory_space<semaphore_mem>>) src(%dma_wait3A_218 : memref<40x64xi32, #tpu.memory_space<hbm>>) dst(%arg9 : memref<40x64xi32, #tpu.memory_space<vmem>>)
      tpu.yield
    }) : () -> ()
    %scan3A_182 = arith.constant 0 : i32
    %scan3A_183 = arith.constant 0 : i32
    %scan3A_184 = arith.constant 5 : i32
    %scan3A_185 = arith.addi %scan3A_183, %scan3A_184 : i32
    %scan3A_186 = arith.constant 1 : i32
    scf.for %scan3A_211 = %scan3A_183 to %scan3A_185 step %scan3A_186  : i32 {
      %mul3A_212 = arith.constant 8 : i32
      %mul3A_213 = arith.muli %scan3A_211, %mul3A_212 : i32
      %add3A_214 = arith.constant 0 : i32
      %add3A_215 = arith.addi %add3A_214, %mul3A_213 : i32
      %add3A_216 = arith.constant 0 : i32
      %add3A_217 = arith.addi %add3A_215, %add3A_216 : i32
      %dma_start3A_218 = arith.constant 0 : i32
      %dma_start3A_219 = arith.constant 0 : i32
      %dma_start3A_220 = tpu.memref_slice %arg11[%scan3A_182, %dma_start3A_218, %dma_start3A_219] : memref<2x64x128xf32, #tpu.memory_space<vmem>> -> memref<1x64x128xf32, #tpu.memory_space<vmem>>
      %dma_start3A_221 = tpu.memref_squeeze %dma_start3A_220 : memref<1x64x128xf32, #tpu.memory_space<vmem>> -> memref<64x128xf32, #tpu.memory_space<vmem>>
      %dma_start3A_222 = arith.constant 0 : i32
      %dma_start3A_223 = tpu.memref_slice %arg9[%add3A_217, %dma_start3A_222] : memref<40x64xi32, #tpu.memory_space<vmem>> -> memref<1x64xi32, #tpu.memory_space<vmem>>
      %dma_start3A_224 = tpu.memref_squeeze %dma_start3A_223 : memref<1x64xi32, #tpu.memory_space<vmem>> -> memref<64xi32, #tpu.memory_space<vmem>>
      %dma_start3A_225 = arith.constant 0 : i32
      %dma_start3A_226 = arith.constant 0 : i32
      %dma_start3A_227 = tpu.memref_slice %arg12[%dma_start3A_225, %dma_start3A_226] : memref<10112x128xf32, #tpu.memory_space<vmem_shared>> -> memref<10112x128xf32, #tpu.memory_space<vmem_shared>>
      tpu.enqueue_indirect_dma source(%dma_start3A_221 : memref<64x128xf32, #tpu.memory_space<vmem>>) target(%dma_start3A_227 : memref<10112x128xf32, #tpu.memory_space<vmem_shared>>) offsets(%dma_start3A_224 : memref<64xi32, #tpu.memory_space<vmem>>) semaphore(%arg13 : memref<!tpu.dma_semaphore, #tpu.memory_space<semaphore_mem>>) {add = true}
      %add3A_228 = arith.constant 1 : i32
      %add3A_229 = arith.addi %add3A_215, %add3A_228 : i32
      %dma_start3A_230 = arith.constant 0 : i32
      %dma_start3A_231 = arith.constant 0 : i32
      %dma_start3A_232 = tpu.memref_slice %arg11[%scan3A_182, %dma_start3A_230, %dma_start3A_231] : memref<2x64x128xf32, #tpu.memory_space<vmem>> -> memref<1x64x128xf32, #tpu.memory_space<vmem>>
      %dma_start3A_233 = tpu.memref_squeeze %dma_start3A_232 : memref<1x64x128xf32, #tpu.memory_space<vmem>> -> memref<64x128xf32, #tpu.memory_space<vmem>>
      %dma_start3A_234 = arith.constant 0 : i32
      %dma_start3A_235 = tpu.memref_slice %arg9[%add3A_229, %dma_start3A_234] : memref<40x64xi32, #tpu.memory_space<vmem>> -> memref<1x64xi32, #tpu.memory_space<vmem>>
      %dma_start3A_236 = tpu.memref_squeeze %dma_start3A_235 : memref<1x64xi32, #tpu.memory_space<vmem>> -> memref<64xi32, #tpu.memory_space<vmem>>
      %dma_start3A_237 = arith.constant 0 : i32
      %dma_start3A_238 = arith.constant 0 : i32
      %dma_start3A_239 = tpu.memref_slice %arg12[%dma_start3A_237, %dma_start3A_238] : memref<10112x128xf32, #tpu.memory_space<vmem_shared>> -> memref<10112x128xf32, #tpu.memory_space<vmem_shared>>
      tpu.enqueue_indirect_dma source(%dma_start3A_233 : memref<64x128xf32, #tpu.memory_space<vmem>>) target(%dma_start3A_239 : memref<10112x128xf32, #tpu.memory_space<vmem_shared>>) offsets(%dma_start3A_236 : memref<64xi32, #tpu.memory_space<vmem>>) semaphore(%arg13 : memref<!tpu.dma_semaphore, #tpu.memory_space<semaphore_mem>>) {add = true}
      %add3A_240 = arith.constant 2 : i32
      %add3A_241 = arith.addi %add3A_215, %add3A_240 : i32
      %dma_start3A_242 = arith.constant 0 : i32
      %dma_start3A_243 = arith.constant 0 : i32
      %dma_start3A_244 = tpu.memref_slice %arg11[%scan3A_182, %dma_start3A_242, %dma_start3A_243] : memref<2x64x128xf32, #tpu.memory_space<vmem>> -> memref<1x64x128xf32, #tpu.memory_space<vmem>>
      %dma_start3A_245 = tpu.memref_squeeze %dma_start3A_244 : memref<1x64x128xf32, #tpu.memory_space<vmem>> -> memref<64x128xf32, #tpu.memory_space<vmem>>
      %dma_start3A_246 = arith.constant 0 : i32
      %dma_start3A_247 = tpu.memref_slice %arg9[%add3A_241, %dma_start3A_246] : memref<40x64xi32, #tpu.memory_space<vmem>> -> memref<1x64xi32, #tpu.memory_space<vmem>>
      %dma_start3A_248 = tpu.memref_squeeze %dma_start3A_247 : memref<1x64xi32, #tpu.memory_space<vmem>> -> memref<64xi32, #tpu.memory_space<vmem>>
      %dma_start3A_249 = arith.constant 0 : i32
      %dma_start3A_250 = arith.constant 0 : i32
      %dma_start3A_251 = tpu.memref_slice %arg12[%dma_start3A_249, %dma_start3A_250] : memref<10112x128xf32, #tpu.memory_space<vmem_shared>> -> memref<10112x128xf32, #tpu.memory_space<vmem_shared>>
      tpu.enqueue_indirect_dma source(%dma_start3A_245 : memref<64x128xf32, #tpu.memory_space<vmem>>) target(%dma_start3A_251 : memref<10112x128xf32, #tpu.memory_space<vmem_shared>>) offsets(%dma_start3A_248 : memref<64xi32, #tpu.memory_space<vmem>>) semaphore(%arg13 : memref<!tpu.dma_semaphore, #tpu.memory_space<semaphore_mem>>) {add = true}
      %add3A_252 = arith.constant 3 : i32
      %add3A_253 = arith.addi %add3A_215, %add3A_252 : i32
      %dma_start3A_254 = arith.constant 0 : i32
      %dma_start3A_255 = arith.constant 0 : i32
      %dma_start3A_256 = tpu.memref_slice %arg11[%scan3A_182, %dma_start3A_254, %dma_start3A_255] : memref<2x64x128xf32, #tpu.memory_space<vmem>> -> memref<1x64x128xf32, #tpu.memory_space<vmem>>
      %dma_start3A_257 = tpu.memref_squeeze %dma_start3A_256 : memref<1x64x128xf32, #tpu.memory_space<vmem>> -> memref<64x128xf32, #tpu.memory_space<vmem>>
      %dma_start3A_258 = arith.constant 0 : i32
      %dma_start3A_259 = tpu.memref_slice %arg9[%add3A_253, %dma_start3A_258] : memref<40x64xi32, #tpu.memory_space<vmem>> -> memref<1x64xi32, #tpu.memory_space<vmem>>
      %dma_start3A_260 = tpu.memref_squeeze %dma_start3A_259 : memref<1x64xi32, #tpu.memory_space<vmem>> -> memref<64xi32, #tpu.memory_space<vmem>>
      %dma_start3A_261 = arith.constant 0 : i32
      %dma_start3A_262 = arith.constant 0 : i32
      %dma_start3A_263 = tpu.memref_slice %arg12[%dma_start3A_261, %dma_start3A_262] : memref<10112x128xf32, #tpu.memory_space<vmem_shared>> -> memref<10112x128xf32, #tpu.memory_space<vmem_shared>>
      tpu.enqueue_indirect_dma source(%dma_start3A_257 : memref<64x128xf32, #tpu.memory_space<vmem>>) target(%dma_start3A_263 : memref<10112x128xf32, #tpu.memory_space<vmem_shared>>) offsets(%dma_start3A_260 : memref<64xi32, #tpu.memory_space<vmem>>) semaphore(%arg13 : memref<!tpu.dma_semaphore, #tpu.memory_space<semaphore_mem>>) {add = true}
      %add3A_264 = arith.constant 4 : i32
      %add3A_265 = arith.addi %add3A_215, %add3A_264 : i32
      %dma_start3A_266 = arith.constant 0 : i32
      %dma_start3A_267 = arith.constant 0 : i32
      %dma_start3A_268 = tpu.memref_slice %arg11[%scan3A_182, %dma_start3A_266, %dma_start3A_267] : memref<2x64x128xf32, #tpu.memory_space<vmem>> -> memref<1x64x128xf32, #tpu.memory_space<vmem>>
      %dma_start3A_269 = tpu.memref_squeeze %dma_start3A_268 : memref<1x64x128xf32, #tpu.memory_space<vmem>> -> memref<64x128xf32, #tpu.memory_space<vmem>>
      %dma_start3A_270 = arith.constant 0 : i32
      %dma_start3A_271 = tpu.memref_slice %arg9[%add3A_265, %dma_start3A_270] : memref<40x64xi32, #tpu.memory_space<vmem>> -> memref<1x64xi32, #tpu.memory_space<vmem>>
      %dma_start3A_272 = tpu.memref_squeeze %dma_start3A_271 : memref<1x64xi32, #tpu.memory_space<vmem>> -> memref<64xi32, #tpu.memory_space<vmem>>
      %dma_start3A_273 = arith.constant 0 : i32
      %dma_start3A_274 = arith.constant 0 : i32
      %dma_start3A_275 = tpu.memref_slice %arg12[%dma_start3A_273, %dma_start3A_274] : memref<10112x128xf32, #tpu.memory_space<vmem_shared>> -> memref<10112x128xf32, #tpu.memory_space<vmem_shared>>
      tpu.enqueue_indirect_dma source(%dma_start3A_269 : memref<64x128xf32, #tpu.memory_space<vmem>>) target(%dma_start3A_275 : memref<10112x128xf32, #tpu.memory_space<vmem_shared>>) offsets(%dma_start3A_272 : memref<64xi32, #tpu.memory_space<vmem>>) semaphore(%arg13 : memref<!tpu.dma_semaphore, #tpu.memory_space<semaphore_mem>>) {add = true}
      %add3A_276 = arith.constant 5 : i32
      %add3A_277 = arith.addi %add3A_215, %add3A_276 : i32
      %dma_start3A_278 = arith.constant 0 : i32
      %dma_start3A_279 = arith.constant 0 : i32
      %dma_start3A_280 = tpu.memref_slice %arg11[%scan3A_182, %dma_start3A_278, %dma_start3A_279] : memref<2x64x128xf32, #tpu.memory_space<vmem>> -> memref<1x64x128xf32, #tpu.memory_space<vmem>>
      %dma_start3A_281 = tpu.memref_squeeze %dma_start3A_280 : memref<1x64x128xf32, #tpu.memory_space<vmem>> -> memref<64x128xf32, #tpu.memory_space<vmem>>
      %dma_start3A_282 = arith.constant 0 : i32
      %dma_start3A_283 = tpu.memref_slice %arg9[%add3A_277, %dma_start3A_282] : memref<40x64xi32, #tpu.memory_space<vmem>> -> memref<1x64xi32, #tpu.memory_space<vmem>>
      %dma_start3A_284 = tpu.memref_squeeze %dma_start3A_283 : memref<1x64xi32, #tpu.memory_space<vmem>> -> memref<64xi32, #tpu.memory_space<vmem>>
      %dma_start3A_285 = arith.constant 0 : i32
      %dma_start3A_286 = arith.constant 0 : i32
      %dma_start3A_287 = tpu.memref_slice %arg12[%dma_start3A_285, %dma_start3A_286] : memref<10112x128xf32, #tpu.memory_space<vmem_shared>> -> memref<10112x128xf32, #tpu.memory_space<vmem_shared>>
      tpu.enqueue_indirect_dma source(%dma_start3A_281 : memref<64x128xf32, #tpu.memory_space<vmem>>) target(%dma_start3A_287 : memref<10112x128xf32, #tpu.memory_space<vmem_shared>>) offsets(%dma_start3A_284 : memref<64xi32, #tpu.memory_space<vmem>>) semaphore(%arg13 : memref<!tpu.dma_semaphore, #tpu.memory_space<semaphore_mem>>) {add = true}
      %add3A_288 = arith.constant 6 : i32
      %add3A_289 = arith.addi %add3A_215, %add3A_288 : i32
      %dma_start3A_290 = arith.constant 0 : i32
      %dma_start3A_291 = arith.constant 0 : i32
      %dma_start3A_292 = tpu.memref_slice %arg11[%scan3A_182, %dma_start3A_290, %dma_start3A_291] : memref<2x64x128xf32, #tpu.memory_space<vmem>> -> memref<1x64x128xf32, #tpu.memory_space<vmem>>
      %dma_start3A_293 = tpu.memref_squeeze %dma_start3A_292 : memref<1x64x128xf32, #tpu.memory_space<vmem>> -> memref<64x128xf32, #tpu.memory_space<vmem>>
      %dma_start3A_294 = arith.constant 0 : i32
      %dma_start3A_295 = tpu.memref_slice %arg9[%add3A_289, %dma_start3A_294] : memref<40x64xi32, #tpu.memory_space<vmem>> -> memref<1x64xi32, #tpu.memory_space<vmem>>
      %dma_start3A_296 = tpu.memref_squeeze %dma_start3A_295 : memref<1x64xi32, #tpu.memory_space<vmem>> -> memref<64xi32, #tpu.memory_space<vmem>>
      %dma_start3A_297 = arith.constant 0 : i32
      %dma_start3A_298 = arith.constant 0 : i32
      %dma_start3A_299 = tpu.memref_slice %arg12[%dma_start3A_297, %dma_start3A_298] : memref<10112x128xf32, #tpu.memory_space<vmem_shared>> -> memref<10112x128xf32, #tpu.memory_space<vmem_shared>>
      tpu.enqueue_indirect_dma source(%dma_start3A_293 : memref<64x128xf32, #tpu.memory_space<vmem>>) target(%dma_start3A_299 : memref<10112x128xf32, #tpu.memory_space<vmem_shared>>) offsets(%dma_start3A_296 : memref<64xi32, #tpu.memory_space<vmem>>) semaphore(%arg13 : memref<!tpu.dma_semaphore, #tpu.memory_space<semaphore_mem>>) {add = true}
      %add3A_300 = arith.constant 7 : i32
      %add3A_301 = arith.addi %add3A_215, %add3A_300 : i32
      %dma_start3A_302 = arith.constant 0 : i32
      %dma_start3A_303 = arith.constant 0 : i32
      %dma_start3A_304 = tpu.memref_slice %arg11[%scan3A_182, %dma_start3A_302, %dma_start3A_303] : memref<2x64x128xf32, #tpu.memory_space<vmem>> -> memref<1x64x128xf32, #tpu.memory_space<vmem>>
      %dma_start3A_305 = tpu.memref_squeeze %dma_start3A_304 : memref<1x64x128xf32, #tpu.memory_space<vmem>> -> memref<64x128xf32, #tpu.memory_space<vmem>>
      %dma_start3A_306 = arith.constant 0 : i32
      %dma_start3A_307 = tpu.memref_slice %arg9[%add3A_301, %dma_start3A_306] : memref<40x64xi32, #tpu.memory_space<vmem>> -> memref<1x64xi32, #tpu.memory_space<vmem>>
      %dma_start3A_308 = tpu.memref_squeeze %dma_start3A_307 : memref<1x64xi32, #tpu.memory_space<vmem>> -> memref<64xi32, #tpu.memory_space<vmem>>
      %dma_start3A_309 = arith.constant 0 : i32
      %dma_start3A_310 = arith.constant 0 : i32
      %dma_start3A_311 = tpu.memref_slice %arg12[%dma_start3A_309, %dma_start3A_310] : memref<10112x128xf32, #tpu.memory_space<vmem_shared>> -> memref<10112x128xf32, #tpu.memory_space<vmem_shared>>
      tpu.enqueue_indirect_dma source(%dma_start3A_305 : memref<64x128xf32, #tpu.memory_space<vmem>>) target(%dma_start3A_311 : memref<10112x128xf32, #tpu.memory_space<vmem_shared>>) offsets(%dma_start3A_308 : memref<64xi32, #tpu.memory_space<vmem>>) semaphore(%arg13 : memref<!tpu.dma_semaphore, #tpu.memory_space<semaphore_mem>>) {add = true}
      %add3A_312 = arith.constant 0 : i32
      %add3A_313 = arith.addi %add3A_215, %add3A_312 : i32
      %dma_wait3A = arith.constant 0 : i32
      %dma_wait3A_314 = arith.constant 0 : i32
      %dma_wait3A_315 = tpu.memref_slice %arg11[%scan3A_182, %dma_wait3A, %dma_wait3A_314] : memref<2x64x128xf32, #tpu.memory_space<vmem>> -> memref<1x64x128xf32, #tpu.memory_space<vmem>>
      %dma_wait3A_316 = tpu.memref_squeeze %dma_wait3A_315 : memref<1x64x128xf32, #tpu.memory_space<vmem>> -> memref<64x128xf32, #tpu.memory_space<vmem>>
      %dma_wait3A_317 = arith.constant 0 : i32
      %dma_wait3A_318 = tpu.memref_slice %arg9[%add3A_313, %dma_wait3A_317] : memref<40x64xi32, #tpu.memory_space<vmem>> -> memref<1x64xi32, #tpu.memory_space<vmem>>
      %dma_wait3A_319 = tpu.memref_squeeze %dma_wait3A_318 : memref<1x64xi32, #tpu.memory_space<vmem>> -> memref<64xi32, #tpu.memory_space<vmem>>
      %dma_wait3A_320 = arith.constant 0 : i32
      %dma_wait3A_321 = arith.constant 0 : i32
      %dma_wait3A_322 = tpu.memref_slice %arg12[%dma_wait3A_320, %dma_wait3A_321] : memref<10112x128xf32, #tpu.memory_space<vmem_shared>> -> memref<10112x128xf32, #tpu.memory_space<vmem_shared>>
      tpu.wait_indirect_dma semaphore(%arg13 : memref<!tpu.dma_semaphore, #tpu.memory_space<semaphore_mem>>) src(%dma_wait3A_316 : memref<64x128xf32, #tpu.memory_space<vmem>>) dst(%dma_wait3A_322 : memref<10112x128xf32, #tpu.memory_space<vmem_shared>>)
      %add3A_323 = arith.constant 1 : i32
      %add3A_324 = arith.addi %add3A_215, %add3A_323 : i32
      %dma_wait3A_325 = arith.constant 0 : i32
      %dma_wait3A_326 = arith.constant 0 : i32
      %dma_wait3A_327 = tpu.memref_slice %arg11[%scan3A_182, %dma_wait3A_325, %dma_wait3A_326] : memref<2x64x128xf32, #tpu.memory_space<vmem>> -> memref<1x64x128xf32, #tpu.memory_space<vmem>>
      %dma_wait3A_328 = tpu.memref_squeeze %dma_wait3A_327 : memref<1x64x128xf32, #tpu.memory_space<vmem>> -> memref<64x128xf32, #tpu.memory_space<vmem>>
      %dma_wait3A_329 = arith.constant 0 : i32
      %dma_wait3A_330 = tpu.memref_slice %arg9[%add3A_324, %dma_wait3A_329] : memref<40x64xi32, #tpu.memory_space<vmem>> -> memref<1x64xi32, #tpu.memory_space<vmem>>
      %dma_wait3A_331 = tpu.memref_squeeze %dma_wait3A_330 : memref<1x64xi32, #tpu.memory_space<vmem>> -> memref<64xi32, #tpu.memory_space<vmem>>
      %dma_wait3A_332 = arith.constant 0 : i32
      %dma_wait3A_333 = arith.constant 0 : i32
      %dma_wait3A_334 = tpu.memref_slice %arg12[%dma_wait3A_332, %dma_wait3A_333] : memref<10112x128xf32, #tpu.memory_space<vmem_shared>> -> memref<10112x128xf32, #tpu.memory_space<vmem_shared>>
      tpu.wait_indirect_dma semaphore(%arg13 : memref<!tpu.dma_semaphore, #tpu.memory_space<semaphore_mem>>) src(%dma_wait3A_328 : memref<64x128xf32, #tpu.memory_space<vmem>>) dst(%dma_wait3A_334 : memref<10112x128xf32, #tpu.memory_space<vmem_shared>>)
      %add3A_335 = arith.constant 2 : i32
      %add3A_336 = arith.addi %add3A_215, %add3A_335 : i32
      %dma_wait3A_337 = arith.constant 0 : i32
      %dma_wait3A_338 = arith.constant 0 : i32
      %dma_wait3A_339 = tpu.memref_slice %arg11[%scan3A_182, %dma_wait3A_337, %dma_wait3A_338] : memref<2x64x128xf32, #tpu.memory_space<vmem>> -> memref<1x64x128xf32, #tpu.memory_space<vmem>>
      %dma_wait3A_340 = tpu.memref_squeeze %dma_wait3A_339 : memref<1x64x128xf32, #tpu.memory_space<vmem>> -> memref<64x128xf32, #tpu.memory_space<vmem>>
      %dma_wait3A_341 = arith.constant 0 : i32
      %dma_wait3A_342 = tpu.memref_slice %arg9[%add3A_336, %dma_wait3A_341] : memref<40x64xi32, #tpu.memory_space<vmem>> -> memref<1x64xi32, #tpu.memory_space<vmem>>
      %dma_wait3A_343 = tpu.memref_squeeze %dma_wait3A_342 : memref<1x64xi32, #tpu.memory_space<vmem>> -> memref<64xi32, #tpu.memory_space<vmem>>
      %dma_wait3A_344 = arith.constant 0 : i32
      %dma_wait3A_345 = arith.constant 0 : i32
      %dma_wait3A_346 = tpu.memref_slice %arg12[%dma_wait3A_344, %dma_wait3A_345] : memref<10112x128xf32, #tpu.memory_space<vmem_shared>> -> memref<10112x128xf32, #tpu.memory_space<vmem_shared>>
      tpu.wait_indirect_dma semaphore(%arg13 : memref<!tpu.dma_semaphore, #tpu.memory_space<semaphore_mem>>) src(%dma_wait3A_340 : memref<64x128xf32, #tpu.memory_space<vmem>>) dst(%dma_wait3A_346 : memref<10112x128xf32, #tpu.memory_space<vmem_shared>>)
      %add3A_347 = arith.constant 3 : i32
      %add3A_348 = arith.addi %add3A_215, %add3A_347 : i32
      %dma_wait3A_349 = arith.constant 0 : i32
      %dma_wait3A_350 = arith.constant 0 : i32
      %dma_wait3A_351 = tpu.memref_slice %arg11[%scan3A_182, %dma_wait3A_349, %dma_wait3A_350] : memref<2x64x128xf32, #tpu.memory_space<vmem>> -> memref<1x64x128xf32, #tpu.memory_space<vmem>>
      %dma_wait3A_352 = tpu.memref_squeeze %dma_wait3A_351 : memref<1x64x128xf32, #tpu.memory_space<vmem>> -> memref<64x128xf32, #tpu.memory_space<vmem>>
      %dma_wait3A_353 = arith.constant 0 : i32
      %dma_wait3A_354 = tpu.memref_slice %arg9[%add3A_348, %dma_wait3A_353] : memref<40x64xi32, #tpu.memory_space<vmem>> -> memref<1x64xi32, #tpu.memory_space<vmem>>
      %dma_wait3A_355 = tpu.memref_squeeze %dma_wait3A_354 : memref<1x64xi32, #tpu.memory_space<vmem>> -> memref<64xi32, #tpu.memory_space<vmem>>
      %dma_wait3A_356 = arith.constant 0 : i32
      %dma_wait3A_357 = arith.constant 0 : i32
      %dma_wait3A_358 = tpu.memref_slice %arg12[%dma_wait3A_356, %dma_wait3A_357] : memref<10112x128xf32, #tpu.memory_space<vmem_shared>> -> memref<10112x128xf32, #tpu.memory_space<vmem_shared>>
      tpu.wait_indirect_dma semaphore(%arg13 : memref<!tpu.dma_semaphore, #tpu.memory_space<semaphore_mem>>) src(%dma_wait3A_352 : memref<64x128xf32, #tpu.memory_space<vmem>>) dst(%dma_wait3A_358 : memref<10112x128xf32, #tpu.memory_space<vmem_shared>>)
      %add3A_359 = arith.constant 4 : i32
      %add3A_360 = arith.addi %add3A_215, %add3A_359 : i32
      %dma_wait3A_361 = arith.constant 0 : i32
      %dma_wait3A_362 = arith.constant 0 : i32
      %dma_wait3A_363 = tpu.memref_slice %arg11[%scan3A_182, %dma_wait3A_361, %dma_wait3A_362] : memref<2x64x128xf32, #tpu.memory_space<vmem>> -> memref<1x64x128xf32, #tpu.memory_space<vmem>>
      %dma_wait3A_364 = tpu.memref_squeeze %dma_wait3A_363 : memref<1x64x128xf32, #tpu.memory_space<vmem>> -> memref<64x128xf32, #tpu.memory_space<vmem>>
      %dma_wait3A_365 = arith.constant 0 : i32
      %dma_wait3A_366 = tpu.memref_slice %arg9[%add3A_360, %dma_wait3A_365] : memref<40x64xi32, #tpu.memory_space<vmem>> -> memref<1x64xi32, #tpu.memory_space<vmem>>
      %dma_wait3A_367 = tpu.memref_squeeze %dma_wait3A_366 : memref<1x64xi32, #tpu.memory_space<vmem>> -> memref<64xi32, #tpu.memory_space<vmem>>
      %dma_wait3A_368 = arith.constant 0 : i32
      %dma_wait3A_369 = arith.constant 0 : i32
      %dma_wait3A_370 = tpu.memref_slice %arg12[%dma_wait3A_368, %dma_wait3A_369] : memref<10112x128xf32, #tpu.memory_space<vmem_shared>> -> memref<10112x128xf32, #tpu.memory_space<vmem_shared>>
      tpu.wait_indirect_dma semaphore(%arg13 : memref<!tpu.dma_semaphore, #tpu.memory_space<semaphore_mem>>) src(%dma_wait3A_364 : memref<64x128xf32, #tpu.memory_space<vmem>>) dst(%dma_wait3A_370 : memref<10112x128xf32, #tpu.memory_space<vmem_shared>>)
      %add3A_371 = arith.constant 5 : i32
      %add3A_372 = arith.addi %add3A_215, %add3A_371 : i32
      %dma_wait3A_373 = arith.constant 0 : i32
      %dma_wait3A_374 = arith.constant 0 : i32
      %dma_wait3A_375 = tpu.memref_slice %arg11[%scan3A_182, %dma_wait3A_373, %dma_wait3A_374] : memref<2x64x128xf32, #tpu.memory_space<vmem>> -> memref<1x64x128xf32, #tpu.memory_space<vmem>>
      %dma_wait3A_376 = tpu.memref_squeeze %dma_wait3A_375 : memref<1x64x128xf32, #tpu.memory_space<vmem>> -> memref<64x128xf32, #tpu.memory_space<vmem>>
      %dma_wait3A_377 = arith.constant 0 : i32
      %dma_wait3A_378 = tpu.memref_slice %arg9[%add3A_372, %dma_wait3A_377] : memref<40x64xi32, #tpu.memory_space<vmem>> -> memref<1x64xi32, #tpu.memory_space<vmem>>
      %dma_wait3A_379 = tpu.memref_squeeze %dma_wait3A_378 : memref<1x64xi32, #tpu.memory_space<vmem>> -> memref<64xi32, #tpu.memory_space<vmem>>
      %dma_wait3A_380 = arith.constant 0 : i32
      %dma_wait3A_381 = arith.constant 0 : i32
      %dma_wait3A_382 = tpu.memref_slice %arg12[%dma_wait3A_380, %dma_wait3A_381] : memref<10112x128xf32, #tpu.memory_space<vmem_shared>> -> memref<10112x128xf32, #tpu.memory_space<vmem_shared>>
      tpu.wait_indirect_dma semaphore(%arg13 : memref<!tpu.dma_semaphore, #tpu.memory_space<semaphore_mem>>) src(%dma_wait3A_376 : memref<64x128xf32, #tpu.memory_space<vmem>>) dst(%dma_wait3A_382 : memref<10112x128xf32, #tpu.memory_space<vmem_shared>>)
      %add3A_383 = arith.constant 6 : i32
      %add3A_384 = arith.addi %add3A_215, %add3A_383 : i32
      %dma_wait3A_385 = arith.constant 0 : i32
      %dma_wait3A_386 = arith.constant 0 : i32
      %dma_wait3A_387 = tpu.memref_slice %arg11[%scan3A_182, %dma_wait3A_385, %dma_wait3A_386] : memref<2x64x128xf32, #tpu.memory_space<vmem>> -> memref<1x64x128xf32, #tpu.memory_space<vmem>>
      %dma_wait3A_388 = tpu.memref_squeeze %dma_wait3A_387 : memref<1x64x128xf32, #tpu.memory_space<vmem>> -> memref<64x128xf32, #tpu.memory_space<vmem>>
      %dma_wait3A_389 = arith.constant 0 : i32
      %dma_wait3A_390 = tpu.memref_slice %arg9[%add3A_384, %dma_wait3A_389] : memref<40x64xi32, #tpu.memory_space<vmem>> -> memref<1x64xi32, #tpu.memory_space<vmem>>
      %dma_wait3A_391 = tpu.memref_squeeze %dma_wait3A_390 : memref<1x64xi32, #tpu.memory_space<vmem>> -> memref<64xi32, #tpu.memory_space<vmem>>
      %dma_wait3A_392 = arith.constant 0 : i32
      %dma_wait3A_393 = arith.constant 0 : i32
      %dma_wait3A_394 = tpu.memref_slice %arg12[%dma_wait3A_392, %dma_wait3A_393] : memref<10112x128xf32, #tpu.memory_space<vmem_shared>> -> memref<10112x128xf32, #tpu.memory_space<vmem_shared>>
      tpu.wait_indirect_dma semaphore(%arg13 : memref<!tpu.dma_semaphore, #tpu.memory_space<semaphore_mem>>) src(%dma_wait3A_388 : memref<64x128xf32, #tpu.memory_space<vmem>>) dst(%dma_wait3A_394 : memref<10112x128xf32, #tpu.memory_space<vmem_shared>>)
      %add3A_395 = arith.constant 7 : i32
      %add3A_396 = arith.addi %add3A_215, %add3A_395 : i32
      %dma_wait3A_397 = arith.constant 0 : i32
      %dma_wait3A_398 = arith.constant 0 : i32
      %dma_wait3A_399 = tpu.memref_slice %arg11[%scan3A_182, %dma_wait3A_397, %dma_wait3A_398] : memref<2x64x128xf32, #tpu.memory_space<vmem>> -> memref<1x64x128xf32, #tpu.memory_space<vmem>>
      %dma_wait3A_400 = tpu.memref_squeeze %dma_wait3A_399 : memref<1x64x128xf32, #tpu.memory_space<vmem>> -> memref<64x128xf32, #tpu.memory_space<vmem>>
      %dma_wait3A_401 = arith.constant 0 : i32
      %dma_wait3A_402 = tpu.memref_slice %arg9[%add3A_396, %dma_wait3A_401] : memref<40x64xi32, #tpu.memory_space<vmem>> -> memref<1x64xi32, #tpu.memory_space<vmem>>
      %dma_wait3A_403 = tpu.memref_squeeze %dma_wait3A_402 : memref<1x64xi32, #tpu.memory_space<vmem>> -> memref<64xi32, #tpu.memory_space<vmem>>
      %dma_wait3A_404 = arith.constant 0 : i32
      %dma_wait3A_405 = arith.constant 0 : i32
      %dma_wait3A_406 = tpu.memref_slice %arg12[%dma_wait3A_404, %dma_wait3A_405] : memref<10112x128xf32, #tpu.memory_space<vmem_shared>> -> memref<10112x128xf32, #tpu.memory_space<vmem_shared>>
      tpu.wait_indirect_dma semaphore(%arg13 : memref<!tpu.dma_semaphore, #tpu.memory_space<semaphore_mem>>) src(%dma_wait3A_400 : memref<64x128xf32, #tpu.memory_space<vmem>>) dst(%dma_wait3A_406 : memref<10112x128xf32, #tpu.memory_space<vmem_shared>>)
    }
    %scan3A_187 = arith.constant 5 : i32
    %mul3A_188 = arith.constant 1280 : i32
    %mul3A_189 = arith.muli %arg0, %mul3A_188 : i32
    %mul3A_190 = arith.constant 2 : i32
    %mul3A_191 = arith.muli %arg1, %mul3A_190 : i32
    %mul3A_192 = arith.constant 40 : i32
    %mul3A_193 = arith.muli %mul3A_191, %mul3A_192 : i32
    %add3A_194 = arith.addi %mul3A_189, %mul3A_193 : i32
    %add3A_195 = arith.constant 40 : i32
    %add3A_196 = arith.addi %add3A_194, %add3A_195 : i32
    "tpu.region"() ({
      %run_scoped3A_211 = tpu.sem_alloc : memref<!tpu.dma_semaphore, #tpu.memory_space<semaphore_mem>>
      %dma_start3A_212 = arith.constant 0 : i32
      %dma_start3A_213 = tpu.memref_slice %arg4[%add3A_196, %dma_start3A_212] : memref<2560x64xi32, #tpu.memory_space<hbm>> -> memref<40x64xi32, #tpu.memory_space<hbm>>
      %dma_start3A_214 = arith.constant 0 : i32
      %dma_start3A_215 = tpu.memref_slice %arg4[%add3A_196, %dma_start3A_214] : memref<2560x64xi32, #tpu.memory_space<hbm>> -> memref<40x64xi32, #tpu.memory_space<hbm>>
      tpu.enqueue_dma source(%dma_start3A_215 : memref<40x64xi32, #tpu.memory_space<hbm>>) target(%arg9 : memref<40x64xi32, #tpu.memory_space<vmem>>) target_semaphore(%run_scoped3A_211 : memref<!tpu.dma_semaphore, #tpu.memory_space<semaphore_mem>>)
      %dma_wait3A = arith.constant 0 : i32
      %dma_wait3A_216 = tpu.memref_slice %arg4[%add3A_196, %dma_wait3A] : memref<2560x64xi32, #tpu.memory_space<hbm>> -> memref<40x64xi32, #tpu.memory_space<hbm>>
      %dma_wait3A_217 = arith.constant 0 : i32
      %dma_wait3A_218 = tpu.memref_slice %arg4[%add3A_196, %dma_wait3A_217] : memref<2560x64xi32, #tpu.memory_space<hbm>> -> memref<40x64xi32, #tpu.memory_space<hbm>>
      tpu.wait_dma2 semaphore(%run_scoped3A_211 : memref<!tpu.dma_semaphore, #tpu.memory_space<semaphore_mem>>) src(%dma_wait3A_218 : memref<40x64xi32, #tpu.memory_space<hbm>>) dst(%arg9 : memref<40x64xi32, #tpu.memory_space<vmem>>)
      tpu.yield
    }) : () -> ()
    %scan3A_197 = arith.constant 0 : i32
    %scan3A_198 = arith.constant 0 : i32
    %scan3A_199 = arith.constant 5 : i32
    %scan3A_200 = arith.addi %scan3A_198, %scan3A_199 : i32
    %scan3A_201 = arith.constant 1 : i32
    scf.for %scan3A_211 = %scan3A_198 to %scan3A_200 step %scan3A_201  : i32 {
      %mul3A_212 = arith.constant 8 : i32
      %mul3A_213 = arith.muli %scan3A_211, %mul3A_212 : i32
      %add3A_214 = arith.constant 0 : i32
      %add3A_215 = arith.addi %add3A_214, %mul3A_213 : i32
      %add3A_216 = arith.constant 0 : i32
      %add3A_217 = arith.addi %add3A_215, %add3A_216 : i32
      %dma_start3A_218 = arith.constant 0 : i32
      %dma_start3A_219 = arith.constant 0 : i32
      %dma_start3A_220 = tpu.memref_slice %arg11[%scan3A_197, %dma_start3A_218, %dma_start3A_219] : memref<2x64x128xf32, #tpu.memory_space<vmem>> -> memref<1x64x128xf32, #tpu.memory_space<vmem>>
      %dma_start3A_221 = tpu.memref_squeeze %dma_start3A_220 : memref<1x64x128xf32, #tpu.memory_space<vmem>> -> memref<64x128xf32, #tpu.memory_space<vmem>>
      %dma_start3A_222 = arith.constant 0 : i32
      %dma_start3A_223 = tpu.memref_slice %arg9[%add3A_217, %dma_start3A_222] : memref<40x64xi32, #tpu.memory_space<vmem>> -> memref<1x64xi32, #tpu.memory_space<vmem>>
      %dma_start3A_224 = tpu.memref_squeeze %dma_start3A_223 : memref<1x64xi32, #tpu.memory_space<vmem>> -> memref<64xi32, #tpu.memory_space<vmem>>
      %dma_start3A_225 = arith.constant 0 : i32
      %dma_start3A_226 = arith.constant 0 : i32
      %dma_start3A_227 = tpu.memref_slice %arg12[%dma_start3A_225, %dma_start3A_226] : memref<10112x128xf32, #tpu.memory_space<vmem_shared>> -> memref<10112x128xf32, #tpu.memory_space<vmem_shared>>
      tpu.enqueue_indirect_dma source(%dma_start3A_221 : memref<64x128xf32, #tpu.memory_space<vmem>>) target(%dma_start3A_227 : memref<10112x128xf32, #tpu.memory_space<vmem_shared>>) offsets(%dma_start3A_224 : memref<64xi32, #tpu.memory_space<vmem>>) semaphore(%arg13 : memref<!tpu.dma_semaphore, #tpu.memory_space<semaphore_mem>>) {add = true}
      %add3A_228 = arith.constant 1 : i32
      %add3A_229 = arith.addi %add3A_215, %add3A_228 : i32
      %dma_start3A_230 = arith.constant 0 : i32
      %dma_start3A_231 = arith.constant 0 : i32
      %dma_start3A_232 = tpu.memref_slice %arg11[%scan3A_197, %dma_start3A_230, %dma_start3A_231] : memref<2x64x128xf32, #tpu.memory_space<vmem>> -> memref<1x64x128xf32, #tpu.memory_space<vmem>>
      %dma_start3A_233 = tpu.memref_squeeze %dma_start3A_232 : memref<1x64x128xf32, #tpu.memory_space<vmem>> -> memref<64x128xf32, #tpu.memory_space<vmem>>
      %dma_start3A_234 = arith.constant 0 : i32
      %dma_start3A_235 = tpu.memref_slice %arg9[%add3A_229, %dma_start3A_234] : memref<40x64xi32, #tpu.memory_space<vmem>> -> memref<1x64xi32, #tpu.memory_space<vmem>>
      %dma_start3A_236 = tpu.memref_squeeze %dma_start3A_235 : memref<1x64xi32, #tpu.memory_space<vmem>> -> memref<64xi32, #tpu.memory_space<vmem>>
      %dma_start3A_237 = arith.constant 0 : i32
      %dma_start3A_238 = arith.constant 0 : i32
      %dma_start3A_239 = tpu.memref_slice %arg12[%dma_start3A_237, %dma_start3A_238] : memref<10112x128xf32, #tpu.memory_space<vmem_shared>> -> memref<10112x128xf32, #tpu.memory_space<vmem_shared>>
      tpu.enqueue_indirect_dma source(%dma_start3A_233 : memref<64x128xf32, #tpu.memory_space<vmem>>) target(%dma_start3A_239 : memref<10112x128xf32, #tpu.memory_space<vmem_shared>>) offsets(%dma_start3A_236 : memref<64xi32, #tpu.memory_space<vmem>>) semaphore(%arg13 : memref<!tpu.dma_semaphore, #tpu.memory_space<semaphore_mem>>) {add = true}
      %add3A_240 = arith.constant 2 : i32
      %add3A_241 = arith.addi %add3A_215, %add3A_240 : i32
      %dma_start3A_242 = arith.constant 0 : i32
      %dma_start3A_243 = arith.constant 0 : i32
      %dma_start3A_244 = tpu.memref_slice %arg11[%scan3A_197, %dma_start3A_242, %dma_start3A_243] : memref<2x64x128xf32, #tpu.memory_space<vmem>> -> memref<1x64x128xf32, #tpu.memory_space<vmem>>
      %dma_start3A_245 = tpu.memref_squeeze %dma_start3A_244 : memref<1x64x128xf32, #tpu.memory_space<vmem>> -> memref<64x128xf32, #tpu.memory_space<vmem>>
      %dma_start3A_246 = arith.constant 0 : i32
      %dma_start3A_247 = tpu.memref_slice %arg9[%add3A_241, %dma_start3A_246] : memref<40x64xi32, #tpu.memory_space<vmem>> -> memref<1x64xi32, #tpu.memory_space<vmem>>
      %dma_start3A_248 = tpu.memref_squeeze %dma_start3A_247 : memref<1x64xi32, #tpu.memory_space<vmem>> -> memref<64xi32, #tpu.memory_space<vmem>>
      %dma_start3A_249 = arith.constant 0 : i32
      %dma_start3A_250 = arith.constant 0 : i32
      %dma_start3A_251 = tpu.memref_slice %arg12[%dma_start3A_249, %dma_start3A_250] : memref<10112x128xf32, #tpu.memory_space<vmem_shared>> -> memref<10112x128xf32, #tpu.memory_space<vmem_shared>>
      tpu.enqueue_indirect_dma source(%dma_start3A_245 : memref<64x128xf32, #tpu.memory_space<vmem>>) target(%dma_start3A_251 : memref<10112x128xf32, #tpu.memory_space<vmem_shared>>) offsets(%dma_start3A_248 : memref<64xi32, #tpu.memory_space<vmem>>) semaphore(%arg13 : memref<!tpu.dma_semaphore, #tpu.memory_space<semaphore_mem>>) {add = true}
      %add3A_252 = arith.constant 3 : i32
      %add3A_253 = arith.addi %add3A_215, %add3A_252 : i32
      %dma_start3A_254 = arith.constant 0 : i32
      %dma_start3A_255 = arith.constant 0 : i32
      %dma_start3A_256 = tpu.memref_slice %arg11[%scan3A_197, %dma_start3A_254, %dma_start3A_255] : memref<2x64x128xf32, #tpu.memory_space<vmem>> -> memref<1x64x128xf32, #tpu.memory_space<vmem>>
      %dma_start3A_257 = tpu.memref_squeeze %dma_start3A_256 : memref<1x64x128xf32, #tpu.memory_space<vmem>> -> memref<64x128xf32, #tpu.memory_space<vmem>>
      %dma_start3A_258 = arith.constant 0 : i32
      %dma_start3A_259 = tpu.memref_slice %arg9[%add3A_253, %dma_start3A_258] : memref<40x64xi32, #tpu.memory_space<vmem>> -> memref<1x64xi32, #tpu.memory_space<vmem>>
      %dma_start3A_260 = tpu.memref_squeeze %dma_start3A_259 : memref<1x64xi32, #tpu.memory_space<vmem>> -> memref<64xi32, #tpu.memory_space<vmem>>
      %dma_start3A_261 = arith.constant 0 : i32
      %dma_start3A_262 = arith.constant 0 : i32
      %dma_start3A_263 = tpu.memref_slice %arg12[%dma_start3A_261, %dma_start3A_262] : memref<10112x128xf32, #tpu.memory_space<vmem_shared>> -> memref<10112x128xf32, #tpu.memory_space<vmem_shared>>
      tpu.enqueue_indirect_dma source(%dma_start3A_257 : memref<64x128xf32, #tpu.memory_space<vmem>>) target(%dma_start3A_263 : memref<10112x128xf32, #tpu.memory_space<vmem_shared>>) offsets(%dma_start3A_260 : memref<64xi32, #tpu.memory_space<vmem>>) semaphore(%arg13 : memref<!tpu.dma_semaphore, #tpu.memory_space<semaphore_mem>>) {add = true}
      %add3A_264 = arith.constant 4 : i32
      %add3A_265 = arith.addi %add3A_215, %add3A_264 : i32
      %dma_start3A_266 = arith.constant 0 : i32
      %dma_start3A_267 = arith.constant 0 : i32
      %dma_start3A_268 = tpu.memref_slice %arg11[%scan3A_197, %dma_start3A_266, %dma_start3A_267] : memref<2x64x128xf32, #tpu.memory_space<vmem>> -> memref<1x64x128xf32, #tpu.memory_space<vmem>>
      %dma_start3A_269 = tpu.memref_squeeze %dma_start3A_268 : memref<1x64x128xf32, #tpu.memory_space<vmem>> -> memref<64x128xf32, #tpu.memory_space<vmem>>
      %dma_start3A_270 = arith.constant 0 : i32
      %dma_start3A_271 = tpu.memref_slice %arg9[%add3A_265, %dma_start3A_270] : memref<40x64xi32, #tpu.memory_space<vmem>> -> memref<1x64xi32, #tpu.memory_space<vmem>>
      %dma_start3A_272 = tpu.memref_squeeze %dma_start3A_271 : memref<1x64xi32, #tpu.memory_space<vmem>> -> memref<64xi32, #tpu.memory_space<vmem>>
      %dma_start3A_273 = arith.constant 0 : i32
      %dma_start3A_274 = arith.constant 0 : i32
      %dma_start3A_275 = tpu.memref_slice %arg12[%dma_start3A_273, %dma_start3A_274] : memref<10112x128xf32, #tpu.memory_space<vmem_shared>> -> memref<10112x128xf32, #tpu.memory_space<vmem_shared>>
      tpu.enqueue_indirect_dma source(%dma_start3A_269 : memref<64x128xf32, #tpu.memory_space<vmem>>) target(%dma_start3A_275 : memref<10112x128xf32, #tpu.memory_space<vmem_shared>>) offsets(%dma_start3A_272 : memref<64xi32, #tpu.memory_space<vmem>>) semaphore(%arg13 : memref<!tpu.dma_semaphore, #tpu.memory_space<semaphore_mem>>) {add = true}
      %add3A_276 = arith.constant 5 : i32
      %add3A_277 = arith.addi %add3A_215, %add3A_276 : i32
      %dma_start3A_278 = arith.constant 0 : i32
      %dma_start3A_279 = arith.constant 0 : i32
      %dma_start3A_280 = tpu.memref_slice %arg11[%scan3A_197, %dma_start3A_278, %dma_start3A_279] : memref<2x64x128xf32, #tpu.memory_space<vmem>> -> memref<1x64x128xf32, #tpu.memory_space<vmem>>
      %dma_start3A_281 = tpu.memref_squeeze %dma_start3A_280 : memref<1x64x128xf32, #tpu.memory_space<vmem>> -> memref<64x128xf32, #tpu.memory_space<vmem>>
      %dma_start3A_282 = arith.constant 0 : i32
      %dma_start3A_283 = tpu.memref_slice %arg9[%add3A_277, %dma_start3A_282] : memref<40x64xi32, #tpu.memory_space<vmem>> -> memref<1x64xi32, #tpu.memory_space<vmem>>
      %dma_start3A_284 = tpu.memref_squeeze %dma_start3A_283 : memref<1x64xi32, #tpu.memory_space<vmem>> -> memref<64xi32, #tpu.memory_space<vmem>>
      %dma_start3A_285 = arith.constant 0 : i32
      %dma_start3A_286 = arith.constant 0 : i32
      %dma_start3A_287 = tpu.memref_slice %arg12[%dma_start3A_285, %dma_start3A_286] : memref<10112x128xf32, #tpu.memory_space<vmem_shared>> -> memref<10112x128xf32, #tpu.memory_space<vmem_shared>>
      tpu.enqueue_indirect_dma source(%dma_start3A_281 : memref<64x128xf32, #tpu.memory_space<vmem>>) target(%dma_start3A_287 : memref<10112x128xf32, #tpu.memory_space<vmem_shared>>) offsets(%dma_start3A_284 : memref<64xi32, #tpu.memory_space<vmem>>) semaphore(%arg13 : memref<!tpu.dma_semaphore, #tpu.memory_space<semaphore_mem>>) {add = true}
      %add3A_288 = arith.constant 6 : i32
      %add3A_289 = arith.addi %add3A_215, %add3A_288 : i32
      %dma_start3A_290 = arith.constant 0 : i32
      %dma_start3A_291 = arith.constant 0 : i32
      %dma_start3A_292 = tpu.memref_slice %arg11[%scan3A_197, %dma_start3A_290, %dma_start3A_291] : memref<2x64x128xf32, #tpu.memory_space<vmem>> -> memref<1x64x128xf32, #tpu.memory_space<vmem>>
      %dma_start3A_293 = tpu.memref_squeeze %dma_start3A_292 : memref<1x64x128xf32, #tpu.memory_space<vmem>> -> memref<64x128xf32, #tpu.memory_space<vmem>>
      %dma_start3A_294 = arith.constant 0 : i32
      %dma_start3A_295 = tpu.memref_slice %arg9[%add3A_289, %dma_start3A_294] : memref<40x64xi32, #tpu.memory_space<vmem>> -> memref<1x64xi32, #tpu.memory_space<vmem>>
      %dma_start3A_296 = tpu.memref_squeeze %dma_start3A_295 : memref<1x64xi32, #tpu.memory_space<vmem>> -> memref<64xi32, #tpu.memory_space<vmem>>
      %dma_start3A_297 = arith.constant 0 : i32
      %dma_start3A_298 = arith.constant 0 : i32
      %dma_start3A_299 = tpu.memref_slice %arg12[%dma_start3A_297, %dma_start3A_298] : memref<10112x128xf32, #tpu.memory_space<vmem_shared>> -> memref<10112x128xf32, #tpu.memory_space<vmem_shared>>
      tpu.enqueue_indirect_dma source(%dma_start3A_293 : memref<64x128xf32, #tpu.memory_space<vmem>>) target(%dma_start3A_299 : memref<10112x128xf32, #tpu.memory_space<vmem_shared>>) offsets(%dma_start3A_296 : memref<64xi32, #tpu.memory_space<vmem>>) semaphore(%arg13 : memref<!tpu.dma_semaphore, #tpu.memory_space<semaphore_mem>>) {add = true}
      %add3A_300 = arith.constant 7 : i32
      %add3A_301 = arith.addi %add3A_215, %add3A_300 : i32
      %dma_start3A_302 = arith.constant 0 : i32
      %dma_start3A_303 = arith.constant 0 : i32
      %dma_start3A_304 = tpu.memref_slice %arg11[%scan3A_197, %dma_start3A_302, %dma_start3A_303] : memref<2x64x128xf32, #tpu.memory_space<vmem>> -> memref<1x64x128xf32, #tpu.memory_space<vmem>>
      %dma_start3A_305 = tpu.memref_squeeze %dma_start3A_304 : memref<1x64x128xf32, #tpu.memory_space<vmem>> -> memref<64x128xf32, #tpu.memory_space<vmem>>
      %dma_start3A_306 = arith.constant 0 : i32
      %dma_start3A_307 = tpu.memref_slice %arg9[%add3A_301, %dma_start3A_306] : memref<40x64xi32, #tpu.memory_space<vmem>> -> memref<1x64xi32, #tpu.memory_space<vmem>>
      %dma_start3A_308 = tpu.memref_squeeze %dma_start3A_307 : memref<1x64xi32, #tpu.memory_space<vmem>> -> memref<64xi32, #tpu.memory_space<vmem>>
      %dma_start3A_309 = arith.constant 0 : i32
      %dma_start3A_310 = arith.constant 0 : i32
      %dma_start3A_311 = tpu.memref_slice %arg12[%dma_start3A_309, %dma_start3A_310] : memref<10112x128xf32, #tpu.memory_space<vmem_shared>> -> memref<10112x128xf32, #tpu.memory_space<vmem_shared>>
      tpu.enqueue_indirect_dma source(%dma_start3A_305 : memref<64x128xf32, #tpu.memory_space<vmem>>) target(%dma_start3A_311 : memref<10112x128xf32, #tpu.memory_space<vmem_shared>>) offsets(%dma_start3A_308 : memref<64xi32, #tpu.memory_space<vmem>>) semaphore(%arg13 : memref<!tpu.dma_semaphore, #tpu.memory_space<semaphore_mem>>) {add = true}
      %add3A_312 = arith.constant 0 : i32
      %add3A_313 = arith.addi %add3A_215, %add3A_312 : i32
      %dma_wait3A = arith.constant 0 : i32
      %dma_wait3A_314 = arith.constant 0 : i32
      %dma_wait3A_315 = tpu.memref_slice %arg11[%scan3A_197, %dma_wait3A, %dma_wait3A_314] : memref<2x64x128xf32, #tpu.memory_space<vmem>> -> memref<1x64x128xf32, #tpu.memory_space<vmem>>
      %dma_wait3A_316 = tpu.memref_squeeze %dma_wait3A_315 : memref<1x64x128xf32, #tpu.memory_space<vmem>> -> memref<64x128xf32, #tpu.memory_space<vmem>>
      %dma_wait3A_317 = arith.constant 0 : i32
      %dma_wait3A_318 = tpu.memref_slice %arg9[%add3A_313, %dma_wait3A_317] : memref<40x64xi32, #tpu.memory_space<vmem>> -> memref<1x64xi32, #tpu.memory_space<vmem>>
      %dma_wait3A_319 = tpu.memref_squeeze %dma_wait3A_318 : memref<1x64xi32, #tpu.memory_space<vmem>> -> memref<64xi32, #tpu.memory_space<vmem>>
      %dma_wait3A_320 = arith.constant 0 : i32
      %dma_wait3A_321 = arith.constant 0 : i32
      %dma_wait3A_322 = tpu.memref_slice %arg12[%dma_wait3A_320, %dma_wait3A_321] : memref<10112x128xf32, #tpu.memory_space<vmem_shared>> -> memref<10112x128xf32, #tpu.memory_space<vmem_shared>>
      tpu.wait_indirect_dma semaphore(%arg13 : memref<!tpu.dma_semaphore, #tpu.memory_space<semaphore_mem>>) src(%dma_wait3A_316 : memref<64x128xf32, #tpu.memory_space<vmem>>) dst(%dma_wait3A_322 : memref<10112x128xf32, #tpu.memory_space<vmem_shared>>)
      %add3A_323 = arith.constant 1 : i32
      %add3A_324 = arith.addi %add3A_215, %add3A_323 : i32
      %dma_wait3A_325 = arith.constant 0 : i32
      %dma_wait3A_326 = arith.constant 0 : i32
      %dma_wait3A_327 = tpu.memref_slice %arg11[%scan3A_197, %dma_wait3A_325, %dma_wait3A_326] : memref<2x64x128xf32, #tpu.memory_space<vmem>> -> memref<1x64x128xf32, #tpu.memory_space<vmem>>
      %dma_wait3A_328 = tpu.memref_squeeze %dma_wait3A_327 : memref<1x64x128xf32, #tpu.memory_space<vmem>> -> memref<64x128xf32, #tpu.memory_space<vmem>>
      %dma_wait3A_329 = arith.constant 0 : i32
      %dma_wait3A_330 = tpu.memref_slice %arg9[%add3A_324, %dma_wait3A_329] : memref<40x64xi32, #tpu.memory_space<vmem>> -> memref<1x64xi32, #tpu.memory_space<vmem>>
      %dma_wait3A_331 = tpu.memref_squeeze %dma_wait3A_330 : memref<1x64xi32, #tpu.memory_space<vmem>> -> memref<64xi32, #tpu.memory_space<vmem>>
      %dma_wait3A_332 = arith.constant 0 : i32
      %dma_wait3A_333 = arith.constant 0 : i32
      %dma_wait3A_334 = tpu.memref_slice %arg12[%dma_wait3A_332, %dma_wait3A_333] : memref<10112x128xf32, #tpu.memory_space<vmem_shared>> -> memref<10112x128xf32, #tpu.memory_space<vmem_shared>>
      tpu.wait_indirect_dma semaphore(%arg13 : memref<!tpu.dma_semaphore, #tpu.memory_space<semaphore_mem>>) src(%dma_wait3A_328 : memref<64x128xf32, #tpu.memory_space<vmem>>) dst(%dma_wait3A_334 : memref<10112x128xf32, #tpu.memory_space<vmem_shared>>)
      %add3A_335 = arith.constant 2 : i32
      %add3A_336 = arith.addi %add3A_215, %add3A_335 : i32
      %dma_wait3A_337 = arith.constant 0 : i32
      %dma_wait3A_338 = arith.constant 0 : i32
      %dma_wait3A_339 = tpu.memref_slice %arg11[%scan3A_197, %dma_wait3A_337, %dma_wait3A_338] : memref<2x64x128xf32, #tpu.memory_space<vmem>> -> memref<1x64x128xf32, #tpu.memory_space<vmem>>
      %dma_wait3A_340 = tpu.memref_squeeze %dma_wait3A_339 : memref<1x64x128xf32, #tpu.memory_space<vmem>> -> memref<64x128xf32, #tpu.memory_space<vmem>>
      %dma_wait3A_341 = arith.constant 0 : i32
      %dma_wait3A_342 = tpu.memref_slice %arg9[%add3A_336, %dma_wait3A_341] : memref<40x64xi32, #tpu.memory_space<vmem>> -> memref<1x64xi32, #tpu.memory_space<vmem>>
      %dma_wait3A_343 = tpu.memref_squeeze %dma_wait3A_342 : memref<1x64xi32, #tpu.memory_space<vmem>> -> memref<64xi32, #tpu.memory_space<vmem>>
      %dma_wait3A_344 = arith.constant 0 : i32
      %dma_wait3A_345 = arith.constant 0 : i32
      %dma_wait3A_346 = tpu.memref_slice %arg12[%dma_wait3A_344, %dma_wait3A_345] : memref<10112x128xf32, #tpu.memory_space<vmem_shared>> -> memref<10112x128xf32, #tpu.memory_space<vmem_shared>>
      tpu.wait_indirect_dma semaphore(%arg13 : memref<!tpu.dma_semaphore, #tpu.memory_space<semaphore_mem>>) src(%dma_wait3A_340 : memref<64x128xf32, #tpu.memory_space<vmem>>) dst(%dma_wait3A_346 : memref<10112x128xf32, #tpu.memory_space<vmem_shared>>)
      %add3A_347 = arith.constant 3 : i32
      %add3A_348 = arith.addi %add3A_215, %add3A_347 : i32
      %dma_wait3A_349 = arith.constant 0 : i32
      %dma_wait3A_350 = arith.constant 0 : i32
      %dma_wait3A_351 = tpu.memref_slice %arg11[%scan3A_197, %dma_wait3A_349, %dma_wait3A_350] : memref<2x64x128xf32, #tpu.memory_space<vmem>> -> memref<1x64x128xf32, #tpu.memory_space<vmem>>
      %dma_wait3A_352 = tpu.memref_squeeze %dma_wait3A_351 : memref<1x64x128xf32, #tpu.memory_space<vmem>> -> memref<64x128xf32, #tpu.memory_space<vmem>>
      %dma_wait3A_353 = arith.constant 0 : i32
      %dma_wait3A_354 = tpu.memref_slice %arg9[%add3A_348, %dma_wait3A_353] : memref<40x64xi32, #tpu.memory_space<vmem>> -> memref<1x64xi32, #tpu.memory_space<vmem>>
      %dma_wait3A_355 = tpu.memref_squeeze %dma_wait3A_354 : memref<1x64xi32, #tpu.memory_space<vmem>> -> memref<64xi32, #tpu.memory_space<vmem>>
      %dma_wait3A_356 = arith.constant 0 : i32
      %dma_wait3A_357 = arith.constant 0 : i32
      %dma_wait3A_358 = tpu.memref_slice %arg12[%dma_wait3A_356, %dma_wait3A_357] : memref<10112x128xf32, #tpu.memory_space<vmem_shared>> -> memref<10112x128xf32, #tpu.memory_space<vmem_shared>>
      tpu.wait_indirect_dma semaphore(%arg13 : memref<!tpu.dma_semaphore, #tpu.memory_space<semaphore_mem>>) src(%dma_wait3A_352 : memref<64x128xf32, #tpu.memory_space<vmem>>) dst(%dma_wait3A_358 : memref<10112x128xf32, #tpu.memory_space<vmem_shared>>)
      %add3A_359 = arith.constant 4 : i32
      %add3A_360 = arith.addi %add3A_215, %add3A_359 : i32
      %dma_wait3A_361 = arith.constant 0 : i32
      %dma_wait3A_362 = arith.constant 0 : i32
      %dma_wait3A_363 = tpu.memref_slice %arg11[%scan3A_197, %dma_wait3A_361, %dma_wait3A_362] : memref<2x64x128xf32, #tpu.memory_space<vmem>> -> memref<1x64x128xf32, #tpu.memory_space<vmem>>
      %dma_wait3A_364 = tpu.memref_squeeze %dma_wait3A_363 : memref<1x64x128xf32, #tpu.memory_space<vmem>> -> memref<64x128xf32, #tpu.memory_space<vmem>>
      %dma_wait3A_365 = arith.constant 0 : i32
      %dma_wait3A_366 = tpu.memref_slice %arg9[%add3A_360, %dma_wait3A_365] : memref<40x64xi32, #tpu.memory_space<vmem>> -> memref<1x64xi32, #tpu.memory_space<vmem>>
      %dma_wait3A_367 = tpu.memref_squeeze %dma_wait3A_366 : memref<1x64xi32, #tpu.memory_space<vmem>> -> memref<64xi32, #tpu.memory_space<vmem>>
      %dma_wait3A_368 = arith.constant 0 : i32
      %dma_wait3A_369 = arith.constant 0 : i32
      %dma_wait3A_370 = tpu.memref_slice %arg12[%dma_wait3A_368, %dma_wait3A_369] : memref<10112x128xf32, #tpu.memory_space<vmem_shared>> -> memref<10112x128xf32, #tpu.memory_space<vmem_shared>>
      tpu.wait_indirect_dma semaphore(%arg13 : memref<!tpu.dma_semaphore, #tpu.memory_space<semaphore_mem>>) src(%dma_wait3A_364 : memref<64x128xf32, #tpu.memory_space<vmem>>) dst(%dma_wait3A_370 : memref<10112x128xf32, #tpu.memory_space<vmem_shared>>)
      %add3A_371 = arith.constant 5 : i32
      %add3A_372 = arith.addi %add3A_215, %add3A_371 : i32
      %dma_wait3A_373 = arith.constant 0 : i32
      %dma_wait3A_374 = arith.constant 0 : i32
      %dma_wait3A_375 = tpu.memref_slice %arg11[%scan3A_197, %dma_wait3A_373, %dma_wait3A_374] : memref<2x64x128xf32, #tpu.memory_space<vmem>> -> memref<1x64x128xf32, #tpu.memory_space<vmem>>
      %dma_wait3A_376 = tpu.memref_squeeze %dma_wait3A_375 : memref<1x64x128xf32, #tpu.memory_space<vmem>> -> memref<64x128xf32, #tpu.memory_space<vmem>>
      %dma_wait3A_377 = arith.constant 0 : i32
      %dma_wait3A_378 = tpu.memref_slice %arg9[%add3A_372, %dma_wait3A_377] : memref<40x64xi32, #tpu.memory_space<vmem>> -> memref<1x64xi32, #tpu.memory_space<vmem>>
      %dma_wait3A_379 = tpu.memref_squeeze %dma_wait3A_378 : memref<1x64xi32, #tpu.memory_space<vmem>> -> memref<64xi32, #tpu.memory_space<vmem>>
      %dma_wait3A_380 = arith.constant 0 : i32
      %dma_wait3A_381 = arith.constant 0 : i32
      %dma_wait3A_382 = tpu.memref_slice %arg12[%dma_wait3A_380, %dma_wait3A_381] : memref<10112x128xf32, #tpu.memory_space<vmem_shared>> -> memref<10112x128xf32, #tpu.memory_space<vmem_shared>>
      tpu.wait_indirect_dma semaphore(%arg13 : memref<!tpu.dma_semaphore, #tpu.memory_space<semaphore_mem>>) src(%dma_wait3A_376 : memref<64x128xf32, #tpu.memory_space<vmem>>) dst(%dma_wait3A_382 : memref<10112x128xf32, #tpu.memory_space<vmem_shared>>)
      %add3A_383 = arith.constant 6 : i32
      %add3A_384 = arith.addi %add3A_215, %add3A_383 : i32
      %dma_wait3A_385 = arith.constant 0 : i32
      %dma_wait3A_386 = arith.constant 0 : i32
      %dma_wait3A_387 = tpu.memref_slice %arg11[%scan3A_197, %dma_wait3A_385, %dma_wait3A_386] : memref<2x64x128xf32, #tpu.memory_space<vmem>> -> memref<1x64x128xf32, #tpu.memory_space<vmem>>
      %dma_wait3A_388 = tpu.memref_squeeze %dma_wait3A_387 : memref<1x64x128xf32, #tpu.memory_space<vmem>> -> memref<64x128xf32, #tpu.memory_space<vmem>>
      %dma_wait3A_389 = arith.constant 0 : i32
      %dma_wait3A_390 = tpu.memref_slice %arg9[%add3A_384, %dma_wait3A_389] : memref<40x64xi32, #tpu.memory_space<vmem>> -> memref<1x64xi32, #tpu.memory_space<vmem>>
      %dma_wait3A_391 = tpu.memref_squeeze %dma_wait3A_390 : memref<1x64xi32, #tpu.memory_space<vmem>> -> memref<64xi32, #tpu.memory_space<vmem>>
      %dma_wait3A_392 = arith.constant 0 : i32
      %dma_wait3A_393 = arith.constant 0 : i32
      %dma_wait3A_394 = tpu.memref_slice %arg12[%dma_wait3A_392, %dma_wait3A_393] : memref<10112x128xf32, #tpu.memory_space<vmem_shared>> -> memref<10112x128xf32, #tpu.memory_space<vmem_shared>>
      tpu.wait_indirect_dma semaphore(%arg13 : memref<!tpu.dma_semaphore, #tpu.memory_space<semaphore_mem>>) src(%dma_wait3A_388 : memref<64x128xf32, #tpu.memory_space<vmem>>) dst(%dma_wait3A_394 : memref<10112x128xf32, #tpu.memory_space<vmem_shared>>)
      %add3A_395 = arith.constant 7 : i32
      %add3A_396 = arith.addi %add3A_215, %add3A_395 : i32
      %dma_wait3A_397 = arith.constant 0 : i32
      %dma_wait3A_398 = arith.constant 0 : i32
      %dma_wait3A_399 = tpu.memref_slice %arg11[%scan3A_197, %dma_wait3A_397, %dma_wait3A_398] : memref<2x64x128xf32, #tpu.memory_space<vmem>> -> memref<1x64x128xf32, #tpu.memory_space<vmem>>
      %dma_wait3A_400 = tpu.memref_squeeze %dma_wait3A_399 : memref<1x64x128xf32, #tpu.memory_space<vmem>> -> memref<64x128xf32, #tpu.memory_space<vmem>>
      %dma_wait3A_401 = arith.constant 0 : i32
      %dma_wait3A_402 = tpu.memref_slice %arg9[%add3A_396, %dma_wait3A_401] : memref<40x64xi32, #tpu.memory_space<vmem>> -> memref<1x64xi32, #tpu.memory_space<vmem>>
      %dma_wait3A_403 = tpu.memref_squeeze %dma_wait3A_402 : memref<1x64xi32, #tpu.memory_space<vmem>> -> memref<64xi32, #tpu.memory_space<vmem>>
      %dma_wait3A_404 = arith.constant 0 : i32
      %dma_wait3A_405 = arith.constant 0 : i32
      %dma_wait3A_406 = tpu.memref_slice %arg12[%dma_wait3A_404, %dma_wait3A_405] : memref<10112x128xf32, #tpu.memory_space<vmem_shared>> -> memref<10112x128xf32, #tpu.memory_space<vmem_shared>>
      tpu.wait_indirect_dma semaphore(%arg13 : memref<!tpu.dma_semaphore, #tpu.memory_space<semaphore_mem>>) src(%dma_wait3A_400 : memref<64x128xf32, #tpu.memory_space<vmem>>) dst(%dma_wait3A_406 : memref<10112x128xf32, #tpu.memory_space<vmem_shared>>)
    }
    %scan3A_202 = arith.constant 5 : i32
    %barrier3A_203 = arith.constant 0 : index
    tpu.barrier barrier_id(%barrier3A_203)
    %mul3A_204 = arith.constant 632 : i32
    %mul3A_205 = arith.muli %arg1, %mul3A_204 : i32
    %mul3A_206 = arith.constant 10240 : i32
    %mul3A_207 = arith.muli %arg0, %mul3A_206 : i32
    %mul3A_208 = arith.constant 632 : i32
    %mul3A_209 = arith.muli %arg1, %mul3A_208 : i32
    %add3A_210 = arith.addi %mul3A_207, %mul3A_209 : i32
    "tpu.region"() ({
      %run_scoped3A_211 = tpu.sem_alloc : memref<!tpu.dma_semaphore, #tpu.memory_space<semaphore_mem>>
      %dma_start3A_212 = arith.constant 0 : i32
      %dma_start3A_213 = tpu.memref_slice %arg8[%add3A_210, %dma_start3A_212] : memref<20480x128xf32, #tpu.memory_space<hbm>> -> memref<632x128xf32, #tpu.memory_space<hbm>>
      %dma_start3A_214 = arith.constant 0 : i32
      %dma_start3A_215 = tpu.memref_slice %arg12[%mul3A_205, %dma_start3A_214] : memref<10112x128xf32, #tpu.memory_space<vmem_shared>> -> memref<632x128xf32, #tpu.memory_space<vmem_shared>>
      tpu.enqueue_dma source(%dma_start3A_215 : memref<632x128xf32, #tpu.memory_space<vmem_shared>>) target(%dma_start3A_213 : memref<632x128xf32, #tpu.memory_space<hbm>>) target_semaphore(%run_scoped3A_211 : memref<!tpu.dma_semaphore, #tpu.memory_space<semaphore_mem>>)
      %dma_wait3A = arith.constant 0 : i32
      %dma_wait3A_216 = tpu.memref_slice %arg8[%add3A_210, %dma_wait3A] : memref<20480x128xf32, #tpu.memory_space<hbm>> -> memref<632x128xf32, #tpu.memory_space<hbm>>
      %dma_wait3A_217 = arith.constant 0 : i32
      %dma_wait3A_218 = tpu.memref_slice %arg12[%mul3A_205, %dma_wait3A_217] : memref<10112x128xf32, #tpu.memory_space<vmem_shared>> -> memref<632x128xf32, #tpu.memory_space<vmem_shared>>
      tpu.wait_dma2 semaphore(%run_scoped3A_211 : memref<!tpu.dma_semaphore, #tpu.memory_space<semaphore_mem>>) src(%dma_wait3A_218 : memref<632x128xf32, #tpu.memory_space<vmem_shared>>) dst(%dma_wait3A_216 : memref<632x128xf32, #tpu.memory_space<hbm>>)
      tpu.yield
    }) : () -> ()
    return
  }
}

module attributes {stable_mosaic.version = 14 : i64} {
  func.func @_t1_body(%arg0: i32, %arg1: memref<512x256xf32, #tpu.memory_space<vmem>>, %arg2: memref<2x512x128xf32, #tpu.memory_space<vmem>>, %arg3: memref<2x512x128xf32, #tpu.memory_space<vmem>>, %arg4: memref<256x512xf32, #tpu.memory_space<vmem>>, %arg5: memref<256x512xf32, #tpu.memory_space<vmem>>, %arg6: memref<1x512xf32, #tpu.memory_space<vmem>>, %arg7: memref<4x512x128xf32, #tpu.memory_space<vmem>>, %arg8: memref<512x128xf32, #tpu.memory_space<vmem>>) attributes {dimension_semantics = [#tpu.dimension_semantics<arbitrary>], iteration_bounds = array<i64: 20>, scalar_prefetch = 0 : i64, scratch_operands = 0 : i64, tpu.core_type = #tpu.core_type<tc>, window_params = [{transform_indices = @transform_0, window_bounds = array<i64: 512, 256>}, {transform_indices = @transform_1, window_bounds = array<i64: 2, 512, 128>}, {transform_indices = @transform_2, window_bounds = array<i64: 2, 512, 128>}, {pipeline_mode = #tpu.pipeline_mode<synchronous>, transform_indices = @transform_3, window_bounds = array<i64: 256, 512>}, {pipeline_mode = #tpu.pipeline_mode<synchronous>, transform_indices = @transform_4, window_bounds = array<i64: 256, 512>}, {pipeline_mode = #tpu.pipeline_mode<synchronous>, transform_indices = @transform_5, window_bounds = array<i64: 1, 512>}, {transform_indices = @transform_6, window_bounds = array<i64: 4, 512, 128>}, {transform_indices = @transform_7, window_bounds = array<i64: 512, 128>}]} {
    %get3A = arith.constant 0 : index
    %get3A_0 = arith.constant 0 : index
    %get3A_1 = arith.constant 0 : index
    %get3A_2 = vector.load %arg3[%get3A, %get3A_0, %get3A_1] : memref<2x512x128xf32, #tpu.memory_space<vmem>>, vector<1x512x128xf32>
    %get3A_3 = vector.shape_cast %get3A_2 : vector<1x512x128xf32> to vector<512x128xf32>
    %get3A_4 = arith.constant 1 : index
    %get3A_5 = arith.constant 0 : index
    %get3A_6 = arith.constant 0 : index
    %get3A_7 = vector.load %arg3[%get3A_4, %get3A_5, %get3A_6] : memref<2x512x128xf32, #tpu.memory_space<vmem>>, vector<1x512x128xf32>
    %get3A_8 = vector.shape_cast %get3A_7 : vector<1x512x128xf32> to vector<512x128xf32>
    %add3A = arith.addf %get3A_3, %get3A_8 : vector<512x128xf32>
    %max3A = arith.constant 1.000000e+00 : f32
    %max3A_9 = vector.broadcast %max3A : f32 to vector<512x128xf32>
    %max3A_10 = arith.maximumf %add3A, %max3A_9 : vector<512x128xf32>
    %get3A_11 = arith.constant 0 : index
    %get3A_12 = arith.constant 0 : index
    %get3A_13 = arith.constant 0 : index
    %get3A_14 = vector.load %arg2[%get3A_11, %get3A_12, %get3A_13] : memref<2x512x128xf32, #tpu.memory_space<vmem>>, vector<1x512x128xf32>
    %get3A_15 = vector.shape_cast %get3A_14 : vector<1x512x128xf32> to vector<512x128xf32>
    %div3A = arith.divf %get3A_15, %max3A_10 : vector<512x128xf32>
    %get3A_16 = arith.constant 1 : index
    %get3A_17 = arith.constant 0 : index
    %get3A_18 = arith.constant 0 : index
    %get3A_19 = vector.load %arg2[%get3A_16, %get3A_17, %get3A_18] : memref<2x512x128xf32, #tpu.memory_space<vmem>>, vector<1x512x128xf32>
    %get3A_20 = vector.shape_cast %get3A_19 : vector<1x512x128xf32> to vector<512x128xf32>
    %div3A_21 = arith.divf %get3A_20, %max3A_10 : vector<512x128xf32>
    %concatenate3A = tpu.concatenate %div3A, %div3A_21 in 1 : vector<512x128xf32>, vector<512x128xf32> -> vector<512x256xf32>
    %get3A_22 = arith.constant 0 : index
    %get3A_23 = arith.constant 0 : index
    %get3A_24 = vector.load %arg4[%get3A_22, %get3A_23] : memref<256x512xf32, #tpu.memory_space<vmem>>, vector<256x512xf32>
    %dot_general3A = arith.constant dense<0.000000e+00> : vector<512x512xf32>
    %dot_general3A_25 = tpu.matmul %concatenate3A, %get3A_24, %dot_general3A {dimension_numbers = #tpu.dot_dimension_numbers<[1], [0], [0], [1], [0, 0, 1, 1], [], []>, transpose_lhs_hint = false} : vector<512x256xf32>, vector<256x512xf32>, vector<512x512xf32> -> vector<512x512xf32>
    %get3A_26 = arith.constant 0 : index
    %get3A_27 = arith.constant 0 : index
    %get3A_28 = vector.load %arg1[%get3A_26, %get3A_27] : memref<512x256xf32, #tpu.memory_space<vmem>>, vector<512x256xf32>
    %get3A_29 = arith.constant 0 : index
    %get3A_30 = arith.constant 0 : index
    %get3A_31 = vector.load %arg5[%get3A_29, %get3A_30] : memref<256x512xf32, #tpu.memory_space<vmem>>, vector<256x512xf32>
    %dot_general3A_32 = arith.constant dense<0.000000e+00> : vector<512x512xf32>
    %dot_general3A_33 = tpu.matmul %get3A_28, %get3A_31, %dot_general3A_32 {dimension_numbers = #tpu.dot_dimension_numbers<[1], [0], [0], [1], [0, 0, 1, 1], [], []>, transpose_lhs_hint = false} : vector<512x256xf32>, vector<256x512xf32>, vector<512x512xf32> -> vector<512x512xf32>
    %add3A_34 = arith.addf %dot_general3A_25, %dot_general3A_33 : vector<512x512xf32>
    %get3A_35 = arith.constant 0 : index
    %get3A_36 = arith.constant 0 : index
    %get3A_37 = vector.load %arg6[%get3A_35, %get3A_36] : memref<1x512xf32, #tpu.memory_space<vmem>>, vector<1x512xf32>
    %add3A_38 = vector.broadcast %get3A_37 : vector<1x512xf32> to vector<512x512xf32>
    %add3A_39 = arith.addf %add3A_34, %add3A_38 : vector<512x512xf32>
    %max3A_40 = arith.constant 0.000000e+00 : f32
    %max3A_41 = vector.broadcast %max3A_40 : f32 to vector<512x512xf32>
    %max3A_42 = arith.maximumf %add3A_39, %max3A_41 : vector<512x512xf32>
    %iota3A = tpu.iota {dimensions = array<i32: 0>} : vector<512x1xi32>
    %mul3A = arith.constant 512 : i32
    %mul3A_43 = arith.muli %arg0, %mul3A : i32
    %add3A_44 = vector.broadcast %mul3A_43 : i32 to vector<512x1xi32>
    %add3A_45 = arith.addi %iota3A, %add3A_44 : vector<512x1xi32>
    %lt3A = arith.constant 10000 : i32
    %lt3A_46 = vector.broadcast %lt3A : i32 to vector<512x1xi32>
    %lt3A_47 = arith.cmpi slt, %add3A_45, %lt3A_46 : vector<512x1xi32>
    %jit3A = arith.constant 0.000000e+00 : f32
    %broadcast_in_dim3A = vector.shape_cast %lt3A_47 : vector<512x1xi1> to vector<512x1xi1>
    %broadcast_in_dim3A_48 = vector.broadcast %broadcast_in_dim3A : vector<512x1xi1> to vector<512x512xi1>
    %broadcast_in_dim3A_49 = vector.broadcast %jit3A : f32 to vector<512x512xf32>
    %select_n3A = arith.select %broadcast_in_dim3A_48, %max3A_42, %broadcast_in_dim3A_49 : vector<512x512xi1>, vector<512x512xf32>
    %slice3A = vector.extract_strided_slice %select_n3A {offsets = [0, 0], sizes = [512, 128], strides = [1, 1]} : vector<512x512xf32> to vector<512x128xf32>
    %swap3A = arith.constant 0 : index
    %swap3A_50 = arith.constant 0 : index
    %swap3A_51 = arith.constant 0 : index
    %swap3A_52 = vector.load %arg7[%swap3A, %swap3A_50, %swap3A_51] : memref<4x512x128xf32, #tpu.memory_space<vmem>>, vector<1x512x128xf32>
    %swap3A_53 = vector.shape_cast %swap3A_52 : vector<1x512x128xf32> to vector<512x128xf32>
    %swap3A_54 = vector.shape_cast %slice3A : vector<512x128xf32> to vector<1x512x128xf32>
    tpu.vector_store %arg7[%swap3A, %swap3A_50, %swap3A_51], %swap3A_54 {strides = array<i32>} : memref<4x512x128xf32, #tpu.memory_space<vmem>>, vector<1x512x128xf32>,
    %slice3A_55 = vector.extract_strided_slice %select_n3A {offsets = [0, 128], sizes = [512, 128], strides = [1, 1]} : vector<512x512xf32> to vector<512x128xf32>
    %swap3A_56 = arith.constant 1 : index
    %swap3A_57 = arith.constant 0 : index
    %swap3A_58 = arith.constant 0 : index
    %swap3A_59 = vector.load %arg7[%swap3A_56, %swap3A_57, %swap3A_58] : memref<4x512x128xf32, #tpu.memory_space<vmem>>, vector<1x512x128xf32>
    %swap3A_60 = vector.shape_cast %swap3A_59 : vector<1x512x128xf32> to vector<512x128xf32>
    %swap3A_61 = vector.shape_cast %slice3A_55 : vector<512x128xf32> to vector<1x512x128xf32>
    tpu.vector_store %arg7[%swap3A_56, %swap3A_57, %swap3A_58], %swap3A_61 {strides = array<i32>} : memref<4x512x128xf32, #tpu.memory_space<vmem>>, vector<1x512x128xf32>,
    %slice3A_62 = vector.extract_strided_slice %select_n3A {offsets = [0, 256], sizes = [512, 128], strides = [1, 1]} : vector<512x512xf32> to vector<512x128xf32>
    %swap3A_63 = arith.constant 2 : index
    %swap3A_64 = arith.constant 0 : index
    %swap3A_65 = arith.constant 0 : index
    %swap3A_66 = vector.load %arg7[%swap3A_63, %swap3A_64, %swap3A_65] : memref<4x512x128xf32, #tpu.memory_space<vmem>>, vector<1x512x128xf32>
    %swap3A_67 = vector.shape_cast %swap3A_66 : vector<1x512x128xf32> to vector<512x128xf32>
    %swap3A_68 = vector.shape_cast %slice3A_62 : vector<512x128xf32> to vector<1x512x128xf32>
    tpu.vector_store %arg7[%swap3A_63, %swap3A_64, %swap3A_65], %swap3A_68 {strides = array<i32>} : memref<4x512x128xf32, #tpu.memory_space<vmem>>, vector<1x512x128xf32>,
    %slice3A_69 = vector.extract_strided_slice %select_n3A {offsets = [0, 384], sizes = [512, 128], strides = [1, 1]} : vector<512x512xf32> to vector<512x128xf32>
    %swap3A_70 = arith.constant 3 : index
    %swap3A_71 = arith.constant 0 : index
    %swap3A_72 = arith.constant 0 : index
    %swap3A_73 = vector.load %arg7[%swap3A_70, %swap3A_71, %swap3A_72] : memref<4x512x128xf32, #tpu.memory_space<vmem>>, vector<1x512x128xf32>
    %swap3A_74 = vector.shape_cast %swap3A_73 : vector<1x512x128xf32> to vector<512x128xf32>
    %swap3A_75 = vector.shape_cast %slice3A_69 : vector<512x128xf32> to vector<1x512x128xf32>
    tpu.vector_store %arg7[%swap3A_70, %swap3A_71, %swap3A_72], %swap3A_75 {strides = array<i32>} : memref<4x512x128xf32, #tpu.memory_space<vmem>>, vector<1x512x128xf32>,
    %swap3A_76 = arith.constant 0 : index
    %swap3A_77 = arith.constant 0 : index
    %swap3A_78 = vector.load %arg8[%swap3A_76, %swap3A_77] : memref<512x128xf32, #tpu.memory_space<vmem>>, vector<512x128xf32>
    tpu.vector_store %arg8[%swap3A_76, %swap3A_77], %max3A_10 {strides = array<i32>} : memref<512x128xf32, #tpu.memory_space<vmem>>, vector<512x128xf32>,
    return
  }
  func.func @transform_0(%arg0: i32) -> (i32, i32) {
    %c0_i32 = arith.constant 0 : i32
    %c0_i32_0 = arith.constant 0 : i32
    return %arg0, %c0_i32 : i32, i32
  }
  func.func @transform_1(%arg0: i32) -> (i32, i32, i32) {
    %c0_i32 = arith.constant 0 : i32
    %c0_i32_0 = arith.constant 0 : i32
    %c0_i32_1 = arith.constant 0 : i32
    return %c0_i32, %arg0, %c0_i32_0 : i32, i32, i32
  }
  func.func @transform_2(%arg0: i32) -> (i32, i32, i32) {
    %c0_i32 = arith.constant 0 : i32
    %c0_i32_0 = arith.constant 0 : i32
    %c0_i32_1 = arith.constant 0 : i32
    return %c0_i32, %arg0, %c0_i32_0 : i32, i32, i32
  }
  func.func @transform_3(%arg0: i32) -> (i32, i32) {
    %c0_i32 = arith.constant 0 : i32
    %c0_i32_0 = arith.constant 0 : i32
    %c0_i32_1 = arith.constant 0 : i32
    return %c0_i32, %c0_i32_0 : i32, i32
  }
  func.func @transform_4(%arg0: i32) -> (i32, i32) {
    %c0_i32 = arith.constant 0 : i32
    %c0_i32_0 = arith.constant 0 : i32
    %c0_i32_1 = arith.constant 0 : i32
    return %c0_i32, %c0_i32_0 : i32, i32
  }
  func.func @transform_5(%arg0: i32) -> (i32, i32) {
    %c0_i32 = arith.constant 0 : i32
    %c0_i32_0 = arith.constant 0 : i32
    %c0_i32_1 = arith.constant 0 : i32
    return %c0_i32, %c0_i32_0 : i32, i32
  }
  func.func @transform_6(%arg0: i32) -> (i32, i32, i32) {
    %c0_i32 = arith.constant 0 : i32
    %c0_i32_0 = arith.constant 0 : i32
    %c0_i32_1 = arith.constant 0 : i32
    return %c0_i32, %arg0, %c0_i32_0 : i32, i32, i32
  }
  func.func @transform_7(%arg0: i32) -> (i32, i32) {
    %c0_i32 = arith.constant 0 : i32
    %c0_i32_0 = arith.constant 0 : i32
    return %arg0, %c0_i32 : i32, i32
  }
}

module attributes {stable_mosaic.version = 14 : i64} {
  func.func @_t2_body(%arg0: i32, %arg1: memref<4x512x128xf32, #tpu.memory_space<vmem>>, %arg2: memref<4x512x128xf32, #tpu.memory_space<vmem>>, %arg3: memref<512x128xf32, #tpu.memory_space<vmem>>, %arg4: memref<1x1x512xi32, #tpu.memory_space<vmem>>, %arg5: memref<512x512xf32, #tpu.memory_space<vmem>>, %arg6: memref<512x512xf32, #tpu.memory_space<vmem>>, %arg7: memref<1x512xf32, #tpu.memory_space<vmem>>, %arg8: memref<512x256xf32, #tpu.memory_space<vmem>>, %arg9: memref<1x256xf32, #tpu.memory_space<vmem>>, %arg10: memref<128x256xf32, #tpu.memory_space<vmem>>, %arg11: memref<128x512xf32, #tpu.memory_space<vmem>>, %arg12: memref<128x512xf32, #tpu.memory_space<vmem>>, %arg13: memref<128x128xf32, #tpu.memory_space<vmem>>) attributes {dimension_semantics = [#tpu.dimension_semantics<arbitrary>], iteration_bounds = array<i64: 20>, scalar_prefetch = 0 : i64, scratch_operands = 2 : i64, tpu.core_type = #tpu.core_type<tc>, window_params = [{transform_indices = @transform_0, window_bounds = array<i64: 4, 512, 128>}, {transform_indices = @transform_1, window_bounds = array<i64: 4, 512, 128>}, {transform_indices = @transform_2, window_bounds = array<i64: 512, 128>}, {transform_indices = @transform_3, window_bounds = array<i64: 1, 1, 512>}, {pipeline_mode = #tpu.pipeline_mode<synchronous>, transform_indices = @transform_4, window_bounds = array<i64: 512, 512>}, {pipeline_mode = #tpu.pipeline_mode<synchronous>, transform_indices = @transform_5, window_bounds = array<i64: 512, 512>}, {pipeline_mode = #tpu.pipeline_mode<synchronous>, transform_indices = @transform_6, window_bounds = array<i64: 1, 512>}, {pipeline_mode = #tpu.pipeline_mode<synchronous>, transform_indices = @transform_7, window_bounds = array<i64: 512, 256>}, {pipeline_mode = #tpu.pipeline_mode<synchronous>, transform_indices = @transform_8, window_bounds = array<i64: 1, 256>}, {pipeline_mode = #tpu.pipeline_mode<synchronous>, transform_indices = @transform_9, window_bounds = array<i64: 128, 256>}, {pipeline_mode = #tpu.pipeline_mode<synchronous>, transform_indices = @transform_10, window_bounds = array<i64: 128, 512>}]} {
    %eq3A = arith.constant 0 : i32
    %eq3A_0 = arith.cmpi eq, %arg0, %eq3A : i32
    %convert_element_type3A = arith.extui %eq3A_0 : i1 to i32
    %cond3A = arith.constant 0 : i32
    %cond3A_1 = arith.cmpi ne, %convert_element_type3A, %cond3A : i32
    scf.if %cond3A_1 {
      %broadcast_in_dim3A_105 = arith.constant 0.000000e+00 : f32
      %broadcast_in_dim3A_106 = vector.broadcast %broadcast_in_dim3A_105 : f32 to vector<128x512xf32>
      %swap3A_107 = arith.constant 0 : index
      %swap3A_108 = arith.constant 0 : index
      %swap3A_109 = vector.load %arg12[%swap3A_107, %swap3A_108] : memref<128x512xf32, #tpu.memory_space<vmem>>, vector<128x512xf32>
      tpu.vector_store %arg12[%swap3A_107, %swap3A_108], %broadcast_in_dim3A_106 {strides = array<i32>} : memref<128x512xf32, #tpu.memory_space<vmem>>, vector<128x512xf32>,
      %broadcast_in_dim3A_110 = arith.constant 0.000000e+00 : f32
      %broadcast_in_dim3A_111 = vector.broadcast %broadcast_in_dim3A_110 : f32 to vector<128x128xf32>
      %swap3A_112 = arith.constant 0 : index
      %swap3A_113 = arith.constant 0 : index
      %swap3A_114 = vector.load %arg13[%swap3A_112, %swap3A_113] : memref<128x128xf32, #tpu.memory_space<vmem>>, vector<128x128xf32>
      tpu.vector_store %arg13[%swap3A_112, %swap3A_113], %broadcast_in_dim3A_111 {strides = array<i32>} : memref<128x128xf32, #tpu.memory_space<vmem>>, vector<128x128xf32>,
    } else {
    }
    %get3A = arith.constant 0 : index
    %get3A_2 = arith.constant 0 : index
    %get3A_3 = vector.load %arg3[%get3A, %get3A_2] : memref<512x128xf32, #tpu.memory_space<vmem>>, vector<512x128xf32>
    %get3A_4 = arith.constant 0 : index
    %get3A_5 = arith.constant 0 : index
    %get3A_6 = arith.constant 0 : index
    %get3A_7 = vector.load %arg2[%get3A_4, %get3A_5, %get3A_6] : memref<4x512x128xf32, #tpu.memory_space<vmem>>, vector<1x512x128xf32>
    %get3A_8 = vector.shape_cast %get3A_7 : vector<1x512x128xf32> to vector<512x128xf32>
    %div3A = arith.divf %get3A_8, %get3A_3 : vector<512x128xf32>
    %get3A_9 = arith.constant 1 : index
    %get3A_10 = arith.constant 0 : index
    %get3A_11 = arith.constant 0 : index
    %get3A_12 = vector.load %arg2[%get3A_9, %get3A_10, %get3A_11] : memref<4x512x128xf32, #tpu.memory_space<vmem>>, vector<1x512x128xf32>
    %get3A_13 = vector.shape_cast %get3A_12 : vector<1x512x128xf32> to vector<512x128xf32>
    %div3A_14 = arith.divf %get3A_13, %get3A_3 : vector<512x128xf32>
    %get3A_15 = arith.constant 2 : index
    %get3A_16 = arith.constant 0 : index
    %get3A_17 = arith.constant 0 : index
    %get3A_18 = vector.load %arg2[%get3A_15, %get3A_16, %get3A_17] : memref<4x512x128xf32, #tpu.memory_space<vmem>>, vector<1x512x128xf32>
    %get3A_19 = vector.shape_cast %get3A_18 : vector<1x512x128xf32> to vector<512x128xf32>
    %div3A_20 = arith.divf %get3A_19, %get3A_3 : vector<512x128xf32>
    %get3A_21 = arith.constant 3 : index
    %get3A_22 = arith.constant 0 : index
    %get3A_23 = arith.constant 0 : index
    %get3A_24 = vector.load %arg2[%get3A_21, %get3A_22, %get3A_23] : memref<4x512x128xf32, #tpu.memory_space<vmem>>, vector<1x512x128xf32>
    %get3A_25 = vector.shape_cast %get3A_24 : vector<1x512x128xf32> to vector<512x128xf32>
    %div3A_26 = arith.divf %get3A_25, %get3A_3 : vector<512x128xf32>
    %concatenate3A = tpu.concatenate %div3A, %div3A_14, %div3A_20, %div3A_26 in 1 : vector<512x128xf32>, vector<512x128xf32>, vector<512x128xf32>, vector<512x128xf32> -> vector<512x512xf32>
    %get3A_27 = arith.constant 0 : index
    %get3A_28 = arith.constant 0 : index
    %get3A_29 = arith.constant 0 : index
    %get3A_30 = vector.load %arg1[%get3A_27, %get3A_28, %get3A_29] : memref<4x512x128xf32, #tpu.memory_space<vmem>>, vector<1x512x128xf32>
    %get3A_31 = vector.shape_cast %get3A_30 : vector<1x512x128xf32> to vector<512x128xf32>
    %get3A_32 = arith.constant 1 : index
    %get3A_33 = arith.constant 0 : index
    %get3A_34 = arith.constant 0 : index
    %get3A_35 = vector.load %arg1[%get3A_32, %get3A_33, %get3A_34] : memref<4x512x128xf32, #tpu.memory_space<vmem>>, vector<1x512x128xf32>
    %get3A_36 = vector.shape_cast %get3A_35 : vector<1x512x128xf32> to vector<512x128xf32>
    %get3A_37 = arith.constant 2 : index
    %get3A_38 = arith.constant 0 : index
    %get3A_39 = arith.constant 0 : index
    %get3A_40 = vector.load %arg1[%get3A_37, %get3A_38, %get3A_39] : memref<4x512x128xf32, #tpu.memory_space<vmem>>, vector<1x512x128xf32>
    %get3A_41 = vector.shape_cast %get3A_40 : vector<1x512x128xf32> to vector<512x128xf32>
    %get3A_42 = arith.constant 3 : index
    %get3A_43 = arith.constant 0 : index
    %get3A_44 = arith.constant 0 : index
    %get3A_45 = vector.load %arg1[%get3A_42, %get3A_43, %get3A_44] : memref<4x512x128xf32, #tpu.memory_space<vmem>>, vector<1x512x128xf32>
    %get3A_46 = vector.shape_cast %get3A_45 : vector<1x512x128xf32> to vector<512x128xf32>
    %concatenate3A_47 = tpu.concatenate %get3A_31, %get3A_36, %get3A_41, %get3A_46 in 1 : vector<512x128xf32>, vector<512x128xf32>, vector<512x128xf32>, vector<512x128xf32> -> vector<512x512xf32>
    %get3A_48 = arith.constant 0 : index
    %get3A_49 = arith.constant 0 : index
    %get3A_50 = vector.load %arg5[%get3A_48, %get3A_49] : memref<512x512xf32, #tpu.memory_space<vmem>>, vector<512x512xf32>
    %dot_general3A = arith.constant dense<0.000000e+00> : vector<512x512xf32>
    %dot_general3A_51 = tpu.matmul %concatenate3A, %get3A_50, %dot_general3A {dimension_numbers = #tpu.dot_dimension_numbers<[1], [0], [0], [1], [0, 0, 1, 1], [], []>, transpose_lhs_hint = false} : vector<512x512xf32>, vector<512x512xf32>, vector<512x512xf32> -> vector<512x512xf32>
    %get3A_52 = arith.constant 0 : index
    %get3A_53 = arith.constant 0 : index
    %get3A_54 = vector.load %arg6[%get3A_52, %get3A_53] : memref<512x512xf32, #tpu.memory_space<vmem>>, vector<512x512xf32>
    %dot_general3A_55 = arith.constant dense<0.000000e+00> : vector<512x512xf32>
    %dot_general3A_56 = tpu.matmul %concatenate3A_47, %get3A_54, %dot_general3A_55 {dimension_numbers = #tpu.dot_dimension_numbers<[1], [0], [0], [1], [0, 0, 1, 1], [], []>, transpose_lhs_hint = false} : vector<512x512xf32>, vector<512x512xf32>, vector<512x512xf32> -> vector<512x512xf32>
    %add3A = arith.addf %dot_general3A_51, %dot_general3A_56 : vector<512x512xf32>
    %get3A_57 = arith.constant 0 : index
    %get3A_58 = arith.constant 0 : index
    %get3A_59 = vector.load %arg7[%get3A_57, %get3A_58] : memref<1x512xf32, #tpu.memory_space<vmem>>, vector<1x512xf32>
    %add3A_60 = vector.broadcast %get3A_59 : vector<1x512xf32> to vector<512x512xf32>
    %add3A_61 = arith.addf %add3A, %add3A_60 : vector<512x512xf32>
    %max3A = arith.constant 0.000000e+00 : f32
    %max3A_62 = vector.broadcast %max3A : f32 to vector<512x512xf32>
    %max3A_63 = arith.maximumf %add3A_61, %max3A_62 : vector<512x512xf32>
    %iota3A = tpu.iota {dimensions = array<i32: 0>} : vector<512x1xi32>
    %mul3A = arith.constant 512 : i32
    %mul3A_64 = arith.muli %arg0, %mul3A : i32
    %add3A_65 = vector.broadcast %mul3A_64 : i32 to vector<512x1xi32>
    %add3A_66 = arith.addi %iota3A, %add3A_65 : vector<512x1xi32>
    %lt3A = arith.constant 10000 : i32
    %lt3A_67 = vector.broadcast %lt3A : i32 to vector<512x1xi32>
    %lt3A_68 = arith.cmpi slt, %add3A_66, %lt3A_67 : vector<512x1xi32>
    %jit3A = arith.constant 0.000000e+00 : f32
    %broadcast_in_dim3A = vector.shape_cast %lt3A_68 : vector<512x1xi1> to vector<512x1xi1>
    %broadcast_in_dim3A_69 = vector.broadcast %broadcast_in_dim3A : vector<512x1xi1> to vector<512x512xi1>
    %broadcast_in_dim3A_70 = vector.broadcast %jit3A : f32 to vector<512x512xf32>
    %select_n3A = arith.select %broadcast_in_dim3A_69, %max3A_63, %broadcast_in_dim3A_70 : vector<512x512xi1>, vector<512x512xf32>
    %get3A_71 = arith.constant 0 : index
    %get3A_72 = arith.constant 0 : index
    %get3A_73 = arith.constant 0 : index
    %get3A_74 = vector.load %arg4[%get3A_71, %get3A_72, %get3A_73] : memref<1x1x512xi32, #tpu.memory_space<vmem>>, vector<1x1x512xi32>
    %get3A_75 = vector.shape_cast %get3A_74 : vector<1x1x512xi32> to vector<1x512xi32>
    %iota3A_76 = tpu.iota {dimensions = array<i32: 0>} : vector<128x512xi32>
    %eq3A_77 = vector.broadcast %get3A_75 : vector<1x512xi32> to vector<128x512xi32>
    %eq3A_78 = arith.cmpi eq, %iota3A_76, %eq3A_77 : vector<128x512xi32>
    %convert_element_type3A_79 = arith.extui %eq3A_78 : vector<128x512xi1> to vector<128x512xi32>
    %convert_element_type3A_80 = arith.sitofp %convert_element_type3A_79 : vector<128x512xi32> to vector<128x512xf32>
    %get3A_81 = arith.constant 0 : index
    %get3A_82 = arith.constant 0 : index
    %get3A_83 = vector.load %arg12[%get3A_81, %get3A_82] : memref<128x512xf32, #tpu.memory_space<vmem>>, vector<128x512xf32>
    %dot_general3A_84 = arith.constant dense<0.000000e+00> : vector<128x512xf32>
    %dot_general3A_85 = tpu.matmul %convert_element_type3A_80, %select_n3A, %dot_general3A_84 {dimension_numbers = #tpu.dot_dimension_numbers<[1], [0], [0], [1], [0, 0, 1, 1], [], []>, transpose_lhs_hint = false} : vector<128x512xf32>, vector<512x512xf32>, vector<128x512xf32> -> vector<128x512xf32>
    %add3A_86 = arith.addf %get3A_83, %dot_general3A_85 : vector<128x512xf32>
    %swap3A = arith.constant 0 : index
    %swap3A_87 = arith.constant 0 : index
    %swap3A_88 = vector.load %arg12[%swap3A, %swap3A_87] : memref<128x512xf32, #tpu.memory_space<vmem>>, vector<128x512xf32>
    tpu.vector_store %arg12[%swap3A, %swap3A_87], %add3A_86 {strides = array<i32>} : memref<128x512xf32, #tpu.memory_space<vmem>>, vector<128x512xf32>,
    %get3A_89 = arith.constant 0 : index
    %get3A_90 = arith.constant 0 : index
    %get3A_91 = vector.load %arg13[%get3A_89, %get3A_90] : memref<128x128xf32, #tpu.memory_space<vmem>>, vector<128x128xf32>
    %broadcast_in_dim3A_92 = arith.constant 1.000000e+00 : f32
    %broadcast_in_dim3A_93 = vector.broadcast %broadcast_in_dim3A_92 : f32 to vector<512x128xf32>
    %dot_general3A_94 = arith.constant dense<0.000000e+00> : vector<128x128xf32>
    %dot_general3A_95 = tpu.matmul %convert_element_type3A_80, %broadcast_in_dim3A_93, %dot_general3A_94 {dimension_numbers = #tpu.dot_dimension_numbers<[1], [0], [0], [1], [0, 0, 1, 1], [], []>, transpose_lhs_hint = false} : vector<128x512xf32>, vector<512x128xf32>, vector<128x128xf32> -> vector<128x128xf32>
    %add3A_96 = arith.addf %get3A_91, %dot_general3A_95 : vector<128x128xf32>
    %swap3A_97 = arith.constant 0 : index
    %swap3A_98 = arith.constant 0 : index
    %swap3A_99 = vector.load %arg13[%swap3A_97, %swap3A_98] : memref<128x128xf32, #tpu.memory_space<vmem>>, vector<128x128xf32>
    tpu.vector_store %arg13[%swap3A_97, %swap3A_98], %add3A_96 {strides = array<i32>} : memref<128x128xf32, #tpu.memory_space<vmem>>, vector<128x128xf32>,
    %eq3A_100 = arith.constant 19 : i32
    %eq3A_101 = arith.cmpi eq, %arg0, %eq3A_100 : i32
    %convert_element_type3A_102 = arith.extui %eq3A_101 : i1 to i32
    %cond3A_103 = arith.constant 0 : i32
    %cond3A_104 = arith.cmpi ne, %convert_element_type3A_102, %cond3A_103 : i32
    scf.if %cond3A_104 {
      %get3A_105 = arith.constant 0 : index
      %get3A_106 = arith.constant 0 : index
      %get3A_107 = vector.load %arg13[%get3A_105, %get3A_106] : memref<128x128xf32, #tpu.memory_space<vmem>>, vector<128x128xf32>
      %max3A_108 = arith.constant 1.000000e+00 : f32
      %max3A_109 = vector.broadcast %max3A_108 : f32 to vector<128x128xf32>
      %max3A_110 = arith.maximumf %get3A_107, %max3A_109 : vector<128x128xf32>
      %get3A_111 = arith.constant 0 : index
      %get3A_112 = arith.constant 0 : index
      %get3A_113 = vector.load %arg12[%get3A_111, %get3A_112] : memref<128x512xf32, #tpu.memory_space<vmem>>, vector<128x512xf32>
      %concatenate3A_114 = tpu.concatenate %max3A_110, %max3A_110, %max3A_110, %max3A_110 in 1 : vector<128x128xf32>, vector<128x128xf32>, vector<128x128xf32>, vector<128x128xf32> -> vector<128x512xf32>
      %div3A_115 = arith.divf %get3A_113, %concatenate3A_114 : vector<128x512xf32>
      %swap3A_116 = arith.constant 0 : index
      %swap3A_117 = arith.constant 0 : index
      %swap3A_118 = vector.load %arg11[%swap3A_116, %swap3A_117] : memref<128x512xf32, #tpu.memory_space<vmem>>, vector<128x512xf32>
      tpu.vector_store %arg11[%swap3A_116, %swap3A_117], %div3A_115 {strides = array<i32>} : memref<128x512xf32, #tpu.memory_space<vmem>>, vector<128x512xf32>,
      %get3A_119 = arith.constant 0 : index
      %get3A_120 = arith.constant 0 : index
      %get3A_121 = vector.load %arg8[%get3A_119, %get3A_120] : memref<512x256xf32, #tpu.memory_space<vmem>>, vector<512x256xf32>
      %dot_general3A_122 = arith.constant dense<0.000000e+00> : vector<128x256xf32>
      %dot_general3A_123 = tpu.matmul %div3A_115, %get3A_121, %dot_general3A_122 {dimension_numbers = #tpu.dot_dimension_numbers<[1], [0], [0], [1], [0, 0, 1, 1], [], []>, transpose_lhs_hint = false} : vector<128x512xf32>, vector<512x256xf32>, vector<128x256xf32> -> vector<128x256xf32>
      %get3A_124 = arith.constant 0 : index
      %get3A_125 = arith.constant 0 : index
      %get3A_126 = vector.load %arg9[%get3A_124, %get3A_125] : memref<1x256xf32, #tpu.memory_space<vmem>>, vector<1x256xf32>
      %add3A_127 = vector.broadcast %get3A_126 : vector<1x256xf32> to vector<128x256xf32>
      %add3A_128 = arith.addf %dot_general3A_123, %add3A_127 : vector<128x256xf32>
      %swap3A_129 = arith.constant 0 : index
      %swap3A_130 = arith.constant 0 : index
      %swap3A_131 = vector.load %arg10[%swap3A_129, %swap3A_130] : memref<128x256xf32, #tpu.memory_space<vmem>>, vector<128x256xf32>
      tpu.vector_store %arg10[%swap3A_129, %swap3A_130], %add3A_128 {strides = array<i32>} : memref<128x256xf32, #tpu.memory_space<vmem>>, vector<128x256xf32>,
    } else {
    }
    return
  }
  func.func @transform_0(%arg0: i32) -> (i32, i32, i32) {
    %c0_i32 = arith.constant 0 : i32
    %c0_i32_0 = arith.constant 0 : i32
    %c0_i32_1 = arith.constant 0 : i32
    return %c0_i32, %arg0, %c0_i32_0 : i32, i32, i32
  }
  func.func @transform_1(%arg0: i32) -> (i32, i32, i32) {
    %c0_i32 = arith.constant 0 : i32
    %c0_i32_0 = arith.constant 0 : i32
    %c0_i32_1 = arith.constant 0 : i32
    return %c0_i32, %arg0, %c0_i32_0 : i32, i32, i32
  }
  func.func @transform_2(%arg0: i32) -> (i32, i32) {
    %c0_i32 = arith.constant 0 : i32
    %c0_i32_0 = arith.constant 0 : i32
    return %arg0, %c0_i32 : i32, i32
  }
  func.func @transform_3(%arg0: i32) -> (i32, i32, i32) {
    %c0_i32 = arith.constant 0 : i32
    %c0_i32_0 = arith.constant 0 : i32
    %c0_i32_1 = arith.constant 0 : i32
    return %arg0, %c0_i32, %c0_i32_0 : i32, i32, i32
  }
  func.func @transform_4(%arg0: i32) -> (i32, i32) {
    %c0_i32 = arith.constant 0 : i32
    %c0_i32_0 = arith.constant 0 : i32
    %c0_i32_1 = arith.constant 0 : i32
    return %c0_i32, %c0_i32_0 : i32, i32
  }
  func.func @transform_5(%arg0: i32) -> (i32, i32) {
    %c0_i32 = arith.constant 0 : i32
    %c0_i32_0 = arith.constant 0 : i32
    %c0_i32_1 = arith.constant 0 : i32
    return %c0_i32, %c0_i32_0 : i32, i32
  }
  func.func @transform_6(%arg0: i32) -> (i32, i32) {
    %c0_i32 = arith.constant 0 : i32
    %c0_i32_0 = arith.constant 0 : i32
    %c0_i32_1 = arith.constant 0 : i32
    return %c0_i32, %c0_i32_0 : i32, i32
  }
  func.func @transform_7(%arg0: i32) -> (i32, i32) {
    %c0_i32 = arith.constant 0 : i32
    %c0_i32_0 = arith.constant 0 : i32
    %c0_i32_1 = arith.constant 0 : i32
    return %c0_i32, %c0_i32_0 : i32, i32
  }
  func.func @transform_8(%arg0: i32) -> (i32, i32) {
    %c0_i32 = arith.constant 0 : i32
    %c0_i32_0 = arith.constant 0 : i32
    %c0_i32_1 = arith.constant 0 : i32
    return %c0_i32, %c0_i32_0 : i32, i32
  }
  func.func @transform_9(%arg0: i32) -> (i32, i32) {
    %c0_i32 = arith.constant 0 : i32
    %c0_i32_0 = arith.constant 0 : i32
    %c0_i32_1 = arith.constant 0 : i32
    return %c0_i32, %c0_i32_0 : i32, i32
  }
  func.func @transform_10(%arg0: i32) -> (i32, i32) {
    %c0_i32 = arith.constant 0 : i32
    %c0_i32_0 = arith.constant 0 : i32
    %c0_i32_1 = arith.constant 0 : i32
    return %c0_i32, %c0_i32_0 : i32, i32
  }
}

</mosaic_0001>

<sc_bundles>
// kernel: kernel.6.cloned.1.call-start
scs
__scs_entry_jumppad:
0x0: {  	(pc) =	sbr.rel $0x88, $3  }
0x1: {  	(tag) =	ssettag $0x0;
	lr =	simm.s32 $0x1  }
0x2: {  	[smem:$0x3F96] =	sst lr;
	_ =	strace $0xD0000000  }
0x3: {  	_ = 	snop  }
0x4: {  	_ = 	snop  }
0x5: {  	_ = 	snop  }
0x6: {  	_ = 	snop  }
0x7: {  	_ = 	snop  }
__scs_overlays_trampoline_lowered:
0x8: {  	[smem:$0x3FA5] =	sst s0  }
0x9: {  	[smem:$0x3FA6] =	sst s1  }
0xa: {  	[smem:$0x3FA7] =	sst s2  }
0xb: {  	[smem:$0x3FA8] =	sst s3  }
0xc: {  	[smem:$0x3FA9] =	sst s4  }
0xd: {  	[smem:$0x3FAA] =	sst s5  }
0xe: {  	[smem:$0x3FAB] =	sst s6  }
0xf: {  	[smem:$0x3FAC] =	sst s7  }
0x10: {  	[smem:$0x3FAD] =	sst s8  }
0x11: {  	[smem:$0x3FAE] =	sst s9;
	s0 =	simm.s32 @!p0 $0x0  }
0x12: {  	s1 =	sld [smem:$0x3F94];
	s0 =	simm.s32 @p0 $0x1  }
0x13: {  	[smem:$0x3FAF] =	sst s0;
	s0 =	simm.s32 @!p1 $0x0  }
0x14: {  	s2 =	sld [smem:$0x3F93];
	s0 =	simm.s32 @p1 $0x1  }
0x15: {  	[smem:$0x3FB0] =	sst s0;
	s0 =	simm.s32 @!p2 $0x0  }
0x16: {  	s3 =	sld [smem:$0x3FDB];
	s0 =	simm.s32 @p2 $0x1  }
0x17: {  	s4 =	simm.s32 $0x1BF5;
	[smem:$0x3FB2] =	sst s0  }
0x18: {  	s0 =	sld [smem:$0x3F95];
	_ =	swait.ge [sflag:s4], $0x0  }
0x19: {  	s7 =	sld [smem:$0x3F96]  }
0x1a: {  	s8 =	sadd.s32 $0xFFFFE003, lr  }
0x1b: {  	s9 =	sadd.s32 $0xFFFFFEF7, lr;
	s5 =	simm.s32 $0xFFFFFFFF;
	p2 =	slt.u32 s8, $0xFFFFF086  }
0x1c: {  	p1 =	slt.u32 s9, $0xF7A;
	s5 =	simm.s32 @!p2 $0x0  }
0x1d: {  	s5 =	simm.s32 @p1 $0x1;
	p0 =	seq.s32 s7, s2  }
0x1e: {  	s7 =	smul.u32 @!p0 $0xF7A, s2;
	p2 =	seq.s32 @!p0 s5, $0x0  }
0x1f: {  	s9 =	smul.u32 $0xF7A, s1;
	s8 =	simm.s32 @!p0 $0x1BF5;
	p2 =	por !p2, p0  }
0x20: {  	[sflag:s8] =	ssyncset.s32 @!p0 $0xFFFFF086;
	s6 =	sadd.s32 @!p0 s3, s7;
	s7 =	simm.s32 @!p0 $0x108  }
0x21: {  	s3 =	sadd.s32 s3, s9;
	s6 =	sadd.s32 @!p0 $0x88, s6;
	s7 =	simm.s32 @p2 $0x1082  }
0x22: {  	[simem:s7], [sflag:s8] =	dma.local @!p0 [hbm:s6], $0xF7A  }
0x23: {  	s9 =	sor.u32 $0xD0000000, s2;
	s6 =	simm.s32 $0x108;
	_ =	swait.ge @!p0 [sflag:s8], $0x0  }
0x24: {  	s3 =	sadd.s32 $0x88, s3;
	s6 =	simm.s32 @!p1 $0x1082;
	[sflag:s4] =	ssyncset.s32 $0xFFFFF086  }
0x25: {  	[simem:s6], [sflag:s4] =	dma.local [hbm:s3], $0xF7A  }
0x26: {  	[smem:$0x3F96] =	sst s1;
	(tag) =	ssettag s2;
	_ =	strace s9  }
0x27: {  	s1 =	sld [smem:$0x3FA6]  }
0x28: {  	s2 =	sld [smem:$0x3FA7]  }
0x29: {  	s4 =	sld [smem:$0x3FA9]  }
0x2a: {  	p0 =	seq.s32 s5, $0x0;
	s5 =	sld [smem:$0x3FAA]  }
0x2b: {  	s6 =	sld [smem:$0x3FAB]  }
0x2c: {  	s7 =	sld [smem:$0x3FAC]  }
0x2d: {  	s3 =	simm.s32 $0x108;
	s8 =	sld [smem:$0x3FAD]  }
0x2e: {  	s3 =	simm.s32 @!p0 $0x1082;
	s9 =	sld [smem:$0x3FAE]  }
0x2f: {  	lr =	sadd.s32 s0, s3;
	s0 =	sld [smem:$0x3FA5]  }
0x30: {  	s3 =	sld [smem:$0x3FA8]  }
0x31: {  	[smem:$0x3FB1] =	sst s10  }
0x32: {  	s10 =	sld [smem:$0x3FAF];
	_ =	sdelay $0x3  }
0x33: {  	p0 =	seq.s32 s10, $0x1;
	s10 =	sld [smem:$0x3FB1];
	_ =	sdelay $0x3  }
0x34: {  	[smem:$0x3FB1] =	sst s10  }
0x35: {  	s10 =	sld [smem:$0x3FB0];
	_ =	sdelay $0x3  }
0x36: {  	p1 =	seq.s32 s10, $0x1;
	s10 =	sld [smem:$0x3FB1];
	_ =	sdelay $0x3  }
0x37: {  	[smem:$0x3FB1] =	sst s10  }
0x38: {  	s10 =	sld [smem:$0x3FB2]  }
0x39: {  	_ = 	snop;
	(pc) =	sbr.ind lr, $3  }
0x3a: {  	_ = 	snop  }
0x3b: {  	_ = 	snop  }
0x3c: {  	p2 =	seq.s32 s10, $0x1;
	s10 =	sld [smem:$0x3FB1]  }
0x3d: {  	_ =	shalt  }
0x3e: {  	_ =	shalt  }
0x3f: {  	_ =	shalt  }
0x40: {  	_ =	shalt  }
0x41: {  	_ =	shalt  }
0x42: {  	_ =	shalt  }
0x43: {  	_ =	shalt  }
0x44: {  	_ =	shalt  }
0x45: {  	_ =	shalt  }
0x46: {  	_ =	shalt  }
0x47: {  	_ =	shalt  }
0x48: {  	_ =	shalt  }
0x49: {  	_ =	shalt  }
0x4a: {  	_ =	shalt  }
0x4b: {  	_ =	shalt  }
0x4c: {  	_ =	shalt  }
0x4d: {  	_ =	shalt  }
0x4e: {  	_ =	shalt  }
0x4f: {  	_ =	shalt  }
0x50: {  	_ =	shalt  }
0x51: {  	_ =	shalt  }
0x52: {  	_ =	shalt  }
0x53: {  	_ =	shalt  }
0x54: {  	_ =	shalt  }
0x55: {  	_ =	shalt  }
0x56: {  	_ =	shalt  }
0x57: {  	_ =	shalt  }
0x58: {  	_ =	shalt  }
0x59: {  	_ =	shalt  }
0x5a: {  	_ =	shalt  }
0x5b: {  	_ =	shalt  }
0x5c: {  	_ =	shalt  }
0x5d: {  	_ =	shalt  }
0x5e: {  	_ =	shalt  }
0x5f: {  	_ =	shalt  }
0x60: {  	_ =	shalt  }
0x61: {  	_ =	shalt  }
0x62: {  	_ =	shalt  }
0x63: {  	_ =	shalt  }
0x64: {  	_ =	shalt  }
0x65: {  	_ =	shalt  }
0x66: {  	_ =	shalt  }
0x67: {  	_ =	shalt  }
0x68: {  	_ =	shalt  }
0x69: {  	_ =	shalt  }
0x6a: {  	_ =	shalt  }
0x6b: {  	_ =	shalt  }
0x6c: {  	_ =	shalt  }
0x6d: {  	_ =	shalt  }
0x6e: {  	_ =	shalt  }
0x6f: {  	_ =	shalt  }
0x70: {  	_ =	shalt  }
0x71: {  	_ =	shalt  }
0x72: {  	_ =	shalt  }
0x73: {  	_ =	shalt  }
0x74: {  	_ =	shalt  }
0x75: {  	_ =	shalt  }
0x76: {  	_ =	shalt  }
0x77: {  	_ =	shalt  }
0x78: {  	_ =	shalt  }
0x79: {  	_ =	shalt  }
0x7a: {  	_ =	shalt  }
0x7b: {  	_ =	shalt  }
0x7c: {  	_ =	shalt  }
0x7d: {  	_ =	shalt  }
0x7e: {  	_ =	shalt  }
0x7f: {  	_ =	shalt  }
0x80: {  	_ =	shalt  }
0x81: {  	_ =	shalt  }
0x82: {  	_ =	shalt  }
0x83: {  	_ =	shalt  }
0x84: {  	_ =	shalt  }
0x85: {  	_ =	shalt  }
0x86: {  	_ =	shalt  }
0x87: {  	_ =	shalt  }
.Lfunc_end0:
.L_simem_size_0:
called_computation_lowered:
.L_overlay_start_0:
0x88: {  	s2 =	sld [smem:$0x3FD9]  }
0x89: {  	s3 =	sld [smem:$0x3FFE];
	_ =	sdelay $0x1  }
0x8a: {  	s1 =	srdreg.scid  }
0x8b: {  	s0 =	sand.u32 $0x1, s1  }
0x8c: {  	s14 =	sshll.u32 s0, $0xA;
	s2 =	sadd.s32 s3, s2  }
0x8d: {  	s2 =	sadd.s32 s2, s14  }
0x8e: {  	[smem:$0x3FBD] =	sst s2  }
0x8f: {  	_ = 	snop  }
0x90: {  	s2 =	sld [smem:$0x3FD0];
	_ =	sdelay $0x2  }
0x91: {  	s15 =	simm.s32 $0xA;
	s4 =	simm.s32 $0x10  }
0x92: {  	[smem:s4], [sflag:s15] =	dma.local [hbm:s2], $0x1  }
0x93: {  	_ =	swait.eq [sflag:s15], $0x1  }
0x94: {  	[sflag:s15] =	ssyncset.done $0x0  }
0x95: {  	[sflag:s15] =	ssyncadd.s32 $0xFFFFFFFF  }
0x96: {  	s16 =	sld [smem:$0x10];
	(tm) =	ssettm $0x1  }
0x97: {  	s17 =	sld [smem:$0x3FFB];
	_ =	sdelay $0x3  }
0x98: {  	_ =	strace s17  }
0x99: {  	s3 =	sld [smem:$0x3FFC];
	_ =	sdelay $0x3  }
0x9a: {  	_ =	strace s3  }
0x9b: {  	s3 =	sld [smem:$0x3FFD];
	_ =	sdelay $0x3  }
0x9c: {  	_ =	strace s3  }
0x9d: {  	_ =	strace $0x8FFFFFFF  }
0x9e: {  	s18 =	sld [smem:$0x3FDB];
	_ =	sdelay $0x1  }
0x9f: {  	s19 =	simm.s32 $_scs_section_size  }
0xa0: {  	s5 =	simm.s32 $_size__tile_overlayer_lowered;
	s6 =	simm.s32 $_tile_overlayer_lowered  }
0xa1: {  	s22 =	simm.s32 $0x1BFF;
	s21 =	sshll.u32 s6, $0x1;
	s3 =	sadd.s32 s19, s18  }
0xa2: {  	s7 =	simm.s32 $0x0;
	s20 =	sshll.u32 s5, $0x1;
	s5 =	sadd.s32 s21, s3  }
0xa3: {  	[timem:s7], [sflag:s22] =	dma.local [hbm:s5], s20  }
0xa4: {  	_ =	swait.ge [sflag:s22], s20  }
0xa5: {  	s4 =	ssub.s32 $0x0, s20;
	[sflag:s22] =	ssyncset.done $0x0  }
0xa6: {  	[sflag:s22] =	ssyncadd.s32 s4;
	_ =	sdelay $0x1  }
0xa7: {  	s23 =	simm.s32 $0x1B8B  }
0xa8: {  	_ =	swait.ge [sflag:s23], $0x1  }
0xa9: {  	[sflag:s23] =	ssyncset.done $0x0  }
0xaa: {  	s25 =	simm.s32 $0x1B8E;
	s24 =	sld [smem:$0x3FFE];
	[sflag:s23] =	ssyncadd.s32 $0xFFFFFFFF  }
0xab: {  	s26 =	simm.s32 $execute0_lowered;
	[smem:$0x3FD2] =	sst s25  }
0xac: {  	s5 =	sshll.u32 s26, $0x1;
	_ =	strace $0x80000046;
	[dreg:$0x1] =	wrdreg $0xFFFFFFFF  }
0xad: {  	s28 =	simm.s32 $_size_execute0_lowered;
	s3 =	sadd.s32 s3, s5;
	[dreg:$0x0] =	wrdreg $0x0  }
0xae: {  	s5 =	sshll.u32 s28, $0x1;
	[dreg:$0x2] =	wrdreg s3  }
0xaf: {  	[dreg:$0x3] =	wrdreg s5  }
0xb0: {  	[dreg:$0x4] =	wrdreg $0xC0  }
0xb1: {  	_ =	task [dreg:s7], $0x5FFFF  }
0xb2: {  	[dreg:$0x1] =	wrdreg $0xFFFFFFFF  }
0xb3: {  	[dreg:$0x0] =	wrdreg $0x60  }
0xb4: {  	[dreg:$0x2] =	wrdreg s24  }
0xb5: {  	[dreg:$0x3] =	wrdreg s16  }
0xb6: {  	[dreg:$0x4] =	wrdreg $0x68000  }
0xb7: {  	[dreg:$0x5] =	wrdreg $0x9  }
0xb8: {  	_ =	task.clear_ibuf [dreg:s7], $0x6FFFF;
	_ =	strace $0x90000046  }
0xb9: {  	s29 =	simm.s32 $0x9;
	_ =	strace $0x80000048  }
0xba: {  	_ =	swait.ge [sflag:s29], $0x1  }
0xbb: {  	[sflag:s29] =	ssyncadd.s32 $0xFFFFFFFF  }
0xbc: {  	_ =	strace $0x90000048  }
0xbd: {  	_ =	sfence  }
0xbe: {  	s30 =	sld [smem:$0x0];
	_ =	sdelay $0x2  }
0xbf: {  	s31 =	sshll.u32 s1, $0xD;
	s1 =	sshrl.u32 s1, $0x2  }
0xc0: {  	s3 =	sand.u32 $0x4000, s31;
	s1 =	sadd.s32 s1, s30  }
0xc1: {  	s0 =	sor.u32 s3, s0;
	s1 =	sshll.u32 s1, $0x11  }
0xc2: {  	s0 =	sor.u32 s1, s0  }
0xc3: {  	s0 =	sadd.s32 $0x8F2B, s0  }
0xc4: {  	[sflag:s0] =	ssyncadd.remote.s32 $0x1  }
0xc5: {  	_ =	sfence.sel $0xFFFF  }
0xc6: {  	[dreg:$0x0] =	wrdreg $0xFFFFFFFF;
	(pc) =	sbr.abs _section_cstart, $3  }
0xc7: {  	[dreg:$0x1] =	wrdreg $0xFFFFFFFF  }
0xc8: {  	_ =	task.clear_ibuf [dreg:s7], $0x2FFFF;
	_ =	strace $0x9FFFFFFF  }
0xc9: {  	(tm) =	ssettm $0x7FFFFFFF  }
tec
execute0_lowered:
.L_overlay_start_1:
0x0: {  	(tag) =	ssettag $0x1  }
0x1: {  	s0 =	rddreg [dreg:$0x0];
	s13 =	stileid.u32  }
0x2: {  	s1 =	srdreg.scid;
	s5 =	smul.u32 $0xA0, s13  }
0x3: {  	s3 =	rddreg [dreg:$0x2];
	s7 =	smul.u32 $0x278, s13  }
0x4: {  	s4 =	simm.s32 $0x0;
	s28 =	simm.s32 $0x4800;
	s10 =	smul.u32 $0x4F000, s13  }
0x5: {  	s29 =	simm.s32 $0x1;
	s30 =	simm.s32 $0x2;
	s11 =	smul.u32 $0xA00, s13  }
0x6: {  	s31 =	simm.s32 $0x800;
	s1 =	sand.u32 $0x1, s1;
	s18 =	smul.u32 $0x5000, s13  }
0x7: {  	[smem:$0x7FF] =	sst s4;
	s19 =	sshll.u32 s13, $0x6;
	s13 =	smul.u32 $0x50, s13  }
0x8: {  	s9 =	sadd.s32 $0x1800, s0;
	s6 =	sadd.s32 $0x6F800, s0;
	s2 =	smul.u32 $0xA00, s1  }
0x9: {  	s8 =	smul.u32 $0x2800, s1;
	_ =	strace $0x80000047;
	s15 =	ssub.s32 $0x2, s1  }
0xa: {  	s1 =	smul.u32 $0x500, s1;
	s16 =	sshrl.u32 s15, $0x1;
	s17 =	sshrl.u32 s10, $0x2  }
0xb: {  	s10 =	sshrl.u32 s18, $0x3;
	s11 =	sadd.s32 s9, s11;
	s2 =	sadd.s32 s5, s2  }
0xc: {  	s5 =	sadd.s32 $0xB800, s0;
	s7 =	sadd.s32 s7, s8;
	s8 =	ssub.s32 s15, s16  }
0xd: {  	s12 =	sadd.s32 s17, s3;
	[dreg:$0x5] =	wrdreg s11;
	s10 =	sadd.s32 s9, s10  }
0xe: {  	s1 =	sadd.s32 s13, s1;
	s15 =	simm.s32 $0x0;
	s11 =	simm.s32 $0x500  }
0xf: {  	s16 =	simm.s32 $0x580;
	s13 =	simm.s32 $0x680;
	s2 =	sshll.u32 s2, $0x4  }
0x10: {  	s7 =	sshll.u32 s7, $0x4;
	s21 =	sadd.s32 $0x280, s10;
	s23 =	sadd.s32 $0x500, s10  }
0x11: {  	s1 =	sshll.u32 s1, $0x4;
	s24 =	sadd.s32 $0x780, s10;
	[dreg:$0x7] =	wrdreg s21  }
0x12: {  	s26 =	smax.u32 s8, $0x1;
	s8 =	simm.s32 $0x80;
	[dreg:$0x9] =	wrdreg s23  }
0x13: {  	s10 =	simm.s32 $0x480;
	s2 =	sadd.s32 s2, s0;
	[dreg:$0xb] =	wrdreg s24  }
0x14: {  	s0 =	sadd.s32 s7, s0;
	s1 =	sadd.s32 s9, s1;
	[dreg:$0x10] =	wrdreg s26  }
0x15: {  	s7 =	sor.u32 $0x1C03, s19;
	s14 =	sadd.s32 $0x5B800, s2;
	[dreg:$0xc] =	wrdreg s1  }
0x16: {  	s9 =	sshrl.u32 s12, $0x3;
	s20 =	sadd.s32 $0x5BA80, s2;
	[dreg:$0x4] =	wrdreg s14  }
0x17: {  	s24 =	simm.s32 $0x40;
	s22 =	sadd.s32 $0x5BD00, s2;
	[dreg:$0x6] =	wrdreg s20  }
0x18: {  	s21 =	simm.s32 $0x0;
	s2 =	sadd.s32 $0x5BF80, s2;
	[dreg:$0x8] =	wrdreg s22  }
0x19: {  	s12 =	simm.s32 $0x600;
	s25 =	sadd.s32 $0x72000, s0;
	[dreg:$0xa] =	wrdreg s2  }
0x1a: {  	s23 =	simm.s32 $0x780;
	s1 =	sadd.s32 $0x280, s1;
	[dreg:$0xd] =	wrdreg s25  }
0x1b: {  	s26 =	simm.s32 $0x900;
	s0 =	sadd.s32 $0xC2000, s0;
	[dreg:$0xe] =	wrdreg s1  }
0x1c: {  	[dreg:$0xf] =	wrdreg s0;
	s22 =	simm.s32 $0x3;
	s0 =	simm.s32 $0x1400  }
0x1d: {  	s25 =	simm.s32 $0x2800;
	s20 =	simm.s32 $0x200;
	s14 =	simm.s32 $0x700  }
.LBB2_1:
0x1e: {  	[spmem:s9], [sflag:s7] =	dma.local [hbm:s6], $0x2780  }
0x1f: {  	_ =	swait.ge [sflag:s22], $0x2780  }
0x20: {  	[sflag:s22] =	ssyncset.done $0x0  }
0x21: {  	[sflag:s22] =	ssyncadd.s32 $0xFFFFD880  }
0x22: {  	[bflag:$0x0] =	sbarrier.arrive $0xFFFF  }
0x23: {  	s17 =	rddreg [dreg:$0x4]  }
0x24: {  	[tilespmem:s4], [sflag:$0x3] =	stream.linear.gather [hbm4b:s17+s4], $0x1400, $0x38;
	[tilespmem:$0x1A400] =	vst v63  }
0x25: {  	_ =	swait.ge [sflag:s22], $0x1400  }
0x26: {  	[sflag:s22] =	ssyncset.done $0x0  }
0x27: {  	s1 =	rddreg [dreg:$0x5];
	[sflag:s22] =	ssyncadd.s32 $0xFFFFEC00  }
0x28: {  	[tilespmem:s0], [sflag:$0x3] =	stream.linear.gather [hbm4b:s1+s4], $0x1400, $0x38;
	[tilespmem:$0x1A400] =	vst v63  }
0x29: {  	_ =	swait.ge [sflag:s22], $0x1400  }
0x2a: {  	[sflag:s22] =	ssyncset.done $0x0  }
0x2b: {  	[sflag:s22] =	ssyncadd.s32 $0xFFFFEC00  }
0x2c: {  	[tilespmem:s25], [sflag:$0x1] =	stream.indirect.gather [hbm4b:s5+s24], $0x80, s4, s24, $0xb8;
	[tilespmem:$0x1A400] =	vst v63  }
0x2d: {  	_ = 	snop  }
0x2e: {  	[tilespmem:s28], [sflag:$0x2] =	stream.indirect.gather [hbm4b:s5+s24], $0x80, s8, s24, $0xb8;
	[tilespmem:$0x1A400] =	vst v63  }
0x2f: {  	_ =	swait.ge [sflag:s29], $0x2000  }
0x30: {  	[sflag:s29] =	ssyncset.done $0x0  }
0x31: {  	s2 =	simm.s32 $0x1400;
	[sflag:s29] =	ssyncadd.s32 $0xFFFFE000  }
0x32: {  	[spmem:s3] =	stream.indirect.scatter.add.f32 [tilespmem:s25], [sflag:$0x3], $0x80, s2, s24, $0xb8;
	[tilespmem:$0x1A400] =	vst v63  }
0x33: {  	_ =	swait.ge [sflag:s22], $0x2000  }
0x34: {  	[sflag:s22] =	ssyncset.done $0x0  }
0x35: {  	s18 =	simm.s32 $0x100;
	[sflag:s22] =	ssyncadd.s32 $0xFFFFE000  }
0x36: {  	[tilespmem:s25], [sflag:$0x1] =	stream.indirect.gather [hbm4b:s5+s24], $0x80, s18, s24, $0xb8;
	[tilespmem:$0x1A400] =	vst v63  }
0x37: {  	_ =	swait.ge [sflag:s30], $0x2000  }
0x38: {  	[sflag:s30] =	ssyncset.done $0x0  }
0x39: {  	s19 =	simm.s32 $0x1480;
	[sflag:s30] =	ssyncadd.s32 $0xFFFFE000  }
0x3a: {  	[spmem:s3] =	stream.indirect.scatter.add.f32 [tilespmem:s28], [sflag:$0x3], $0x80, s19, s24, $0xb8;
	[tilespmem:$0x1A400] =	vst v63  }
0x3b: {  	_ =	swait.ge [sflag:s22], $0x2000  }
0x3c: {  	[sflag:s22] =	ssyncset.done $0x0  }
0x3d: {  	s17 =	simm.s32 $0x400;
	s18 =	simm.s32 $0x180;
	[sflag:s22] =	ssyncadd.s32 $0xFFFFE000  }
.LBB2_2:
0x3e: {  	[tilespmem:s28], [sflag:$0x2] =	stream.indirect.gather [hbm4b:s5+s24], $0x80, s18, s24, $0xb8;
	[tilespmem:$0x1A400] =	vst v63  }
0x3f: {  	s18 =	smov.u32 s17  }
0x40: {  	p0 =	sne.s32 s17, $0x4800;
	s17 =	sadd.s32 $0x400, s17;
	_ =	swait.ge [sflag:s29], $0x2000  }
0x41: {  	s18 =	sshra.s32 s18, $0x2;
	[sflag:s29] =	ssyncset.done $0x0  }
0x42: {  	s19 =	sadd.s32 $0x1400, s18;
	[sflag:s29] =	ssyncadd.s32 $0xFFFFE000  }
0x43: {  	[spmem:s3] =	stream.indirect.scatter.add.f32 [tilespmem:s25], [sflag:$0x3], $0x80, s19, s24, $0xb8;
	[tilespmem:$0x1A400] =	vst v63  }
0x44: {  	_ =	swait.ge [sflag:s22], $0x2000  }
0x45: {  	[sflag:s22] =	ssyncset.done $0x0  }
0x46: {  	s19 =	sadd.s32 $0x100, s18;
	[sflag:s22] =	ssyncadd.s32 $0xFFFFE000  }
0x47: {  	[tilespmem:s25], [sflag:$0x1] =	stream.indirect.gather [hbm4b:s5+s24], $0x80, s19, s24, $0xb8;
	[tilespmem:$0x1A400] =	vst v63  }
0x48: {  	_ =	swait.ge [sflag:s30], $0x2000  }
0x49: {  	[sflag:s30] =	ssyncset.done $0x0  }
.Ltmp0:
0x4a: {  	s19 =	sadd.s32 $0x1480, s18;
	[sflag:s30] =	ssyncadd.s32 $0xFFFFE000;
	(pc) =	sbr.rel @p0 .LBB2_2-.Ltmp0, $4  }
0x4b: {  	[spmem:s3] =	stream.indirect.scatter.add.f32 [tilespmem:s28], [sflag:$0x3], $0x80, s19, s24, $0xb8;
	[tilespmem:$0x1A400] =	vst v63  }
0x4c: {  	_ =	swait.ge [sflag:s22], $0x2000  }
0x4d: {  	[sflag:s22] =	ssyncset.done $0x0  }
0x4e: {  	s18 =	sadd.s32 $0x180, s18;
	[sflag:s22] =	ssyncadd.s32 $0xFFFFE000  }
0x4f: {  	[tilespmem:s28], [sflag:$0x2] =	stream.indirect.gather [hbm4b:s5+s24], $0x80, s18, s24, $0xb8;
	[tilespmem:$0x1A400] =	vst v63  }
0x50: {  	_ =	swait.ge [sflag:s29], $0x2000  }
0x51: {  	[sflag:s29] =	ssyncset.done $0x0  }
0x52: {  	s2 =	simm.s32 $0x2700;
	[sflag:s29] =	ssyncadd.s32 $0xFFFFE000  }
0x53: {  	[spmem:s3] =	stream.indirect.scatter.add.f32 [tilespmem:s25], [sflag:$0x3], $0x80, s2, s24, $0xb8;
	[tilespmem:$0x1A400] =	vst v63  }
0x54: {  	_ =	swait.ge [sflag:s22], $0x2000  }
0x55: {  	[sflag:s22] =	ssyncset.done $0x0  }
0x56: {  	[sflag:s22] =	ssyncadd.s32 $0xFFFFE000  }
0x57: {  	_ =	swait.ge [sflag:s30], $0x2000  }
0x58: {  	[sflag:s30] =	ssyncset.done $0x0  }
0x59: {  	s1 =	simm.s32 $0x2780;
	[sflag:s30] =	ssyncadd.s32 $0xFFFFE000  }
0x5a: {  	[spmem:s3] =	stream.indirect.scatter.add.f32 [tilespmem:s28], [sflag:$0x3], $0x80, s1, s24, $0xb8;
	[tilespmem:$0x1A400] =	vst v63  }
0x5b: {  	_ =	swait.ge [sflag:s22], $0x2000  }
0x5c: {  	[sflag:s22] =	ssyncset.done $0x0  }
0x5d: {  	s17 =	simm.s32 $0x0;
	s19 =	rddreg [dreg:$0x6];
	[sflag:s22] =	ssyncadd.s32 $0xFFFFE000  }
0x5e: {  	[tilespmem:s17], [sflag:$0x3] =	stream.linear.gather [hbm4b:s19+s17], $0x1400, $0x38;
	[tilespmem:$0x1A400] =	vst v63  }
0x5f: {  	_ =	swait.ge [sflag:s22], $0x1400  }
0x60: {  	[sflag:s22] =	ssyncset.done $0x0  }
0x61: {  	s19 =	rddreg [dreg:$0x7];
	[sflag:s22] =	ssyncadd.s32 $0xFFFFEC00  }
0x62: {  	[tilespmem:s0], [sflag:$0x3] =	stream.linear.gather [hbm4b:s19+s17], $0x1400, $0x38;
	[tilespmem:$0x1A400] =	vst v63  }
0x63: {  	_ =	swait.ge [sflag:s22], $0x1400  }
0x64: {  	[sflag:s22] =	ssyncset.done $0x0  }
0x65: {  	[sflag:s22] =	ssyncadd.s32 $0xFFFFEC00  }
0x66: {  	[tilespmem:s25], [sflag:$0x1] =	stream.indirect.gather [hbm4b:s5+s24], $0x80, s17, s24, $0xb8;
	[tilespmem:$0x1A400] =	vst v63  }
0x67: {  	_ = 	snop  }
0x68: {  	[tilespmem:s28], [sflag:$0x2] =	stream.indirect.gather [hbm4b:s5+s24], $0x80, s8, s24, $0xb8;
	[tilespmem:$0x1A400] =	vst v63  }
0x69: {  	_ =	swait.ge [sflag:s29], $0x2000  }
0x6a: {  	[sflag:s29] =	ssyncset.done $0x0  }
0x6b: {  	s19 =	simm.s32 $0x1400;
	[sflag:s29] =	ssyncadd.s32 $0xFFFFE000  }
0x6c: {  	[spmem:s3] =	stream.indirect.scatter.add.f32 [tilespmem:s25], [sflag:$0x3], $0x80, s19, s24, $0xb8;
	[tilespmem:$0x1A400] =	vst v63  }
0x6d: {  	_ =	swait.ge [sflag:s22], $0x2000  }
0x6e: {  	[sflag:s22] =	ssyncset.done $0x0  }
0x6f: {  	s18 =	simm.s32 $0x100;
	[sflag:s22] =	ssyncadd.s32 $0xFFFFE000  }
0x70: {  	[tilespmem:s25], [sflag:$0x1] =	stream.indirect.gather [hbm4b:s5+s24], $0x80, s18, s24, $0xb8;
	[tilespmem:$0x1A400] =	vst v63  }
0x71: {  	_ =	swait.ge [sflag:s30], $0x2000  }
0x72: {  	[sflag:s30] =	ssyncset.done $0x0  }
0x73: {  	s19 =	simm.s32 $0x1480;
	[sflag:s30] =	ssyncadd.s32 $0xFFFFE000  }
0x74: {  	[spmem:s3] =	stream.indirect.scatter.add.f32 [tilespmem:s28], [sflag:$0x3], $0x80, s19, s24, $0xb8;
	[tilespmem:$0x1A400] =	vst v63  }
0x75: {  	_ =	swait.ge [sflag:s22], $0x2000  }
0x76: {  	[sflag:s22] =	ssyncset.done $0x0  }
0x77: {  	s17 =	simm.s32 $0x400;
	s18 =	simm.s32 $0x180;
	[sflag:s22] =	ssyncadd.s32 $0xFFFFE000  }
.LBB2_4:
0x78: {  	[tilespmem:s28], [sflag:$0x2] =	stream.indirect.gather [hbm4b:s5+s24], $0x80, s18, s24, $0xb8;
	[tilespmem:$0x1A400] =	vst v63  }
0x79: {  	s18 =	smov.u32 s17  }
0x7a: {  	p0 =	sne.s32 s17, $0x4800;
	s17 =	sadd.s32 $0x400, s17;
	_ =	swait.ge [sflag:s29], $0x2000  }
0x7b: {  	s18 =	sshra.s32 s18, $0x2;
	[sflag:s29] =	ssyncset.done $0x0  }
0x7c: {  	s19 =	sadd.s32 $0x1400, s18;
	[sflag:s29] =	ssyncadd.s32 $0xFFFFE000  }
0x7d: {  	[spmem:s3] =	stream.indirect.scatter.add.f32 [tilespmem:s25], [sflag:$0x3], $0x80, s19, s24, $0xb8;
	[tilespmem:$0x1A400] =	vst v63  }
0x7e: {  	_ =	swait.ge [sflag:s22], $0x2000  }
0x7f: {  	[sflag:s22] =	ssyncset.done $0x0  }
0x80: {  	s19 =	sadd.s32 $0x100, s18;
	[sflag:s22] =	ssyncadd.s32 $0xFFFFE000  }
0x81: {  	[tilespmem:s25], [sflag:$0x1] =	stream.indirect.gather [hbm4b:s5+s24], $0x80, s19, s24, $0xb8;
	[tilespmem:$0x1A400] =	vst v63  }
0x82: {  	_ =	swait.ge [sflag:s30], $0x2000  }
0x83: {  	[sflag:s30] =	ssyncset.done $0x0  }
.Ltmp1:
0x84: {  	s19 =	sadd.s32 $0x1480, s18;
	[sflag:s30] =	ssyncadd.s32 $0xFFFFE000;
	(pc) =	sbr.rel @p0 .LBB2_4-.Ltmp1, $4  }
0x85: {  	[spmem:s3] =	stream.indirect.scatter.add.f32 [tilespmem:s28], [sflag:$0x3], $0x80, s19, s24, $0xb8;
	[tilespmem:$0x1A400] =	vst v63  }
0x86: {  	_ =	swait.ge [sflag:s22], $0x2000  }
0x87: {  	[sflag:s22] =	ssyncset.done $0x0  }
0x88: {  	s18 =	sadd.s32 $0x180, s18;
	[sflag:s22] =	ssyncadd.s32 $0xFFFFE000  }
0x89: {  	[tilespmem:s28], [sflag:$0x2] =	stream.indirect.gather [hbm4b:s5+s24], $0x80, s18, s24, $0xb8;
	[tilespmem:$0x1A400] =	vst v63  }
0x8a: {  	_ =	swait.ge [sflag:s29], $0x2000  }
0x8b: {  	[sflag:s29] =	ssyncset.done $0x0  }
0x8c: {  	[sflag:s29] =	ssyncadd.s32 $0xFFFFE000  }
0x8d: {  	[spmem:s3] =	stream.indirect.scatter.add.f32 [tilespmem:s25], [sflag:$0x3], $0x80, s2, s24, $0xb8;
	[tilespmem:$0x1A400] =	vst v63  }
0x8e: {  	_ =	swait.ge [sflag:s22], $0x2000  }
0x8f: {  	[sflag:s22] =	ssyncset.done $0x0  }
0x90: {  	[sflag:s22] =	ssyncadd.s32 $0xFFFFE000  }
0x91: {  	_ =	swait.ge [sflag:s30], $0x2000  }
0x92: {  	[sflag:s30] =	ssyncset.done $0x0  }
0x93: {  	[sflag:s30] =	ssyncadd.s32 $0xFFFFE000  }
0x94: {  	[spmem:s3] =	stream.indirect.scatter.add.f32 [tilespmem:s28], [sflag:$0x3], $0x80, s1, s24, $0xb8;
	[tilespmem:$0x1A400] =	vst v63  }
0x95: {  	_ =	swait.ge [sflag:s22], $0x2000  }
0x96: {  	[sflag:s22] =	ssyncset.done $0x0  }
0x97: {  	s17 =	simm.s32 $0x0;
	s19 =	rddreg [dreg:$0x8];
	[sflag:s22] =	ssyncadd.s32 $0xFFFFE000  }
0x98: {  	[tilespmem:s17], [sflag:$0x3] =	stream.linear.gather [hbm4b:s19+s17], $0x1400, $0x38;
	[tilespmem:$0x1A400] =	vst v63  }
0x99: {  	_ =	swait.ge [sflag:s22], $0x1400  }
0x9a: {  	[sflag:s22] =	ssyncset.done $0x0  }
0x9b: {  	s19 =	rddreg [dreg:$0x9];
	[sflag:s22] =	ssyncadd.s32 $0xFFFFEC00  }
0x9c: {  	[tilespmem:s0], [sflag:$0x3] =	stream.linear.gather [hbm4b:s19+s17], $0x1400, $0x38;
	[tilespmem:$0x1A400] =	vst v63  }
0x9d: {  	_ =	swait.ge [sflag:s22], $0x1400  }
0x9e: {  	[sflag:s22] =	ssyncset.done $0x0  }
0x9f: {  	[sflag:s22] =	ssyncadd.s32 $0xFFFFEC00  }
0xa0: {  	[tilespmem:s25], [sflag:$0x1] =	stream.indirect.gather [hbm4b:s5+s24], $0x80, s17, s24, $0xb8;
	[tilespmem:$0x1A400] =	vst v63  }
0xa1: {  	_ = 	snop  }
0xa2: {  	[tilespmem:s28], [sflag:$0x2] =	stream.indirect.gather [hbm4b:s5+s24], $0x80, s8, s24, $0xb8;
	[tilespmem:$0x1A400] =	vst v63  }
0xa3: {  	_ =	swait.ge [sflag:s29], $0x2000  }
0xa4: {  	[sflag:s29] =	ssyncset.done $0x0  }
0xa5: {  	s19 =	simm.s32 $0x1400;
	[sflag:s29] =	ssyncadd.s32 $0xFFFFE000  }
0xa6: {  	[spmem:s3] =	stream.indirect.scatter.add.f32 [tilespmem:s25], [sflag:$0x3], $0x80, s19, s24, $0xb8;
	[tilespmem:$0x1A400] =	vst v63  }
0xa7: {  	_ =	swait.ge [sflag:s22], $0x2000  }
0xa8: {  	[sflag:s22] =	ssyncset.done $0x0  }
0xa9: {  	s18 =	simm.s32 $0x100;
	[sflag:s22] =	ssyncadd.s32 $0xFFFFE000  }
0xaa: {  	[tilespmem:s25], [sflag:$0x1] =	stream.indirect.gather [hbm4b:s5+s24], $0x80, s18, s24, $0xb8;
	[tilespmem:$0x1A400] =	vst v63  }
0xab: {  	_ =	swait.ge [sflag:s30], $0x2000  }
0xac: {  	[sflag:s30] =	ssyncset.done $0x0  }
0xad: {  	s19 =	simm.s32 $0x1480;
	[sflag:s30] =	ssyncadd.s32 $0xFFFFE000  }
0xae: {  	[spmem:s3] =	stream.indirect.scatter.add.f32 [tilespmem:s28], [sflag:$0x3], $0x80, s19, s24, $0xb8;
	[tilespmem:$0x1A400] =	vst v63  }
0xaf: {  	_ =	swait.ge [sflag:s22], $0x2000  }
0xb0: {  	[sflag:s22] =	ssyncset.done $0x0  }
0xb1: {  	s17 =	simm.s32 $0x400;
	s18 =	simm.s32 $0x180;
	[sflag:s22] =	ssyncadd.s32 $0xFFFFE000  }
.LBB2_6:
0xb2: {  	[tilespmem:s28], [sflag:$0x2] =	stream.indirect.gather [hbm4b:s5+s24], $0x80, s18, s24, $0xb8;
	[tilespmem:$0x1A400] =	vst v63  }
0xb3: {  	s18 =	smov.u32 s17  }
0xb4: {  	p0 =	sne.s32 s17, $0x4800;
	s17 =	sadd.s32 $0x400, s17;
	_ =	swait.ge [sflag:s29], $0x2000  }
0xb5: {  	s18 =	sshra.s32 s18, $0x2;
	[sflag:s29] =	ssyncset.done $0x0  }
0xb6: {  	s19 =	sadd.s32 $0x1400, s18;
	[sflag:s29] =	ssyncadd.s32 $0xFFFFE000  }
0xb7: {  	[spmem:s3] =	stream.indirect.scatter.add.f32 [tilespmem:s25], [sflag:$0x3], $0x80, s19, s24, $0xb8;
	[tilespmem:$0x1A400] =	vst v63  }
0xb8: {  	_ =	swait.ge [sflag:s22], $0x2000  }
0xb9: {  	[sflag:s22] =	ssyncset.done $0x0  }
0xba: {  	s19 =	sadd.s32 $0x100, s18;
	[sflag:s22] =	ssyncadd.s32 $0xFFFFE000  }
0xbb: {  	[tilespmem:s25], [sflag:$0x1] =	stream.indirect.gather [hbm4b:s5+s24], $0x80, s19, s24, $0xb8;
	[tilespmem:$0x1A400] =	vst v63  }
0xbc: {  	_ =	swait.ge [sflag:s30], $0x2000  }
0xbd: {  	[sflag:s30] =	ssyncset.done $0x0  }
.Ltmp2:
0xbe: {  	s19 =	sadd.s32 $0x1480, s18;
	[sflag:s30] =	ssyncadd.s32 $0xFFFFE000;
	(pc) =	sbr.rel @p0 .LBB2_6-.Ltmp2, $4  }
0xbf: {  	[spmem:s3] =	stream.indirect.scatter.add.f32 [tilespmem:s28], [sflag:$0x3], $0x80, s19, s24, $0xb8;
	[tilespmem:$0x1A400] =	vst v63  }
0xc0: {  	_ =	swait.ge [sflag:s22], $0x2000  }
0xc1: {  	[sflag:s22] =	ssyncset.done $0x0  }
0xc2: {  	s18 =	sadd.s32 $0x180, s18;
	[sflag:s22] =	ssyncadd.s32 $0xFFFFE000  }
0xc3: {  	[tilespmem:s28], [sflag:$0x2] =	stream.indirect.gather [hbm4b:s5+s24], $0x80, s18, s24, $0xb8;
	[tilespmem:$0x1A400] =	vst v63  }
0xc4: {  	_ =	swait.ge [sflag:s29], $0x2000  }
0xc5: {  	[sflag:s29] =	ssyncset.done $0x0  }
0xc6: {  	[sflag:s29] =	ssyncadd.s32 $0xFFFFE000  }
0xc7: {  	[spmem:s3] =	stream.indirect.scatter.add.f32 [tilespmem:s25], [sflag:$0x3], $0x80, s2, s24, $0xb8;
	[tilespmem:$0x1A400] =	vst v63  }
0xc8: {  	_ =	swait.ge [sflag:s22], $0x2000  }
0xc9: {  	[sflag:s22] =	ssyncset.done $0x0  }
0xca: {  	[sflag:s22] =	ssyncadd.s32 $0xFFFFE000  }
0xcb: {  	_ =	swait.ge [sflag:s30], $0x2000  }
0xcc: {  	[sflag:s30] =	ssyncset.done $0x0  }
0xcd: {  	[sflag:s30] =	ssyncadd.s32 $0xFFFFE000  }
0xce: {  	[spmem:s3] =	stream.indirect.scatter.add.f32 [tilespmem:s28], [sflag:$0x3], $0x80, s1, s24, $0xb8;
	[tilespmem:$0x1A400] =	vst v63  }
0xcf: {  	_ =	swait.ge [sflag:s22], $0x2000  }
0xd0: {  	[sflag:s22] =	ssyncset.done $0x0  }
0xd1: {  	s17 =	simm.s32 $0x0;
	s19 =	rddreg [dreg:$0xa];
	[sflag:s22] =	ssyncadd.s32 $0xFFFFE000  }
0xd2: {  	[tilespmem:s17], [sflag:$0x3] =	stream.linear.gather [hbm4b:s19+s17], $0x1400, $0x38;
	[tilespmem:$0x1A400] =	vst v63  }
0xd3: {  	_ =	swait.ge [sflag:s22], $0x1400  }
0xd4: {  	[sflag:s22] =	ssyncset.done $0x0  }
0xd5: {  	s19 =	rddreg [dreg:$0xb];
	[sflag:s22] =	ssyncadd.s32 $0xFFFFEC00  }
0xd6: {  	[tilespmem:s0], [sflag:$0x3] =	stream.linear.gather [hbm4b:s19+s17], $0x1400, $0x38;
	[tilespmem:$0x1A400] =	vst v63  }
0xd7: {  	_ =	swait.ge [sflag:s22], $0x1400  }
0xd8: {  	[sflag:s22] =	ssyncset.done $0x0  }
0xd9: {  	[sflag:s22] =	ssyncadd.s32 $0xFFFFEC00  }
0xda: {  	[tilespmem:s25], [sflag:$0x1] =	stream.indirect.gather [hbm4b:s5+s24], $0x80, s17, s24, $0xb8;
	[tilespmem:$0x1A400] =	vst v63  }
0xdb: {  	_ = 	snop  }
0xdc: {  	[tilespmem:s28], [sflag:$0x2] =	stream.indirect.gather [hbm4b:s5+s24], $0x80, s8, s24, $0xb8;
	[tilespmem:$0x1A400] =	vst v63  }
0xdd: {  	_ =	swait.ge [sflag:s29], $0x2000  }
0xde: {  	[sflag:s29] =	ssyncset.done $0x0  }
0xdf: {  	s0 =	simm.s32 $0x1400;
	[sflag:s29] =	ssyncadd.s32 $0xFFFFE000  }
0xe0: {  	[spmem:s3] =	stream.indirect.scatter.add.f32 [tilespmem:s25], [sflag:$0x3], $0x80, s0, s24, $0xb8;
	[tilespmem:$0x1A400] =	vst v63  }
0xe1: {  	_ =	swait.ge [sflag:s22], $0x2000  }
0xe2: {  	[sflag:s22] =	ssyncset.done $0x0  }
0xe3: {  	s18 =	simm.s32 $0x100;
	[sflag:s22] =	ssyncadd.s32 $0xFFFFE000  }
0xe4: {  	[tilespmem:s25], [sflag:$0x1] =	stream.indirect.gather [hbm4b:s5+s24], $0x80, s18, s24, $0xb8;
	[tilespmem:$0x1A400] =	vst v63  }
0xe5: {  	_ =	swait.ge [sflag:s30], $0x2000  }
0xe6: {  	[sflag:s30] =	ssyncset.done $0x0  }
0xe7: {  	s19 =	simm.s32 $0x1480;
	[sflag:s30] =	ssyncadd.s32 $0xFFFFE000  }
0xe8: {  	[spmem:s3] =	stream.indirect.scatter.add.f32 [tilespmem:s28], [sflag:$0x3], $0x80, s19, s24, $0xb8;
	[tilespmem:$0x1A400] =	vst v63  }
0xe9: {  	_ =	swait.ge [sflag:s22], $0x2000  }
0xea: {  	[sflag:s22] =	ssyncset.done $0x0  }
0xeb: {  	s17 =	simm.s32 $0x400;
	s18 =	simm.s32 $0x180;
	[sflag:s22] =	ssyncadd.s32 $0xFFFFE000  }
.LBB2_8:
0xec: {  	[tilespmem:s28], [sflag:$0x2] =	stream.indirect.gather [hbm4b:s5+s24], $0x80, s18, s24, $0xb8;
	[tilespmem:$0x1A400] =	vst v63  }
0xed: {  	s18 =	smov.u32 s17  }
0xee: {  	p0 =	sne.s32 s17, $0x4800;
	s17 =	sadd.s32 $0x400, s17;
	_ =	swait.ge [sflag:s29], $0x2000  }
0xef: {  	s18 =	sshra.s32 s18, $0x2;
	[sflag:s29] =	ssyncset.done $0x0  }
0xf0: {  	s19 =	sadd.s32 $0x1400, s18;
	[sflag:s29] =	ssyncadd.s32 $0xFFFFE000  }
0xf1: {  	[spmem:s3] =	stream.indirect.scatter.add.f32 [tilespmem:s25], [sflag:$0x3], $0x80, s19, s24, $0xb8;
	[tilespmem:$0x1A400] =	vst v63  }
0xf2: {  	_ =	swait.ge [sflag:s22], $0x2000  }
0xf3: {  	[sflag:s22] =	ssyncset.done $0x0  }
0xf4: {  	s19 =	sadd.s32 $0x100, s18;
	[sflag:s22] =	ssyncadd.s32 $0xFFFFE000  }
0xf5: {  	[tilespmem:s25], [sflag:$0x1] =	stream.indirect.gather [hbm4b:s5+s24], $0x80, s19, s24, $0xb8;
	[tilespmem:$0x1A400] =	vst v63  }
0xf6: {  	_ =	swait.ge [sflag:s30], $0x2000  }
0xf7: {  	[sflag:s30] =	ssyncset.done $0x0  }
.Ltmp3:
0xf8: {  	s19 =	sadd.s32 $0x1480, s18;
	[sflag:s30] =	ssyncadd.s32 $0xFFFFE000;
	(pc) =	sbr.rel @p0 .LBB2_8-.Ltmp3, $4  }
0xf9: {  	[spmem:s3] =	stream.indirect.scatter.add.f32 [tilespmem:s28], [sflag:$0x3], $0x80, s19, s24, $0xb8;
	[tilespmem:$0x1A400] =	vst v63  }
0xfa: {  	_ =	swait.ge [sflag:s22], $0x2000  }
0xfb: {  	[sflag:s22] =	ssyncset.done $0x0  }
0xfc: {  	s18 =	sadd.s32 $0x180, s18;
	[sflag:s22] =	ssyncadd.s32 $0xFFFFE000  }
0xfd: {  	[tilespmem:s28], [sflag:$0x2] =	stream.indirect.gather [hbm4b:s5+s24], $0x80, s18, s24, $0xb8;
	[tilespmem:$0x1A400] =	vst v63  }
0xfe: {  	_ =	swait.ge [sflag:s29], $0x2000  }
0xff: {  	[sflag:s29] =	ssyncset.done $0x0  }
0x100: {  	[sflag:s29] =	ssyncadd.s32 $0xFFFFE000  }
0x101: {  	[spmem:s3] =	stream.indirect.scatter.add.f32 [tilespmem:s25], [sflag:$0x3], $0x80, s2, s24, $0xb8;
	[tilespmem:$0x1A400] =	vst v63  }
0x102: {  	_ =	swait.ge [sflag:s22], $0x2000  }
0x103: {  	[sflag:s22] =	ssyncset.done $0x0  }
0x104: {  	[sflag:s22] =	ssyncadd.s32 $0xFFFFE000  }
0x105: {  	_ =	swait.ge [sflag:s30], $0x2000  }
0x106: {  	[sflag:s30] =	ssyncset.done $0x0  }
0x107: {  	[sflag:s30] =	ssyncadd.s32 $0xFFFFE000  }
0x108: {  	[spmem:s3] =	stream.indirect.scatter.add.f32 [tilespmem:s28], [sflag:$0x3], $0x80, s1, s24, $0xb8;
	[tilespmem:$0x1A400] =	vst v63  }
0x109: {  	_ =	swait.ge [sflag:s22], $0x2000  }
0x10a: {  	[sflag:s22] =	ssyncset.done $0x0  }
0x10b: {  	[sflag:s22] =	ssyncadd.s32 $0xFFFFE000  }
0x10c: {  	[bflag:$0x0] =	sbarrier.arrive $0xFFFF  }
0x10d: {  	s17 =	rddreg [dreg:$0xd]  }
0x10e: {  	[hbm:s17], [sflag:s7] =	dma.local [spmem:s9], $0x2780  }
0x10f: {  	_ =	swait.ge [sflag:s22], $0x2780  }
0x110: {  	[sflag:s22] =	ssyncset.done $0x0  }
0x111: {  	[sflag:s22] =	ssyncadd.s32 $0xFFFFD880  }
0x112: {  	[spmem:s9], [sflag:s7] =	dma.local [hbm:s6], $0x2780  }
0x113: {  	_ =	swait.ge [sflag:s22], $0x2780  }
0x114: {  	[sflag:s22] =	ssyncset.done $0x0  }
0x115: {  	[sflag:s22] =	ssyncadd.s32 $0xFFFFD880  }
0x116: {  	[bflag:$0x0] =	sbarrier.arrive $0xFFFF  }
0x117: {  	s1 =	rddreg [dreg:$0x1]  }
0x118: {  	[tilespmem:s25], [sflag:$0x3] =	stream.linear.gather [hbm4b:s1+s4], $0x2000, $0x38;
	[tilespmem:$0x1A400] =	vst v63  }
0x119: {  	_ =	swait.ge [sflag:s22], $0x2000  }
0x11a: {  	[sflag:s22] =	ssyncset.done $0x0  }
0x11b: {  	s2 =	rddreg [dreg:$0xc];
	[sflag:s22] =	ssyncadd.s32 $0xFFFFE000  }
0x11c: {  	[tilespmem:s4], [sflag:$0x3] =	stream.linear.gather [hbm4b:s2+s4], $0x1400, $0x38;
	[tilespmem:$0x1A400] =	vst v63  }
0x11d: {  	_ =	swait.ge [sflag:s22], $0x1400  }
0x11e: {  	[sflag:s22] =	ssyncset.done $0x0  }
0x11f: {  	[sflag:s22] =	ssyncadd.s32 $0xFFFFEC00  }
0x120: {  	[spmem:s3] =	stream.indirect.scatter.add.f32 [tilespmem:s25], [sflag:$0x1], $0x80, s4, s24, $0xb8;
	[tilespmem:$0x1A400] =	vst v63  }
0x121: {  	_ = 	snop  }
0x122: {  	[spmem:s3] =	stream.indirect.scatter.add.f32 [tilespmem:s25], [sflag:$0x1], $0x80, s8, s24, $0xb8;
	[tilespmem:$0x1A400] =	vst v63  }
0x123: {  	s18 =	simm.s32 $0x100  }
0x124: {  	[spmem:s3] =	stream.indirect.scatter.add.f32 [tilespmem:s25], [sflag:$0x1], $0x80, s18, s24, $0xb8;
	[tilespmem:$0x1A400] =	vst v63  }
0x125: {  	s19 =	simm.s32 $0x180  }
0x126: {  	[spmem:s3] =	stream.indirect.scatter.add.f32 [tilespmem:s25], [sflag:$0x1], $0x80, s19, s24, $0xb8;
	[tilespmem:$0x1A400] =	vst v63  }
0x127: {  	_ = 	snop  }
0x128: {  	[spmem:s3] =	stream.indirect.scatter.add.f32 [tilespmem:s25], [sflag:$0x1], $0x80, s20, s24, $0xb8;
	[tilespmem:$0x1A400] =	vst v63  }
0x129: {  	s0 =	simm.s32 $0x280  }
0x12a: {  	[spmem:s3] =	stream.indirect.scatter.add.f32 [tilespmem:s25], [sflag:$0x1], $0x80, s0, s24, $0xb8;
	[tilespmem:$0x1A400] =	vst v63  }
0x12b: {  	s2 =	simm.s32 $0x300  }
0x12c: {  	[spmem:s3] =	stream.indirect.scatter.add.f32 [tilespmem:s25], [sflag:$0x1], $0x80, s2, s24, $0xb8;
	[tilespmem:$0x1A400] =	vst v63  }
0x12d: {  	s8 =	simm.s32 $0x380  }
0x12e: {  	[spmem:s3] =	stream.indirect.scatter.add.f32 [tilespmem:s25], [sflag:$0x1], $0x80, s8, s24, $0xb8;
	[tilespmem:$0x1A400] =	vst v63  }
0x12f: {  	_ =	swait.ge [sflag:s29], $0x2000  }
0x130: {  	[sflag:s29] =	ssyncset.done $0x0  }
0x131: {  	[sflag:s29] =	ssyncadd.s32 $0xFFFFE000  }
0x132: {  	_ =	swait.ge [sflag:s29], $0x2000  }
0x133: {  	[sflag:s29] =	ssyncset.done $0x0  }
0x134: {  	[sflag:s29] =	ssyncadd.s32 $0xFFFFE000  }
0x135: {  	_ =	swait.ge [sflag:s29], $0x2000  }
0x136: {  	[sflag:s29] =	ssyncset.done $0x0  }
0x137: {  	[sflag:s29] =	ssyncadd.s32 $0xFFFFE000  }
0x138: {  	_ =	swait.ge [sflag:s29], $0x2000  }
0x139: {  	[sflag:s29] =	ssyncset.done $0x0  }
0x13a: {  	[sflag:s29] =	ssyncadd.s32 $0xFFFFE000  }
0x13b: {  	_ =	swait.ge [sflag:s29], $0x2000  }
0x13c: {  	[sflag:s29] =	ssyncset.done $0x0  }
0x13d: {  	[sflag:s29] =	ssyncadd.s32 $0xFFFFE000  }
0x13e: {  	_ =	swait.ge [sflag:s29], $0x2000  }
0x13f: {  	[sflag:s29] =	ssyncset.done $0x0  }
0x140: {  	[sflag:s29] =	ssyncadd.s32 $0xFFFFE000  }
0x141: {  	_ =	swait.ge [sflag:s29], $0x2000  }
0x142: {  	[sflag:s29] =	ssyncset.done $0x0  }
0x143: {  	[sflag:s29] =	ssyncadd.s32 $0xFFFFE000  }
0x144: {  	_ =	swait.ge [sflag:s29], $0x2000  }
0x145: {  	[sflag:s29] =	ssyncset.done $0x0  }
0x146: {  	s17 =	simm.s32 $0x400;
	[sflag:s29] =	ssyncadd.s32 $0xFFFFE000  }
0x147: {  	[spmem:s3] =	stream.indirect.scatter.add.f32 [tilespmem:s25], [sflag:$0x1], $0x80, s17, s24, $0xb8;
	[tilespmem:$0x1A400] =	vst v63  }
0x148: {  	_ = 	snop  }
0x149: {  	[spmem:s3] =	stream.indirect.scatter.add.f32 [tilespmem:s25], [sflag:$0x1], $0x80, s10, s24, $0xb8;
	[tilespmem:$0x1A400] =	vst v63  }
0x14a: {  	_ = 	snop  }
0x14b: {  	[spmem:s3] =	stream.indirect.scatter.add.f32 [tilespmem:s25], [sflag:$0x1], $0x80, s11, s24, $0xb8;
	[tilespmem:$0x1A400] =	vst v63  }
0x14c: {  	_ = 	snop  }
0x14d: {  	[spmem:s3] =	stream.indirect.scatter.add.f32 [tilespmem:s25], [sflag:$0x1], $0x80, s16, s24, $0xb8;
	[tilespmem:$0x1A400] =	vst v63  }
0x14e: {  	_ = 	snop  }
0x14f: {  	[spmem:s3] =	stream.indirect.scatter.add.f32 [tilespmem:s25], [sflag:$0x1], $0x80, s12, s24, $0xb8;
	[tilespmem:$0x1A400] =	vst v63  }
0x150: {  	_ = 	snop  }
0x151: {  	[spmem:s3] =	stream.indirect.scatter.add.f32 [tilespmem:s25], [sflag:$0x1], $0x80, s13, s24, $0xb8;
	[tilespmem:$0x1A400] =	vst v63  }
0x152: {  	_ = 	snop  }
0x153: {  	[spmem:s3] =	stream.indirect.scatter.add.f32 [tilespmem:s25], [sflag:$0x1], $0x80, s14, s24, $0xb8;
	[tilespmem:$0x1A400] =	vst v63  }
0x154: {  	_ = 	snop  }
0x155: {  	[spmem:s3] =	stream.indirect.scatter.add.f32 [tilespmem:s25], [sflag:$0x1], $0x80, s23, s24, $0xb8;
	[tilespmem:$0x1A400] =	vst v63  }
0x156: {  	_ =	swait.ge [sflag:s29], $0x2000  }
0x157: {  	[sflag:s29] =	ssyncset.done $0x0  }
0x158: {  	[sflag:s29] =	ssyncadd.s32 $0xFFFFE000  }
0x159: {  	_ =	swait.ge [sflag:s29], $0x2000  }
0x15a: {  	[sflag:s29] =	ssyncset.done $0x0  }
0x15b: {  	[sflag:s29] =	ssyncadd.s32 $0xFFFFE000  }
0x15c: {  	_ =	swait.ge [sflag:s29], $0x2000  }
0x15d: {  	[sflag:s29] =	ssyncset.done $0x0  }
0x15e: {  	[sflag:s29] =	ssyncadd.s32 $0xFFFFE000  }
0x15f: {  	_ =	swait.ge [sflag:s29], $0x2000  }
0x160: {  	[sflag:s29] =	ssyncset.done $0x0  }
0x161: {  	[sflag:s29] =	ssyncadd.s32 $0xFFFFE000  }
0x162: {  	_ =	swait.ge [sflag:s29], $0x2000  }
0x163: {  	[sflag:s29] =	ssyncset.done $0x0  }
0x164: {  	[sflag:s29] =	ssyncadd.s32 $0xFFFFE000  }
0x165: {  	_ =	swait.ge [sflag:s29], $0x2000  }
0x166: {  	[sflag:s29] =	ssyncset.done $0x0  }
0x167: {  	[sflag:s29] =	ssyncadd.s32 $0xFFFFE000  }
0x168: {  	_ =	swait.ge [sflag:s29], $0x2000  }
0x169: {  	[sflag:s29] =	ssyncset.done $0x0  }
0x16a: {  	[sflag:s29] =	ssyncadd.s32 $0xFFFFE000  }
0x16b: {  	_ =	swait.ge [sflag:s29], $0x2000  }
0x16c: {  	[sflag:s29] =	ssyncset.done $0x0  }
0x16d: {  	[sflag:s29] =	ssyncadd.s32 $0xFFFFE000  }
0x16e: {  	[spmem:s3] =	stream.indirect.scatter.add.f32 [tilespmem:s25], [sflag:$0x1], $0x80, s31, s24, $0xb8;
	[tilespmem:$0x1A400] =	vst v63  }
0x16f: {  	s1 =	simm.s32 $0x880  }
0x170: {  	[spmem:s3] =	stream.indirect.scatter.add.f32 [tilespmem:s25], [sflag:$0x1], $0x80, s1, s24, $0xb8;
	[tilespmem:$0x1A400] =	vst v63  }
0x171: {  	_ = 	snop  }
0x172: {  	[spmem:s3] =	stream.indirect.scatter.add.f32 [tilespmem:s25], [sflag:$0x1], $0x80, s26, s24, $0xb8;
	[tilespmem:$0x1A400] =	vst v63  }
0x173: {  	s17 =	simm.s32 $0x980  }
0x174: {  	[spmem:s3] =	stream.indirect.scatter.add.f32 [tilespmem:s25], [sflag:$0x1], $0x80, s17, s24, $0xb8;
	[tilespmem:$0x1A400] =	vst v63  }
0x175: {  	s17 =	simm.s32 $0xA00  }
0x176: {  	[spmem:s3] =	stream.indirect.scatter.add.f32 [tilespmem:s25], [sflag:$0x1], $0x80, s17, s24, $0xb8;
	[tilespmem:$0x1A400] =	vst v63  }
0x177: {  	s17 =	simm.s32 $0xA80  }
0x178: {  	[spmem:s3] =	stream.indirect.scatter.add.f32 [tilespmem:s25], [sflag:$0x1], $0x80, s17, s24, $0xb8;
	[tilespmem:$0x1A400] =	vst v63  }
0x179: {  	s17 =	simm.s32 $0xB00  }
0x17a: {  	[spmem:s3] =	stream.indirect.scatter.add.f32 [tilespmem:s25], [sflag:$0x1], $0x80, s17, s24, $0xb8;
	[tilespmem:$0x1A400] =	vst v63  }
0x17b: {  	s17 =	simm.s32 $0xB80  }
0x17c: {  	[spmem:s3] =	stream.indirect.scatter.add.f32 [tilespmem:s25], [sflag:$0x1], $0x80, s17, s24, $0xb8;
	[tilespmem:$0x1A400] =	vst v63  }
0x17d: {  	_ =	swait.ge [sflag:s29], $0x2000  }
0x17e: {  	[sflag:s29] =	ssyncset.done $0x0  }
0x17f: {  	[sflag:s29] =	ssyncadd.s32 $0xFFFFE000  }
0x180: {  	_ =	swait.ge [sflag:s29], $0x2000  }
0x181: {  	[sflag:s29] =	ssyncset.done $0x0  }
0x182: {  	[sflag:s29] =	ssyncadd.s32 $0xFFFFE000  }
0x183: {  	_ =	swait.ge [sflag:s29], $0x2000  }
0x184: {  	[sflag:s29] =	ssyncset.done $0x0  }
0x185: {  	[sflag:s29] =	ssyncadd.s32 $0xFFFFE000  }
0x186: {  	_ =	swait.ge [sflag:s29], $0x2000  }
0x187: {  	[sflag:s29] =	ssyncset.done $0x0  }
0x188: {  	[sflag:s29] =	ssyncadd.s32 $0xFFFFE000  }
0x189: {  	_ =	swait.ge [sflag:s29], $0x2000  }
0x18a: {  	[sflag:s29] =	ssyncset.done $0x0  }
0x18b: {  	[sflag:s29] =	ssyncadd.s32 $0xFFFFE000  }
0x18c: {  	_ =	swait.ge [sflag:s29], $0x2000  }
0x18d: {  	[sflag:s29] =	ssyncset.done $0x0  }
0x18e: {  	[sflag:s29] =	ssyncadd.s32 $0xFFFFE000  }
0x18f: {  	_ =	swait.ge [sflag:s29], $0x2000  }
0x190: {  	[sflag:s29] =	ssyncset.done $0x0  }
0x191: {  	[sflag:s29] =	ssyncadd.s32 $0xFFFFE000  }
0x192: {  	_ =	swait.ge [sflag:s29], $0x2000  }
0x193: {  	[sflag:s29] =	ssyncset.done $0x0  }
0x194: {  	s17 =	simm.s32 $0xC00;
	[sflag:s29] =	ssyncadd.s32 $0xFFFFE000  }
0x195: {  	[spmem:s3] =	stream.indirect.scatter.add.f32 [tilespmem:s25], [sflag:$0x1], $0x80, s17, s24, $0xb8;
	[tilespmem:$0x1A400] =	vst v63  }
0x196: {  	s17 =	simm.s32 $0xC80  }
0x197: {  	[spmem:s3] =	stream.indirect.scatter.add.f32 [tilespmem:s25], [sflag:$0x1], $0x80, s17, s24, $0xb8;
	[tilespmem:$0x1A400] =	vst v63  }
0x198: {  	s17 =	simm.s32 $0xD00  }
0x199: {  	[spmem:s3] =	stream.indirect.scatter.add.f32 [tilespmem:s25], [sflag:$0x1], $0x80, s17, s24, $0xb8;
	[tilespmem:$0x1A400] =	vst v63  }
0x19a: {  	s17 =	simm.s32 $0xD80  }
0x19b: {  	[spmem:s3] =	stream.indirect.scatter.add.f32 [tilespmem:s25], [sflag:$0x1], $0x80, s17, s24, $0xb8;
	[tilespmem:$0x1A400] =	vst v63  }
0x19c: {  	s17 =	simm.s32 $0xE00  }
0x19d: {  	[spmem:s3] =	stream.indirect.scatter.add.f32 [tilespmem:s25], [sflag:$0x1], $0x80, s17, s24, $0xb8;
	[tilespmem:$0x1A400] =	vst v63  }
0x19e: {  	s17 =	simm.s32 $0xE80  }
0x19f: {  	[spmem:s3] =	stream.indirect.scatter.add.f32 [tilespmem:s25], [sflag:$0x1], $0x80, s17, s24, $0xb8;
	[tilespmem:$0x1A400] =	vst v63  }
0x1a0: {  	s17 =	simm.s32 $0xF00  }
0x1a1: {  	[spmem:s3] =	stream.indirect.scatter.add.f32 [tilespmem:s25], [sflag:$0x1], $0x80, s17, s24, $0xb8;
	[tilespmem:$0x1A400] =	vst v63  }
0x1a2: {  	s17 =	simm.s32 $0xF80  }
0x1a3: {  	[spmem:s3] =	stream.indirect.scatter.add.f32 [tilespmem:s25], [sflag:$0x1], $0x80, s17, s24, $0xb8;
	[tilespmem:$0x1A400] =	vst v63  }
0x1a4: {  	_ =	swait.ge [sflag:s29], $0x2000  }
0x1a5: {  	[sflag:s29] =	ssyncset.done $0x0  }
0x1a6: {  	[sflag:s29] =	ssyncadd.s32 $0xFFFFE000  }
0x1a7: {  	_ =	swait.ge [sflag:s29], $0x2000  }
0x1a8: {  	[sflag:s29] =	ssyncset.done $0x0  }
0x1a9: {  	[sflag:s29] =	ssyncadd.s32 $0xFFFFE000  }
0x1aa: {  	_ =	swait.ge [sflag:s29], $0x2000  }
0x1ab: {  	[sflag:s29] =	ssyncset.done $0x0  }
0x1ac: {  	[sflag:s29] =	ssyncadd.s32 $0xFFFFE000  }
0x1ad: {  	_ =	swait.ge [sflag:s29], $0x2000  }
0x1ae: {  	[sflag:s29] =	ssyncset.done $0x0  }
0x1af: {  	[sflag:s29] =	ssyncadd.s32 $0xFFFFE000  }
0x1b0: {  	_ =	swait.ge [sflag:s29], $0x2000  }
0x1b1: {  	[sflag:s29] =	ssyncset.done $0x0  }
0x1b2: {  	[sflag:s29] =	ssyncadd.s32 $0xFFFFE000  }
0x1b3: {  	_ =	swait.ge [sflag:s29], $0x2000  }
0x1b4: {  	[sflag:s29] =	ssyncset.done $0x0  }
0x1b5: {  	[sflag:s29] =	ssyncadd.s32 $0xFFFFE000  }
0x1b6: {  	_ =	swait.ge [sflag:s29], $0x2000  }
0x1b7: {  	[sflag:s29] =	ssyncset.done $0x0  }
0x1b8: {  	[sflag:s29] =	ssyncadd.s32 $0xFFFFE000  }
0x1b9: {  	_ =	swait.ge [sflag:s29], $0x2000  }
0x1ba: {  	[sflag:s29] =	ssyncset.done $0x0  }
0x1bb: {  	s17 =	simm.s32 $0x1000;
	[sflag:s29] =	ssyncadd.s32 $0xFFFFE000  }
0x1bc: {  	[spmem:s3] =	stream.indirect.scatter.add.f32 [tilespmem:s25], [sflag:$0x1], $0x80, s17, s24, $0xb8;
	[tilespmem:$0x1A400] =	vst v63  }
0x1bd: {  	s17 =	simm.s32 $0x1080  }
0x1be: {  	[spmem:s3] =	stream.indirect.scatter.add.f32 [tilespmem:s25], [sflag:$0x1], $0x80, s17, s24, $0xb8;
	[tilespmem:$0x1A400] =	vst v63  }
0x1bf: {  	s17 =	simm.s32 $0x1100  }
0x1c0: {  	[spmem:s3] =	stream.indirect.scatter.add.f32 [tilespmem:s25], [sflag:$0x1], $0x80, s17, s24, $0xb8;
	[tilespmem:$0x1A400] =	vst v63  }
0x1c1: {  	s17 =	simm.s32 $0x1180  }
0x1c2: {  	[spmem:s3] =	stream.indirect.scatter.add.f32 [tilespmem:s25], [sflag:$0x1], $0x80, s17, s24, $0xb8;
	[tilespmem:$0x1A400] =	vst v63  }
0x1c3: {  	s17 =	simm.s32 $0x1200  }
0x1c4: {  	[spmem:s3] =	stream.indirect.scatter.add.f32 [tilespmem:s25], [sflag:$0x1], $0x80, s17, s24, $0xb8;
	[tilespmem:$0x1A400] =	vst v63  }
0x1c5: {  	s17 =	simm.s32 $0x1280  }
0x1c6: {  	[spmem:s3] =	stream.indirect.scatter.add.f32 [tilespmem:s25], [sflag:$0x1], $0x80, s17, s24, $0xb8;
	[tilespmem:$0x1A400] =	vst v63  }
0x1c7: {  	s17 =	simm.s32 $0x1300  }
0x1c8: {  	[spmem:s3] =	stream.indirect.scatter.add.f32 [tilespmem:s25], [sflag:$0x1], $0x80, s17, s24, $0xb8;
	[tilespmem:$0x1A400] =	vst v63  }
0x1c9: {  	s17 =	simm.s32 $0x1380  }
0x1ca: {  	[spmem:s3] =	stream.indirect.scatter.add.f32 [tilespmem:s25], [sflag:$0x1], $0x80, s17, s24, $0xb8;
	[tilespmem:$0x1A400] =	vst v63  }
0x1cb: {  	_ =	swait.ge [sflag:s29], $0x2000  }
0x1cc: {  	[sflag:s29] =	ssyncset.done $0x0  }
0x1cd: {  	[sflag:s29] =	ssyncadd.s32 $0xFFFFE000  }
0x1ce: {  	_ =	swait.ge [sflag:s29], $0x2000  }
0x1cf: {  	[sflag:s29] =	ssyncset.done $0x0  }
0x1d0: {  	[sflag:s29] =	ssyncadd.s32 $0xFFFFE000  }
0x1d1: {  	_ =	swait.ge [sflag:s29], $0x2000  }
0x1d2: {  	[sflag:s29] =	ssyncset.done $0x0  }
0x1d3: {  	[sflag:s29] =	ssyncadd.s32 $0xFFFFE000  }
0x1d4: {  	_ =	swait.ge [sflag:s29], $0x2000  }
0x1d5: {  	[sflag:s29] =	ssyncset.done $0x0  }
0x1d6: {  	[sflag:s29] =	ssyncadd.s32 $0xFFFFE000  }
0x1d7: {  	_ =	swait.ge [sflag:s29], $0x2000  }
0x1d8: {  	[sflag:s29] =	ssyncset.done $0x0  }
0x1d9: {  	[sflag:s29] =	ssyncadd.s32 $0xFFFFE000  }
0x1da: {  	_ =	swait.ge [sflag:s29], $0x2000  }
0x1db: {  	[sflag:s29] =	ssyncset.done $0x0  }
0x1dc: {  	[sflag:s29] =	ssyncadd.s32 $0xFFFFE000  }
0x1dd: {  	_ =	swait.ge [sflag:s29], $0x2000  }
0x1de: {  	[sflag:s29] =	ssyncset.done $0x0  }
0x1df: {  	[sflag:s29] =	ssyncadd.s32 $0xFFFFE000  }
0x1e0: {  	_ =	swait.ge [sflag:s29], $0x2000  }
0x1e1: {  	[sflag:s29] =	ssyncset.done $0x0  }
0x1e2: {  	s17 =	rddreg [dreg:$0xe];
	[sflag:s29] =	ssyncadd.s32 $0xFFFFE000  }
0x1e3: {  	[tilespmem:s21], [sflag:$0x3] =	stream.linear.gather [hbm4b:s17+s21], $0x1400, $0x38;
	[tilespmem:$0x1A400] =	vst v63  }
0x1e4: {  	_ =	swait.ge [sflag:s22], $0x1400  }
0x1e5: {  	[sflag:s22] =	ssyncset.done $0x0  }
0x1e6: {  	[sflag:s22] =	ssyncadd.s32 $0xFFFFEC00  }
0x1e7: {  	[spmem:s3] =	stream.indirect.scatter.add.f32 [tilespmem:s25], [sflag:$0x1], $0x80, s21, s24, $0xb8;
	[tilespmem:$0x1A400] =	vst v63  }
0x1e8: {  	s4 =	simm.s32 $0x80  }
0x1e9: {  	[spmem:s3] =	stream.indirect.scatter.add.f32 [tilespmem:s25], [sflag:$0x1], $0x80, s4, s24, $0xb8;
	[tilespmem:$0x1A400] =	vst v63  }
0x1ea: {  	_ = 	snop  }
0x1eb: {  	[spmem:s3] =	stream.indirect.scatter.add.f32 [tilespmem:s25], [sflag:$0x1], $0x80, s18, s24, $0xb8;
	[tilespmem:$0x1A400] =	vst v63  }
0x1ec: {  	_ = 	snop  }
0x1ed: {  	[spmem:s3] =	stream.indirect.scatter.add.f32 [tilespmem:s25], [sflag:$0x1], $0x80, s19, s24, $0xb8;
	[tilespmem:$0x1A400] =	vst v63  }
0x1ee: {  	_ = 	snop  }
0x1ef: {  	[spmem:s3] =	stream.indirect.scatter.add.f32 [tilespmem:s25], [sflag:$0x1], $0x80, s20, s24, $0xb8;
	[tilespmem:$0x1A400] =	vst v63  }
0x1f0: {  	_ = 	snop  }
0x1f1: {  	[spmem:s3] =	stream.indirect.scatter.add.f32 [tilespmem:s25], [sflag:$0x1], $0x80, s0, s24, $0xb8;
	[tilespmem:$0x1A400] =	vst v63  }
0x1f2: {  	_ = 	snop  }
0x1f3: {  	[spmem:s3] =	stream.indirect.scatter.add.f32 [tilespmem:s25], [sflag:$0x1], $0x80, s2, s24, $0xb8;
	[tilespmem:$0x1A400] =	vst v63  }
0x1f4: {  	_ = 	snop  }
0x1f5: {  	[spmem:s3] =	stream.indirect.scatter.add.f32 [tilespmem:s25], [sflag:$0x1], $0x80, s8, s24, $0xb8;
	[tilespmem:$0x1A400] =	vst v63  }
0x1f6: {  	_ =	swait.ge [sflag:s29], $0x2000  }
0x1f7: {  	[sflag:s29] =	ssyncset.done $0x0  }
0x1f8: {  	[sflag:s29] =	ssyncadd.s32 $0xFFFFE000  }
0x1f9: {  	_ =	swait.ge [sflag:s29], $0x2000  }
0x1fa: {  	[sflag:s29] =	ssyncset.done $0x0  }
0x1fb: {  	[sflag:s29] =	ssyncadd.s32 $0xFFFFE000  }
0x1fc: {  	_ =	swait.ge [sflag:s29], $0x2000  }
0x1fd: {  	[sflag:s29] =	ssyncset.done $0x0  }
0x1fe: {  	[sflag:s29] =	ssyncadd.s32 $0xFFFFE000  }
0x1ff: {  	_ =	swait.ge [sflag:s29], $0x2000  }
0x200: {  	[sflag:s29] =	ssyncset.done $0x0  }
0x201: {  	[sflag:s29] =	ssyncadd.s32 $0xFFFFE000  }
0x202: {  	_ =	swait.ge [sflag:s29], $0x2000  }
0x203: {  	[sflag:s29] =	ssyncset.done $0x0  }
0x204: {  	[sflag:s29] =	ssyncadd.s32 $0xFFFFE000  }
0x205: {  	_ =	swait.ge [sflag:s29], $0x2000  }
0x206: {  	[sflag:s29] =	ssyncset.done $0x0  }
0x207: {  	[sflag:s29] =	ssyncadd.s32 $0xFFFFE000  }
0x208: {  	_ =	swait.ge [sflag:s29], $0x2000  }
0x209: {  	[sflag:s29] =	ssyncset.done $0x0  }
0x20a: {  	[sflag:s29] =	ssyncadd.s32 $0xFFFFE000  }
0x20b: {  	_ =	swait.ge [sflag:s29], $0x2000  }
0x20c: {  	[sflag:s29] =	ssyncset.done $0x0  }
0x20d: {  	s2 =	simm.s32 $0x400;
	[sflag:s29] =	ssyncadd.s32 $0xFFFFE000  }
0x20e: {  	[spmem:s3] =	stream.indirect.scatter.add.f32 [tilespmem:s25], [sflag:$0x1], $0x80, s2, s24, $0xb8;
	[tilespmem:$0x1A400] =	vst v63  }
0x20f: {  	_ = 	snop  }
0x210: {  	[spmem:s3] =	stream.indirect.scatter.add.f32 [tilespmem:s25], [sflag:$0x1], $0x80, s10, s24, $0xb8;
	[tilespmem:$0x1A400] =	vst v63  }
0x211: {  	_ = 	snop  }
0x212: {  	[spmem:s3] =	stream.indirect.scatter.add.f32 [tilespmem:s25], [sflag:$0x1], $0x80, s11, s24, $0xb8;
	[tilespmem:$0x1A400] =	vst v63  }
0x213: {  	_ = 	snop  }
0x214: {  	[spmem:s3] =	stream.indirect.scatter.add.f32 [tilespmem:s25], [sflag:$0x1], $0x80, s16, s24, $0xb8;
	[tilespmem:$0x1A400] =	vst v63  }
0x215: {  	_ = 	snop  }
0x216: {  	[spmem:s3] =	stream.indirect.scatter.add.f32 [tilespmem:s25], [sflag:$0x1], $0x80, s12, s24, $0xb8;
	[tilespmem:$0x1A400] =	vst v63  }
0x217: {  	_ = 	snop  }
0x218: {  	[spmem:s3] =	stream.indirect.scatter.add.f32 [tilespmem:s25], [sflag:$0x1], $0x80, s13, s24, $0xb8;
	[tilespmem:$0x1A400] =	vst v63  }
0x219: {  	_ = 	snop  }
0x21a: {  	[spmem:s3] =	stream.indirect.scatter.add.f32 [tilespmem:s25], [sflag:$0x1], $0x80, s14, s24, $0xb8;
	[tilespmem:$0x1A400] =	vst v63  }
0x21b: {  	_ = 	snop  }
0x21c: {  	[spmem:s3] =	stream.indirect.scatter.add.f32 [tilespmem:s25], [sflag:$0x1], $0x80, s23, s24, $0xb8;
	[tilespmem:$0x1A400] =	vst v63  }
0x21d: {  	_ =	swait.ge [sflag:s29], $0x2000  }
0x21e: {  	[sflag:s29] =	ssyncset.done $0x0  }
0x21f: {  	[sflag:s29] =	ssyncadd.s32 $0xFFFFE000  }
0x220: {  	_ =	swait.ge [sflag:s29], $0x2000  }
0x221: {  	[sflag:s29] =	ssyncset.done $0x0  }
0x222: {  	[sflag:s29] =	ssyncadd.s32 $0xFFFFE000  }
0x223: {  	_ =	swait.ge [sflag:s29], $0x2000  }
0x224: {  	[sflag:s29] =	ssyncset.done $0x0  }
0x225: {  	[sflag:s29] =	ssyncadd.s32 $0xFFFFE000  }
0x226: {  	_ =	swait.ge [sflag:s29], $0x2000  }
0x227: {  	[sflag:s29] =	ssyncset.done $0x0  }
0x228: {  	[sflag:s29] =	ssyncadd.s32 $0xFFFFE000  }
0x229: {  	_ =	swait.ge [sflag:s29], $0x2000  }
0x22a: {  	[sflag:s29] =	ssyncset.done $0x0  }
0x22b: {  	[sflag:s29] =	ssyncadd.s32 $0xFFFFE000  }
0x22c: {  	_ =	swait.ge [sflag:s29], $0x2000  }
0x22d: {  	[sflag:s29] =	ssyncset.done $0x0  }
0x22e: {  	[sflag:s29] =	ssyncadd.s32 $0xFFFFE000  }
0x22f: {  	_ =	swait.ge [sflag:s29], $0x2000  }
0x230: {  	[sflag:s29] =	ssyncset.done $0x0  }
0x231: {  	[sflag:s29] =	ssyncadd.s32 $0xFFFFE000  }
0x232: {  	_ =	swait.ge [sflag:s29], $0x2000  }
0x233: {  	[sflag:s29] =	ssyncset.done $0x0  }
0x234: {  	[sflag:s29] =	ssyncadd.s32 $0xFFFFE000  }
0x235: {  	[spmem:s3] =	stream.indirect.scatter.add.f32 [tilespmem:s25], [sflag:$0x1], $0x80, s31, s24, $0xb8;
	[tilespmem:$0x1A400] =	vst v63  }
0x236: {  	_ = 	snop  }
0x237: {  	[spmem:s3] =	stream.indirect.scatter.add.f32 [tilespmem:s25], [sflag:$0x1], $0x80, s1, s24, $0xb8;
	[tilespmem:$0x1A400] =	vst v63  }
0x238: {  	_ = 	snop  }
0x239: {  	[spmem:s3] =	stream.indirect.scatter.add.f32 [tilespmem:s25], [sflag:$0x1], $0x80, s26, s24, $0xb8;
	[tilespmem:$0x1A400] =	vst v63  }
0x23a: {  	s17 =	simm.s32 $0x980  }
0x23b: {  	[spmem:s3] =	stream.indirect.scatter.add.f32 [tilespmem:s25], [sflag:$0x1], $0x80, s17, s24, $0xb8;
	[tilespmem:$0x1A400] =	vst v63  }
0x23c: {  	s18 =	simm.s32 $0xA00  }
0x23d: {  	[spmem:s3] =	stream.indirect.scatter.add.f32 [tilespmem:s25], [sflag:$0x1], $0x80, s18, s24, $0xb8;
	[tilespmem:$0x1A400] =	vst v63  }
0x23e: {  	s19 =	simm.s32 $0xA80  }
0x23f: {  	[spmem:s3] =	stream.indirect.scatter.add.f32 [tilespmem:s25], [sflag:$0x1], $0x80, s19, s24, $0xb8;
	[tilespmem:$0x1A400] =	vst v63  }
0x240: {  	s1 =	simm.s32 $0xB00  }
0x241: {  	[spmem:s3] =	stream.indirect.scatter.add.f32 [tilespmem:s25], [sflag:$0x1], $0x80, s1, s24, $0xb8;
	[tilespmem:$0x1A400] =	vst v63  }
0x242: {  	s2 =	simm.s32 $0xB80  }
0x243: {  	[spmem:s3] =	stream.indirect.scatter.add.f32 [tilespmem:s25], [sflag:$0x1], $0x80, s2, s24, $0xb8;
	[tilespmem:$0x1A400] =	vst v63  }
0x244: {  	_ =	swait.ge [sflag:s29], $0x2000  }
0x245: {  	[sflag:s29] =	ssyncset.done $0x0  }
0x246: {  	[sflag:s29] =	ssyncadd.s32 $0xFFFFE000  }
0x247: {  	_ =	swait.ge [sflag:s29], $0x2000  }
0x248: {  	[sflag:s29] =	ssyncset.done $0x0  }
0x249: {  	[sflag:s29] =	ssyncadd.s32 $0xFFFFE000  }
0x24a: {  	_ =	swait.ge [sflag:s29], $0x2000  }
0x24b: {  	[sflag:s29] =	ssyncset.done $0x0  }
0x24c: {  	[sflag:s29] =	ssyncadd.s32 $0xFFFFE000  }
0x24d: {  	_ =	swait.ge [sflag:s29], $0x2000  }
0x24e: {  	[sflag:s29] =	ssyncset.done $0x0  }
0x24f: {  	[sflag:s29] =	ssyncadd.s32 $0xFFFFE000  }
0x250: {  	_ =	swait.ge [sflag:s29], $0x2000  }
0x251: {  	[sflag:s29] =	ssyncset.done $0x0  }
0x252: {  	[sflag:s29] =	ssyncadd.s32 $0xFFFFE000  }
0x253: {  	_ =	swait.ge [sflag:s29], $0x2000  }
0x254: {  	[sflag:s29] =	ssyncset.done $0x0  }
0x255: {  	[sflag:s29] =	ssyncadd.s32 $0xFFFFE000  }
0x256: {  	_ =	swait.ge [sflag:s29], $0x2000  }
0x257: {  	[sflag:s29] =	ssyncset.done $0x0  }
0x258: {  	[sflag:s29] =	ssyncadd.s32 $0xFFFFE000  }
0x259: {  	_ =	swait.ge [sflag:s29], $0x2000  }
0x25a: {  	[sflag:s29] =	ssyncset.done $0x0  }
0x25b: {  	s17 =	simm.s32 $0xC00;
	[sflag:s29] =	ssyncadd.s32 $0xFFFFE000  }
0x25c: {  	[spmem:s3] =	stream.indirect.scatter.add.f32 [tilespmem:s25], [sflag:$0x1], $0x80, s17, s24, $0xb8;
	[tilespmem:$0x1A400] =	vst v63  }
0x25d: {  	s18 =	simm.s32 $0xC80  }
0x25e: {  	[spmem:s3] =	stream.indirect.scatter.add.f32 [tilespmem:s25], [sflag:$0x1], $0x80, s18, s24, $0xb8;
	[tilespmem:$0x1A400] =	vst v63  }
0x25f: {  	s19 =	simm.s32 $0xD00  }
0x260: {  	[spmem:s3] =	stream.indirect.scatter.add.f32 [tilespmem:s25], [sflag:$0x1], $0x80, s19, s24, $0xb8;
	[tilespmem:$0x1A400] =	vst v63  }
0x261: {  	s1 =	simm.s32 $0xD80  }
0x262: {  	[spmem:s3] =	stream.indirect.scatter.add.f32 [tilespmem:s25], [sflag:$0x1], $0x80, s1, s24, $0xb8;
	[tilespmem:$0x1A400] =	vst v63  }
0x263: {  	s2 =	simm.s32 $0xE00  }
0x264: {  	[spmem:s3] =	stream.indirect.scatter.add.f32 [tilespmem:s25], [sflag:$0x1], $0x80, s2, s24, $0xb8;
	[tilespmem:$0x1A400] =	vst v63  }
0x265: {  	s17 =	simm.s32 $0xE80  }
0x266: {  	[spmem:s3] =	stream.indirect.scatter.add.f32 [tilespmem:s25], [sflag:$0x1], $0x80, s17, s24, $0xb8;
	[tilespmem:$0x1A400] =	vst v63  }
0x267: {  	s18 =	simm.s32 $0xF00  }
0x268: {  	[spmem:s3] =	stream.indirect.scatter.add.f32 [tilespmem:s25], [sflag:$0x1], $0x80, s18, s24, $0xb8;
	[tilespmem:$0x1A400] =	vst v63  }
0x269: {  	s19 =	simm.s32 $0xF80  }
0x26a: {  	[spmem:s3] =	stream.indirect.scatter.add.f32 [tilespmem:s25], [sflag:$0x1], $0x80, s19, s24, $0xb8;
	[tilespmem:$0x1A400] =	vst v63  }
0x26b: {  	_ =	swait.ge [sflag:s29], $0x2000  }
0x26c: {  	[sflag:s29] =	ssyncset.done $0x0  }
0x26d: {  	[sflag:s29] =	ssyncadd.s32 $0xFFFFE000  }
0x26e: {  	_ =	swait.ge [sflag:s29], $0x2000  }
0x26f: {  	[sflag:s29] =	ssyncset.done $0x0  }
0x270: {  	[sflag:s29] =	ssyncadd.s32 $0xFFFFE000  }
0x271: {  	_ =	swait.ge [sflag:s29], $0x2000  }
0x272: {  	[sflag:s29] =	ssyncset.done $0x0  }
0x273: {  	[sflag:s29] =	ssyncadd.s32 $0xFFFFE000  }
0x274: {  	_ =	swait.ge [sflag:s29], $0x2000  }
0x275: {  	[sflag:s29] =	ssyncset.done $0x0  }
0x276: {  	[sflag:s29] =	ssyncadd.s32 $0xFFFFE000  }
0x277: {  	_ =	swait.ge [sflag:s29], $0x2000  }
0x278: {  	[sflag:s29] =	ssyncset.done $0x0  }
0x279: {  	[sflag:s29] =	ssyncadd.s32 $0xFFFFE000  }
0x27a: {  	_ =	swait.ge [sflag:s29], $0x2000  }
0x27b: {  	[sflag:s29] =	ssyncset.done $0x0  }
0x27c: {  	[sflag:s29] =	ssyncadd.s32 $0xFFFFE000  }
0x27d: {  	_ =	swait.ge [sflag:s29], $0x2000  }
0x27e: {  	[sflag:s29] =	ssyncset.done $0x0  }
0x27f: {  	[sflag:s29] =	ssyncadd.s32 $0xFFFFE000  }
0x280: {  	_ =	swait.ge [sflag:s29], $0x2000  }
0x281: {  	[sflag:s29] =	ssyncset.done $0x0  }
0x282: {  	s1 =	simm.s32 $0x1000;
	[sflag:s29] =	ssyncadd.s32 $0xFFFFE000  }
0x283: {  	[spmem:s3] =	stream.indirect.scatter.add.f32 [tilespmem:s25], [sflag:$0x1], $0x80, s1, s24, $0xb8;
	[tilespmem:$0x1A400] =	vst v63  }
0x284: {  	s2 =	simm.s32 $0x1080  }
0x285: {  	[spmem:s3] =	stream.indirect.scatter.add.f32 [tilespmem:s25], [sflag:$0x1], $0x80, s2, s24, $0xb8;
	[tilespmem:$0x1A400] =	vst v63  }
0x286: {  	s17 =	simm.s32 $0x1100  }
0x287: {  	[spmem:s3] =	stream.indirect.scatter.add.f32 [tilespmem:s25], [sflag:$0x1], $0x80, s17, s24, $0xb8;
	[tilespmem:$0x1A400] =	vst v63  }
0x288: {  	s18 =	simm.s32 $0x1180  }
0x289: {  	[spmem:s3] =	stream.indirect.scatter.add.f32 [tilespmem:s25], [sflag:$0x1], $0x80, s18, s24, $0xb8;
	[tilespmem:$0x1A400] =	vst v63  }
0x28a: {  	s19 =	simm.s32 $0x1200  }
0x28b: {  	[spmem:s3] =	stream.indirect.scatter.add.f32 [tilespmem:s25], [sflag:$0x1], $0x80, s19, s24, $0xb8;
	[tilespmem:$0x1A400] =	vst v63  }
0x28c: {  	s1 =	simm.s32 $0x1280  }
0x28d: {  	[spmem:s3] =	stream.indirect.scatter.add.f32 [tilespmem:s25], [sflag:$0x1], $0x80, s1, s24, $0xb8;
	[tilespmem:$0x1A400] =	vst v63  }
0x28e: {  	s2 =	simm.s32 $0x1300  }
0x28f: {  	[spmem:s3] =	stream.indirect.scatter.add.f32 [tilespmem:s25], [sflag:$0x1], $0x80, s2, s24, $0xb8;
	[tilespmem:$0x1A400] =	vst v63  }
0x290: {  	s17 =	simm.s32 $0x1380  }
0x291: {  	[spmem:s3] =	stream.indirect.scatter.add.f32 [tilespmem:s25], [sflag:$0x1], $0x80, s17, s24, $0xb8;
	[tilespmem:$0x1A400] =	vst v63  }
0x292: {  	_ =	swait.ge [sflag:s29], $0x2000  }
0x293: {  	[sflag:s29] =	ssyncset.done $0x0  }
0x294: {  	[sflag:s29] =	ssyncadd.s32 $0xFFFFE000  }
0x295: {  	_ =	swait.ge [sflag:s29], $0x2000  }
0x296: {  	[sflag:s29] =	ssyncset.done $0x0  }
0x297: {  	[sflag:s29] =	ssyncadd.s32 $0xFFFFE000  }
0x298: {  	_ =	swait.ge [sflag:s29], $0x2000  }
0x299: {  	[sflag:s29] =	ssyncset.done $0x0  }
0x29a: {  	[sflag:s29] =	ssyncadd.s32 $0xFFFFE000  }
0x29b: {  	_ =	swait.ge [sflag:s29], $0x2000  }
0x29c: {  	[sflag:s29] =	ssyncset.done $0x0  }
0x29d: {  	[sflag:s29] =	ssyncadd.s32 $0xFFFFE000  }
0x29e: {  	_ =	swait.ge [sflag:s29], $0x2000  }
0x29f: {  	[sflag:s29] =	ssyncset.done $0x0  }
0x2a0: {  	[sflag:s29] =	ssyncadd.s32 $0xFFFFE000  }
0x2a1: {  	_ =	swait.ge [sflag:s29], $0x2000  }
0x2a2: {  	[sflag:s29] =	ssyncset.done $0x0  }
0x2a3: {  	[sflag:s29] =	ssyncadd.s32 $0xFFFFE000  }
0x2a4: {  	_ =	swait.ge [sflag:s29], $0x2000  }
0x2a5: {  	[sflag:s29] =	ssyncset.done $0x0  }
0x2a6: {  	[sflag:s29] =	ssyncadd.s32 $0xFFFFE000  }
0x2a7: {  	_ =	swait.ge [sflag:s29], $0x2000  }
0x2a8: {  	[sflag:s29] =	ssyncset.done $0x0  }
0x2a9: {  	[sflag:s29] =	ssyncadd.s32 $0xFFFFE000  }
0x2aa: {  	[bflag:$0x0] =	sbarrier.arrive $0xFFFF  }
0x2ab: {  	s18 =	rddreg [dreg:$0xf]  }
0x2ac: {  	[hbm:s18], [sflag:s7] =	dma.local [spmem:s9], $0x2780  }
0x2ad: {  	_ =	swait.ge [sflag:s22], $0x2780  }
0x2ae: {  	s15 =	sadd.s32 $0x1, s15;
	s19 =	rddreg [dreg:$0x10]  }
0x2af: {  	p0 =	sne.s32 s15, s19  }
.Ltmp4:
0x2b0: {  	_ = 	snop;
	(pc) =	sbr.rel @p0 .LBB2_1-.Ltmp4, $3  }
0x2b1: {  	_ =	sdelay $0x1  }
0x2b2: {  	s4 =	simm.s32 $0x0;
	[sflag:s22] =	ssyncset.done $0x0  }
0x2b3: {  	s0 =	simm.s32 $0x1400;
	s8 =	simm.s32 $0x80;
	[sflag:s22] =	ssyncadd.s32 $0xFFFFD880  }
0x2b4: {  	_ =	sfence.sel $0x180000  }
0x2b5: {  	[bflag:$0x0] =	sbarrier.arrive $0xFFFF  }
0x2b6: {  	_ =	strace $0x90000047  }
0x2b7: {  	s0 =	stileid.u32;
	[bflag:$0x2] =	sbarrier.arrive $0xFFFF  }
0x2b8: {  	p0 =	sne.s32 s0, $0x0;
	s0 =	rddreg [dreg:$0x3]  }
0x2b9: {  	s0 =	sadd.s32 @!p0 $0x100000, s0  }
0x2ba: {  	[sflag:s0] =	ssyncadd.tile.s32 @!p0 $0x1;
	_ =	shalt  }
.Lfunc_end2:
_tile_overlayer_lowered:
.L_overlay_start_2:
0x2bb: {  	(tag) =	ssettag $0x2  }
0x2bc: {  	s0 =	rddreg [dreg:$0x0];
	s2 =	stileid.u32  }
0x2bd: {  	s1 =	rddreg [dreg:$0x1];
	p0 =	sne.s32 s2, $0x0  }
0x2be: {  	s3 =	rddreg [dreg:$0x2];
	[bflag:$0x3] =	sbarrier.arrive $0xFFFF;
	s2 =	simm.s32 @!p0 $0x1C03  }
0x2bf: {  	[timem:s3], [sflag:s2] =	dma.local @!p0 [hbm:s0], s1  }
0x2c0: {  	s0 =	simm.s32 @!p0 $0x3  }
0x2c1: {  	_ =	swait.ge @!p0 [sflag:s0], s1  }
0x2c2: {  	s1 =	ssub.s32 @!p0 $0x0, s1;
	[sflag:s0] =	ssyncset.done @!p0 $0x0  }
0x2c3: {  	[sflag:s0] =	ssyncadd.s32 @!p0 s1  }
0x2c4: {  	[bflag:$0x3] =	sbarrier.arrive $0xFFFF  }
0x2c5: {  	_ =	shalt  }

// kernel: kernel.9.cloned.1.call-start
scs
__scs_entry_jumppad:
0x0: {  	(pc) =	sbr.rel $0x88, $3  }
0x1: {  	(tag) =	ssettag $0x0;
	lr =	simm.s32 $0x1  }
0x2: {  	[smem:$0x3F96] =	sst lr;
	_ =	strace $0xD0000000  }
0x3: {  	_ = 	snop  }
0x4: {  	_ = 	snop  }
0x5: {  	_ = 	snop  }
0x6: {  	_ = 	snop  }
0x7: {  	_ = 	snop  }
__scs_overlays_trampoline_lowered:
0x8: {  	[smem:$0x3FA5] =	sst s0  }
0x9: {  	[smem:$0x3FA6] =	sst s1  }
0xa: {  	[smem:$0x3FA7] =	sst s2  }
0xb: {  	[smem:$0x3FA8] =	sst s3  }
0xc: {  	[smem:$0x3FA9] =	sst s4  }
0xd: {  	[smem:$0x3FAA] =	sst s5  }
0xe: {  	[smem:$0x3FAB] =	sst s6  }
0xf: {  	[smem:$0x3FAC] =	sst s7  }
0x10: {  	[smem:$0x3FAD] =	sst s8  }
0x11: {  	[smem:$0x3FAE] =	sst s9;
	s0 =	simm.s32 @!p0 $0x0  }
0x12: {  	s1 =	sld [smem:$0x3F94];
	s0 =	simm.s32 @p0 $0x1  }
0x13: {  	[smem:$0x3FAF] =	sst s0;
	s0 =	simm.s32 @!p1 $0x0  }
0x14: {  	s2 =	sld [smem:$0x3F93];
	s0 =	simm.s32 @p1 $0x1  }
0x15: {  	[smem:$0x3FB0] =	sst s0;
	s0 =	simm.s32 @!p2 $0x0  }
0x16: {  	s3 =	sld [smem:$0x3FDB];
	s0 =	simm.s32 @p2 $0x1  }
0x17: {  	s4 =	simm.s32 $0x1BF5;
	[smem:$0x3FB2] =	sst s0  }
0x18: {  	s0 =	sld [smem:$0x3F95];
	_ =	swait.ge [sflag:s4], $0x0  }
0x19: {  	s7 =	sld [smem:$0x3F96]  }
0x1a: {  	s8 =	sadd.s32 $0xFFFFE003, lr  }
0x1b: {  	s9 =	sadd.s32 $0xFFFFFEF7, lr;
	s5 =	simm.s32 $0xFFFFFFFF;
	p2 =	slt.u32 s8, $0xFFFFF086  }
0x1c: {  	p1 =	slt.u32 s9, $0xF7A;
	s5 =	simm.s32 @!p2 $0x0  }
0x1d: {  	s5 =	simm.s32 @p1 $0x1;
	p0 =	seq.s32 s7, s2  }
0x1e: {  	s7 =	smul.u32 @!p0 $0xF7A, s2;
	p2 =	seq.s32 @!p0 s5, $0x0  }
0x1f: {  	s9 =	smul.u32 $0xF7A, s1;
	s8 =	simm.s32 @!p0 $0x1BF5;
	p2 =	por !p2, p0  }
0x20: {  	[sflag:s8] =	ssyncset.s32 @!p0 $0xFFFFF086;
	s6 =	sadd.s32 @!p0 s3, s7;
	s7 =	simm.s32 @!p0 $0x108  }
0x21: {  	s3 =	sadd.s32 s3, s9;
	s6 =	sadd.s32 @!p0 $0x88, s6;
	s7 =	simm.s32 @p2 $0x1082  }
0x22: {  	[simem:s7], [sflag:s8] =	dma.local @!p0 [hbm:s6], $0xF7A  }
0x23: {  	s9 =	sor.u32 $0xD0000000, s2;
	s6 =	simm.s32 $0x108;
	_ =	swait.ge @!p0 [sflag:s8], $0x0  }
0x24: {  	s3 =	sadd.s32 $0x88, s3;
	s6 =	simm.s32 @!p1 $0x1082;
	[sflag:s4] =	ssyncset.s32 $0xFFFFF086  }
0x25: {  	[simem:s6], [sflag:s4] =	dma.local [hbm:s3], $0xF7A  }
0x26: {  	[smem:$0x3F96] =	sst s1;
	(tag) =	ssettag s2;
	_ =	strace s9  }
0x27: {  	s1 =	sld [smem:$0x3FA6]  }
0x28: {  	s2 =	sld [smem:$0x3FA7]  }
0x29: {  	s4 =	sld [smem:$0x3FA9]  }
0x2a: {  	p0 =	seq.s32 s5, $0x0;
	s5 =	sld [smem:$0x3FAA]  }
0x2b: {  	s6 =	sld [smem:$0x3FAB]  }
0x2c: {  	s7 =	sld [smem:$0x3FAC]  }
0x2d: {  	s3 =	simm.s32 $0x108;
	s8 =	sld [smem:$0x3FAD]  }
0x2e: {  	s3 =	simm.s32 @!p0 $0x1082;
	s9 =	sld [smem:$0x3FAE]  }
0x2f: {  	lr =	sadd.s32 s0, s3;
	s0 =	sld [smem:$0x3FA5]  }
0x30: {  	s3 =	sld [smem:$0x3FA8]  }
0x31: {  	[smem:$0x3FB1] =	sst s10  }
0x32: {  	s10 =	sld [smem:$0x3FAF];
	_ =	sdelay $0x3  }
0x33: {  	p0 =	seq.s32 s10, $0x1;
	s10 =	sld [smem:$0x3FB1];
	_ =	sdelay $0x3  }
0x34: {  	[smem:$0x3FB1] =	sst s10  }
0x35: {  	s10 =	sld [smem:$0x3FB0];
	_ =	sdelay $0x3  }
0x36: {  	p1 =	seq.s32 s10, $0x1;
	s10 =	sld [smem:$0x3FB1];
	_ =	sdelay $0x3  }
0x37: {  	[smem:$0x3FB1] =	sst s10  }
0x38: {  	s10 =	sld [smem:$0x3FB2]  }
0x39: {  	_ = 	snop;
	(pc) =	sbr.ind lr, $3  }
0x3a: {  	_ = 	snop  }
0x3b: {  	_ = 	snop  }
0x3c: {  	p2 =	seq.s32 s10, $0x1;
	s10 =	sld [smem:$0x3FB1]  }
0x3d: {  	_ =	shalt  }
0x3e: {  	_ =	shalt  }
0x3f: {  	_ =	shalt  }
0x40: {  	_ =	shalt  }
0x41: {  	_ =	shalt  }
0x42: {  	_ =	shalt  }
0x43: {  	_ =	shalt  }
0x44: {  	_ =	shalt  }
0x45: {  	_ =	shalt  }
0x46: {  	_ =	shalt  }
0x47: {  	_ =	shalt  }
0x48: {  	_ =	shalt  }
0x49: {  	_ =	shalt  }
0x4a: {  	_ =	shalt  }
0x4b: {  	_ =	shalt  }
0x4c: {  	_ =	shalt  }
0x4d: {  	_ =	shalt  }
0x4e: {  	_ =	shalt  }
0x4f: {  	_ =	shalt  }
0x50: {  	_ =	shalt  }
0x51: {  	_ =	shalt  }
0x52: {  	_ =	shalt  }
0x53: {  	_ =	shalt  }
0x54: {  	_ =	shalt  }
0x55: {  	_ =	shalt  }
0x56: {  	_ =	shalt  }
0x57: {  	_ =	shalt  }
0x58: {  	_ =	shalt  }
0x59: {  	_ =	shalt  }
0x5a: {  	_ =	shalt  }
0x5b: {  	_ =	shalt  }
0x5c: {  	_ =	shalt  }
0x5d: {  	_ =	shalt  }
0x5e: {  	_ =	shalt  }
0x5f: {  	_ =	shalt  }
0x60: {  	_ =	shalt  }
0x61: {  	_ =	shalt  }
0x62: {  	_ =	shalt  }
0x63: {  	_ =	shalt  }
0x64: {  	_ =	shalt  }
0x65: {  	_ =	shalt  }
0x66: {  	_ =	shalt  }
0x67: {  	_ =	shalt  }
0x68: {  	_ =	shalt  }
0x69: {  	_ =	shalt  }
0x6a: {  	_ =	shalt  }
0x6b: {  	_ =	shalt  }
0x6c: {  	_ =	shalt  }
0x6d: {  	_ =	shalt  }
0x6e: {  	_ =	shalt  }
0x6f: {  	_ =	shalt  }
0x70: {  	_ =	shalt  }
0x71: {  	_ =	shalt  }
0x72: {  	_ =	shalt  }
0x73: {  	_ =	shalt  }
0x74: {  	_ =	shalt  }
0x75: {  	_ =	shalt  }
0x76: {  	_ =	shalt  }
0x77: {  	_ =	shalt  }
0x78: {  	_ =	shalt  }
0x79: {  	_ =	shalt  }
0x7a: {  	_ =	shalt  }
0x7b: {  	_ =	shalt  }
0x7c: {  	_ =	shalt  }
0x7d: {  	_ =	shalt  }
0x7e: {  	_ =	shalt  }
0x7f: {  	_ =	shalt  }
0x80: {  	_ =	shalt  }
0x81: {  	_ =	shalt  }
0x82: {  	_ =	shalt  }
0x83: {  	_ =	shalt  }
0x84: {  	_ =	shalt  }
0x85: {  	_ =	shalt  }
0x86: {  	_ =	shalt  }
0x87: {  	_ =	shalt  }
.Lfunc_end0:
.L_simem_size_0:
called_computation.1_lowered:
.L_overlay_start_0:
0x88: {  	s2 =	sld [smem:$0x3FD9]  }
0x89: {  	s3 =	sld [smem:$0x3FFE];
	_ =	sdelay $0x1  }
0x8a: {  	s1 =	srdreg.scid  }
0x8b: {  	s0 =	sand.u32 $0x1, s1  }
0x8c: {  	s16 =	sshll.u32 s0, $0xA;
	s2 =	sadd.s32 s3, s2  }
0x8d: {  	s2 =	sadd.s32 s2, s16  }
0x8e: {  	[smem:$0x3FBD] =	sst s2  }
0x8f: {  	_ = 	snop  }
0x90: {  	(tm) =	ssettm $0x1  }
0x91: {  	s17 =	sld [smem:$0x3FFB];
	_ =	sdelay $0x3  }
0x92: {  	_ =	strace s17  }
0x93: {  	s2 =	sld [smem:$0x3FFC];
	_ =	sdelay $0x3  }
0x94: {  	_ =	strace s2  }
0x95: {  	s2 =	sld [smem:$0x3FFD];
	_ =	sdelay $0x3  }
0x96: {  	_ =	strace s2  }
0x97: {  	_ =	strace $0x8FFFFFFF  }
0x98: {  	s18 =	sld [smem:$0x3FDB];
	_ =	sdelay $0x1  }
0x99: {  	s19 =	simm.s32 $_scs_section_size  }
0x9a: {  	s4 =	simm.s32 $_size__tile_overlayer_lowered;
	s5 =	simm.s32 $_tile_overlayer_lowered  }
0x9b: {  	s22 =	simm.s32 $0x1BFF;
	s21 =	sshll.u32 s5, $0x1;
	s2 =	sadd.s32 s19, s18  }
0x9c: {  	s6 =	simm.s32 $0x0;
	s20 =	sshll.u32 s4, $0x1;
	s4 =	sadd.s32 s21, s2  }
0x9d: {  	[timem:s6], [sflag:s22] =	dma.local [hbm:s4], s20  }
0x9e: {  	_ =	swait.ge [sflag:s22], s20  }
0x9f: {  	s3 =	ssub.s32 $0x0, s20;
	[sflag:s22] =	ssyncset.done $0x0  }
0xa0: {  	[sflag:s22] =	ssyncadd.s32 s3;
	_ =	sdelay $0x1  }
0xa1: {  	s23 =	simm.s32 $0x1B8B  }
0xa2: {  	_ =	swait.ge [sflag:s23], $0x1  }
0xa3: {  	[sflag:s23] =	ssyncset.done $0x0  }
0xa4: {  	s25 =	simm.s32 $0x1B8E;
	s24 =	sld [smem:$0x3FFE];
	[sflag:s23] =	ssyncadd.s32 $0xFFFFFFFF  }
0xa5: {  	s26 =	simm.s32 $execute0_lowered;
	[smem:$0x3FD2] =	sst s25  }
0xa6: {  	s4 =	sshll.u32 s26, $0x1;
	_ =	strace $0x80000049;
	[dreg:$0x1] =	wrdreg $0xFFFFFFFF  }
0xa7: {  	s28 =	simm.s32 $_size_execute0_lowered;
	s2 =	sadd.s32 s2, s4;
	[dreg:$0x0] =	wrdreg $0x0  }
0xa8: {  	s4 =	sshll.u32 s28, $0x1;
	[dreg:$0x2] =	wrdreg s2  }
0xa9: {  	[dreg:$0x3] =	wrdreg s4  }
0xaa: {  	[dreg:$0x4] =	wrdreg $0xC0  }
0xab: {  	_ =	task [dreg:s6], $0x5FFFF  }
0xac: {  	[dreg:$0x1] =	wrdreg $0xFFFFFFFF  }
0xad: {  	[dreg:$0x0] =	wrdreg $0x60  }
0xae: {  	[dreg:$0x2] =	wrdreg s24  }
0xaf: {  	[dreg:$0x3] =	wrdreg $0x68000  }
0xb0: {  	[dreg:$0x4] =	wrdreg $0x9  }
0xb1: {  	_ =	task.clear_ibuf [dreg:s6], $0x5FFFF;
	_ =	strace $0x90000049  }
0xb2: {  	s29 =	simm.s32 $0x9;
	_ =	strace $0x8000004B  }
0xb3: {  	_ =	swait.ge [sflag:s29], $0x1  }
0xb4: {  	[sflag:s29] =	ssyncadd.s32 $0xFFFFFFFF  }
0xb5: {  	_ =	strace $0x9000004B  }
0xb6: {  	_ =	sfence  }
0xb7: {  	s30 =	sld [smem:$0x0];
	_ =	sdelay $0x2  }
0xb8: {  	s31 =	sshll.u32 s1, $0xD;
	s1 =	sshrl.u32 s1, $0x2  }
0xb9: {  	s3 =	sand.u32 $0x4000, s31;
	s1 =	sadd.s32 s1, s30  }
0xba: {  	s0 =	sor.u32 s3, s0;
	s1 =	sshll.u32 s1, $0x11  }
0xbb: {  	s0 =	sor.u32 s1, s0  }
0xbc: {  	s0 =	sadd.s32 $0x8F2B, s0  }
0xbd: {  	[sflag:s0] =	ssyncadd.remote.s32 $0x1  }
0xbe: {  	_ =	sfence.sel $0xFFFF  }
0xbf: {  	[dreg:$0x0] =	wrdreg $0xFFFFFFFF;
	(pc) =	sbr.abs _section_cstart, $3  }
0xc0: {  	[dreg:$0x1] =	wrdreg $0xFFFFFFFF  }
0xc1: {  	_ =	task.clear_ibuf [dreg:s6], $0x2FFFF;
	_ =	strace $0x9FFFFFFF  }
0xc2: {  	(tm) =	ssettm $0x7FFFFFFF  }
0xc3: {  	_ =	shalt  }
tec
execute0_lowered:
.L_overlay_start_1:
0x0: {  	(tag) =	ssettag $0x1  }
0x1: {  	s0 =	rddreg [dreg:$0x0]  }
0x2: {  	s1 =	rddreg [dreg:$0x1]  }
0x3: {  	s2 =	simm.s32 $0x0;
	s5 =	srdreg.scid;
	s13 =	stileid.u32  }
0x4: {  	s28 =	simm.s32 $0x80;
	s29 =	simm.s32 $0x4800;
	s30 =	simm.s32 $0x1  }
0x5: {  	s31 =	simm.s32 $0x2;
	[smem:$0x7FF] =	sst s2;
	s7 =	smul.u32 $0x4F000, s13  }
0x6: {  	s4 =	sadd.s32 $0x13A000, s0;
	s3 =	sadd.s32 $0x112000, s0;
	s12 =	smul.u32 $0xA0, s13  }
0x7: {  	s6 =	sadd.s32 $0x1800, s0;
	s10 =	sand.u32 $0x1, s5;
	s17 =	smul.u32 $0x278, s13  }
0x8: {  	s5 =	sadd.s32 $0x6F800, s0;
	s0 =	sadd.s32 $0x72000, s0;
	s16 =	smul.u32 $0x5000, s13  }
0x9: {  	s18 =	sshll.u32 s13, $0x6;
	s13 =	smul.u32 $0xA00, s13;
	s8 =	ssub.s32 $0x2, s10  }
0xa: {  	_ =	strace $0x8000004A;
	s9 =	smul.u32 $0x1400, s10;
	s11 =	sshrl.u32 s8, $0x1  }
0xb: {  	s7 =	sshrl.u32 s7, $0x2;
	s20 =	sshrl.u32 s16, $0x3;
	s14 =	ssub.s32 s8, s11  }
0xc: {  	s7 =	sadd.s32 s7, s1;
	s15 =	sadd.s32 s12, s9;
	s9 =	sadd.s32 s6, s13  }
0xd: {  	s6 =	sadd.s32 s6, s20;
	[dreg:$0x3] =	wrdreg s7;
	s19 =	sshll.u32 s15, $0x4  }
0xe: {  	s7 =	sor.u32 $0x1C03, s18;
	s15 =	sshllo.u32 s10, $0x1;
	s10 =	smul.u32 $0x5000, s10  }
0xf: {  	s11 =	sadd.s32 $0x280, s6;
	s8 =	sadd.s32 s3, s19;
	s16 =	smul.u32 $0xA00, s15  }
0x10: {  	s13 =	sadd.s32 $0x500, s6;
	s23 =	smul.u32 $0x2800, s15;
	s21 =	sadd.s32 $0x280, s8  }
0x11: {  	s15 =	sadd.s32 $0x780, s6;
	s22 =	sadd.s32 $0x500, s8;
	[dreg:$0x4] =	wrdreg s21  }
0x12: {  	s18 =	sadd.s32 $0x780, s8;
	s24 =	sadd.s32 s17, s10;
	[dreg:$0x5] =	wrdreg s22  }
0x13: {  	[dreg:$0x6] =	wrdreg s18;
	s12 =	sadd.s32 s12, s16;
	s6 =	sshll.u32 s24, $0x4  }
0x14: {  	s26 =	sadd.s32 s17, s23;
	s22 =	smax.u32 s14, $0x1;
	s23 =	simm.s32 $0x3  }
0x15: {  	s24 =	simm.s32 $0x1400;
	s25 =	sshll.u32 s12, $0x4;
	s6 =	sadd.s32 s0, s6  }
0x16: {  	s16 =	sadd.s32 s3, s25;
	[dreg:$0x7] =	wrdreg s6;
	s3 =	sshll.u32 s26, $0x4  }
0x17: {  	s25 =	simm.s32 $0x40;
	s26 =	simm.s32 $0x2800;
	s6 =	simm.s32 $0x0  }
0x18: {  	s18 =	sadd.s32 $0x280, s16;
	s19 =	sadd.s32 $0x500, s16;
	s20 =	sadd.s32 $0x780, s16  }
0x19: {  	s21 =	sadd.s32 s0, s3;
	s0 =	simm.s32 $0x2700;
	s3 =	simm.s32 $0x2780  }
.LBB2_1:
0x1a: {  	s10 =	rddreg [dreg:$0x3]  }
0x1b: {  	s10 =	sshrl.u32 s10, $0x3  }
0x1c: {  	[spmem:s10], [sflag:s7] =	dma.local [hbm:s5], $0x2780  }
0x1d: {  	_ =	swait.ge [sflag:s23], $0x2780  }
0x1e: {  	[sflag:s23] =	ssyncset.done $0x0  }
0x1f: {  	[sflag:s23] =	ssyncadd.s32 $0xFFFFD880  }
0x20: {  	[bflag:$0x0] =	sbarrier.arrive $0xFFFF  }
0x21: {  	[tilespmem:s2], [sflag:$0x3] =	stream.linear.gather [hbm4b:s8+s2], $0x1400, $0x38;
	[tilespmem:$0x1A400] =	vst v63  }
0x22: {  	_ =	swait.ge [sflag:s23], $0x1400  }
0x23: {  	[sflag:s23] =	ssyncset.done $0x0  }
0x24: {  	[sflag:s23] =	ssyncadd.s32 $0xFFFFEC00  }
0x25: {  	[tilespmem:s24], [sflag:$0x3] =	stream.linear.gather [hbm4b:s9+s2], $0x1400, $0x38;
	[tilespmem:$0x1A400] =	vst v63  }
0x26: {  	_ =	swait.ge [sflag:s23], $0x1400  }
0x27: {  	[sflag:s23] =	ssyncset.done $0x0  }
0x28: {  	[sflag:s23] =	ssyncadd.s32 $0xFFFFEC00  }
0x29: {  	[tilespmem:s26], [sflag:$0x1] =	stream.indirect.gather [hbm4b:s4+s25], $0x80, s2, s25, $0xb8;
	[tilespmem:$0x1A400] =	vst v63  }
0x2a: {  	_ = 	snop  }
0x2b: {  	[tilespmem:s29], [sflag:$0x2] =	stream.indirect.gather [hbm4b:s4+s25], $0x80, s28, s25, $0xb8;
	[tilespmem:$0x1A400] =	vst v63  }
0x2c: {  	_ =	swait.ge [sflag:s30], $0x2000  }
0x2d: {  	[sflag:s30] =	ssyncset.done $0x0  }
0x2e: {  	s12 =	simm.s32 $0x1400;
	[sflag:s30] =	ssyncadd.s32 $0xFFFFE000  }
0x2f: {  	[spmem:s1] =	stream.indirect.scatter.add.f32 [tilespmem:s26], [sflag:$0x3], $0x80, s12, s25, $0xb8;
	[tilespmem:$0x1A400] =	vst v63  }
0x30: {  	_ =	swait.ge [sflag:s23], $0x2000  }
0x31: {  	[sflag:s23] =	ssyncset.done $0x0  }
0x32: {  	s14 =	simm.s32 $0x100;
	[sflag:s23] =	ssyncadd.s32 $0xFFFFE000  }
0x33: {  	[tilespmem:s26], [sflag:$0x1] =	stream.indirect.gather [hbm4b:s4+s25], $0x80, s14, s25, $0xb8;
	[tilespmem:$0x1A400] =	vst v63  }
0x34: {  	_ =	swait.ge [sflag:s31], $0x2000  }
0x35: {  	[sflag:s31] =	ssyncset.done $0x0  }
0x36: {  	s17 =	simm.s32 $0x1480;
	[sflag:s31] =	ssyncadd.s32 $0xFFFFE000  }
0x37: {  	[spmem:s1] =	stream.indirect.scatter.add.f32 [tilespmem:s29], [sflag:$0x3], $0x80, s17, s25, $0xb8;
	[tilespmem:$0x1A400] =	vst v63  }
0x38: {  	_ =	swait.ge [sflag:s23], $0x2000  }
0x39: {  	[sflag:s23] =	ssyncset.done $0x0  }
0x3a: {  	s12 =	simm.s32 $0x400;
	s14 =	simm.s32 $0x180;
	[sflag:s23] =	ssyncadd.s32 $0xFFFFE000  }
.LBB2_2:
0x3b: {  	[tilespmem:s29], [sflag:$0x2] =	stream.indirect.gather [hbm4b:s4+s25], $0x80, s14, s25, $0xb8;
	[tilespmem:$0x1A400] =	vst v63  }
0x3c: {  	s14 =	smov.u32 s12  }
0x3d: {  	p0 =	sne.s32 s12, $0x4800;
	s12 =	sadd.s32 $0x400, s12;
	_ =	swait.ge [sflag:s30], $0x2000  }
0x3e: {  	s14 =	sshra.s32 s14, $0x2;
	[sflag:s30] =	ssyncset.done $0x0  }
0x3f: {  	s17 =	sadd.s32 $0x1400, s14;
	[sflag:s30] =	ssyncadd.s32 $0xFFFFE000  }
0x40: {  	[spmem:s1] =	stream.indirect.scatter.add.f32 [tilespmem:s26], [sflag:$0x3], $0x80, s17, s25, $0xb8;
	[tilespmem:$0x1A400] =	vst v63  }
0x41: {  	_ =	swait.ge [sflag:s23], $0x2000  }
0x42: {  	[sflag:s23] =	ssyncset.done $0x0  }
0x43: {  	s17 =	sadd.s32 $0x100, s14;
	[sflag:s23] =	ssyncadd.s32 $0xFFFFE000  }
0x44: {  	[tilespmem:s26], [sflag:$0x1] =	stream.indirect.gather [hbm4b:s4+s25], $0x80, s17, s25, $0xb8;
	[tilespmem:$0x1A400] =	vst v63  }
0x45: {  	_ =	swait.ge [sflag:s31], $0x2000  }
0x46: {  	[sflag:s31] =	ssyncset.done $0x0  }
.Ltmp0:
0x47: {  	s17 =	sadd.s32 $0x1480, s14;
	[sflag:s31] =	ssyncadd.s32 $0xFFFFE000;
	(pc) =	sbr.rel @p0 .LBB2_2-.Ltmp0, $4  }
0x48: {  	[spmem:s1] =	stream.indirect.scatter.add.f32 [tilespmem:s29], [sflag:$0x3], $0x80, s17, s25, $0xb8;
	[tilespmem:$0x1A400] =	vst v63  }
0x49: {  	_ =	swait.ge [sflag:s23], $0x2000  }
0x4a: {  	[sflag:s23] =	ssyncset.done $0x0  }
0x4b: {  	s14 =	sadd.s32 $0x180, s14;
	[sflag:s23] =	ssyncadd.s32 $0xFFFFE000  }
0x4c: {  	[tilespmem:s29], [sflag:$0x2] =	stream.indirect.gather [hbm4b:s4+s25], $0x80, s14, s25, $0xb8;
	[tilespmem:$0x1A400] =	vst v63  }
0x4d: {  	_ =	swait.ge [sflag:s30], $0x2000  }
0x4e: {  	[sflag:s30] =	ssyncset.done $0x0  }
0x4f: {  	[sflag:s30] =	ssyncadd.s32 $0xFFFFE000  }
0x50: {  	[spmem:s1] =	stream.indirect.scatter.add.f32 [tilespmem:s26], [sflag:$0x3], $0x80, s0, s25, $0xb8;
	[tilespmem:$0x1A400] =	vst v63  }
0x51: {  	_ =	swait.ge [sflag:s23], $0x2000  }
0x52: {  	[sflag:s23] =	ssyncset.done $0x0  }
0x53: {  	[sflag:s23] =	ssyncadd.s32 $0xFFFFE000  }
0x54: {  	_ =	swait.ge [sflag:s31], $0x2000  }
0x55: {  	[sflag:s31] =	ssyncset.done $0x0  }
0x56: {  	[sflag:s31] =	ssyncadd.s32 $0xFFFFE000  }
0x57: {  	[spmem:s1] =	stream.indirect.scatter.add.f32 [tilespmem:s29], [sflag:$0x3], $0x80, s3, s25, $0xb8;
	[tilespmem:$0x1A400] =	vst v63  }
0x58: {  	_ =	swait.ge [sflag:s23], $0x2000  }
0x59: {  	[sflag:s23] =	ssyncset.done $0x0  }
0x5a: {  	s12 =	simm.s32 $0x0;
	s17 =	rddreg [dreg:$0x4];
	[sflag:s23] =	ssyncadd.s32 $0xFFFFE000  }
0x5b: {  	[tilespmem:s12], [sflag:$0x3] =	stream.linear.gather [hbm4b:s17+s12], $0x1400, $0x38;
	[tilespmem:$0x1A400] =	vst v63  }
0x5c: {  	_ =	swait.ge [sflag:s23], $0x1400  }
0x5d: {  	[sflag:s23] =	ssyncset.done $0x0  }
0x5e: {  	[sflag:s23] =	ssyncadd.s32 $0xFFFFEC00  }
0x5f: {  	[tilespmem:s24], [sflag:$0x3] =	stream.linear.gather [hbm4b:s11+s12], $0x1400, $0x38;
	[tilespmem:$0x1A400] =	vst v63  }
0x60: {  	_ =	swait.ge [sflag:s23], $0x1400  }
0x61: {  	[sflag:s23] =	ssyncset.done $0x0  }
0x62: {  	[sflag:s23] =	ssyncadd.s32 $0xFFFFEC00  }
0x63: {  	[tilespmem:s26], [sflag:$0x1] =	stream.indirect.gather [hbm4b:s4+s25], $0x80, s12, s25, $0xb8;
	[tilespmem:$0x1A400] =	vst v63  }
0x64: {  	_ = 	snop  }
0x65: {  	[tilespmem:s29], [sflag:$0x2] =	stream.indirect.gather [hbm4b:s4+s25], $0x80, s28, s25, $0xb8;
	[tilespmem:$0x1A400] =	vst v63  }
0x66: {  	_ =	swait.ge [sflag:s30], $0x2000  }
0x67: {  	[sflag:s30] =	ssyncset.done $0x0  }
0x68: {  	s17 =	simm.s32 $0x1400;
	[sflag:s30] =	ssyncadd.s32 $0xFFFFE000  }
0x69: {  	[spmem:s1] =	stream.indirect.scatter.add.f32 [tilespmem:s26], [sflag:$0x3], $0x80, s17, s25, $0xb8;
	[tilespmem:$0x1A400] =	vst v63  }
0x6a: {  	_ =	swait.ge [sflag:s23], $0x2000  }
0x6b: {  	[sflag:s23] =	ssyncset.done $0x0  }
0x6c: {  	s14 =	simm.s32 $0x100;
	[sflag:s23] =	ssyncadd.s32 $0xFFFFE000  }
0x6d: {  	[tilespmem:s26], [sflag:$0x1] =	stream.indirect.gather [hbm4b:s4+s25], $0x80, s14, s25, $0xb8;
	[tilespmem:$0x1A400] =	vst v63  }
0x6e: {  	_ =	swait.ge [sflag:s31], $0x2000  }
0x6f: {  	[sflag:s31] =	ssyncset.done $0x0  }
0x70: {  	s17 =	simm.s32 $0x1480;
	[sflag:s31] =	ssyncadd.s32 $0xFFFFE000  }
0x71: {  	[spmem:s1] =	stream.indirect.scatter.add.f32 [tilespmem:s29], [sflag:$0x3], $0x80, s17, s25, $0xb8;
	[tilespmem:$0x1A400] =	vst v63  }
0x72: {  	_ =	swait.ge [sflag:s23], $0x2000  }
0x73: {  	[sflag:s23] =	ssyncset.done $0x0  }
0x74: {  	s12 =	simm.s32 $0x400;
	s14 =	simm.s32 $0x180;
	[sflag:s23] =	ssyncadd.s32 $0xFFFFE000  }
.LBB2_4:
0x75: {  	[tilespmem:s29], [sflag:$0x2] =	stream.indirect.gather [hbm4b:s4+s25], $0x80, s14, s25, $0xb8;
	[tilespmem:$0x1A400] =	vst v63  }
0x76: {  	s14 =	smov.u32 s12  }
0x77: {  	p0 =	sne.s32 s12, $0x4800;
	s12 =	sadd.s32 $0x400, s12;
	_ =	swait.ge [sflag:s30], $0x2000  }
0x78: {  	s14 =	sshra.s32 s14, $0x2;
	[sflag:s30] =	ssyncset.done $0x0  }
0x79: {  	s17 =	sadd.s32 $0x1400, s14;
	[sflag:s30] =	ssyncadd.s32 $0xFFFFE000  }
0x7a: {  	[spmem:s1] =	stream.indirect.scatter.add.f32 [tilespmem:s26], [sflag:$0x3], $0x80, s17, s25, $0xb8;
	[tilespmem:$0x1A400] =	vst v63  }
0x7b: {  	_ =	swait.ge [sflag:s23], $0x2000  }
0x7c: {  	[sflag:s23] =	ssyncset.done $0x0  }
0x7d: {  	s17 =	sadd.s32 $0x100, s14;
	[sflag:s23] =	ssyncadd.s32 $0xFFFFE000  }
0x7e: {  	[tilespmem:s26], [sflag:$0x1] =	stream.indirect.gather [hbm4b:s4+s25], $0x80, s17, s25, $0xb8;
	[tilespmem:$0x1A400] =	vst v63  }
0x7f: {  	_ =	swait.ge [sflag:s31], $0x2000  }
0x80: {  	[sflag:s31] =	ssyncset.done $0x0  }
.Ltmp1:
0x81: {  	s17 =	sadd.s32 $0x1480, s14;
	[sflag:s31] =	ssyncadd.s32 $0xFFFFE000;
	(pc) =	sbr.rel @p0 .LBB2_4-.Ltmp1, $4  }
0x82: {  	[spmem:s1] =	stream.indirect.scatter.add.f32 [tilespmem:s29], [sflag:$0x3], $0x80, s17, s25, $0xb8;
	[tilespmem:$0x1A400] =	vst v63  }
0x83: {  	_ =	swait.ge [sflag:s23], $0x2000  }
0x84: {  	[sflag:s23] =	ssyncset.done $0x0  }
0x85: {  	s14 =	sadd.s32 $0x180, s14;
	[sflag:s23] =	ssyncadd.s32 $0xFFFFE000  }
0x86: {  	[tilespmem:s29], [sflag:$0x2] =	stream.indirect.gather [hbm4b:s4+s25], $0x80, s14, s25, $0xb8;
	[tilespmem:$0x1A400] =	vst v63  }
0x87: {  	_ =	swait.ge [sflag:s30], $0x2000  }
0x88: {  	[sflag:s30] =	ssyncset.done $0x0  }
0x89: {  	[sflag:s30] =	ssyncadd.s32 $0xFFFFE000  }
0x8a: {  	[spmem:s1] =	stream.indirect.scatter.add.f32 [tilespmem:s26], [sflag:$0x3], $0x80, s0, s25, $0xb8;
	[tilespmem:$0x1A400] =	vst v63  }
0x8b: {  	_ =	swait.ge [sflag:s23], $0x2000  }
0x8c: {  	[sflag:s23] =	ssyncset.done $0x0  }
0x8d: {  	[sflag:s23] =	ssyncadd.s32 $0xFFFFE000  }
0x8e: {  	_ =	swait.ge [sflag:s31], $0x2000  }
0x8f: {  	[sflag:s31] =	ssyncset.done $0x0  }
0x90: {  	[sflag:s31] =	ssyncadd.s32 $0xFFFFE000  }
0x91: {  	[spmem:s1] =	stream.indirect.scatter.add.f32 [tilespmem:s29], [sflag:$0x3], $0x80, s3, s25, $0xb8;
	[tilespmem:$0x1A400] =	vst v63  }
0x92: {  	_ =	swait.ge [sflag:s23], $0x2000  }
0x93: {  	[sflag:s23] =	ssyncset.done $0x0  }
0x94: {  	s12 =	simm.s32 $0x0;
	s17 =	rddreg [dreg:$0x5];
	[sflag:s23] =	ssyncadd.s32 $0xFFFFE000  }
0x95: {  	[tilespmem:s12], [sflag:$0x3] =	stream.linear.gather [hbm4b:s17+s12], $0x1400, $0x38;
	[tilespmem:$0x1A400] =	vst v63  }
0x96: {  	_ =	swait.ge [sflag:s23], $0x1400  }
0x97: {  	[sflag:s23] =	ssyncset.done $0x0  }
0x98: {  	[sflag:s23] =	ssyncadd.s32 $0xFFFFEC00  }
0x99: {  	[tilespmem:s24], [sflag:$0x3] =	stream.linear.gather [hbm4b:s13+s12], $0x1400, $0x38;
	[tilespmem:$0x1A400] =	vst v63  }
0x9a: {  	_ =	swait.ge [sflag:s23], $0x1400  }
0x9b: {  	[sflag:s23] =	ssyncset.done $0x0  }
0x9c: {  	[sflag:s23] =	ssyncadd.s32 $0xFFFFEC00  }
0x9d: {  	[tilespmem:s26], [sflag:$0x1] =	stream.indirect.gather [hbm4b:s4+s25], $0x80, s12, s25, $0xb8;
	[tilespmem:$0x1A400] =	vst v63  }
0x9e: {  	_ = 	snop  }
0x9f: {  	[tilespmem:s29], [sflag:$0x2] =	stream.indirect.gather [hbm4b:s4+s25], $0x80, s28, s25, $0xb8;
	[tilespmem:$0x1A400] =	vst v63  }
0xa0: {  	_ =	swait.ge [sflag:s30], $0x2000  }
0xa1: {  	[sflag:s30] =	ssyncset.done $0x0  }
0xa2: {  	s17 =	simm.s32 $0x1400;
	[sflag:s30] =	ssyncadd.s32 $0xFFFFE000  }
0xa3: {  	[spmem:s1] =	stream.indirect.scatter.add.f32 [tilespmem:s26], [sflag:$0x3], $0x80, s17, s25, $0xb8;
	[tilespmem:$0x1A400] =	vst v63  }
0xa4: {  	_ =	swait.ge [sflag:s23], $0x2000  }
0xa5: {  	[sflag:s23] =	ssyncset.done $0x0  }
0xa6: {  	s14 =	simm.s32 $0x100;
	[sflag:s23] =	ssyncadd.s32 $0xFFFFE000  }
0xa7: {  	[tilespmem:s26], [sflag:$0x1] =	stream.indirect.gather [hbm4b:s4+s25], $0x80, s14, s25, $0xb8;
	[tilespmem:$0x1A400] =	vst v63  }
0xa8: {  	_ =	swait.ge [sflag:s31], $0x2000  }
0xa9: {  	[sflag:s31] =	ssyncset.done $0x0  }
0xaa: {  	s17 =	simm.s32 $0x1480;
	[sflag:s31] =	ssyncadd.s32 $0xFFFFE000  }
0xab: {  	[spmem:s1] =	stream.indirect.scatter.add.f32 [tilespmem:s29], [sflag:$0x3], $0x80, s17, s25, $0xb8;
	[tilespmem:$0x1A400] =	vst v63  }
0xac: {  	_ =	swait.ge [sflag:s23], $0x2000  }
0xad: {  	[sflag:s23] =	ssyncset.done $0x0  }
0xae: {  	s12 =	simm.s32 $0x400;
	s14 =	simm.s32 $0x180;
	[sflag:s23] =	ssyncadd.s32 $0xFFFFE000  }
.LBB2_6:
0xaf: {  	[tilespmem:s29], [sflag:$0x2] =	stream.indirect.gather [hbm4b:s4+s25], $0x80, s14, s25, $0xb8;
	[tilespmem:$0x1A400] =	vst v63  }
0xb0: {  	s14 =	smov.u32 s12  }
0xb1: {  	p0 =	sne.s32 s12, $0x4800;
	s12 =	sadd.s32 $0x400, s12;
	_ =	swait.ge [sflag:s30], $0x2000  }
0xb2: {  	s14 =	sshra.s32 s14, $0x2;
	[sflag:s30] =	ssyncset.done $0x0  }
0xb3: {  	s17 =	sadd.s32 $0x1400, s14;
	[sflag:s30] =	ssyncadd.s32 $0xFFFFE000  }
0xb4: {  	[spmem:s1] =	stream.indirect.scatter.add.f32 [tilespmem:s26], [sflag:$0x3], $0x80, s17, s25, $0xb8;
	[tilespmem:$0x1A400] =	vst v63  }
0xb5: {  	_ =	swait.ge [sflag:s23], $0x2000  }
0xb6: {  	[sflag:s23] =	ssyncset.done $0x0  }
0xb7: {  	s17 =	sadd.s32 $0x100, s14;
	[sflag:s23] =	ssyncadd.s32 $0xFFFFE000  }
0xb8: {  	[tilespmem:s26], [sflag:$0x1] =	stream.indirect.gather [hbm4b:s4+s25], $0x80, s17, s25, $0xb8;
	[tilespmem:$0x1A400] =	vst v63  }
0xb9: {  	_ =	swait.ge [sflag:s31], $0x2000  }
0xba: {  	[sflag:s31] =	ssyncset.done $0x0  }
.Ltmp2:
0xbb: {  	s17 =	sadd.s32 $0x1480, s14;
	[sflag:s31] =	ssyncadd.s32 $0xFFFFE000;
	(pc) =	sbr.rel @p0 .LBB2_6-.Ltmp2, $4  }
0xbc: {  	[spmem:s1] =	stream.indirect.scatter.add.f32 [tilespmem:s29], [sflag:$0x3], $0x80, s17, s25, $0xb8;
	[tilespmem:$0x1A400] =	vst v63  }
0xbd: {  	_ =	swait.ge [sflag:s23], $0x2000  }
0xbe: {  	[sflag:s23] =	ssyncset.done $0x0  }
0xbf: {  	s14 =	sadd.s32 $0x180, s14;
	[sflag:s23] =	ssyncadd.s32 $0xFFFFE000  }
0xc0: {  	[tilespmem:s29], [sflag:$0x2] =	stream.indirect.gather [hbm4b:s4+s25], $0x80, s14, s25, $0xb8;
	[tilespmem:$0x1A400] =	vst v63  }
0xc1: {  	_ =	swait.ge [sflag:s30], $0x2000  }
0xc2: {  	[sflag:s30] =	ssyncset.done $0x0  }
0xc3: {  	[sflag:s30] =	ssyncadd.s32 $0xFFFFE000  }
0xc4: {  	[spmem:s1] =	stream.indirect.scatter.add.f32 [tilespmem:s26], [sflag:$0x3], $0x80, s0, s25, $0xb8;
	[tilespmem:$0x1A400] =	vst v63  }
0xc5: {  	_ =	swait.ge [sflag:s23], $0x2000  }
0xc6: {  	[sflag:s23] =	ssyncset.done $0x0  }
0xc7: {  	[sflag:s23] =	ssyncadd.s32 $0xFFFFE000  }
0xc8: {  	_ =	swait.ge [sflag:s31], $0x2000  }
0xc9: {  	[sflag:s31] =	ssyncset.done $0x0  }
0xca: {  	[sflag:s31] =	ssyncadd.s32 $0xFFFFE000  }
0xcb: {  	[spmem:s1] =	stream.indirect.scatter.add.f32 [tilespmem:s29], [sflag:$0x3], $0x80, s3, s25, $0xb8;
	[tilespmem:$0x1A400] =	vst v63  }
0xcc: {  	_ =	swait.ge [sflag:s23], $0x2000  }
0xcd: {  	[sflag:s23] =	ssyncset.done $0x0  }
0xce: {  	s12 =	simm.s32 $0x0;
	s17 =	rddreg [dreg:$0x6];
	[sflag:s23] =	ssyncadd.s32 $0xFFFFE000  }
0xcf: {  	[tilespmem:s12], [sflag:$0x3] =	stream.linear.gather [hbm4b:s17+s12], $0x1400, $0x38;
	[tilespmem:$0x1A400] =	vst v63  }
0xd0: {  	_ =	swait.ge [sflag:s23], $0x1400  }
0xd1: {  	[sflag:s23] =	ssyncset.done $0x0  }
0xd2: {  	[sflag:s23] =	ssyncadd.s32 $0xFFFFEC00  }
0xd3: {  	[tilespmem:s24], [sflag:$0x3] =	stream.linear.gather [hbm4b:s15+s12], $0x1400, $0x38;
	[tilespmem:$0x1A400] =	vst v63  }
0xd4: {  	_ =	swait.ge [sflag:s23], $0x1400  }
0xd5: {  	[sflag:s23] =	ssyncset.done $0x0  }
0xd6: {  	[sflag:s23] =	ssyncadd.s32 $0xFFFFEC00  }
0xd7: {  	[tilespmem:s26], [sflag:$0x1] =	stream.indirect.gather [hbm4b:s4+s25], $0x80, s12, s25, $0xb8;
	[tilespmem:$0x1A400] =	vst v63  }
0xd8: {  	_ = 	snop  }
0xd9: {  	[tilespmem:s29], [sflag:$0x2] =	stream.indirect.gather [hbm4b:s4+s25], $0x80, s28, s25, $0xb8;
	[tilespmem:$0x1A400] =	vst v63  }
0xda: {  	_ =	swait.ge [sflag:s30], $0x2000  }
0xdb: {  	[sflag:s30] =	ssyncset.done $0x0  }
0xdc: {  	s17 =	simm.s32 $0x1400;
	[sflag:s30] =	ssyncadd.s32 $0xFFFFE000  }
0xdd: {  	[spmem:s1] =	stream.indirect.scatter.add.f32 [tilespmem:s26], [sflag:$0x3], $0x80, s17, s25, $0xb8;
	[tilespmem:$0x1A400] =	vst v63  }
0xde: {  	_ =	swait.ge [sflag:s23], $0x2000  }
0xdf: {  	[sflag:s23] =	ssyncset.done $0x0  }
0xe0: {  	s14 =	simm.s32 $0x100;
	[sflag:s23] =	ssyncadd.s32 $0xFFFFE000  }
0xe1: {  	[tilespmem:s26], [sflag:$0x1] =	stream.indirect.gather [hbm4b:s4+s25], $0x80, s14, s25, $0xb8;
	[tilespmem:$0x1A400] =	vst v63  }
0xe2: {  	_ =	swait.ge [sflag:s31], $0x2000  }
0xe3: {  	[sflag:s31] =	ssyncset.done $0x0  }
0xe4: {  	s17 =	simm.s32 $0x1480;
	[sflag:s31] =	ssyncadd.s32 $0xFFFFE000  }
0xe5: {  	[spmem:s1] =	stream.indirect.scatter.add.f32 [tilespmem:s29], [sflag:$0x3], $0x80, s17, s25, $0xb8;
	[tilespmem:$0x1A400] =	vst v63  }
0xe6: {  	_ =	swait.ge [sflag:s23], $0x2000  }
0xe7: {  	[sflag:s23] =	ssyncset.done $0x0  }
0xe8: {  	s12 =	simm.s32 $0x400;
	s14 =	simm.s32 $0x180;
	[sflag:s23] =	ssyncadd.s32 $0xFFFFE000  }
.LBB2_8:
0xe9: {  	[tilespmem:s29], [sflag:$0x2] =	stream.indirect.gather [hbm4b:s4+s25], $0x80, s14, s25, $0xb8;
	[tilespmem:$0x1A400] =	vst v63  }
0xea: {  	s14 =	smov.u32 s12  }
0xeb: {  	p0 =	sne.s32 s12, $0x4800;
	s12 =	sadd.s32 $0x400, s12;
	_ =	swait.ge [sflag:s30], $0x2000  }
0xec: {  	s14 =	sshra.s32 s14, $0x2;
	[sflag:s30] =	ssyncset.done $0x0  }
0xed: {  	s17 =	sadd.s32 $0x1400, s14;
	[sflag:s30] =	ssyncadd.s32 $0xFFFFE000  }
0xee: {  	[spmem:s1] =	stream.indirect.scatter.add.f32 [tilespmem:s26], [sflag:$0x3], $0x80, s17, s25, $0xb8;
	[tilespmem:$0x1A400] =	vst v63  }
0xef: {  	_ =	swait.ge [sflag:s23], $0x2000  }
0xf0: {  	[sflag:s23] =	ssyncset.done $0x0  }
0xf1: {  	s17 =	sadd.s32 $0x100, s14;
	[sflag:s23] =	ssyncadd.s32 $0xFFFFE000  }
0xf2: {  	[tilespmem:s26], [sflag:$0x1] =	stream.indirect.gather [hbm4b:s4+s25], $0x80, s17, s25, $0xb8;
	[tilespmem:$0x1A400] =	vst v63  }
0xf3: {  	_ =	swait.ge [sflag:s31], $0x2000  }
0xf4: {  	[sflag:s31] =	ssyncset.done $0x0  }
.Ltmp3:
0xf5: {  	s17 =	sadd.s32 $0x1480, s14;
	[sflag:s31] =	ssyncadd.s32 $0xFFFFE000;
	(pc) =	sbr.rel @p0 .LBB2_8-.Ltmp3, $4  }
0xf6: {  	[spmem:s1] =	stream.indirect.scatter.add.f32 [tilespmem:s29], [sflag:$0x3], $0x80, s17, s25, $0xb8;
	[tilespmem:$0x1A400] =	vst v63  }
0xf7: {  	_ =	swait.ge [sflag:s23], $0x2000  }
0xf8: {  	[sflag:s23] =	ssyncset.done $0x0  }
0xf9: {  	s14 =	sadd.s32 $0x180, s14;
	[sflag:s23] =	ssyncadd.s32 $0xFFFFE000  }
0xfa: {  	[tilespmem:s29], [sflag:$0x2] =	stream.indirect.gather [hbm4b:s4+s25], $0x80, s14, s25, $0xb8;
	[tilespmem:$0x1A400] =	vst v63  }
0xfb: {  	_ =	swait.ge [sflag:s30], $0x2000  }
0xfc: {  	[sflag:s30] =	ssyncset.done $0x0  }
0xfd: {  	[sflag:s30] =	ssyncadd.s32 $0xFFFFE000  }
0xfe: {  	[spmem:s1] =	stream.indirect.scatter.add.f32 [tilespmem:s26], [sflag:$0x3], $0x80, s0, s25, $0xb8;
	[tilespmem:$0x1A400] =	vst v63  }
0xff: {  	_ =	swait.ge [sflag:s23], $0x2000  }
0x100: {  	[sflag:s23] =	ssyncset.done $0x0  }
0x101: {  	[sflag:s23] =	ssyncadd.s32 $0xFFFFE000  }
0x102: {  	_ =	swait.ge [sflag:s31], $0x2000  }
0x103: {  	[sflag:s31] =	ssyncset.done $0x0  }
0x104: {  	[sflag:s31] =	ssyncadd.s32 $0xFFFFE000  }
0x105: {  	[spmem:s1] =	stream.indirect.scatter.add.f32 [tilespmem:s29], [sflag:$0x3], $0x80, s3, s25, $0xb8;
	[tilespmem:$0x1A400] =	vst v63  }
0x106: {  	_ =	swait.ge [sflag:s23], $0x2000  }
0x107: {  	[sflag:s23] =	ssyncset.done $0x0  }
0x108: {  	[sflag:s23] =	ssyncadd.s32 $0xFFFFE000  }
0x109: {  	[bflag:$0x0] =	sbarrier.arrive $0xFFFF  }
0x10a: {  	s12 =	rddreg [dreg:$0x7]  }
0x10b: {  	[hbm:s12], [sflag:s7] =	dma.local [spmem:s10], $0x2780  }
0x10c: {  	_ =	swait.ge [sflag:s23], $0x2780  }
0x10d: {  	[sflag:s23] =	ssyncset.done $0x0  }
0x10e: {  	[sflag:s23] =	ssyncadd.s32 $0xFFFFD880  }
0x10f: {  	[spmem:s10], [sflag:s7] =	dma.local [hbm:s5], $0x2780  }
0x110: {  	_ =	swait.ge [sflag:s23], $0x2780  }
0x111: {  	[sflag:s23] =	ssyncset.done $0x0  }
0x112: {  	[sflag:s23] =	ssyncadd.s32 $0xFFFFD880  }
0x113: {  	s14 =	simm.s32 $0x0;
	[bflag:$0x0] =	sbarrier.arrive $0xFFFF  }
0x114: {  	[tilespmem:s14], [sflag:$0x3] =	stream.linear.gather [hbm4b:s16+s14], $0x1400, $0x38;
	[tilespmem:$0x1A400] =	vst v63  }
0x115: {  	_ =	swait.ge [sflag:s23], $0x1400  }
0x116: {  	[sflag:s23] =	ssyncset.done $0x0  }
0x117: {  	[sflag:s23] =	ssyncadd.s32 $0xFFFFEC00  }
0x118: {  	[tilespmem:s24], [sflag:$0x3] =	stream.linear.gather [hbm4b:s9+s14], $0x1400, $0x38;
	[tilespmem:$0x1A400] =	vst v63  }
0x119: {  	_ =	swait.ge [sflag:s23], $0x1400  }
0x11a: {  	[sflag:s23] =	ssyncset.done $0x0  }
0x11b: {  	[sflag:s23] =	ssyncadd.s32 $0xFFFFEC00  }
0x11c: {  	[tilespmem:s26], [sflag:$0x1] =	stream.indirect.gather [hbm4b:s4+s25], $0x80, s14, s25, $0xb8;
	[tilespmem:$0x1A400] =	vst v63  }
0x11d: {  	_ = 	snop  }
0x11e: {  	[tilespmem:s29], [sflag:$0x2] =	stream.indirect.gather [hbm4b:s4+s25], $0x80, s28, s25, $0xb8;
	[tilespmem:$0x1A400] =	vst v63  }
0x11f: {  	_ =	swait.ge [sflag:s30], $0x2000  }
0x120: {  	[sflag:s30] =	ssyncset.done $0x0  }
0x121: {  	s17 =	simm.s32 $0x1400;
	[sflag:s30] =	ssyncadd.s32 $0xFFFFE000  }
0x122: {  	[spmem:s1] =	stream.indirect.scatter.add.f32 [tilespmem:s26], [sflag:$0x3], $0x80, s17, s25, $0xb8;
	[tilespmem:$0x1A400] =	vst v63  }
0x123: {  	_ =	swait.ge [sflag:s23], $0x2000  }
0x124: {  	[sflag:s23] =	ssyncset.done $0x0  }
0x125: {  	s14 =	simm.s32 $0x100;
	[sflag:s23] =	ssyncadd.s32 $0xFFFFE000  }
0x126: {  	[tilespmem:s26], [sflag:$0x1] =	stream.indirect.gather [hbm4b:s4+s25], $0x80, s14, s25, $0xb8;
	[tilespmem:$0x1A400] =	vst v63  }
0x127: {  	_ =	swait.ge [sflag:s31], $0x2000  }
0x128: {  	[sflag:s31] =	ssyncset.done $0x0  }
0x129: {  	s17 =	simm.s32 $0x1480;
	[sflag:s31] =	ssyncadd.s32 $0xFFFFE000  }
0x12a: {  	[spmem:s1] =	stream.indirect.scatter.add.f32 [tilespmem:s29], [sflag:$0x3], $0x80, s17, s25, $0xb8;
	[tilespmem:$0x1A400] =	vst v63  }
0x12b: {  	_ =	swait.ge [sflag:s23], $0x2000  }
0x12c: {  	[sflag:s23] =	ssyncset.done $0x0  }
0x12d: {  	s12 =	simm.s32 $0x400;
	s14 =	simm.s32 $0x180;
	[sflag:s23] =	ssyncadd.s32 $0xFFFFE000  }
.LBB2_10:
0x12e: {  	[tilespmem:s29], [sflag:$0x2] =	stream.indirect.gather [hbm4b:s4+s25], $0x80, s14, s25, $0xb8;
	[tilespmem:$0x1A400] =	vst v63  }
0x12f: {  	s14 =	smov.u32 s12  }
0x130: {  	p0 =	sne.s32 s12, $0x4800;
	s12 =	sadd.s32 $0x400, s12;
	_ =	swait.ge [sflag:s30], $0x2000  }
0x131: {  	s14 =	sshra.s32 s14, $0x2;
	[sflag:s30] =	ssyncset.done $0x0  }
0x132: {  	s17 =	sadd.s32 $0x1400, s14;
	[sflag:s30] =	ssyncadd.s32 $0xFFFFE000  }
0x133: {  	[spmem:s1] =	stream.indirect.scatter.add.f32 [tilespmem:s26], [sflag:$0x3], $0x80, s17, s25, $0xb8;
	[tilespmem:$0x1A400] =	vst v63  }
0x134: {  	_ =	swait.ge [sflag:s23], $0x2000  }
0x135: {  	[sflag:s23] =	ssyncset.done $0x0  }
0x136: {  	s17 =	sadd.s32 $0x100, s14;
	[sflag:s23] =	ssyncadd.s32 $0xFFFFE000  }
0x137: {  	[tilespmem:s26], [sflag:$0x1] =	stream.indirect.gather [hbm4b:s4+s25], $0x80, s17, s25, $0xb8;
	[tilespmem:$0x1A400] =	vst v63  }
0x138: {  	_ =	swait.ge [sflag:s31], $0x2000  }
0x139: {  	[sflag:s31] =	ssyncset.done $0x0  }
.Ltmp4:
0x13a: {  	s17 =	sadd.s32 $0x1480, s14;
	[sflag:s31] =	ssyncadd.s32 $0xFFFFE000;
	(pc) =	sbr.rel @p0 .LBB2_10-.Ltmp4, $4  }
0x13b: {  	[spmem:s1] =	stream.indirect.scatter.add.f32 [tilespmem:s29], [sflag:$0x3], $0x80, s17, s25, $0xb8;
	[tilespmem:$0x1A400] =	vst v63  }
0x13c: {  	_ =	swait.ge [sflag:s23], $0x2000  }
0x13d: {  	[sflag:s23] =	ssyncset.done $0x0  }
0x13e: {  	s14 =	sadd.s32 $0x180, s14;
	[sflag:s23] =	ssyncadd.s32 $0xFFFFE000  }
0x13f: {  	[tilespmem:s29], [sflag:$0x2] =	stream.indirect.gather [hbm4b:s4+s25], $0x80, s14, s25, $0xb8;
	[tilespmem:$0x1A400] =	vst v63  }
0x140: {  	_ =	swait.ge [sflag:s30], $0x2000  }
0x141: {  	[sflag:s30] =	ssyncset.done $0x0  }
0x142: {  	[sflag:s30] =	ssyncadd.s32 $0xFFFFE000  }
0x143: {  	[spmem:s1] =	stream.indirect.scatter.add.f32 [tilespmem:s26], [sflag:$0x3], $0x80, s0, s25, $0xb8;
	[tilespmem:$0x1A400] =	vst v63  }
0x144: {  	_ =	swait.ge [sflag:s23], $0x2000  }
0x145: {  	[sflag:s23] =	ssyncset.done $0x0  }
0x146: {  	[sflag:s23] =	ssyncadd.s32 $0xFFFFE000  }
0x147: {  	_ =	swait.ge [sflag:s31], $0x2000  }
0x148: {  	[sflag:s31] =	ssyncset.done $0x0  }
0x149: {  	[sflag:s31] =	ssyncadd.s32 $0xFFFFE000  }
0x14a: {  	[spmem:s1] =	stream.indirect.scatter.add.f32 [tilespmem:s29], [sflag:$0x3], $0x80, s3, s25, $0xb8;
	[tilespmem:$0x1A400] =	vst v63  }
0x14b: {  	_ =	swait.ge [sflag:s23], $0x2000  }
0x14c: {  	[sflag:s23] =	ssyncset.done $0x0  }
0x14d: {  	s12 =	simm.s32 $0x0;
	[sflag:s23] =	ssyncadd.s32 $0xFFFFE000  }
0x14e: {  	[tilespmem:s12], [sflag:$0x3] =	stream.linear.gather [hbm4b:s18+s12], $0x1400, $0x38;
	[tilespmem:$0x1A400] =	vst v63  }
0x14f: {  	_ =	swait.ge [sflag:s23], $0x1400  }
0x150: {  	[sflag:s23] =	ssyncset.done $0x0  }
0x151: {  	[sflag:s23] =	ssyncadd.s32 $0xFFFFEC00  }
0x152: {  	[tilespmem:s24], [sflag:$0x3] =	stream.linear.gather [hbm4b:s11+s12], $0x1400, $0x38;
	[tilespmem:$0x1A400] =	vst v63  }
0x153: {  	_ =	swait.ge [sflag:s23], $0x1400  }
0x154: {  	[sflag:s23] =	ssyncset.done $0x0  }
0x155: {  	[sflag:s23] =	ssyncadd.s32 $0xFFFFEC00  }
0x156: {  	[tilespmem:s26], [sflag:$0x1] =	stream.indirect.gather [hbm4b:s4+s25], $0x80, s12, s25, $0xb8;
	[tilespmem:$0x1A400] =	vst v63  }
0x157: {  	_ = 	snop  }
0x158: {  	[tilespmem:s29], [sflag:$0x2] =	stream.indirect.gather [hbm4b:s4+s25], $0x80, s28, s25, $0xb8;
	[tilespmem:$0x1A400] =	vst v63  }
0x159: {  	_ =	swait.ge [sflag:s30], $0x2000  }
0x15a: {  	[sflag:s30] =	ssyncset.done $0x0  }
0x15b: {  	s17 =	simm.s32 $0x1400;
	[sflag:s30] =	ssyncadd.s32 $0xFFFFE000  }
0x15c: {  	[spmem:s1] =	stream.indirect.scatter.add.f32 [tilespmem:s26], [sflag:$0x3], $0x80, s17, s25, $0xb8;
	[tilespmem:$0x1A400] =	vst v63  }
0x15d: {  	_ =	swait.ge [sflag:s23], $0x2000  }
0x15e: {  	[sflag:s23] =	ssyncset.done $0x0  }
0x15f: {  	s14 =	simm.s32 $0x100;
	[sflag:s23] =	ssyncadd.s32 $0xFFFFE000  }
0x160: {  	[tilespmem:s26], [sflag:$0x1] =	stream.indirect.gather [hbm4b:s4+s25], $0x80, s14, s25, $0xb8;
	[tilespmem:$0x1A400] =	vst v63  }
0x161: {  	_ =	swait.ge [sflag:s31], $0x2000  }
0x162: {  	[sflag:s31] =	ssyncset.done $0x0  }
0x163: {  	s17 =	simm.s32 $0x1480;
	[sflag:s31] =	ssyncadd.s32 $0xFFFFE000  }
0x164: {  	[spmem:s1] =	stream.indirect.scatter.add.f32 [tilespmem:s29], [sflag:$0x3], $0x80, s17, s25, $0xb8;
	[tilespmem:$0x1A400] =	vst v63  }
0x165: {  	_ =	swait.ge [sflag:s23], $0x2000  }
0x166: {  	[sflag:s23] =	ssyncset.done $0x0  }
0x167: {  	s12 =	simm.s32 $0x400;
	s14 =	simm.s32 $0x180;
	[sflag:s23] =	ssyncadd.s32 $0xFFFFE000  }
.LBB2_12:
0x168: {  	[tilespmem:s29], [sflag:$0x2] =	stream.indirect.gather [hbm4b:s4+s25], $0x80, s14, s25, $0xb8;
	[tilespmem:$0x1A400] =	vst v63  }
0x169: {  	s14 =	smov.u32 s12  }
0x16a: {  	p0 =	sne.s32 s12, $0x4800;
	s12 =	sadd.s32 $0x400, s12;
	_ =	swait.ge [sflag:s30], $0x2000  }
0x16b: {  	s14 =	sshra.s32 s14, $0x2;
	[sflag:s30] =	ssyncset.done $0x0  }
0x16c: {  	s17 =	sadd.s32 $0x1400, s14;
	[sflag:s30] =	ssyncadd.s32 $0xFFFFE000  }
0x16d: {  	[spmem:s1] =	stream.indirect.scatter.add.f32 [tilespmem:s26], [sflag:$0x3], $0x80, s17, s25, $0xb8;
	[tilespmem:$0x1A400] =	vst v63  }
0x16e: {  	_ =	swait.ge [sflag:s23], $0x2000  }
0x16f: {  	[sflag:s23] =	ssyncset.done $0x0  }
0x170: {  	s17 =	sadd.s32 $0x100, s14;
	[sflag:s23] =	ssyncadd.s32 $0xFFFFE000  }
0x171: {  	[tilespmem:s26], [sflag:$0x1] =	stream.indirect.gather [hbm4b:s4+s25], $0x80, s17, s25, $0xb8;
	[tilespmem:$0x1A400] =	vst v63  }
0x172: {  	_ =	swait.ge [sflag:s31], $0x2000  }
0x173: {  	[sflag:s31] =	ssyncset.done $0x0  }
.Ltmp5:
0x174: {  	s17 =	sadd.s32 $0x1480, s14;
	[sflag:s31] =	ssyncadd.s32 $0xFFFFE000;
	(pc) =	sbr.rel @p0 .LBB2_12-.Ltmp5, $4  }
0x175: {  	[spmem:s1] =	stream.indirect.scatter.add.f32 [tilespmem:s29], [sflag:$0x3], $0x80, s17, s25, $0xb8;
	[tilespmem:$0x1A400] =	vst v63  }
0x176: {  	_ =	swait.ge [sflag:s23], $0x2000  }
0x177: {  	[sflag:s23] =	ssyncset.done $0x0  }
0x178: {  	s14 =	sadd.s32 $0x180, s14;
	[sflag:s23] =	ssyncadd.s32 $0xFFFFE000  }
0x179: {  	[tilespmem:s29], [sflag:$0x2] =	stream.indirect.gather [hbm4b:s4+s25], $0x80, s14, s25, $0xb8;
	[tilespmem:$0x1A400] =	vst v63  }
0x17a: {  	_ =	swait.ge [sflag:s30], $0x2000  }
0x17b: {  	[sflag:s30] =	ssyncset.done $0x0  }
0x17c: {  	[sflag:s30] =	ssyncadd.s32 $0xFFFFE000  }
0x17d: {  	[spmem:s1] =	stream.indirect.scatter.add.f32 [tilespmem:s26], [sflag:$0x3], $0x80, s0, s25, $0xb8;
	[tilespmem:$0x1A400] =	vst v63  }
0x17e: {  	_ =	swait.ge [sflag:s23], $0x2000  }
0x17f: {  	[sflag:s23] =	ssyncset.done $0x0  }
0x180: {  	[sflag:s23] =	ssyncadd.s32 $0xFFFFE000  }
0x181: {  	_ =	swait.ge [sflag:s31], $0x2000  }
0x182: {  	[sflag:s31] =	ssyncset.done $0x0  }
0x183: {  	[sflag:s31] =	ssyncadd.s32 $0xFFFFE000  }
0x184: {  	[spmem:s1] =	stream.indirect.scatter.add.f32 [tilespmem:s29], [sflag:$0x3], $0x80, s3, s25, $0xb8;
	[tilespmem:$0x1A400] =	vst v63  }
0x185: {  	_ =	swait.ge [sflag:s23], $0x2000  }
0x186: {  	[sflag:s23] =	ssyncset.done $0x0  }
0x187: {  	s12 =	simm.s32 $0x0;
	[sflag:s23] =	ssyncadd.s32 $0xFFFFE000  }
0x188: {  	[tilespmem:s12], [sflag:$0x3] =	stream.linear.gather [hbm4b:s19+s12], $0x1400, $0x38;
	[tilespmem:$0x1A400] =	vst v63  }
0x189: {  	_ =	swait.ge [sflag:s23], $0x1400  }
0x18a: {  	[sflag:s23] =	ssyncset.done $0x0  }
0x18b: {  	[sflag:s23] =	ssyncadd.s32 $0xFFFFEC00  }
0x18c: {  	[tilespmem:s24], [sflag:$0x3] =	stream.linear.gather [hbm4b:s13+s12], $0x1400, $0x38;
	[tilespmem:$0x1A400] =	vst v63  }
0x18d: {  	_ =	swait.ge [sflag:s23], $0x1400  }
0x18e: {  	[sflag:s23] =	ssyncset.done $0x0  }
0x18f: {  	[sflag:s23] =	ssyncadd.s32 $0xFFFFEC00  }
0x190: {  	[tilespmem:s26], [sflag:$0x1] =	stream.indirect.gather [hbm4b:s4+s25], $0x80, s12, s25, $0xb8;
	[tilespmem:$0x1A400] =	vst v63  }
0x191: {  	_ = 	snop  }
0x192: {  	[tilespmem:s29], [sflag:$0x2] =	stream.indirect.gather [hbm4b:s4+s25], $0x80, s28, s25, $0xb8;
	[tilespmem:$0x1A400] =	vst v63  }
0x193: {  	_ =	swait.ge [sflag:s30], $0x2000  }
0x194: {  	[sflag:s30] =	ssyncset.done $0x0  }
0x195: {  	s17 =	simm.s32 $0x1400;
	[sflag:s30] =	ssyncadd.s32 $0xFFFFE000  }
0x196: {  	[spmem:s1] =	stream.indirect.scatter.add.f32 [tilespmem:s26], [sflag:$0x3], $0x80, s17, s25, $0xb8;
	[tilespmem:$0x1A400] =	vst v63  }
0x197: {  	_ =	swait.ge [sflag:s23], $0x2000  }
0x198: {  	[sflag:s23] =	ssyncset.done $0x0  }
0x199: {  	s14 =	simm.s32 $0x100;
	[sflag:s23] =	ssyncadd.s32 $0xFFFFE000  }
0x19a: {  	[tilespmem:s26], [sflag:$0x1] =	stream.indirect.gather [hbm4b:s4+s25], $0x80, s14, s25, $0xb8;
	[tilespmem:$0x1A400] =	vst v63  }
0x19b: {  	_ =	swait.ge [sflag:s31], $0x2000  }
0x19c: {  	[sflag:s31] =	ssyncset.done $0x0  }
0x19d: {  	s17 =	simm.s32 $0x1480;
	[sflag:s31] =	ssyncadd.s32 $0xFFFFE000  }
0x19e: {  	[spmem:s1] =	stream.indirect.scatter.add.f32 [tilespmem:s29], [sflag:$0x3], $0x80, s17, s25, $0xb8;
	[tilespmem:$0x1A400] =	vst v63  }
0x19f: {  	_ =	swait.ge [sflag:s23], $0x2000  }
0x1a0: {  	[sflag:s23] =	ssyncset.done $0x0  }
0x1a1: {  	s12 =	simm.s32 $0x400;
	s14 =	simm.s32 $0x180;
	[sflag:s23] =	ssyncadd.s32 $0xFFFFE000  }
.LBB2_14:
0x1a2: {  	[tilespmem:s29], [sflag:$0x2] =	stream.indirect.gather [hbm4b:s4+s25], $0x80, s14, s25, $0xb8;
	[tilespmem:$0x1A400] =	vst v63  }
0x1a3: {  	s14 =	smov.u32 s12  }
0x1a4: {  	p0 =	sne.s32 s12, $0x4800;
	s12 =	sadd.s32 $0x400, s12;
	_ =	swait.ge [sflag:s30], $0x2000  }
0x1a5: {  	s14 =	sshra.s32 s14, $0x2;
	[sflag:s30] =	ssyncset.done $0x0  }
0x1a6: {  	s17 =	sadd.s32 $0x1400, s14;
	[sflag:s30] =	ssyncadd.s32 $0xFFFFE000  }
0x1a7: {  	[spmem:s1] =	stream.indirect.scatter.add.f32 [tilespmem:s26], [sflag:$0x3], $0x80, s17, s25, $0xb8;
	[tilespmem:$0x1A400] =	vst v63  }
0x1a8: {  	_ =	swait.ge [sflag:s23], $0x2000  }
0x1a9: {  	[sflag:s23] =	ssyncset.done $0x0  }
0x1aa: {  	s17 =	sadd.s32 $0x100, s14;
	[sflag:s23] =	ssyncadd.s32 $0xFFFFE000  }
0x1ab: {  	[tilespmem:s26], [sflag:$0x1] =	stream.indirect.gather [hbm4b:s4+s25], $0x80, s17, s25, $0xb8;
	[tilespmem:$0x1A400] =	vst v63  }
0x1ac: {  	_ =	swait.ge [sflag:s31], $0x2000  }
0x1ad: {  	[sflag:s31] =	ssyncset.done $0x0  }
.Ltmp6:
0x1ae: {  	s17 =	sadd.s32 $0x1480, s14;
	[sflag:s31] =	ssyncadd.s32 $0xFFFFE000;
	(pc) =	sbr.rel @p0 .LBB2_14-.Ltmp6, $4  }
0x1af: {  	[spmem:s1] =	stream.indirect.scatter.add.f32 [tilespmem:s29], [sflag:$0x3], $0x80, s17, s25, $0xb8;
	[tilespmem:$0x1A400] =	vst v63  }
0x1b0: {  	_ =	swait.ge [sflag:s23], $0x2000  }
0x1b1: {  	[sflag:s23] =	ssyncset.done $0x0  }
0x1b2: {  	s14 =	sadd.s32 $0x180, s14;
	[sflag:s23] =	ssyncadd.s32 $0xFFFFE000  }
0x1b3: {  	[tilespmem:s29], [sflag:$0x2] =	stream.indirect.gather [hbm4b:s4+s25], $0x80, s14, s25, $0xb8;
	[tilespmem:$0x1A400] =	vst v63  }
0x1b4: {  	_ =	swait.ge [sflag:s30], $0x2000  }
0x1b5: {  	[sflag:s30] =	ssyncset.done $0x0  }
0x1b6: {  	[sflag:s30] =	ssyncadd.s32 $0xFFFFE000  }
0x1b7: {  	[spmem:s1] =	stream.indirect.scatter.add.f32 [tilespmem:s26], [sflag:$0x3], $0x80, s0, s25, $0xb8;
	[tilespmem:$0x1A400] =	vst v63  }
0x1b8: {  	_ =	swait.ge [sflag:s23], $0x2000  }
0x1b9: {  	[sflag:s23] =	ssyncset.done $0x0  }
0x1ba: {  	[sflag:s23] =	ssyncadd.s32 $0xFFFFE000  }
0x1bb: {  	_ =	swait.ge [sflag:s31], $0x2000  }
0x1bc: {  	[sflag:s31] =	ssyncset.done $0x0  }
0x1bd: {  	[sflag:s31] =	ssyncadd.s32 $0xFFFFE000  }
0x1be: {  	[spmem:s1] =	stream.indirect.scatter.add.f32 [tilespmem:s29], [sflag:$0x3], $0x80, s3, s25, $0xb8;
	[tilespmem:$0x1A400] =	vst v63  }
0x1bf: {  	_ =	swait.ge [sflag:s23], $0x2000  }
0x1c0: {  	[sflag:s23] =	ssyncset.done $0x0  }
0x1c1: {  	s12 =	simm.s32 $0x0;
	[sflag:s23] =	ssyncadd.s32 $0xFFFFE000  }
0x1c2: {  	[tilespmem:s12], [sflag:$0x3] =	stream.linear.gather [hbm4b:s20+s12], $0x1400, $0x38;
	[tilespmem:$0x1A400] =	vst v63  }
0x1c3: {  	_ =	swait.ge [sflag:s23], $0x1400  }
0x1c4: {  	[sflag:s23] =	ssyncset.done $0x0  }
0x1c5: {  	[sflag:s23] =	ssyncadd.s32 $0xFFFFEC00  }
0x1c6: {  	[tilespmem:s24], [sflag:$0x3] =	stream.linear.gather [hbm4b:s15+s12], $0x1400, $0x38;
	[tilespmem:$0x1A400] =	vst v63  }
0x1c7: {  	_ =	swait.ge [sflag:s23], $0x1400  }
0x1c8: {  	[sflag:s23] =	ssyncset.done $0x0  }
0x1c9: {  	[sflag:s23] =	ssyncadd.s32 $0xFFFFEC00  }
0x1ca: {  	[tilespmem:s26], [sflag:$0x1] =	stream.indirect.gather [hbm4b:s4+s25], $0x80, s12, s25, $0xb8;
	[tilespmem:$0x1A400] =	vst v63  }
0x1cb: {  	_ = 	snop  }
0x1cc: {  	[tilespmem:s29], [sflag:$0x2] =	stream.indirect.gather [hbm4b:s4+s25], $0x80, s28, s25, $0xb8;
	[tilespmem:$0x1A400] =	vst v63  }
0x1cd: {  	_ =	swait.ge [sflag:s30], $0x2000  }
0x1ce: {  	[sflag:s30] =	ssyncset.done $0x0  }
0x1cf: {  	s17 =	simm.s32 $0x1400;
	[sflag:s30] =	ssyncadd.s32 $0xFFFFE000  }
0x1d0: {  	[spmem:s1] =	stream.indirect.scatter.add.f32 [tilespmem:s26], [sflag:$0x3], $0x80, s17, s25, $0xb8;
	[tilespmem:$0x1A400] =	vst v63  }
0x1d1: {  	_ =	swait.ge [sflag:s23], $0x2000  }
0x1d2: {  	[sflag:s23] =	ssyncset.done $0x0  }
0x1d3: {  	s14 =	simm.s32 $0x100;
	[sflag:s23] =	ssyncadd.s32 $0xFFFFE000  }
0x1d4: {  	[tilespmem:s26], [sflag:$0x1] =	stream.indirect.gather [hbm4b:s4+s25], $0x80, s14, s25, $0xb8;
	[tilespmem:$0x1A400] =	vst v63  }
0x1d5: {  	_ =	swait.ge [sflag:s31], $0x2000  }
0x1d6: {  	[sflag:s31] =	ssyncset.done $0x0  }
0x1d7: {  	s17 =	simm.s32 $0x1480;
	[sflag:s31] =	ssyncadd.s32 $0xFFFFE000  }
0x1d8: {  	[spmem:s1] =	stream.indirect.scatter.add.f32 [tilespmem:s29], [sflag:$0x3], $0x80, s17, s25, $0xb8;
	[tilespmem:$0x1A400] =	vst v63  }
0x1d9: {  	_ =	swait.ge [sflag:s23], $0x2000  }
0x1da: {  	[sflag:s23] =	ssyncset.done $0x0  }
0x1db: {  	s12 =	simm.s32 $0x400;
	s14 =	simm.s32 $0x180;
	[sflag:s23] =	ssyncadd.s32 $0xFFFFE000  }
.LBB2_16:
0x1dc: {  	[tilespmem:s29], [sflag:$0x2] =	stream.indirect.gather [hbm4b:s4+s25], $0x80, s14, s25, $0xb8;
	[tilespmem:$0x1A400] =	vst v63  }
0x1dd: {  	s14 =	smov.u32 s12  }
0x1de: {  	p0 =	sne.s32 s12, $0x4800;
	s12 =	sadd.s32 $0x400, s12;
	_ =	swait.ge [sflag:s30], $0x2000  }
0x1df: {  	s14 =	sshra.s32 s14, $0x2;
	[sflag:s30] =	ssyncset.done $0x0  }
0x1e0: {  	s17 =	sadd.s32 $0x1400, s14;
	[sflag:s30] =	ssyncadd.s32 $0xFFFFE000  }
0x1e1: {  	[spmem:s1] =	stream.indirect.scatter.add.f32 [tilespmem:s26], [sflag:$0x3], $0x80, s17, s25, $0xb8;
	[tilespmem:$0x1A400] =	vst v63  }
0x1e2: {  	_ =	swait.ge [sflag:s23], $0x2000  }
0x1e3: {  	[sflag:s23] =	ssyncset.done $0x0  }
0x1e4: {  	s17 =	sadd.s32 $0x100, s14;
	[sflag:s23] =	ssyncadd.s32 $0xFFFFE000  }
0x1e5: {  	[tilespmem:s26], [sflag:$0x1] =	stream.indirect.gather [hbm4b:s4+s25], $0x80, s17, s25, $0xb8;
	[tilespmem:$0x1A400] =	vst v63  }
0x1e6: {  	_ =	swait.ge [sflag:s31], $0x2000  }
0x1e7: {  	[sflag:s31] =	ssyncset.done $0x0  }
.Ltmp7:
0x1e8: {  	s17 =	sadd.s32 $0x1480, s14;
	[sflag:s31] =	ssyncadd.s32 $0xFFFFE000;
	(pc) =	sbr.rel @p0 .LBB2_16-.Ltmp7, $4  }
0x1e9: {  	[spmem:s1] =	stream.indirect.scatter.add.f32 [tilespmem:s29], [sflag:$0x3], $0x80, s17, s25, $0xb8;
	[tilespmem:$0x1A400] =	vst v63  }
0x1ea: {  	_ =	swait.ge [sflag:s23], $0x2000  }
0x1eb: {  	[sflag:s23] =	ssyncset.done $0x0  }
0x1ec: {  	s14 =	sadd.s32 $0x180, s14;
	[sflag:s23] =	ssyncadd.s32 $0xFFFFE000  }
0x1ed: {  	[tilespmem:s29], [sflag:$0x2] =	stream.indirect.gather [hbm4b:s4+s25], $0x80, s14, s25, $0xb8;
	[tilespmem:$0x1A400] =	vst v63  }
0x1ee: {  	_ =	swait.ge [sflag:s30], $0x2000  }
0x1ef: {  	[sflag:s30] =	ssyncset.done $0x0  }
0x1f0: {  	[sflag:s30] =	ssyncadd.s32 $0xFFFFE000  }
0x1f1: {  	[spmem:s1] =	stream.indirect.scatter.add.f32 [tilespmem:s26], [sflag:$0x3], $0x80, s0, s25, $0xb8;
	[tilespmem:$0x1A400] =	vst v63  }
0x1f2: {  	_ =	swait.ge [sflag:s23], $0x2000  }
0x1f3: {  	[sflag:s23] =	ssyncset.done $0x0  }
0x1f4: {  	[sflag:s23] =	ssyncadd.s32 $0xFFFFE000  }
0x1f5: {  	_ =	swait.ge [sflag:s31], $0x2000  }
0x1f6: {  	[sflag:s31] =	ssyncset.done $0x0  }
0x1f7: {  	[sflag:s31] =	ssyncadd.s32 $0xFFFFE000  }
0x1f8: {  	[spmem:s1] =	stream.indirect.scatter.add.f32 [tilespmem:s29], [sflag:$0x3], $0x80, s3, s25, $0xb8;
	[tilespmem:$0x1A400] =	vst v63  }
0x1f9: {  	_ =	swait.ge [sflag:s23], $0x2000  }
0x1fa: {  	[sflag:s23] =	ssyncset.done $0x0  }
0x1fb: {  	s6 =	sadd.s32 $0x1, s6;
	[sflag:s23] =	ssyncadd.s32 $0xFFFFE000  }
0x1fc: {  	p0 =	sne.s32 s6, s22;
	[bflag:$0x0] =	sbarrier.arrive $0xFFFF  }
0x1fd: {  	[hbm:s21], [sflag:s7] =	dma.local [spmem:s10], $0x2780  }
.Ltmp8:
0x1fe: {  	_ =	swait.ge [sflag:s23], $0x2780;
	(pc) =	sbr.rel @p0 .LBB2_1-.Ltmp8, $3  }
0x1ff: {  	[sflag:s23] =	ssyncset.done $0x0  }
0x200: {  	[sflag:s23] =	ssyncadd.s32 $0xFFFFD880  }
0x201: {  	[bflag:$0x0] =	sbarrier.arrive $0xFFFF;
	_ =	sdelay $0x1  }
0x202: {  	_ =	sfence.sel $0x180000  }
0x203: {  	[bflag:$0x0] =	sbarrier.arrive $0xFFFF  }
0x204: {  	_ =	strace $0x9000004A  }
0x205: {  	s0 =	stileid.u32;
	[bflag:$0x2] =	sbarrier.arrive $0xFFFF  }
0x206: {  	p0 =	sne.s32 s0, $0x0;
	s0 =	rddreg [dreg:$0x2]  }
0x207: {  	s0 =	sadd.s32 @!p0 $0x100000, s0  }
0x208: {  	[sflag:s0] =	ssyncadd.tile.s32 @!p0 $0x1;
	_ =	shalt  }
.Lfunc_end2:
_tile_overlayer_lowered:
.L_overlay_start_2:
0x209: {  	(tag) =	ssettag $0x2  }
0x20a: {  	s0 =	rddreg [dreg:$0x0];
	s2 =	stileid.u32  }
0x20b: {  	s1 =	rddreg [dreg:$0x1];
	p0 =	sne.s32 s2, $0x0  }
0x20c: {  	s3 =	rddreg [dreg:$0x2];
	[bflag:$0x3] =	sbarrier.arrive $0xFFFF;
	s2 =	simm.s32 @!p0 $0x1C03  }
0x20d: {  	[timem:s3], [sflag:s2] =	dma.local @!p0 [hbm:s0], s1  }
0x20e: {  	s0 =	simm.s32 @!p0 $0x3  }
0x20f: {  	_ =	swait.ge @!p0 [sflag:s0], s1  }
0x210: {  	s1 =	ssub.s32 @!p0 $0x0, s1;
	[sflag:s0] =	ssyncset.done @!p0 $0x0  }
0x211: {  	[sflag:s0] =	ssyncadd.s32 @!p0 s1  }
0x212: {  	[bflag:$0x3] =	sbarrier.arrive $0xFFFF  }
0x213: {  	_ =	shalt  }

</sc_bundles>
